<compile_context>
chip_gen: v7x
topology: tpu7x:2x2x1
jax: 0.10.2.dev20260603
libtpu: 0.0.44.dev20260713+nightly
codegen_flags: <defaults>
</compile_context>

<pallas_src>
import functools

import jax
import jax.numpy as jnp
from jax import lax
from jax.experimental import pallas as pl
from jax.experimental.pallas import tpu as pltpu
from jax.experimental.pallas import tpu_sc as plsc

N = 100000
E = 1600000
G = 64
NC, NS = 2, 16
N_ACC = 100352
ROWS_PT = N_ACC // NS
KCH = 8
EP = 1638400
EPS = 1769472
BM = 2048
STEPS = N_ACC // BM
RS = N_ACC // 128



def _make_sc_agg(w, core_split, ep, kch=2, ch=4):
    tiles = NS if core_split else NC * NS
    ept = ep // tiles
    cs = ch * 128
    spt = ept // cs
    nblk = spt // kch
    assert nblk % 2 == 0 and spt % kch == 0 and ept % cs == 0
    acc_shape = (N_ACC,) if w is None else (N_ACC, w)
    rows_shape = (2, kch * cs) if w is None else (2, kch * cs, w)
    out_rows = NC * N_ACC
    out_shape = (out_rows,) if w is None else (out_rows, w)
    mesh = plsc.VectorSubcoreMesh(core_axis_name="c", subcore_axis_name="s")

    @functools.partial(
        pl.kernel,
        mesh=mesh,
        out_type=jax.ShapeDtypeStruct(out_shape, jnp.float32),
        compiler_params=pltpu.CompilerParams(use_tc_tiling_on_sc=False),
        scratch_types=[
            pltpu.VMEM((2, kch, cs), jnp.int32),
            pltpu.VMEM((2, kch, cs), jnp.int32),
            pltpu.VMEM(rows_shape, jnp.float32),
            pltpu.VMEM_SHARED(acc_shape, jnp.float32),
            pltpu.SemaphoreType.DMA,
            pltpu.SemaphoreType.DMA,
            pltpu.SemaphoreType.DMA,
            pltpu.SemaphoreType.DMA,
        ],
    )
    def kern(tab, src2d, dst2d, zeros, out, src_i, dst_i, rows, acc,
             sg0, sg1, ss0, ss1):
        c = lax.axis_index("c")
        s = lax.axis_index("s")
        pltpu.sync_copy(zeros.at[pl.ds(s * ROWS_PT, ROWS_PT)],
                        acc.at[pl.ds(s * ROWS_PT, ROWS_PT)])
        plsc.subcore_barrier()
        tile = s if core_split else s * NC + c
        dst_ch0 = tile * spt
        src_ch0 = c * (ep // cs) + dst_ch0 if core_split else dst_ch0
        sg = (sg0, sg1)
        ss = (ss0, ss1)

        def row_slot(b, j):
            if w is None:
                return rows.at[b, pl.ds(j * cs, cs)]
            return rows.at[b, pl.ds(j * cs, cs), :]

        def idx_slot(ref, b, j):
            return ref.at[b, j]

        def load_idx(k, b):
            pltpu.sync_copy(src2d.at[pl.ds(src_ch0 + k * kch, kch)],
                            src_i.at[b])
            pltpu.sync_copy(dst2d.at[pl.ds(dst_ch0 + k * kch, kch)],
                            dst_i.at[b])

        def start_gathers(b):
            for j in range(kch):
                pltpu.async_copy(tab.at[idx_slot(src_i, b, j)],
                                 row_slot(b, j), sg[b])

        def drain_gathers(b):
            for j in range(kch):
                pltpu.make_async_copy(tab.at[idx_slot(src_i, b, j)],
                                      row_slot(b, j), sg[b]).wait()

        def start_scatters(b):
            for j in range(kch):
                pltpu.async_copy(row_slot(b, j),
                                 acc.at[idx_slot(dst_i, b, j)],
                                 ss[b], add=True)

        def drain_scatters(b):
            for j in range(kch):
                pltpu.make_async_copy(row_slot(b, j),
                                      acc.at[idx_slot(dst_i, b, j)],
                                      ss[b]).wait()

        load_idx(0, 0)
        start_gathers(0)

        def phase(k, b):
            nb = 1 - b

            @pl.when(k >= 1)
            def _():
                drain_scatters(nb)

            @pl.when(k + 1 < nblk)
            def _():
                load_idx(k + 1, nb)
                start_gathers(nb)

            drain_gathers(b)
            start_scatters(b)

        def body(uu, carry):
            phase(2 * uu, 0)
            phase(2 * uu + 1, 1)
            return carry

        lax.fori_loop(0, nblk // 2, body, 0)
        drain_scatters(1)
        plsc.subcore_barrier()
        pltpu.sync_copy(acc.at[pl.ds(s * ROWS_PT, ROWS_PT)],
                        out.at[pl.ds(c * N_ACC + s * ROWS_PT, ROWS_PT)])

    return kern


def _make_sc_deg():
    kch = 2
    cs = 512
    ept = EP // (NC * NS)
    spt = ept // cs
    nblk = spt // kch
    assert nblk % 2 == 0
    mesh = plsc.VectorSubcoreMesh(core_axis_name="c", subcore_axis_name="s")

    @functools.partial(
        pl.kernel,
        mesh=mesh,
        out_type=jax.ShapeDtypeStruct((NC * N_ACC,), jnp.float32),
        compiler_params=pltpu.CompilerParams(use_tc_tiling_on_sc=False),
        scratch_types=[
            pltpu.VMEM((2, kch, cs), jnp.int32),
            pltpu.VMEM((cs,), jnp.float32),
            pltpu.VMEM_SHARED((N_ACC,), jnp.float32),
            pltpu.SemaphoreType.DMA,
            pltpu.SemaphoreType.DMA,
        ],
    )
    def kern(dst2d, zeros, out, dst_i, ones_v, acc, ss0, ss1):
        c = lax.axis_index("c")
        s = lax.axis_index("s")
        for k in range(cs // 16):
            ones_v[pl.ds(16 * k, 16)] = jnp.ones((16,), jnp.float32)
        pltpu.sync_copy(zeros.at[pl.ds(s * ROWS_PT, ROWS_PT)],
                        acc.at[pl.ds(s * ROWS_PT, ROWS_PT)])
        plsc.subcore_barrier()
        tile = s * NC + c
        ch0 = tile * spt
        ss = (ss0, ss1)

        def idx_slot(b, j):
            return dst_i.at[b, j]

        def start_scatters(b):
            for j in range(kch):
                pltpu.async_copy(ones_v, acc.at[idx_slot(b, j)], ss[b],
                                 add=True)

        def drain_scatters(b):
            for j in range(kch):
                pltpu.make_async_copy(ones_v, acc.at[idx_slot(b, j)],
                                      ss[b]).wait()

        pltpu.sync_copy(dst2d.at[pl.ds(ch0, kch)], dst_i.at[0])

        def phase(k, b):
            nb = 1 - b

            @pl.when(k >= 1)
            def _():
                drain_scatters(nb)

            @pl.when(k + 1 < nblk)
            def _():
                pltpu.sync_copy(
                    dst2d.at[pl.ds(ch0 + (k + 1) * kch, kch)],
                    dst_i.at[nb])

            start_scatters(b)

        def body(uu, carry):
            phase(2 * uu, 0)
            phase(2 * uu + 1, 1)
            return carry

        lax.fori_loop(0, nblk // 2, body, 0)
        drain_scatters(1)
        plsc.subcore_barrier()
        pltpu.sync_copy(acc.at[pl.ds(s * ROWS_PT, ROWS_PT)],
                        out.at[pl.ds(c * N_ACC + s * ROWS_PT, ROWS_PT)])

    return kern


_sc_deg = _make_sc_deg()
_sc_w8 = _make_sc_agg(8, core_split=False, ep=EP)
_sc_w16 = _make_sc_agg(16, core_split=True, ep=EP, kch=1)
_sc_w1 = _make_sc_agg(None, core_split=False, ep=EPS)



def _fs(rows, off=0):
    return pl.BlockSpec((rows, 128), lambda i, o=off: (i + o, 0))


def _full(shape):
    return pl.BlockSpec(shape, lambda i: tuple(0 for _ in shape))


def _tc1_body(d0, d1, x, k8, s_o, g0_o):
    s = lax.rsqrt(d0[...] + d1[...] + 1.0)
    s_o[...] = s
    v = jnp.reshape(s, (128, 16))
    srep8 = lax.dot_general(v, k8[...], (((1,), (0,)), ((), ())),
                            preferred_element_type=jnp.float32)
    g0_o[...] = x[...] * srep8


def _tc1(degf, x_flat, k8):
    return pl.pallas_call(
        _tc1_body,
        grid=(STEPS,),
        in_specs=[_fs(16), _fs(16, STEPS), _fs(128), _full((16, 128))],
        out_specs=[_fs(16), _fs(128)],
        out_shape=[
            jax.ShapeDtypeStruct((RS, 128), jnp.float32),
            jax.ShapeDtypeStruct((8 * RS, 128), jnp.float32),
        ],
    )(degf, degf, x_flat, k8)


def _tc2_body(q0, q1, g0, s, k8, k16, bd1, b1w, bd2lo, bd2hi, lo_o, hi_o):
    v = jnp.reshape(s[...], (128, 16))
    srep8 = lax.dot_general(v, k8[...], (((1,), (0,)), ((), ())),
                            preferred_element_type=jnp.float32)
    a1f = srep8 * (q0[...] + q1[...] + g0[...])
    h1w = lax.dot_general(a1f, bd1[...], (((1,), (0,)), ((), ())),
                          preferred_element_type=jnp.float32)
    h1w = jnp.maximum(h1w + b1w[...], 0.0)
    srepw16 = lax.dot_general(v, k16[...], (((1,), (0,)), ((), ())),
                              preferred_element_type=jnp.float32)
    p2lo = lax.dot_general(h1w, bd2lo[...], (((1,), (0,)), ((), ())),
                           preferred_element_type=jnp.float32)
    p2hi = lax.dot_general(h1w, bd2hi[...], (((1,), (0,)), ((), ())),
                           preferred_element_type=jnp.float32)
    lo_o[...] = jnp.reshape(srepw16 * p2lo, (256, 128))
    hi_o[...] = jnp.reshape(srepw16 * p2hi, (256, 128))


def _tc2(qf, g0_flat, s1, k8, k16, bd1, b1w, bd2lo, bd2hi):
    return pl.pallas_call(
        _tc2_body,
        grid=(STEPS,),
        in_specs=[_fs(128), _fs(128, STEPS), _fs(128), _fs(16),
                  _full((16, 128)), _full((16, 256)), _full((128, 2048)),
                  _full((1, 2048)), _full((2048, 256)), _full((2048, 256))],
        out_specs=[_fs(256), _fs(256)],
        out_shape=[
            jax.ShapeDtypeStruct((16 * RS, 128), jnp.float32),
            jax.ShapeDtypeStruct((16 * RS, 128), jnp.float32),
        ],
    )(qf, qf, g0_flat, s1, k8, k16, bd1, b1w, bd2lo, bd2hi)


def _tc3_body(pc0, pc1, glo, ghi, s, k16, m16lo, m16hi, b2lo, b2hi, g3_o):
    v = jnp.reshape(s[...], (128, 16))
    srepw16 = lax.dot_general(v, k16[...], (((1,), (0,)), ((), ())),
                              preferred_element_type=jnp.float32)
    srep16 = jnp.reshape(srepw16, (256, 128))
    h2lo = jnp.maximum(srep16 * (pc0[...] + glo[...]) + b2lo[...], 0.0)
    h2hi = jnp.maximum(srep16 * (pc1[...] + ghi[...]) + b2hi[...], 0.0)
    p3rep = (lax.dot_general(h2lo, m16lo[...], (((1,), (0,)), ((), ())),
                             preferred_element_type=jnp.float32)
             + lax.dot_general(h2hi, m16hi[...], (((1,), (0,)), ((), ())),
                               preferred_element_type=jnp.float32))
    g3_o[...] = srep16 * p3rep


def _tc3(p16f, glo_f, ghi_f, s1, k16, m16lo, m16hi, b2lo, b2hi):
    return pl.pallas_call(
        _tc3_body,
        grid=(STEPS,),
        in_specs=[_fs(256), _fs(256, STEPS), _fs(256), _fs(256), _fs(16),
                  _full((16, 256)), _full((128, 128)), _full((128, 128)),
                  _full((1, 128)), _full((1, 128))],
        out_specs=_fs(256),
        out_shape=jax.ShapeDtypeStruct((16 * RS, 128), jnp.float32),
    )(p16f, p16f, glo_f, ghi_f, s1, k16, m16lo, m16hi, b2lo, b2hi)


def _tc4_body(r0, r1, s, b3, bat, out, acc):
    i = pl.program_id(0)
    h3 = s[...] * (r0[...] + r1[...]) + b3[...]
    h3row = jnp.reshape(h3, (1, BM))
    brow = jnp.reshape(bat[...], (1, BM))
    gid = lax.broadcasted_iota(jnp.int32, (G, BM), 0)
    mask = (brow == gid).astype(jnp.float32)
    part_s = jnp.sum(mask * h3row, axis=1, keepdims=True)
    part_c = jnp.sum(mask, axis=1, keepdims=True)
    part = jnp.concatenate([part_s, part_c], axis=1)

    @pl.when(i == 0)
    def _():
        acc[...] = jnp.zeros_like(acc)

    acc[...] += part

    @pl.when(i == STEPS - 1)
    def _():
        sums = acc[:, 0:1]
        cnts = jnp.maximum(acc[:, 1:2], 1.0)
        out[...] = jax.nn.sigmoid(sums / cnts)


def _tc4(rf, s1, b3r, batchf):
    return pl.pallas_call(
        _tc4_body,
        grid=(STEPS,),
        in_specs=[_fs(16), _fs(16, STEPS), _fs(16), _full((1, 1)), _fs(16)],
        out_specs=_full((G, 1)),
        out_shape=jax.ShapeDtypeStruct((G, 1), jnp.float32),
        scratch_shapes=[pltpu.VMEM((G, 2), jnp.float32)],
    )(rf, rf, s1, b3r, batchf)



def kernel(x, edge_index, batch, W1, b1, W2, b2, W3, b3):
    src = edge_index[0]
    dst = edge_index[1]
    i16 = jnp.eye(16, dtype=jnp.float32)
    spare = N_ACC - N
    trash = N + jnp.arange(EP - E, dtype=jnp.int32) % spare
    srcpad = jnp.arange(EP - E, dtype=jnp.int32) % N
    src_p = jnp.concatenate([src, srcpad])
    dst_p = jnp.concatenate([dst, trash])
    src2d = src_p.reshape(-1, 512)
    dst2d = dst_p.reshape(-1, 512)
    src2c = jnp.concatenate([src_p, src_p + N_ACC]).reshape(-1, 512)
    loop = jnp.arange(N_ACC, dtype=jnp.int32)
    srcw1pad = (jnp.arange(EPS - E - N_ACC, dtype=jnp.int32) % N) * 16
    srcw1 = jnp.concatenate(
        [src * 16, loop * 16, srcw1pad]).reshape(-1, 512)
    trashw1 = N + jnp.arange(EPS - E - N_ACC, dtype=jnp.int32) % spare
    dstw1 = jnp.concatenate([dst, loop, trashw1]).reshape(-1, 512)
    z1 = jnp.zeros((N_ACC,), jnp.float32)
    z8 = jnp.zeros((N_ACC, 8), jnp.float32)
    z16 = jnp.zeros((N_ACC, 16), jnp.float32)
    k8 = jnp.repeat(i16, 8, axis=1)
    k16 = jnp.repeat(i16, 16, axis=1)
    bd1 = jnp.kron(i16, W1.T)
    b1w = jnp.tile(b1, 16)[None, :]
    bd2lo = jnp.kron(i16, W2.T[:, :16])
    bd2hi = jnp.kron(i16, W2.T[:, 16:])
    i8 = jnp.eye(8, dtype=jnp.float32)
    m16lo = jnp.kron(i8, jnp.outer(W3[0, :16], jnp.ones(16, jnp.float32)))
    m16hi = jnp.kron(i8, jnp.outer(W3[0, 16:], jnp.ones(16, jnp.float32)))
    b2lo = jnp.tile(b2[:16], 8)[None, :]
    b2hi = jnp.tile(b2[16:], 8)[None, :]

    degp = _sc_deg(dst2d, z1)
    x_flat = jnp.pad(x, ((0, N_ACC - N), (0, 0))).reshape(8 * RS, 128)
    s1, g0_flat = _tc1(degp.reshape(2 * RS, 128), x_flat, k8)

    q = _sc_w8(g0_flat.reshape(N_ACC, 8), src2d, dst2d, z8)
    glo_f, ghi_f = _tc2(q.reshape(16 * RS, 128), g0_flat, s1, k8, k16,
                        bd1, b1w, bd2lo, bd2hi)

    g2tab = jnp.concatenate([glo_f, ghi_f]).reshape(2 * N_ACC, 16)
    p16 = _sc_w16(g2tab, src2c, dst2d, z16)
    g3rep = _tc3(p16.reshape(32 * RS, 128), glo_f, ghi_f, s1, k16,
                 m16lo, m16hi, b2lo, b2hi)

    r = _sc_w1(g3rep.reshape(16 * N_ACC), srcw1, dstw1, z1)
    batchf = jnp.pad(batch, (0, N_ACC - N),
                     constant_values=G).reshape(RS, 128)
    return _tc4(r.reshape(2 * RS, 128), s1, b3[None, :], batchf)

# --- scband reference (transcript-rebuilt; emitter-appended) ---
"""Pipeline reference for scband-gcn-1108101562838 (READ-ONLY COPY).

The authoritative reference and input builder live on the scoring server;
editing this copy changes nothing except your own understanding.
"""

import jax, jax.numpy as jnp
import numpy as np

N = 100000
E = 1600000
NUM_GRAPHS = 64
EMB = 8


def setup_inputs(seed: int = 0) -> dict:
    key = jax.random.key(seed)
    ks = jax.random.split(key, 10)
    x = jax.random.normal(ks[0], (N, EMB), dtype=jnp.float32)
    edge_index = jax.random.randint(ks[1], (2, E), 0, N, dtype=jnp.int32)
    batch = jnp.sort(jax.random.randint(ks[2], (N,), 0, NUM_GRAPHS, dtype=jnp.int32))
    W1 = jax.random.uniform(ks[3], (128, EMB), minval=-1.0, maxval=1.0, dtype=jnp.float32)
    b1 = jax.random.uniform(ks[4], (128,), minval=-1.0, maxval=1.0, dtype=jnp.float32)
    W2 = jax.random.uniform(ks[5], (32, 128), minval=-1.0, maxval=1.0, dtype=jnp.float32)
    b2 = jax.random.uniform(ks[6], (32,), minval=-1.0, maxval=1.0, dtype=jnp.float32)
    W3 = jax.random.uniform(ks[7], (1, 32), minval=-1.0, maxval=1.0, dtype=jnp.float32)
    b3 = jax.random.uniform(ks[8], (1,), minval=-1.0, maxval=1.0, dtype=jnp.float32)
    return {"x": x, "edge_index": edge_index, "batch": batch,
            "W1": W1, "b1": b1, "W2": W2, "b2": b2, "W3": W3, "b3": b3}


def gcn_conv(x, edge_index, W, b):
    # PyG GCNConv: h = x @ W^T; symmetric norm over (A + I); out = scatter_add + bias
    n = x.shape[0]
    loop = jnp.arange(n, dtype=edge_index.dtype)
    src = jnp.concatenate([edge_index[0], loop])
    dst = jnp.concatenate([edge_index[1], loop])
    h = x @ W.T
    deg = jnp.zeros((n,), dtype=h.dtype).at[dst].add(1.0)
    deg_inv_sqrt = jnp.where(deg > 0, jax.lax.rsqrt(jnp.maximum(deg, 1e-12)), 0.0)
    norm = deg_inv_sqrt[src] * deg_inv_sqrt[dst]
    msgs = h[src] * norm[:, None]
    out = jax.ops.segment_sum(msgs, dst, num_segments=n)
    return out + b


def reference(x, edge_index, batch, W1, b1, W2, b2, W3, b3):
    h = jax.nn.relu(gcn_conv(x, edge_index, W1, b1))
    h = jax.nn.relu(gcn_conv(h, edge_index, W2, b2))
    h = gcn_conv(h, edge_index, W3, b3)
    sums = jax.ops.segment_sum(h, batch, num_segments=NUM_GRAPHS)
    counts = jax.ops.segment_sum(jnp.ones((h.shape[0],), h.dtype), batch, num_segments=NUM_GRAPHS)
    pooled = sums / jnp.maximum(counts, 1.0)[:, None]
    return jax.nn.sigmoid(pooled)

if __name__ == "__main__":
    import jax
    _d = setup_inputs()
    print(jax.jit(kernel)(*tuple(_d.values())))

</pallas_src>

<mosaic_0001>
#map = affine_map<(d0, d1) -> (0, 0)>
module attributes {stable_mosaic.version = 14 : i64} {
  func.func @kern(%arg0: i32, %arg1: i32, %arg2: memref<200704x16xf32, #tpu.memory_space<hbm>>, %arg3: memref<6400x512xi32, #tpu.memory_space<hbm>>, %arg4: memref<3200x512xi32, #tpu.memory_space<hbm>>, %arg5: memref<100352x16xf32, #tpu.memory_space<hbm>>, %arg6: memref<200704x16xf32, #tpu.memory_space<hbm>>, %arg7: memref<2x1x512xi32, #tpu.memory_space<vmem>>, %arg8: memref<2x1x512xi32, #tpu.memory_space<vmem>>, %arg9: memref<2x512x16xf32, #tpu.memory_space<vmem>>, %arg10: memref<100352x16xf32, #tpu.memory_space<vmem_shared>>, %arg11: memref<!tpu.dma_semaphore, #tpu.memory_space<semaphore_mem>>, %arg12: memref<!tpu.dma_semaphore, #tpu.memory_space<semaphore_mem>>, %arg13: memref<!tpu.dma_semaphore, #tpu.memory_space<semaphore_mem>>, %arg14: memref<!tpu.dma_semaphore, #tpu.memory_space<semaphore_mem>>) attributes {dimension_semantics = [#tpu.dimension_semantics<core_parallel>, #tpu.dimension_semantics<subcore_parallel>], iteration_bounds = array<i64: 2, 16>, scalar_prefetch = 0 : i64, scratch_operands = 8 : i64, tpu.core_type = #tpu.core_type<sc_vector_subcore>, window_params = [{transform_indices = #map}, {transform_indices = #map}, {transform_indices = #map}, {transform_indices = #map}, {transform_indices = #map}]} {
    %mul3A = arith.constant 6272 : i32
    %mul3A_0 = arith.muli %arg1, %mul3A : i32
    %mul3A_1 = arith.constant 6272 : i32
    %mul3A_2 = arith.muli %arg1, %mul3A_1 : i32
    "tpu.region"() ({
      %run_scoped3A_49 = tpu.sem_alloc : memref<!tpu.dma_semaphore, #tpu.memory_space<semaphore_mem>>
      %dma_start3A_50 = arith.constant 0 : i32
      %dma_start3A_51 = tpu.memref_slice %arg10[%mul3A_2, %dma_start3A_50] : memref<100352x16xf32, #tpu.memory_space<vmem_shared>> -> memref<6272x16xf32, #tpu.memory_space<vmem_shared>>
      %dma_start3A_52 = arith.constant 0 : i32
      %dma_start3A_53 = tpu.memref_slice %arg5[%mul3A_0, %dma_start3A_52] : memref<100352x16xf32, #tpu.memory_space<hbm>> -> memref<6272x16xf32, #tpu.memory_space<hbm>>
      tpu.enqueue_dma source(%dma_start3A_53 : memref<6272x16xf32, #tpu.memory_space<hbm>>) target(%dma_start3A_51 : memref<6272x16xf32, #tpu.memory_space<vmem_shared>>) target_semaphore(%run_scoped3A_49 : memref<!tpu.dma_semaphore, #tpu.memory_space<semaphore_mem>>)
      %dma_wait3A_54 = arith.constant 0 : i32
      %dma_wait3A_55 = tpu.memref_slice %arg10[%mul3A_2, %dma_wait3A_54] : memref<100352x16xf32, #tpu.memory_space<vmem_shared>> -> memref<6272x16xf32, #tpu.memory_space<vmem_shared>>
      %dma_wait3A_56 = arith.constant 0 : i32
      %dma_wait3A_57 = tpu.memref_slice %arg5[%mul3A_0, %dma_wait3A_56] : memref<100352x16xf32, #tpu.memory_space<hbm>> -> memref<6272x16xf32, #tpu.memory_space<hbm>>
      tpu.wait_dma2 semaphore(%run_scoped3A_49 : memref<!tpu.dma_semaphore, #tpu.memory_space<semaphore_mem>>) src(%dma_wait3A_57 : memref<6272x16xf32, #tpu.memory_space<hbm>>) dst(%dma_wait3A_55 : memref<6272x16xf32, #tpu.memory_space<vmem_shared>>)
      tpu.yield
    }) : () -> ()
    %barrier3A = arith.constant 0 : index
    tpu.barrier barrier_id(%barrier3A)
    %mul3A_3 = arith.constant 200 : i32
    %mul3A_4 = arith.muli %arg1, %mul3A_3 : i32
    %mul3A_5 = arith.constant 3200 : i32
    %mul3A_6 = arith.muli %arg0, %mul3A_5 : i32
    %add3A = arith.addi %mul3A_6, %mul3A_4 : i32
    %add3A_7 = arith.constant 0 : i32
    %add3A_8 = arith.addi %add3A, %add3A_7 : i32
    %run_scoped3A = arith.constant 0 : i32
    "tpu.region"() ({
      %run_scoped3A_49 = tpu.sem_alloc : memref<!tpu.dma_semaphore, #tpu.memory_space<semaphore_mem>>
      %dma_start3A_50 = arith.constant 0 : i32
      %dma_start3A_51 = arith.constant 0 : i32
      %dma_start3A_52 = tpu.memref_slice %arg7[%run_scoped3A, %dma_start3A_50, %dma_start3A_51] : memref<2x1x512xi32, #tpu.memory_space<vmem>> -> memref<1x1x512xi32, #tpu.memory_space<vmem>>
      %dma_start3A_53 = tpu.memref_squeeze %dma_start3A_52 : memref<1x1x512xi32, #tpu.memory_space<vmem>> -> memref<1x512xi32, #tpu.memory_space<vmem>>
      %dma_start3A_54 = arith.constant 0 : i32
      %dma_start3A_55 = tpu.memref_slice %arg3[%add3A_8, %dma_start3A_54] : memref<6400x512xi32, #tpu.memory_space<hbm>> -> memref<1x512xi32, #tpu.memory_space<hbm>>
      %dma_start3A_56 = arith.constant 0 : i32
      %dma_start3A_57 = arith.constant 0 : i32
      %dma_start3A_58 = tpu.memref_slice %arg7[%run_scoped3A, %dma_start3A_56, %dma_start3A_57] : memref<2x1x512xi32, #tpu.memory_space<vmem>> -> memref<1x1x512xi32, #tpu.memory_space<vmem>>
      %dma_start3A_59 = tpu.memref_squeeze %dma_start3A_58 : memref<1x1x512xi32, #tpu.memory_space<vmem>> -> memref<1x512xi32, #tpu.memory_space<vmem>>
      %dma_start3A_60 = arith.constant 0 : i32
      %dma_start3A_61 = tpu.memref_slice %arg3[%add3A_8, %dma_start3A_60] : memref<6400x512xi32, #tpu.memory_space<hbm>> -> memref<1x512xi32, #tpu.memory_space<hbm>>
      tpu.enqueue_dma source(%dma_start3A_61 : memref<1x512xi32, #tpu.memory_space<hbm>>) target(%dma_start3A_59 : memref<1x512xi32, #tpu.memory_space<vmem>>) target_semaphore(%run_scoped3A_49 : memref<!tpu.dma_semaphore, #tpu.memory_space<semaphore_mem>>)
      %dma_wait3A_62 = arith.constant 0 : i32
      %dma_wait3A_63 = arith.constant 0 : i32
      %dma_wait3A_64 = tpu.memref_slice %arg7[%run_scoped3A, %dma_wait3A_62, %dma_wait3A_63] : memref<2x1x512xi32, #tpu.memory_space<vmem>> -> memref<1x1x512xi32, #tpu.memory_space<vmem>>
      %dma_wait3A_65 = tpu.memref_squeeze %dma_wait3A_64 : memref<1x1x512xi32, #tpu.memory_space<vmem>> -> memref<1x512xi32, #tpu.memory_space<vmem>>
      %dma_wait3A_66 = arith.constant 0 : i32
      %dma_wait3A_67 = tpu.memref_slice %arg3[%add3A_8, %dma_wait3A_66] : memref<6400x512xi32, #tpu.memory_space<hbm>> -> memref<1x512xi32, #tpu.memory_space<hbm>>
      %dma_wait3A_68 = arith.constant 0 : i32
      %dma_wait3A_69 = arith.constant 0 : i32
      %dma_wait3A_70 = tpu.memref_slice %arg7[%run_scoped3A, %dma_wait3A_68, %dma_wait3A_69] : memref<2x1x512xi32, #tpu.memory_space<vmem>> -> memref<1x1x512xi32, #tpu.memory_space<vmem>>
      %dma_wait3A_71 = tpu.memref_squeeze %dma_wait3A_70 : memref<1x1x512xi32, #tpu.memory_space<vmem>> -> memref<1x512xi32, #tpu.memory_space<vmem>>
      %dma_wait3A_72 = arith.constant 0 : i32
      %dma_wait3A_73 = tpu.memref_slice %arg3[%add3A_8, %dma_wait3A_72] : memref<6400x512xi32, #tpu.memory_space<hbm>> -> memref<1x512xi32, #tpu.memory_space<hbm>>
      tpu.wait_dma2 semaphore(%run_scoped3A_49 : memref<!tpu.dma_semaphore, #tpu.memory_space<semaphore_mem>>) src(%dma_wait3A_73 : memref<1x512xi32, #tpu.memory_space<hbm>>) dst(%dma_wait3A_71 : memref<1x512xi32, #tpu.memory_space<vmem>>)
      tpu.yield
    }) : () -> ()
    %add3A_9 = arith.constant 0 : i32
    %add3A_10 = arith.addi %mul3A_4, %add3A_9 : i32
    %run_scoped3A_11 = arith.constant 0 : i32
    "tpu.region"() ({
      %run_scoped3A_49 = tpu.sem_alloc : memref<!tpu.dma_semaphore, #tpu.memory_space<semaphore_mem>>
      %dma_start3A_50 = arith.constant 0 : i32
      %dma_start3A_51 = arith.constant 0 : i32
      %dma_start3A_52 = tpu.memref_slice %arg8[%run_scoped3A_11, %dma_start3A_50, %dma_start3A_51] : memref<2x1x512xi32, #tpu.memory_space<vmem>> -> memref<1x1x512xi32, #tpu.memory_space<vmem>>
      %dma_start3A_53 = tpu.memref_squeeze %dma_start3A_52 : memref<1x1x512xi32, #tpu.memory_space<vmem>> -> memref<1x512xi32, #tpu.memory_space<vmem>>
      %dma_start3A_54 = arith.constant 0 : i32
      %dma_start3A_55 = tpu.memref_slice %arg4[%add3A_10, %dma_start3A_54] : memref<3200x512xi32, #tpu.memory_space<hbm>> -> memref<1x512xi32, #tpu.memory_space<hbm>>
      %dma_start3A_56 = arith.constant 0 : i32
      %dma_start3A_57 = arith.constant 0 : i32
      %dma_start3A_58 = tpu.memref_slice %arg8[%run_scoped3A_11, %dma_start3A_56, %dma_start3A_57] : memref<2x1x512xi32, #tpu.memory_space<vmem>> -> memref<1x1x512xi32, #tpu.memory_space<vmem>>
      %dma_start3A_59 = tpu.memref_squeeze %dma_start3A_58 : memref<1x1x512xi32, #tpu.memory_space<vmem>> -> memref<1x512xi32, #tpu.memory_space<vmem>>
      %dma_start3A_60 = arith.constant 0 : i32
      %dma_start3A_61 = tpu.memref_slice %arg4[%add3A_10, %dma_start3A_60] : memref<3200x512xi32, #tpu.memory_space<hbm>> -> memref<1x512xi32, #tpu.memory_space<hbm>>
      tpu.enqueue_dma source(%dma_start3A_61 : memref<1x512xi32, #tpu.memory_space<hbm>>) target(%dma_start3A_59 : memref<1x512xi32, #tpu.memory_space<vmem>>) target_semaphore(%run_scoped3A_49 : memref<!tpu.dma_semaphore, #tpu.memory_space<semaphore_mem>>)
      %dma_wait3A_62 = arith.constant 0 : i32
      %dma_wait3A_63 = arith.constant 0 : i32
      %dma_wait3A_64 = tpu.memref_slice %arg8[%run_scoped3A_11, %dma_wait3A_62, %dma_wait3A_63] : memref<2x1x512xi32, #tpu.memory_space<vmem>> -> memref<1x1x512xi32, #tpu.memory_space<vmem>>
      %dma_wait3A_65 = tpu.memref_squeeze %dma_wait3A_64 : memref<1x1x512xi32, #tpu.memory_space<vmem>> -> memref<1x512xi32, #tpu.memory_space<vmem>>
      %dma_wait3A_66 = arith.constant 0 : i32
      %dma_wait3A_67 = tpu.memref_slice %arg4[%add3A_10, %dma_wait3A_66] : memref<3200x512xi32, #tpu.memory_space<hbm>> -> memref<1x512xi32, #tpu.memory_space<hbm>>
      %dma_wait3A_68 = arith.constant 0 : i32
      %dma_wait3A_69 = arith.constant 0 : i32
      %dma_wait3A_70 = tpu.memref_slice %arg8[%run_scoped3A_11, %dma_wait3A_68, %dma_wait3A_69] : memref<2x1x512xi32, #tpu.memory_space<vmem>> -> memref<1x1x512xi32, #tpu.memory_space<vmem>>
      %dma_wait3A_71 = tpu.memref_squeeze %dma_wait3A_70 : memref<1x1x512xi32, #tpu.memory_space<vmem>> -> memref<1x512xi32, #tpu.memory_space<vmem>>
      %dma_wait3A_72 = arith.constant 0 : i32
      %dma_wait3A_73 = tpu.memref_slice %arg4[%add3A_10, %dma_wait3A_72] : memref<3200x512xi32, #tpu.memory_space<hbm>> -> memref<1x512xi32, #tpu.memory_space<hbm>>
      tpu.wait_dma2 semaphore(%run_scoped3A_49 : memref<!tpu.dma_semaphore, #tpu.memory_space<semaphore_mem>>) src(%dma_wait3A_73 : memref<1x512xi32, #tpu.memory_space<hbm>>) dst(%dma_wait3A_71 : memref<1x512xi32, #tpu.memory_space<vmem>>)
      tpu.yield
    }) : () -> ()
    %dma_start3A = arith.constant 0 : i32
    %dma_start3A_12 = arith.constant 0 : i32
    %dma_start3A_13 = arith.constant 0 : i32
    %dma_start3A_14 = arith.constant 0 : i32
    %dma_start3A_15 = arith.constant 0 : i32
    %dma_start3A_16 = tpu.memref_slice %arg9[%dma_start3A_13, %dma_start3A_14, %dma_start3A_15] : memref<2x512x16xf32, #tpu.memory_space<vmem>> -> memref<1x512x16xf32, #tpu.memory_space<vmem>>
    %dma_start3A_17 = tpu.memref_squeeze %dma_start3A_16 : memref<1x512x16xf32, #tpu.memory_space<vmem>> -> memref<512x16xf32, #tpu.memory_space<vmem>>
    %dma_start3A_18 = arith.constant 0 : i32
    %dma_start3A_19 = tpu.memref_slice %arg7[%dma_start3A, %dma_start3A_12, %dma_start3A_18] : memref<2x1x512xi32, #tpu.memory_space<vmem>> -> memref<1x1x512xi32, #tpu.memory_space<vmem>>
    %dma_start3A_20 = tpu.memref_squeeze %dma_start3A_19 : memref<1x1x512xi32, #tpu.memory_space<vmem>> -> memref<512xi32, #tpu.memory_space<vmem>>
    %dma_start3A_21 = arith.constant 0 : i32
    %dma_start3A_22 = arith.constant 0 : i32
    %dma_start3A_23 = tpu.memref_slice %arg2[%dma_start3A_21, %dma_start3A_22] : memref<200704x16xf32, #tpu.memory_space<hbm>> -> memref<200704x16xf32, #tpu.memory_space<hbm>>
    tpu.enqueue_indirect_dma source(%dma_start3A_23 : memref<200704x16xf32, #tpu.memory_space<hbm>>) target(%dma_start3A_17 : memref<512x16xf32, #tpu.memory_space<vmem>>) offsets(%dma_start3A_20 : memref<512xi32, #tpu.memory_space<vmem>>) semaphore(%arg11 : memref<!tpu.dma_semaphore, #tpu.memory_space<semaphore_mem>>)
    %scan3A = arith.constant 0 : i32
    %scan3A_24 = arith.constant 0 : i32
    %scan3A_25 = arith.constant 100 : i32
    %scan3A_26 = arith.addi %scan3A_24, %scan3A_25 : i32
    %scan3A_27 = arith.constant 1 : i32
    scf.for %scan3A_49 = %scan3A_24 to %scan3A_26 step %scan3A_27  : i32 {
      %mul3A_50 = arith.constant 2 : i32
      %mul3A_51 = arith.muli %mul3A_50, %scan3A_49 : i32
      %ge3A = arith.constant 1 : i32
      %ge3A_52 = arith.cmpi sge, %mul3A_51, %ge3A : i32
      %convert_element_type3A = arith.extui %ge3A_52 : i1 to i32
      %cond3A = arith.constant 0 : i32
      %cond3A_53 = arith.cmpi ne, %convert_element_type3A, %cond3A : i32
      scf.if %cond3A_53 {
        %dma_wait3A_128 = arith.constant 1 : i32
        %dma_wait3A_129 = arith.constant 1 : i32
        %dma_wait3A_130 = arith.constant 0 : i32
        %dma_wait3A_131 = arith.constant 0 : i32
        %dma_wait3A_132 = arith.constant 0 : i32
        %dma_wait3A_133 = tpu.memref_slice %arg9[%dma_wait3A_128, %dma_wait3A_131, %dma_wait3A_132] : memref<2x512x16xf32, #tpu.memory_space<vmem>> -> memref<1x512x16xf32, #tpu.memory_space<vmem>>
        %dma_wait3A_134 = tpu.memref_squeeze %dma_wait3A_133 : memref<1x512x16xf32, #tpu.memory_space<vmem>> -> memref<512x16xf32, #tpu.memory_space<vmem>>
        %dma_wait3A_135 = arith.constant 0 : i32
        %dma_wait3A_136 = tpu.memref_slice %arg8[%dma_wait3A_129, %dma_wait3A_130, %dma_wait3A_135] : memref<2x1x512xi32, #tpu.memory_space<vmem>> -> memref<1x1x512xi32, #tpu.memory_space<vmem>>
        %dma_wait3A_137 = tpu.memref_squeeze %dma_wait3A_136 : memref<1x1x512xi32, #tpu.memory_space<vmem>> -> memref<512xi32, #tpu.memory_space<vmem>>
        %dma_wait3A_138 = arith.constant 0 : i32
        %dma_wait3A_139 = arith.constant 0 : i32
        %dma_wait3A_140 = tpu.memref_slice %arg10[%dma_wait3A_138, %dma_wait3A_139] : memref<100352x16xf32, #tpu.memory_space<vmem_shared>> -> memref<100352x16xf32, #tpu.memory_space<vmem_shared>>
        tpu.wait_indirect_dma semaphore(%arg14 : memref<!tpu.dma_semaphore, #tpu.memory_space<semaphore_mem>>) src(%dma_wait3A_134 : memref<512x16xf32, #tpu.memory_space<vmem>>) dst(%dma_wait3A_140 : memref<100352x16xf32, #tpu.memory_space<vmem_shared>>)
      } else {
      }
      %add3A_54 = arith.constant 1 : i32
      %add3A_55 = arith.addi %mul3A_51, %add3A_54 : i32
      %lt3A = arith.constant 200 : i32
      %lt3A_56 = arith.cmpi slt, %add3A_55, %lt3A : i32
      %convert_element_type3A_57 = arith.extui %lt3A_56 : i1 to i32
      %cond3A_58 = arith.constant 0 : i32
      %cond3A_59 = arith.cmpi ne, %convert_element_type3A_57, %cond3A_58 : i32
      scf.if %cond3A_59 {
        %add3A_128 = arith.constant 1 : i32
        %add3A_129 = arith.addi %mul3A_51, %add3A_128 : i32
        %mul3A_130 = arith.constant 1 : i32
        %mul3A_131 = arith.muli %add3A_129, %mul3A_130 : i32
        %add3A_132 = arith.addi %add3A, %mul3A_131 : i32
        %run_scoped3A_133 = arith.constant 1 : i32
        "tpu.region"() ({
          %run_scoped3A_151 = tpu.sem_alloc : memref<!tpu.dma_semaphore, #tpu.memory_space<semaphore_mem>>
          %dma_start3A_152 = arith.constant 0 : i32
          %dma_start3A_153 = arith.constant 0 : i32
          %dma_start3A_154 = tpu.memref_slice %arg7[%run_scoped3A_133, %dma_start3A_152, %dma_start3A_153] : memref<2x1x512xi32, #tpu.memory_space<vmem>> -> memref<1x1x512xi32, #tpu.memory_space<vmem>>
          %dma_start3A_155 = tpu.memref_squeeze %dma_start3A_154 : memref<1x1x512xi32, #tpu.memory_space<vmem>> -> memref<1x512xi32, #tpu.memory_space<vmem>>
          %dma_start3A_156 = arith.constant 0 : i32
          %dma_start3A_157 = tpu.memref_slice %arg3[%add3A_132, %dma_start3A_156] : memref<6400x512xi32, #tpu.memory_space<hbm>> -> memref<1x512xi32, #tpu.memory_space<hbm>>
          %dma_start3A_158 = arith.constant 0 : i32
          %dma_start3A_159 = arith.constant 0 : i32
          %dma_start3A_160 = tpu.memref_slice %arg7[%run_scoped3A_133, %dma_start3A_158, %dma_start3A_159] : memref<2x1x512xi32, #tpu.memory_space<vmem>> -> memref<1x1x512xi32, #tpu.memory_space<vmem>>
          %dma_start3A_161 = tpu.memref_squeeze %dma_start3A_160 : memref<1x1x512xi32, #tpu.memory_space<vmem>> -> memref<1x512xi32, #tpu.memory_space<vmem>>
          %dma_start3A_162 = arith.constant 0 : i32
          %dma_start3A_163 = tpu.memref_slice %arg3[%add3A_132, %dma_start3A_162] : memref<6400x512xi32, #tpu.memory_space<hbm>> -> memref<1x512xi32, #tpu.memory_space<hbm>>
          tpu.enqueue_dma source(%dma_start3A_163 : memref<1x512xi32, #tpu.memory_space<hbm>>) target(%dma_start3A_161 : memref<1x512xi32, #tpu.memory_space<vmem>>) target_semaphore(%run_scoped3A_151 : memref<!tpu.dma_semaphore, #tpu.memory_space<semaphore_mem>>)
          %dma_wait3A_164 = arith.constant 0 : i32
          %dma_wait3A_165 = arith.constant 0 : i32
          %dma_wait3A_166 = tpu.memref_slice %arg7[%run_scoped3A_133, %dma_wait3A_164, %dma_wait3A_165] : memref<2x1x512xi32, #tpu.memory_space<vmem>> -> memref<1x1x512xi32, #tpu.memory_space<vmem>>
          %dma_wait3A_167 = tpu.memref_squeeze %dma_wait3A_166 : memref<1x1x512xi32, #tpu.memory_space<vmem>> -> memref<1x512xi32, #tpu.memory_space<vmem>>
          %dma_wait3A_168 = arith.constant 0 : i32
          %dma_wait3A_169 = tpu.memref_slice %arg3[%add3A_132, %dma_wait3A_168] : memref<6400x512xi32, #tpu.memory_space<hbm>> -> memref<1x512xi32, #tpu.memory_space<hbm>>
          %dma_wait3A_170 = arith.constant 0 : i32
          %dma_wait3A_171 = arith.constant 0 : i32
          %dma_wait3A_172 = tpu.memref_slice %arg7[%run_scoped3A_133, %dma_wait3A_170, %dma_wait3A_171] : memref<2x1x512xi32, #tpu.memory_space<vmem>> -> memref<1x1x512xi32, #tpu.memory_space<vmem>>
          %dma_wait3A_173 = tpu.memref_squeeze %dma_wait3A_172 : memref<1x1x512xi32, #tpu.memory_space<vmem>> -> memref<1x512xi32, #tpu.memory_space<vmem>>
          %dma_wait3A_174 = arith.constant 0 : i32
          %dma_wait3A_175 = tpu.memref_slice %arg3[%add3A_132, %dma_wait3A_174] : memref<6400x512xi32, #tpu.memory_space<hbm>> -> memref<1x512xi32, #tpu.memory_space<hbm>>
          tpu.wait_dma2 semaphore(%run_scoped3A_151 : memref<!tpu.dma_semaphore, #tpu.memory_space<semaphore_mem>>) src(%dma_wait3A_175 : memref<1x512xi32, #tpu.memory_space<hbm>>) dst(%dma_wait3A_173 : memref<1x512xi32, #tpu.memory_space<vmem>>)
          tpu.yield
        }) : () -> ()
        %mul3A_134 = arith.constant 1 : i32
        %mul3A_135 = arith.muli %add3A_129, %mul3A_134 : i32
        %add3A_136 = arith.addi %mul3A_4, %mul3A_135 : i32
        %run_scoped3A_137 = arith.constant 1 : i32
        "tpu.region"() ({
          %run_scoped3A_151 = tpu.sem_alloc : memref<!tpu.dma_semaphore, #tpu.memory_space<semaphore_mem>>
          %dma_start3A_152 = arith.constant 0 : i32
          %dma_start3A_153 = arith.constant 0 : i32
          %dma_start3A_154 = tpu.memref_slice %arg8[%run_scoped3A_137, %dma_start3A_152, %dma_start3A_153] : memref<2x1x512xi32, #tpu.memory_space<vmem>> -> memref<1x1x512xi32, #tpu.memory_space<vmem>>
          %dma_start3A_155 = tpu.memref_squeeze %dma_start3A_154 : memref<1x1x512xi32, #tpu.memory_space<vmem>> -> memref<1x512xi32, #tpu.memory_space<vmem>>
          %dma_start3A_156 = arith.constant 0 : i32
          %dma_start3A_157 = tpu.memref_slice %arg4[%add3A_136, %dma_start3A_156] : memref<3200x512xi32, #tpu.memory_space<hbm>> -> memref<1x512xi32, #tpu.memory_space<hbm>>
          %dma_start3A_158 = arith.constant 0 : i32
          %dma_start3A_159 = arith.constant 0 : i32
          %dma_start3A_160 = tpu.memref_slice %arg8[%run_scoped3A_137, %dma_start3A_158, %dma_start3A_159] : memref<2x1x512xi32, #tpu.memory_space<vmem>> -> memref<1x1x512xi32, #tpu.memory_space<vmem>>
          %dma_start3A_161 = tpu.memref_squeeze %dma_start3A_160 : memref<1x1x512xi32, #tpu.memory_space<vmem>> -> memref<1x512xi32, #tpu.memory_space<vmem>>
          %dma_start3A_162 = arith.constant 0 : i32
          %dma_start3A_163 = tpu.memref_slice %arg4[%add3A_136, %dma_start3A_162] : memref<3200x512xi32, #tpu.memory_space<hbm>> -> memref<1x512xi32, #tpu.memory_space<hbm>>
          tpu.enqueue_dma source(%dma_start3A_163 : memref<1x512xi32, #tpu.memory_space<hbm>>) target(%dma_start3A_161 : memref<1x512xi32, #tpu.memory_space<vmem>>) target_semaphore(%run_scoped3A_151 : memref<!tpu.dma_semaphore, #tpu.memory_space<semaphore_mem>>)
          %dma_wait3A_164 = arith.constant 0 : i32
          %dma_wait3A_165 = arith.constant 0 : i32
          %dma_wait3A_166 = tpu.memref_slice %arg8[%run_scoped3A_137, %dma_wait3A_164, %dma_wait3A_165] : memref<2x1x512xi32, #tpu.memory_space<vmem>> -> memref<1x1x512xi32, #tpu.memory_space<vmem>>
          %dma_wait3A_167 = tpu.memref_squeeze %dma_wait3A_166 : memref<1x1x512xi32, #tpu.memory_space<vmem>> -> memref<1x512xi32, #tpu.memory_space<vmem>>
          %dma_wait3A_168 = arith.constant 0 : i32
          %dma_wait3A_169 = tpu.memref_slice %arg4[%add3A_136, %dma_wait3A_168] : memref<3200x512xi32, #tpu.memory_space<hbm>> -> memref<1x512xi32, #tpu.memory_space<hbm>>
          %dma_wait3A_170 = arith.constant 0 : i32
          %dma_wait3A_171 = arith.constant 0 : i32
          %dma_wait3A_172 = tpu.memref_slice %arg8[%run_scoped3A_137, %dma_wait3A_170, %dma_wait3A_171] : memref<2x1x512xi32, #tpu.memory_space<vmem>> -> memref<1x1x512xi32, #tpu.memory_space<vmem>>
          %dma_wait3A_173 = tpu.memref_squeeze %dma_wait3A_172 : memref<1x1x512xi32, #tpu.memory_space<vmem>> -> memref<1x512xi32, #tpu.memory_space<vmem>>
          %dma_wait3A_174 = arith.constant 0 : i32
          %dma_wait3A_175 = tpu.memref_slice %arg4[%add3A_136, %dma_wait3A_174] : memref<3200x512xi32, #tpu.memory_space<hbm>> -> memref<1x512xi32, #tpu.memory_space<hbm>>
          tpu.wait_dma2 semaphore(%run_scoped3A_151 : memref<!tpu.dma_semaphore, #tpu.memory_space<semaphore_mem>>) src(%dma_wait3A_175 : memref<1x512xi32, #tpu.memory_space<hbm>>) dst(%dma_wait3A_173 : memref<1x512xi32, #tpu.memory_space<vmem>>)
          tpu.yield
        }) : () -> ()
        %dma_start3A_138 = arith.constant 1 : i32
        %dma_start3A_139 = arith.constant 0 : i32
        %dma_start3A_140 = arith.constant 1 : i32
        %dma_start3A_141 = arith.constant 0 : i32
        %dma_start3A_142 = arith.constant 0 : i32
        %dma_start3A_143 = tpu.memref_slice %arg9[%dma_start3A_140, %dma_start3A_141, %dma_start3A_142] : memref<2x512x16xf32, #tpu.memory_space<vmem>> -> memref<1x512x16xf32, #tpu.memory_space<vmem>>
        %dma_start3A_144 = tpu.memref_squeeze %dma_start3A_143 : memref<1x512x16xf32, #tpu.memory_space<vmem>> -> memref<512x16xf32, #tpu.memory_space<vmem>>
        %dma_start3A_145 = arith.constant 0 : i32
        %dma_start3A_146 = tpu.memref_slice %arg7[%dma_start3A_138, %dma_start3A_139, %dma_start3A_145] : memref<2x1x512xi32, #tpu.memory_space<vmem>> -> memref<1x1x512xi32, #tpu.memory_space<vmem>>
        %dma_start3A_147 = tpu.memref_squeeze %dma_start3A_146 : memref<1x1x512xi32, #tpu.memory_space<vmem>> -> memref<512xi32, #tpu.memory_space<vmem>>
        %dma_start3A_148 = arith.constant 0 : i32
        %dma_start3A_149 = arith.constant 0 : i32
        %dma_start3A_150 = tpu.memref_slice %arg2[%dma_start3A_148, %dma_start3A_149] : memref<200704x16xf32, #tpu.memory_space<hbm>> -> memref<200704x16xf32, #tpu.memory_space<hbm>>
        tpu.enqueue_indirect_dma source(%dma_start3A_150 : memref<200704x16xf32, #tpu.memory_space<hbm>>) target(%dma_start3A_144 : memref<512x16xf32, #tpu.memory_space<vmem>>) offsets(%dma_start3A_147 : memref<512xi32, #tpu.memory_space<vmem>>) semaphore(%arg12 : memref<!tpu.dma_semaphore, #tpu.memory_space<semaphore_mem>>)
      } else {
      }
      %dma_wait3A_60 = arith.constant 0 : i32
      %dma_wait3A_61 = arith.constant 0 : i32
      %dma_wait3A_62 = arith.constant 0 : i32
      %dma_wait3A_63 = arith.constant 0 : i32
      %dma_wait3A_64 = arith.constant 0 : i32
      %dma_wait3A_65 = tpu.memref_slice %arg9[%dma_wait3A_62, %dma_wait3A_63, %dma_wait3A_64] : memref<2x512x16xf32, #tpu.memory_space<vmem>> -> memref<1x512x16xf32, #tpu.memory_space<vmem>>
      %dma_wait3A_66 = tpu.memref_squeeze %dma_wait3A_65 : memref<1x512x16xf32, #tpu.memory_space<vmem>> -> memref<512x16xf32, #tpu.memory_space<vmem>>
      %dma_wait3A_67 = arith.constant 0 : i32
      %dma_wait3A_68 = tpu.memref_slice %arg7[%dma_wait3A_60, %dma_wait3A_61, %dma_wait3A_67] : memref<2x1x512xi32, #tpu.memory_space<vmem>> -> memref<1x1x512xi32, #tpu.memory_space<vmem>>
      %dma_wait3A_69 = tpu.memref_squeeze %dma_wait3A_68 : memref<1x1x512xi32, #tpu.memory_space<vmem>> -> memref<512xi32, #tpu.memory_space<vmem>>
      %dma_wait3A_70 = arith.constant 0 : i32
      %dma_wait3A_71 = arith.constant 0 : i32
      %dma_wait3A_72 = tpu.memref_slice %arg2[%dma_wait3A_70, %dma_wait3A_71] : memref<200704x16xf32, #tpu.memory_space<hbm>> -> memref<200704x16xf32, #tpu.memory_space<hbm>>
      tpu.wait_indirect_dma semaphore(%arg11 : memref<!tpu.dma_semaphore, #tpu.memory_space<semaphore_mem>>) src(%dma_wait3A_72 : memref<200704x16xf32, #tpu.memory_space<hbm>>) dst(%dma_wait3A_66 : memref<512x16xf32, #tpu.memory_space<vmem>>)
      %dma_start3A_73 = arith.constant 0 : i32
      %dma_start3A_74 = arith.constant 0 : i32
      %dma_start3A_75 = arith.constant 0 : i32
      %dma_start3A_76 = arith.constant 0 : i32
      %dma_start3A_77 = arith.constant 0 : i32
      %dma_start3A_78 = tpu.memref_slice %arg9[%dma_start3A_73, %dma_start3A_76, %dma_start3A_77] : memref<2x512x16xf32, #tpu.memory_space<vmem>> -> memref<1x512x16xf32, #tpu.memory_space<vmem>>
      %dma_start3A_79 = tpu.memref_squeeze %dma_start3A_78 : memref<1x512x16xf32, #tpu.memory_space<vmem>> -> memref<512x16xf32, #tpu.memory_space<vmem>>
      %dma_start3A_80 = arith.constant 0 : i32
      %dma_start3A_81 = tpu.memref_slice %arg8[%dma_start3A_74, %dma_start3A_75, %dma_start3A_80] : memref<2x1x512xi32, #tpu.memory_space<vmem>> -> memref<1x1x512xi32, #tpu.memory_space<vmem>>
      %dma_start3A_82 = tpu.memref_squeeze %dma_start3A_81 : memref<1x1x512xi32, #tpu.memory_space<vmem>> -> memref<512xi32, #tpu.memory_space<vmem>>
      %dma_start3A_83 = arith.constant 0 : i32
      %dma_start3A_84 = arith.constant 0 : i32
      %dma_start3A_85 = tpu.memref_slice %arg10[%dma_start3A_83, %dma_start3A_84] : memref<100352x16xf32, #tpu.memory_space<vmem_shared>> -> memref<100352x16xf32, #tpu.memory_space<vmem_shared>>
      tpu.enqueue_indirect_dma source(%dma_start3A_79 : memref<512x16xf32, #tpu.memory_space<vmem>>) target(%dma_start3A_85 : memref<100352x16xf32, #tpu.memory_space<vmem_shared>>) offsets(%dma_start3A_82 : memref<512xi32, #tpu.memory_space<vmem>>) semaphore(%arg13 : memref<!tpu.dma_semaphore, #tpu.memory_space<semaphore_mem>>) {add = true}
      %mul3A_86 = arith.constant 2 : i32
      %mul3A_87 = arith.muli %mul3A_86, %scan3A_49 : i32
      %add3A_88 = arith.constant 1 : i32
      %add3A_89 = arith.addi %mul3A_87, %add3A_88 : i32
      %ge3A_90 = arith.constant 1 : i32
      %ge3A_91 = arith.cmpi sge, %add3A_89, %ge3A_90 : i32
      %convert_element_type3A_92 = arith.extui %ge3A_91 : i1 to i32
      %cond3A_93 = arith.constant 0 : i32
      %cond3A_94 = arith.cmpi ne, %convert_element_type3A_92, %cond3A_93 : i32
      scf.if %cond3A_94 {
        %dma_wait3A_128 = arith.constant 0 : i32
        %dma_wait3A_129 = arith.constant 0 : i32
        %dma_wait3A_130 = arith.constant 0 : i32
        %dma_wait3A_131 = arith.constant 0 : i32
        %dma_wait3A_132 = arith.constant 0 : i32
        %dma_wait3A_133 = tpu.memref_slice %arg9[%dma_wait3A_128, %dma_wait3A_131, %dma_wait3A_132] : memref<2x512x16xf32, #tpu.memory_space<vmem>> -> memref<1x512x16xf32, #tpu.memory_space<vmem>>
        %dma_wait3A_134 = tpu.memref_squeeze %dma_wait3A_133 : memref<1x512x16xf32, #tpu.memory_space<vmem>> -> memref<512x16xf32, #tpu.memory_space<vmem>>
        %dma_wait3A_135 = arith.constant 0 : i32
        %dma_wait3A_136 = tpu.memref_slice %arg8[%dma_wait3A_129, %dma_wait3A_130, %dma_wait3A_135] : memref<2x1x512xi32, #tpu.memory_space<vmem>> -> memref<1x1x512xi32, #tpu.memory_space<vmem>>
        %dma_wait3A_137 = tpu.memref_squeeze %dma_wait3A_136 : memref<1x1x512xi32, #tpu.memory_space<vmem>> -> memref<512xi32, #tpu.memory_space<vmem>>
        %dma_wait3A_138 = arith.constant 0 : i32
        %dma_wait3A_139 = arith.constant 0 : i32
        %dma_wait3A_140 = tpu.memref_slice %arg10[%dma_wait3A_138, %dma_wait3A_139] : memref<100352x16xf32, #tpu.memory_space<vmem_shared>> -> memref<100352x16xf32, #tpu.memory_space<vmem_shared>>
        tpu.wait_indirect_dma semaphore(%arg13 : memref<!tpu.dma_semaphore, #tpu.memory_space<semaphore_mem>>) src(%dma_wait3A_134 : memref<512x16xf32, #tpu.memory_space<vmem>>) dst(%dma_wait3A_140 : memref<100352x16xf32, #tpu.memory_space<vmem_shared>>)
      } else {
      }
      %add3A_95 = arith.constant 1 : i32
      %add3A_96 = arith.addi %add3A_89, %add3A_95 : i32
      %lt3A_97 = arith.constant 200 : i32
      %lt3A_98 = arith.cmpi slt, %add3A_96, %lt3A_97 : i32
      %convert_element_type3A_99 = arith.extui %lt3A_98 : i1 to i32
      %cond3A_100 = arith.constant 0 : i32
      %cond3A_101 = arith.cmpi ne, %convert_element_type3A_99, %cond3A_100 : i32
      scf.if %cond3A_101 {
        %add3A_128 = arith.constant 1 : i32
        %add3A_129 = arith.addi %add3A_89, %add3A_128 : i32
        %mul3A_130 = arith.constant 1 : i32
        %mul3A_131 = arith.muli %add3A_129, %mul3A_130 : i32
        %add3A_132 = arith.addi %add3A, %mul3A_131 : i32
        %run_scoped3A_133 = arith.constant 0 : i32
        "tpu.region"() ({
          %run_scoped3A_151 = tpu.sem_alloc : memref<!tpu.dma_semaphore, #tpu.memory_space<semaphore_mem>>
          %dma_start3A_152 = arith.constant 0 : i32
          %dma_start3A_153 = arith.constant 0 : i32
          %dma_start3A_154 = tpu.memref_slice %arg7[%run_scoped3A_133, %dma_start3A_152, %dma_start3A_153] : memref<2x1x512xi32, #tpu.memory_space<vmem>> -> memref<1x1x512xi32, #tpu.memory_space<vmem>>
          %dma_start3A_155 = tpu.memref_squeeze %dma_start3A_154 : memref<1x1x512xi32, #tpu.memory_space<vmem>> -> memref<1x512xi32, #tpu.memory_space<vmem>>
          %dma_start3A_156 = arith.constant 0 : i32
          %dma_start3A_157 = tpu.memref_slice %arg3[%add3A_132, %dma_start3A_156] : memref<6400x512xi32, #tpu.memory_space<hbm>> -> memref<1x512xi32, #tpu.memory_space<hbm>>
          %dma_start3A_158 = arith.constant 0 : i32
          %dma_start3A_159 = arith.constant 0 : i32
          %dma_start3A_160 = tpu.memref_slice %arg7[%run_scoped3A_133, %dma_start3A_158, %dma_start3A_159] : memref<2x1x512xi32, #tpu.memory_space<vmem>> -> memref<1x1x512xi32, #tpu.memory_space<vmem>>
          %dma_start3A_161 = tpu.memref_squeeze %dma_start3A_160 : memref<1x1x512xi32, #tpu.memory_space<vmem>> -> memref<1x512xi32, #tpu.memory_space<vmem>>
          %dma_start3A_162 = arith.constant 0 : i32
          %dma_start3A_163 = tpu.memref_slice %arg3[%add3A_132, %dma_start3A_162] : memref<6400x512xi32, #tpu.memory_space<hbm>> -> memref<1x512xi32, #tpu.memory_space<hbm>>
          tpu.enqueue_dma source(%dma_start3A_163 : memref<1x512xi32, #tpu.memory_space<hbm>>) target(%dma_start3A_161 : memref<1x512xi32, #tpu.memory_space<vmem>>) target_semaphore(%run_scoped3A_151 : memref<!tpu.dma_semaphore, #tpu.memory_space<semaphore_mem>>)
          %dma_wait3A_164 = arith.constant 0 : i32
          %dma_wait3A_165 = arith.constant 0 : i32
          %dma_wait3A_166 = tpu.memref_slice %arg7[%run_scoped3A_133, %dma_wait3A_164, %dma_wait3A_165] : memref<2x1x512xi32, #tpu.memory_space<vmem>> -> memref<1x1x512xi32, #tpu.memory_space<vmem>>
          %dma_wait3A_167 = tpu.memref_squeeze %dma_wait3A_166 : memref<1x1x512xi32, #tpu.memory_space<vmem>> -> memref<1x512xi32, #tpu.memory_space<vmem>>
          %dma_wait3A_168 = arith.constant 0 : i32
          %dma_wait3A_169 = tpu.memref_slice %arg3[%add3A_132, %dma_wait3A_168] : memref<6400x512xi32, #tpu.memory_space<hbm>> -> memref<1x512xi32, #tpu.memory_space<hbm>>
          %dma_wait3A_170 = arith.constant 0 : i32
          %dma_wait3A_171 = arith.constant 0 : i32
          %dma_wait3A_172 = tpu.memref_slice %arg7[%run_scoped3A_133, %dma_wait3A_170, %dma_wait3A_171] : memref<2x1x512xi32, #tpu.memory_space<vmem>> -> memref<1x1x512xi32, #tpu.memory_space<vmem>>
          %dma_wait3A_173 = tpu.memref_squeeze %dma_wait3A_172 : memref<1x1x512xi32, #tpu.memory_space<vmem>> -> memref<1x512xi32, #tpu.memory_space<vmem>>
          %dma_wait3A_174 = arith.constant 0 : i32
          %dma_wait3A_175 = tpu.memref_slice %arg3[%add3A_132, %dma_wait3A_174] : memref<6400x512xi32, #tpu.memory_space<hbm>> -> memref<1x512xi32, #tpu.memory_space<hbm>>
          tpu.wait_dma2 semaphore(%run_scoped3A_151 : memref<!tpu.dma_semaphore, #tpu.memory_space<semaphore_mem>>) src(%dma_wait3A_175 : memref<1x512xi32, #tpu.memory_space<hbm>>) dst(%dma_wait3A_173 : memref<1x512xi32, #tpu.memory_space<vmem>>)
          tpu.yield
        }) : () -> ()
        %mul3A_134 = arith.constant 1 : i32
        %mul3A_135 = arith.muli %add3A_129, %mul3A_134 : i32
        %add3A_136 = arith.addi %mul3A_4, %mul3A_135 : i32
        %run_scoped3A_137 = arith.constant 0 : i32
        "tpu.region"() ({
          %run_scoped3A_151 = tpu.sem_alloc : memref<!tpu.dma_semaphore, #tpu.memory_space<semaphore_mem>>
          %dma_start3A_152 = arith.constant 0 : i32
          %dma_start3A_153 = arith.constant 0 : i32
          %dma_start3A_154 = tpu.memref_slice %arg8[%run_scoped3A_137, %dma_start3A_152, %dma_start3A_153] : memref<2x1x512xi32, #tpu.memory_space<vmem>> -> memref<1x1x512xi32, #tpu.memory_space<vmem>>
          %dma_start3A_155 = tpu.memref_squeeze %dma_start3A_154 : memref<1x1x512xi32, #tpu.memory_space<vmem>> -> memref<1x512xi32, #tpu.memory_space<vmem>>
          %dma_start3A_156 = arith.constant 0 : i32
          %dma_start3A_157 = tpu.memref_slice %arg4[%add3A_136, %dma_start3A_156] : memref<3200x512xi32, #tpu.memory_space<hbm>> -> memref<1x512xi32, #tpu.memory_space<hbm>>
          %dma_start3A_158 = arith.constant 0 : i32
          %dma_start3A_159 = arith.constant 0 : i32
          %dma_start3A_160 = tpu.memref_slice %arg8[%run_scoped3A_137, %dma_start3A_158, %dma_start3A_159] : memref<2x1x512xi32, #tpu.memory_space<vmem>> -> memref<1x1x512xi32, #tpu.memory_space<vmem>>
          %dma_start3A_161 = tpu.memref_squeeze %dma_start3A_160 : memref<1x1x512xi32, #tpu.memory_space<vmem>> -> memref<1x512xi32, #tpu.memory_space<vmem>>
          %dma_start3A_162 = arith.constant 0 : i32
          %dma_start3A_163 = tpu.memref_slice %arg4[%add3A_136, %dma_start3A_162] : memref<3200x512xi32, #tpu.memory_space<hbm>> -> memref<1x512xi32, #tpu.memory_space<hbm>>
          tpu.enqueue_dma source(%dma_start3A_163 : memref<1x512xi32, #tpu.memory_space<hbm>>) target(%dma_start3A_161 : memref<1x512xi32, #tpu.memory_space<vmem>>) target_semaphore(%run_scoped3A_151 : memref<!tpu.dma_semaphore, #tpu.memory_space<semaphore_mem>>)
          %dma_wait3A_164 = arith.constant 0 : i32
          %dma_wait3A_165 = arith.constant 0 : i32
          %dma_wait3A_166 = tpu.memref_slice %arg8[%run_scoped3A_137, %dma_wait3A_164, %dma_wait3A_165] : memref<2x1x512xi32, #tpu.memory_space<vmem>> -> memref<1x1x512xi32, #tpu.memory_space<vmem>>
          %dma_wait3A_167 = tpu.memref_squeeze %dma_wait3A_166 : memref<1x1x512xi32, #tpu.memory_space<vmem>> -> memref<1x512xi32, #tpu.memory_space<vmem>>
          %dma_wait3A_168 = arith.constant 0 : i32
          %dma_wait3A_169 = tpu.memref_slice %arg4[%add3A_136, %dma_wait3A_168] : memref<3200x512xi32, #tpu.memory_space<hbm>> -> memref<1x512xi32, #tpu.memory_space<hbm>>
          %dma_wait3A_170 = arith.constant 0 : i32
          %dma_wait3A_171 = arith.constant 0 : i32
          %dma_wait3A_172 = tpu.memref_slice %arg8[%run_scoped3A_137, %dma_wait3A_170, %dma_wait3A_171] : memref<2x1x512xi32, #tpu.memory_space<vmem>> -> memref<1x1x512xi32, #tpu.memory_space<vmem>>
          %dma_wait3A_173 = tpu.memref_squeeze %dma_wait3A_172 : memref<1x1x512xi32, #tpu.memory_space<vmem>> -> memref<1x512xi32, #tpu.memory_space<vmem>>
          %dma_wait3A_174 = arith.constant 0 : i32
          %dma_wait3A_175 = tpu.memref_slice %arg4[%add3A_136, %dma_wait3A_174] : memref<3200x512xi32, #tpu.memory_space<hbm>> -> memref<1x512xi32, #tpu.memory_space<hbm>>
          tpu.wait_dma2 semaphore(%run_scoped3A_151 : memref<!tpu.dma_semaphore, #tpu.memory_space<semaphore_mem>>) src(%dma_wait3A_175 : memref<1x512xi32, #tpu.memory_space<hbm>>) dst(%dma_wait3A_173 : memref<1x512xi32, #tpu.memory_space<vmem>>)
          tpu.yield
        }) : () -> ()
        %dma_start3A_138 = arith.constant 0 : i32
        %dma_start3A_139 = arith.constant 0 : i32
        %dma_start3A_140 = arith.constant 0 : i32
        %dma_start3A_141 = arith.constant 0 : i32
        %dma_start3A_142 = arith.constant 0 : i32
        %dma_start3A_143 = tpu.memref_slice %arg9[%dma_start3A_140, %dma_start3A_141, %dma_start3A_142] : memref<2x512x16xf32, #tpu.memory_space<vmem>> -> memref<1x512x16xf32, #tpu.memory_space<vmem>>
        %dma_start3A_144 = tpu.memref_squeeze %dma_start3A_143 : memref<1x512x16xf32, #tpu.memory_space<vmem>> -> memref<512x16xf32, #tpu.memory_space<vmem>>
        %dma_start3A_145 = arith.constant 0 : i32
        %dma_start3A_146 = tpu.memref_slice %arg7[%dma_start3A_138, %dma_start3A_139, %dma_start3A_145] : memref<2x1x512xi32, #tpu.memory_space<vmem>> -> memref<1x1x512xi32, #tpu.memory_space<vmem>>
        %dma_start3A_147 = tpu.memref_squeeze %dma_start3A_146 : memref<1x1x512xi32, #tpu.memory_space<vmem>> -> memref<512xi32, #tpu.memory_space<vmem>>
        %dma_start3A_148 = arith.constant 0 : i32
        %dma_start3A_149 = arith.constant 0 : i32
        %dma_start3A_150 = tpu.memref_slice %arg2[%dma_start3A_148, %dma_start3A_149] : memref<200704x16xf32, #tpu.memory_space<hbm>> -> memref<200704x16xf32, #tpu.memory_space<hbm>>
        tpu.enqueue_indirect_dma source(%dma_start3A_150 : memref<200704x16xf32, #tpu.memory_space<hbm>>) target(%dma_start3A_144 : memref<512x16xf32, #tpu.memory_space<vmem>>) offsets(%dma_start3A_147 : memref<512xi32, #tpu.memory_space<vmem>>) semaphore(%arg11 : memref<!tpu.dma_semaphore, #tpu.memory_space<semaphore_mem>>)
      } else {
      }
      %dma_wait3A_102 = arith.constant 1 : i32
      %dma_wait3A_103 = arith.constant 0 : i32
      %dma_wait3A_104 = arith.constant 1 : i32
      %dma_wait3A_105 = arith.constant 0 : i32
      %dma_wait3A_106 = arith.constant 0 : i32
      %dma_wait3A_107 = tpu.memref_slice %arg9[%dma_wait3A_104, %dma_wait3A_105, %dma_wait3A_106] : memref<2x512x16xf32, #tpu.memory_space<vmem>> -> memref<1x512x16xf32, #tpu.memory_space<vmem>>
      %dma_wait3A_108 = tpu.memref_squeeze %dma_wait3A_107 : memref<1x512x16xf32, #tpu.memory_space<vmem>> -> memref<512x16xf32, #tpu.memory_space<vmem>>
      %dma_wait3A_109 = arith.constant 0 : i32
      %dma_wait3A_110 = tpu.memref_slice %arg7[%dma_wait3A_102, %dma_wait3A_103, %dma_wait3A_109] : memref<2x1x512xi32, #tpu.memory_space<vmem>> -> memref<1x1x512xi32, #tpu.memory_space<vmem>>
      %dma_wait3A_111 = tpu.memref_squeeze %dma_wait3A_110 : memref<1x1x512xi32, #tpu.memory_space<vmem>> -> memref<512xi32, #tpu.memory_space<vmem>>
      %dma_wait3A_112 = arith.constant 0 : i32
      %dma_wait3A_113 = arith.constant 0 : i32
      %dma_wait3A_114 = tpu.memref_slice %arg2[%dma_wait3A_112, %dma_wait3A_113] : memref<200704x16xf32, #tpu.memory_space<hbm>> -> memref<200704x16xf32, #tpu.memory_space<hbm>>
      tpu.wait_indirect_dma semaphore(%arg12 : memref<!tpu.dma_semaphore, #tpu.memory_space<semaphore_mem>>) src(%dma_wait3A_114 : memref<200704x16xf32, #tpu.memory_space<hbm>>) dst(%dma_wait3A_108 : memref<512x16xf32, #tpu.memory_space<vmem>>)
      %dma_start3A_115 = arith.constant 1 : i32
      %dma_start3A_116 = arith.constant 1 : i32
      %dma_start3A_117 = arith.constant 0 : i32
      %dma_start3A_118 = arith.constant 0 : i32
      %dma_start3A_119 = arith.constant 0 : i32
      %dma_start3A_120 = tpu.memref_slice %arg9[%dma_start3A_115, %dma_start3A_118, %dma_start3A_119] : memref<2x512x16xf32, #tpu.memory_space<vmem>> -> memref<1x512x16xf32, #tpu.memory_space<vmem>>
      %dma_start3A_121 = tpu.memref_squeeze %dma_start3A_120 : memref<1x512x16xf32, #tpu.memory_space<vmem>> -> memref<512x16xf32, #tpu.memory_space<vmem>>
      %dma_start3A_122 = arith.constant 0 : i32
      %dma_start3A_123 = tpu.memref_slice %arg8[%dma_start3A_116, %dma_start3A_117, %dma_start3A_122] : memref<2x1x512xi32, #tpu.memory_space<vmem>> -> memref<1x1x512xi32, #tpu.memory_space<vmem>>
      %dma_start3A_124 = tpu.memref_squeeze %dma_start3A_123 : memref<1x1x512xi32, #tpu.memory_space<vmem>> -> memref<512xi32, #tpu.memory_space<vmem>>
      %dma_start3A_125 = arith.constant 0 : i32
      %dma_start3A_126 = arith.constant 0 : i32
      %dma_start3A_127 = tpu.memref_slice %arg10[%dma_start3A_125, %dma_start3A_126] : memref<100352x16xf32, #tpu.memory_space<vmem_shared>> -> memref<100352x16xf32, #tpu.memory_space<vmem_shared>>
      tpu.enqueue_indirect_dma source(%dma_start3A_121 : memref<512x16xf32, #tpu.memory_space<vmem>>) target(%dma_start3A_127 : memref<100352x16xf32, #tpu.memory_space<vmem_shared>>) offsets(%dma_start3A_124 : memref<512xi32, #tpu.memory_space<vmem>>) semaphore(%arg14 : memref<!tpu.dma_semaphore, #tpu.memory_space<semaphore_mem>>) {add = true}
    }
    %scan3A_28 = arith.constant 100 : i32
    %dma_wait3A = arith.constant 1 : i32
    %dma_wait3A_29 = arith.constant 1 : i32
    %dma_wait3A_30 = arith.constant 0 : i32
    %dma_wait3A_31 = arith.constant 0 : i32
    %dma_wait3A_32 = arith.constant 0 : i32
    %dma_wait3A_33 = tpu.memref_slice %arg9[%dma_wait3A, %dma_wait3A_31, %dma_wait3A_32] : memref<2x512x16xf32, #tpu.memory_space<vmem>> -> memref<1x512x16xf32, #tpu.memory_space<vmem>>
    %dma_wait3A_34 = tpu.memref_squeeze %dma_wait3A_33 : memref<1x512x16xf32, #tpu.memory_space<vmem>> -> memref<512x16xf32, #tpu.memory_space<vmem>>
    %dma_wait3A_35 = arith.constant 0 : i32
    %dma_wait3A_36 = tpu.memref_slice %arg8[%dma_wait3A_29, %dma_wait3A_30, %dma_wait3A_35] : memref<2x1x512xi32, #tpu.memory_space<vmem>> -> memref<1x1x512xi32, #tpu.memory_space<vmem>>
    %dma_wait3A_37 = tpu.memref_squeeze %dma_wait3A_36 : memref<1x1x512xi32, #tpu.memory_space<vmem>> -> memref<512xi32, #tpu.memory_space<vmem>>
    %dma_wait3A_38 = arith.constant 0 : i32
    %dma_wait3A_39 = arith.constant 0 : i32
    %dma_wait3A_40 = tpu.memref_slice %arg10[%dma_wait3A_38, %dma_wait3A_39] : memref<100352x16xf32, #tpu.memory_space<vmem_shared>> -> memref<100352x16xf32, #tpu.memory_space<vmem_shared>>
    tpu.wait_indirect_dma semaphore(%arg14 : memref<!tpu.dma_semaphore, #tpu.memory_space<semaphore_mem>>) src(%dma_wait3A_34 : memref<512x16xf32, #tpu.memory_space<vmem>>) dst(%dma_wait3A_40 : memref<100352x16xf32, #tpu.memory_space<vmem_shared>>)
    %barrier3A_41 = arith.constant 0 : index
    tpu.barrier barrier_id(%barrier3A_41)
    %mul3A_42 = arith.constant 6272 : i32
    %mul3A_43 = arith.muli %arg1, %mul3A_42 : i32
    %mul3A_44 = arith.constant 100352 : i32
    %mul3A_45 = arith.muli %arg0, %mul3A_44 : i32
    %mul3A_46 = arith.constant 6272 : i32
    %mul3A_47 = arith.muli %arg1, %mul3A_46 : i32
    %add3A_48 = arith.addi %mul3A_45, %mul3A_47 : i32
    "tpu.region"() ({
      %run_scoped3A_49 = tpu.sem_alloc : memref<!tpu.dma_semaphore, #tpu.memory_space<semaphore_mem>>
      %dma_start3A_50 = arith.constant 0 : i32
      %dma_start3A_51 = tpu.memref_slice %arg6[%add3A_48, %dma_start3A_50] : memref<200704x16xf32, #tpu.memory_space<hbm>> -> memref<6272x16xf32, #tpu.memory_space<hbm>>
      %dma_start3A_52 = arith.constant 0 : i32
      %dma_start3A_53 = tpu.memref_slice %arg10[%mul3A_43, %dma_start3A_52] : memref<100352x16xf32, #tpu.memory_space<vmem_shared>> -> memref<6272x16xf32, #tpu.memory_space<vmem_shared>>
      tpu.enqueue_dma source(%dma_start3A_53 : memref<6272x16xf32, #tpu.memory_space<vmem_shared>>) target(%dma_start3A_51 : memref<6272x16xf32, #tpu.memory_space<hbm>>) target_semaphore(%run_scoped3A_49 : memref<!tpu.dma_semaphore, #tpu.memory_space<semaphore_mem>>)
      %dma_wait3A_54 = arith.constant 0 : i32
      %dma_wait3A_55 = tpu.memref_slice %arg6[%add3A_48, %dma_wait3A_54] : memref<200704x16xf32, #tpu.memory_space<hbm>> -> memref<6272x16xf32, #tpu.memory_space<hbm>>
      %dma_wait3A_56 = arith.constant 0 : i32
      %dma_wait3A_57 = tpu.memref_slice %arg10[%mul3A_43, %dma_wait3A_56] : memref<100352x16xf32, #tpu.memory_space<vmem_shared>> -> memref<6272x16xf32, #tpu.memory_space<vmem_shared>>
      tpu.wait_dma2 semaphore(%run_scoped3A_49 : memref<!tpu.dma_semaphore, #tpu.memory_space<semaphore_mem>>) src(%dma_wait3A_57 : memref<6272x16xf32, #tpu.memory_space<vmem_shared>>) dst(%dma_wait3A_55 : memref<6272x16xf32, #tpu.memory_space<hbm>>)
      tpu.yield
    }) : () -> ()
    return
  }
}

#map = affine_map<(d0, d1) -> (0, 0)>
module attributes {stable_mosaic.version = 14 : i64} {
  func.func @kern(%arg0: i32, %arg1: i32, %arg2: memref<100352x8xf32, #tpu.memory_space<hbm>>, %arg3: memref<3200x512xi32, #tpu.memory_space<hbm>>, %arg4: memref<3200x512xi32, #tpu.memory_space<hbm>>, %arg5: memref<100352x8xf32, #tpu.memory_space<hbm>>, %arg6: memref<200704x8xf32, #tpu.memory_space<hbm>>, %arg7: memref<2x2x512xi32, #tpu.memory_space<vmem>>, %arg8: memref<2x2x512xi32, #tpu.memory_space<vmem>>, %arg9: memref<2x1024x8xf32, #tpu.memory_space<vmem>>, %arg10: memref<100352x8xf32, #tpu.memory_space<vmem_shared>>, %arg11: memref<!tpu.dma_semaphore, #tpu.memory_space<semaphore_mem>>, %arg12: memref<!tpu.dma_semaphore, #tpu.memory_space<semaphore_mem>>, %arg13: memref<!tpu.dma_semaphore, #tpu.memory_space<semaphore_mem>>, %arg14: memref<!tpu.dma_semaphore, #tpu.memory_space<semaphore_mem>>) attributes {dimension_semantics = [#tpu.dimension_semantics<core_parallel>, #tpu.dimension_semantics<subcore_parallel>], iteration_bounds = array<i64: 2, 16>, scalar_prefetch = 0 : i64, scratch_operands = 8 : i64, tpu.core_type = #tpu.core_type<sc_vector_subcore>, window_params = [{transform_indices = #map}, {transform_indices = #map}, {transform_indices = #map}, {transform_indices = #map}, {transform_indices = #map}]} {
    %mul3A = arith.constant 6272 : i32
    %mul3A_0 = arith.muli %arg1, %mul3A : i32
    %mul3A_1 = arith.constant 6272 : i32
    %mul3A_2 = arith.muli %arg1, %mul3A_1 : i32
    "tpu.region"() ({
      %run_scoped3A_75 = tpu.sem_alloc : memref<!tpu.dma_semaphore, #tpu.memory_space<semaphore_mem>>
      %dma_start3A_76 = arith.constant 0 : i32
      %dma_start3A_77 = tpu.memref_slice %arg10[%mul3A_2, %dma_start3A_76] : memref<100352x8xf32, #tpu.memory_space<vmem_shared>> -> memref<6272x8xf32, #tpu.memory_space<vmem_shared>>
      %dma_start3A_78 = arith.constant 0 : i32
      %dma_start3A_79 = tpu.memref_slice %arg5[%mul3A_0, %dma_start3A_78] : memref<100352x8xf32, #tpu.memory_space<hbm>> -> memref<6272x8xf32, #tpu.memory_space<hbm>>
      tpu.enqueue_dma source(%dma_start3A_79 : memref<6272x8xf32, #tpu.memory_space<hbm>>) target(%dma_start3A_77 : memref<6272x8xf32, #tpu.memory_space<vmem_shared>>) target_semaphore(%run_scoped3A_75 : memref<!tpu.dma_semaphore, #tpu.memory_space<semaphore_mem>>)
      %dma_wait3A_80 = arith.constant 0 : i32
      %dma_wait3A_81 = tpu.memref_slice %arg10[%mul3A_2, %dma_wait3A_80] : memref<100352x8xf32, #tpu.memory_space<vmem_shared>> -> memref<6272x8xf32, #tpu.memory_space<vmem_shared>>
      %dma_wait3A_82 = arith.constant 0 : i32
      %dma_wait3A_83 = tpu.memref_slice %arg5[%mul3A_0, %dma_wait3A_82] : memref<100352x8xf32, #tpu.memory_space<hbm>> -> memref<6272x8xf32, #tpu.memory_space<hbm>>
      tpu.wait_dma2 semaphore(%run_scoped3A_75 : memref<!tpu.dma_semaphore, #tpu.memory_space<semaphore_mem>>) src(%dma_wait3A_83 : memref<6272x8xf32, #tpu.memory_space<hbm>>) dst(%dma_wait3A_81 : memref<6272x8xf32, #tpu.memory_space<vmem_shared>>)
      tpu.yield
    }) : () -> ()
    %barrier3A = arith.constant 0 : index
    tpu.barrier barrier_id(%barrier3A)
    %mul3A_3 = arith.constant 2 : i32
    %mul3A_4 = arith.muli %arg1, %mul3A_3 : i32
    %add3A = arith.addi %mul3A_4, %arg0 : i32
    %mul3A_5 = arith.constant 100 : i32
    %mul3A_6 = arith.muli %add3A, %mul3A_5 : i32
    %add3A_7 = arith.constant 0 : i32
    %add3A_8 = arith.addi %mul3A_6, %add3A_7 : i32
    %run_scoped3A = arith.constant 0 : i32
    "tpu.region"() ({
      %run_scoped3A_75 = tpu.sem_alloc : memref<!tpu.dma_semaphore, #tpu.memory_space<semaphore_mem>>
      %dma_start3A_76 = arith.constant 0 : i32
      %dma_start3A_77 = arith.constant 0 : i32
      %dma_start3A_78 = tpu.memref_slice %arg7[%run_scoped3A, %dma_start3A_76, %dma_start3A_77] : memref<2x2x512xi32, #tpu.memory_space<vmem>> -> memref<1x2x512xi32, #tpu.memory_space<vmem>>
      %dma_start3A_79 = tpu.memref_squeeze %dma_start3A_78 : memref<1x2x512xi32, #tpu.memory_space<vmem>> -> memref<2x512xi32, #tpu.memory_space<vmem>>
      %dma_start3A_80 = arith.constant 0 : i32
      %dma_start3A_81 = tpu.memref_slice %arg3[%add3A_8, %dma_start3A_80] : memref<3200x512xi32, #tpu.memory_space<hbm>> -> memref<2x512xi32, #tpu.memory_space<hbm>>
      %dma_start3A_82 = arith.constant 0 : i32
      %dma_start3A_83 = arith.constant 0 : i32
      %dma_start3A_84 = tpu.memref_slice %arg7[%run_scoped3A, %dma_start3A_82, %dma_start3A_83] : memref<2x2x512xi32, #tpu.memory_space<vmem>> -> memref<1x2x512xi32, #tpu.memory_space<vmem>>
      %dma_start3A_85 = tpu.memref_squeeze %dma_start3A_84 : memref<1x2x512xi32, #tpu.memory_space<vmem>> -> memref<2x512xi32, #tpu.memory_space<vmem>>
      %dma_start3A_86 = arith.constant 0 : i32
      %dma_start3A_87 = tpu.memref_slice %arg3[%add3A_8, %dma_start3A_86] : memref<3200x512xi32, #tpu.memory_space<hbm>> -> memref<2x512xi32, #tpu.memory_space<hbm>>
      tpu.enqueue_dma source(%dma_start3A_87 : memref<2x512xi32, #tpu.memory_space<hbm>>) target(%dma_start3A_85 : memref<2x512xi32, #tpu.memory_space<vmem>>) target_semaphore(%run_scoped3A_75 : memref<!tpu.dma_semaphore, #tpu.memory_space<semaphore_mem>>)
      %dma_wait3A_88 = arith.constant 0 : i32
      %dma_wait3A_89 = arith.constant 0 : i32
      %dma_wait3A_90 = tpu.memref_slice %arg7[%run_scoped3A, %dma_wait3A_88, %dma_wait3A_89] : memref<2x2x512xi32, #tpu.memory_space<vmem>> -> memref<1x2x512xi32, #tpu.memory_space<vmem>>
      %dma_wait3A_91 = tpu.memref_squeeze %dma_wait3A_90 : memref<1x2x512xi32, #tpu.memory_space<vmem>> -> memref<2x512xi32, #tpu.memory_space<vmem>>
      %dma_wait3A_92 = arith.constant 0 : i32
      %dma_wait3A_93 = tpu.memref_slice %arg3[%add3A_8, %dma_wait3A_92] : memref<3200x512xi32, #tpu.memory_space<hbm>> -> memref<2x512xi32, #tpu.memory_space<hbm>>
      %dma_wait3A_94 = arith.constant 0 : i32
      %dma_wait3A_95 = arith.constant 0 : i32
      %dma_wait3A_96 = tpu.memref_slice %arg7[%run_scoped3A, %dma_wait3A_94, %dma_wait3A_95] : memref<2x2x512xi32, #tpu.memory_space<vmem>> -> memref<1x2x512xi32, #tpu.memory_space<vmem>>
      %dma_wait3A_97 = tpu.memref_squeeze %dma_wait3A_96 : memref<1x2x512xi32, #tpu.memory_space<vmem>> -> memref<2x512xi32, #tpu.memory_space<vmem>>
      %dma_wait3A_98 = arith.constant 0 : i32
      %dma_wait3A_99 = tpu.memref_slice %arg3[%add3A_8, %dma_wait3A_98] : memref<3200x512xi32, #tpu.memory_space<hbm>> -> memref<2x512xi32, #tpu.memory_space<hbm>>
      tpu.wait_dma2 semaphore(%run_scoped3A_75 : memref<!tpu.dma_semaphore, #tpu.memory_space<semaphore_mem>>) src(%dma_wait3A_99 : memref<2x512xi32, #tpu.memory_space<hbm>>) dst(%dma_wait3A_97 : memref<2x512xi32, #tpu.memory_space<vmem>>)
      tpu.yield
    }) : () -> ()
    %add3A_9 = arith.constant 0 : i32
    %add3A_10 = arith.addi %mul3A_6, %add3A_9 : i32
    %run_scoped3A_11 = arith.constant 0 : i32
    "tpu.region"() ({
      %run_scoped3A_75 = tpu.sem_alloc : memref<!tpu.dma_semaphore, #tpu.memory_space<semaphore_mem>>
      %dma_start3A_76 = arith.constant 0 : i32
      %dma_start3A_77 = arith.constant 0 : i32
      %dma_start3A_78 = tpu.memref_slice %arg8[%run_scoped3A_11, %dma_start3A_76, %dma_start3A_77] : memref<2x2x512xi32, #tpu.memory_space<vmem>> -> memref<1x2x512xi32, #tpu.memory_space<vmem>>
      %dma_start3A_79 = tpu.memref_squeeze %dma_start3A_78 : memref<1x2x512xi32, #tpu.memory_space<vmem>> -> memref<2x512xi32, #tpu.memory_space<vmem>>
      %dma_start3A_80 = arith.constant 0 : i32
      %dma_start3A_81 = tpu.memref_slice %arg4[%add3A_10, %dma_start3A_80] : memref<3200x512xi32, #tpu.memory_space<hbm>> -> memref<2x512xi32, #tpu.memory_space<hbm>>
      %dma_start3A_82 = arith.constant 0 : i32
      %dma_start3A_83 = arith.constant 0 : i32
      %dma_start3A_84 = tpu.memref_slice %arg8[%run_scoped3A_11, %dma_start3A_82, %dma_start3A_83] : memref<2x2x512xi32, #tpu.memory_space<vmem>> -> memref<1x2x512xi32, #tpu.memory_space<vmem>>
      %dma_start3A_85 = tpu.memref_squeeze %dma_start3A_84 : memref<1x2x512xi32, #tpu.memory_space<vmem>> -> memref<2x512xi32, #tpu.memory_space<vmem>>
      %dma_start3A_86 = arith.constant 0 : i32
      %dma_start3A_87 = tpu.memref_slice %arg4[%add3A_10, %dma_start3A_86] : memref<3200x512xi32, #tpu.memory_space<hbm>> -> memref<2x512xi32, #tpu.memory_space<hbm>>
      tpu.enqueue_dma source(%dma_start3A_87 : memref<2x512xi32, #tpu.memory_space<hbm>>) target(%dma_start3A_85 : memref<2x512xi32, #tpu.memory_space<vmem>>) target_semaphore(%run_scoped3A_75 : memref<!tpu.dma_semaphore, #tpu.memory_space<semaphore_mem>>)
      %dma_wait3A_88 = arith.constant 0 : i32
      %dma_wait3A_89 = arith.constant 0 : i32
      %dma_wait3A_90 = tpu.memref_slice %arg8[%run_scoped3A_11, %dma_wait3A_88, %dma_wait3A_89] : memref<2x2x512xi32, #tpu.memory_space<vmem>> -> memref<1x2x512xi32, #tpu.memory_space<vmem>>
      %dma_wait3A_91 = tpu.memref_squeeze %dma_wait3A_90 : memref<1x2x512xi32, #tpu.memory_space<vmem>> -> memref<2x512xi32, #tpu.memory_space<vmem>>
      %dma_wait3A_92 = arith.constant 0 : i32
      %dma_wait3A_93 = tpu.memref_slice %arg4[%add3A_10, %dma_wait3A_92] : memref<3200x512xi32, #tpu.memory_space<hbm>> -> memref<2x512xi32, #tpu.memory_space<hbm>>
      %dma_wait3A_94 = arith.constant 0 : i32
      %dma_wait3A_95 = arith.constant 0 : i32
      %dma_wait3A_96 = tpu.memref_slice %arg8[%run_scoped3A_11, %dma_wait3A_94, %dma_wait3A_95] : memref<2x2x512xi32, #tpu.memory_space<vmem>> -> memref<1x2x512xi32, #tpu.memory_space<vmem>>
      %dma_wait3A_97 = tpu.memref_squeeze %dma_wait3A_96 : memref<1x2x512xi32, #tpu.memory_space<vmem>> -> memref<2x512xi32, #tpu.memory_space<vmem>>
      %dma_wait3A_98 = arith.constant 0 : i32
      %dma_wait3A_99 = tpu.memref_slice %arg4[%add3A_10, %dma_wait3A_98] : memref<3200x512xi32, #tpu.memory_space<hbm>> -> memref<2x512xi32, #tpu.memory_space<hbm>>
      tpu.wait_dma2 semaphore(%run_scoped3A_75 : memref<!tpu.dma_semaphore, #tpu.memory_space<semaphore_mem>>) src(%dma_wait3A_99 : memref<2x512xi32, #tpu.memory_space<hbm>>) dst(%dma_wait3A_97 : memref<2x512xi32, #tpu.memory_space<vmem>>)
      tpu.yield
    }) : () -> ()
    %dma_start3A = arith.constant 0 : i32
    %dma_start3A_12 = arith.constant 0 : i32
    %dma_start3A_13 = arith.constant 0 : i32
    %dma_start3A_14 = arith.constant 0 : i32
    %dma_start3A_15 = arith.constant 0 : i32
    %dma_start3A_16 = tpu.memref_slice %arg9[%dma_start3A_13, %dma_start3A_14, %dma_start3A_15] : memref<2x1024x8xf32, #tpu.memory_space<vmem>> -> memref<1x512x8xf32, #tpu.memory_space<vmem>>
    %dma_start3A_17 = tpu.memref_squeeze %dma_start3A_16 : memref<1x512x8xf32, #tpu.memory_space<vmem>> -> memref<512x8xf32, #tpu.memory_space<vmem>>
    %dma_start3A_18 = arith.constant 0 : i32
    %dma_start3A_19 = tpu.memref_slice %arg7[%dma_start3A, %dma_start3A_12, %dma_start3A_18] : memref<2x2x512xi32, #tpu.memory_space<vmem>> -> memref<1x1x512xi32, #tpu.memory_space<vmem>>
    %dma_start3A_20 = tpu.memref_squeeze %dma_start3A_19 : memref<1x1x512xi32, #tpu.memory_space<vmem>> -> memref<512xi32, #tpu.memory_space<vmem>>
    %dma_start3A_21 = arith.constant 0 : i32
    %dma_start3A_22 = arith.constant 0 : i32
    %dma_start3A_23 = tpu.memref_slice %arg2[%dma_start3A_21, %dma_start3A_22] : memref<100352x8xf32, #tpu.memory_space<hbm>> -> memref<100352x8xf32, #tpu.memory_space<hbm>>
    tpu.enqueue_indirect_dma source(%dma_start3A_23 : memref<100352x8xf32, #tpu.memory_space<hbm>>) target(%dma_start3A_17 : memref<512x8xf32, #tpu.memory_space<vmem>>) offsets(%dma_start3A_20 : memref<512xi32, #tpu.memory_space<vmem>>) semaphore(%arg11 : memref<!tpu.dma_semaphore, #tpu.memory_space<semaphore_mem>>)
    %dma_start3A_24 = arith.constant 0 : i32
    %dma_start3A_25 = arith.constant 1 : i32
    %dma_start3A_26 = arith.constant 0 : i32
    %dma_start3A_27 = arith.constant 512 : i32
    %dma_start3A_28 = arith.constant 0 : i32
    %dma_start3A_29 = tpu.memref_slice %arg9[%dma_start3A_26, %dma_start3A_27, %dma_start3A_28] : memref<2x1024x8xf32, #tpu.memory_space<vmem>> -> memref<1x512x8xf32, #tpu.memory_space<vmem>>
    %dma_start3A_30 = tpu.memref_squeeze %dma_start3A_29 : memref<1x512x8xf32, #tpu.memory_space<vmem>> -> memref<512x8xf32, #tpu.memory_space<vmem>>
    %dma_start3A_31 = arith.constant 0 : i32
    %dma_start3A_32 = tpu.memref_slice %arg7[%dma_start3A_24, %dma_start3A_25, %dma_start3A_31] : memref<2x2x512xi32, #tpu.memory_space<vmem>> -> memref<1x1x512xi32, #tpu.memory_space<vmem>>
    %dma_start3A_33 = tpu.memref_squeeze %dma_start3A_32 : memref<1x1x512xi32, #tpu.memory_space<vmem>> -> memref<512xi32, #tpu.memory_space<vmem>>
    %dma_start3A_34 = arith.constant 0 : i32
    %dma_start3A_35 = arith.constant 0 : i32
    %dma_start3A_36 = tpu.memref_slice %arg2[%dma_start3A_34, %dma_start3A_35] : memref<100352x8xf32, #tpu.memory_space<hbm>> -> memref<100352x8xf32, #tpu.memory_space<hbm>>
    tpu.enqueue_indirect_dma source(%dma_start3A_36 : memref<100352x8xf32, #tpu.memory_space<hbm>>) target(%dma_start3A_30 : memref<512x8xf32, #tpu.memory_space<vmem>>) offsets(%dma_start3A_33 : memref<512xi32, #tpu.memory_space<vmem>>) semaphore(%arg11 : memref<!tpu.dma_semaphore, #tpu.memory_space<semaphore_mem>>)
    %scan3A = arith.constant 0 : i32
    %scan3A_37 = arith.constant 0 : i32
    %scan3A_38 = arith.constant 25 : i32
    %scan3A_39 = arith.addi %scan3A_37, %scan3A_38 : i32
    %scan3A_40 = arith.constant 1 : i32
    scf.for %scan3A_75 = %scan3A_37 to %scan3A_39 step %scan3A_40  : i32 {
      %mul3A_76 = arith.constant 2 : i32
      %mul3A_77 = arith.muli %mul3A_76, %scan3A_75 : i32
      %ge3A = arith.constant 1 : i32
      %ge3A_78 = arith.cmpi sge, %mul3A_77, %ge3A : i32
      %convert_element_type3A = arith.extui %ge3A_78 : i1 to i32
      %cond3A = arith.constant 0 : i32
      %cond3A_79 = arith.cmpi ne, %convert_element_type3A, %cond3A : i32
      scf.if %cond3A_79 {
        %dma_wait3A_206 = arith.constant 1 : i32
        %dma_wait3A_207 = arith.constant 1 : i32
        %dma_wait3A_208 = arith.constant 0 : i32
        %dma_wait3A_209 = arith.constant 0 : i32
        %dma_wait3A_210 = arith.constant 0 : i32
        %dma_wait3A_211 = tpu.memref_slice %arg9[%dma_wait3A_206, %dma_wait3A_209, %dma_wait3A_210] : memref<2x1024x8xf32, #tpu.memory_space<vmem>> -> memref<1x512x8xf32, #tpu.memory_space<vmem>>
        %dma_wait3A_212 = tpu.memref_squeeze %dma_wait3A_211 : memref<1x512x8xf32, #tpu.memory_space<vmem>> -> memref<512x8xf32, #tpu.memory_space<vmem>>
        %dma_wait3A_213 = arith.constant 0 : i32
        %dma_wait3A_214 = tpu.memref_slice %arg8[%dma_wait3A_207, %dma_wait3A_208, %dma_wait3A_213] : memref<2x2x512xi32, #tpu.memory_space<vmem>> -> memref<1x1x512xi32, #tpu.memory_space<vmem>>
        %dma_wait3A_215 = tpu.memref_squeeze %dma_wait3A_214 : memref<1x1x512xi32, #tpu.memory_space<vmem>> -> memref<512xi32, #tpu.memory_space<vmem>>
        %dma_wait3A_216 = arith.constant 0 : i32
        %dma_wait3A_217 = arith.constant 0 : i32
        %dma_wait3A_218 = tpu.memref_slice %arg10[%dma_wait3A_216, %dma_wait3A_217] : memref<100352x8xf32, #tpu.memory_space<vmem_shared>> -> memref<100352x8xf32, #tpu.memory_space<vmem_shared>>
        tpu.wait_indirect_dma semaphore(%arg14 : memref<!tpu.dma_semaphore, #tpu.memory_space<semaphore_mem>>) src(%dma_wait3A_212 : memref<512x8xf32, #tpu.memory_space<vmem>>) dst(%dma_wait3A_218 : memref<100352x8xf32, #tpu.memory_space<vmem_shared>>)
        %dma_wait3A_219 = arith.constant 1 : i32
        %dma_wait3A_220 = arith.constant 1 : i32
        %dma_wait3A_221 = arith.constant 1 : i32
        %dma_wait3A_222 = arith.constant 512 : i32
        %dma_wait3A_223 = arith.constant 0 : i32
        %dma_wait3A_224 = tpu.memref_slice %arg9[%dma_wait3A_219, %dma_wait3A_222, %dma_wait3A_223] : memref<2x1024x8xf32, #tpu.memory_space<vmem>> -> memref<1x512x8xf32, #tpu.memory_space<vmem>>
        %dma_wait3A_225 = tpu.memref_squeeze %dma_wait3A_224 : memref<1x512x8xf32, #tpu.memory_space<vmem>> -> memref<512x8xf32, #tpu.memory_space<vmem>>
        %dma_wait3A_226 = arith.constant 0 : i32
        %dma_wait3A_227 = tpu.memref_slice %arg8[%dma_wait3A_220, %dma_wait3A_221, %dma_wait3A_226] : memref<2x2x512xi32, #tpu.memory_space<vmem>> -> memref<1x1x512xi32, #tpu.memory_space<vmem>>
        %dma_wait3A_228 = tpu.memref_squeeze %dma_wait3A_227 : memref<1x1x512xi32, #tpu.memory_space<vmem>> -> memref<512xi32, #tpu.memory_space<vmem>>
        %dma_wait3A_229 = arith.constant 0 : i32
        %dma_wait3A_230 = arith.constant 0 : i32
        %dma_wait3A_231 = tpu.memref_slice %arg10[%dma_wait3A_229, %dma_wait3A_230] : memref<100352x8xf32, #tpu.memory_space<vmem_shared>> -> memref<100352x8xf32, #tpu.memory_space<vmem_shared>>
        tpu.wait_indirect_dma semaphore(%arg14 : memref<!tpu.dma_semaphore, #tpu.memory_space<semaphore_mem>>) src(%dma_wait3A_225 : memref<512x8xf32, #tpu.memory_space<vmem>>) dst(%dma_wait3A_231 : memref<100352x8xf32, #tpu.memory_space<vmem_shared>>)
      } else {
      }
      %add3A_80 = arith.constant 1 : i32
      %add3A_81 = arith.addi %mul3A_77, %add3A_80 : i32
      %lt3A = arith.constant 50 : i32
      %lt3A_82 = arith.cmpi slt, %add3A_81, %lt3A : i32
      %convert_element_type3A_83 = arith.extui %lt3A_82 : i1 to i32
      %cond3A_84 = arith.constant 0 : i32
      %cond3A_85 = arith.cmpi ne, %convert_element_type3A_83, %cond3A_84 : i32
      scf.if %cond3A_85 {
        %add3A_206 = arith.constant 1 : i32
        %add3A_207 = arith.addi %mul3A_77, %add3A_206 : i32
        %mul3A_208 = arith.constant 2 : i32
        %mul3A_209 = arith.muli %add3A_207, %mul3A_208 : i32
        %add3A_210 = arith.addi %mul3A_6, %mul3A_209 : i32
        %run_scoped3A_211 = arith.constant 1 : i32
        "tpu.region"() ({
          %run_scoped3A_242 = tpu.sem_alloc : memref<!tpu.dma_semaphore, #tpu.memory_space<semaphore_mem>>
          %dma_start3A_243 = arith.constant 0 : i32
          %dma_start3A_244 = arith.constant 0 : i32
          %dma_start3A_245 = tpu.memref_slice %arg7[%run_scoped3A_211, %dma_start3A_243, %dma_start3A_244] : memref<2x2x512xi32, #tpu.memory_space<vmem>> -> memref<1x2x512xi32, #tpu.memory_space<vmem>>
          %dma_start3A_246 = tpu.memref_squeeze %dma_start3A_245 : memref<1x2x512xi32, #tpu.memory_space<vmem>> -> memref<2x512xi32, #tpu.memory_space<vmem>>
          %dma_start3A_247 = arith.constant 0 : i32
          %dma_start3A_248 = tpu.memref_slice %arg3[%add3A_210, %dma_start3A_247] : memref<3200x512xi32, #tpu.memory_space<hbm>> -> memref<2x512xi32, #tpu.memory_space<hbm>>
          %dma_start3A_249 = arith.constant 0 : i32
          %dma_start3A_250 = arith.constant 0 : i32
          %dma_start3A_251 = tpu.memref_slice %arg7[%run_scoped3A_211, %dma_start3A_249, %dma_start3A_250] : memref<2x2x512xi32, #tpu.memory_space<vmem>> -> memref<1x2x512xi32, #tpu.memory_space<vmem>>
          %dma_start3A_252 = tpu.memref_squeeze %dma_start3A_251 : memref<1x2x512xi32, #tpu.memory_space<vmem>> -> memref<2x512xi32, #tpu.memory_space<vmem>>
          %dma_start3A_253 = arith.constant 0 : i32
          %dma_start3A_254 = tpu.memref_slice %arg3[%add3A_210, %dma_start3A_253] : memref<3200x512xi32, #tpu.memory_space<hbm>> -> memref<2x512xi32, #tpu.memory_space<hbm>>
          tpu.enqueue_dma source(%dma_start3A_254 : memref<2x512xi32, #tpu.memory_space<hbm>>) target(%dma_start3A_252 : memref<2x512xi32, #tpu.memory_space<vmem>>) target_semaphore(%run_scoped3A_242 : memref<!tpu.dma_semaphore, #tpu.memory_space<semaphore_mem>>)
          %dma_wait3A_255 = arith.constant 0 : i32
          %dma_wait3A_256 = arith.constant 0 : i32
          %dma_wait3A_257 = tpu.memref_slice %arg7[%run_scoped3A_211, %dma_wait3A_255, %dma_wait3A_256] : memref<2x2x512xi32, #tpu.memory_space<vmem>> -> memref<1x2x512xi32, #tpu.memory_space<vmem>>
          %dma_wait3A_258 = tpu.memref_squeeze %dma_wait3A_257 : memref<1x2x512xi32, #tpu.memory_space<vmem>> -> memref<2x512xi32, #tpu.memory_space<vmem>>
          %dma_wait3A_259 = arith.constant 0 : i32
          %dma_wait3A_260 = tpu.memref_slice %arg3[%add3A_210, %dma_wait3A_259] : memref<3200x512xi32, #tpu.memory_space<hbm>> -> memref<2x512xi32, #tpu.memory_space<hbm>>
          %dma_wait3A_261 = arith.constant 0 : i32
          %dma_wait3A_262 = arith.constant 0 : i32
          %dma_wait3A_263 = tpu.memref_slice %arg7[%run_scoped3A_211, %dma_wait3A_261, %dma_wait3A_262] : memref<2x2x512xi32, #tpu.memory_space<vmem>> -> memref<1x2x512xi32, #tpu.memory_space<vmem>>
          %dma_wait3A_264 = tpu.memref_squeeze %dma_wait3A_263 : memref<1x2x512xi32, #tpu.memory_space<vmem>> -> memref<2x512xi32, #tpu.memory_space<vmem>>
          %dma_wait3A_265 = arith.constant 0 : i32
          %dma_wait3A_266 = tpu.memref_slice %arg3[%add3A_210, %dma_wait3A_265] : memref<3200x512xi32, #tpu.memory_space<hbm>> -> memref<2x512xi32, #tpu.memory_space<hbm>>
          tpu.wait_dma2 semaphore(%run_scoped3A_242 : memref<!tpu.dma_semaphore, #tpu.memory_space<semaphore_mem>>) src(%dma_wait3A_266 : memref<2x512xi32, #tpu.memory_space<hbm>>) dst(%dma_wait3A_264 : memref<2x512xi32, #tpu.memory_space<vmem>>)
          tpu.yield
        }) : () -> ()
        %mul3A_212 = arith.constant 2 : i32
        %mul3A_213 = arith.muli %add3A_207, %mul3A_212 : i32
        %add3A_214 = arith.addi %mul3A_6, %mul3A_213 : i32
        %run_scoped3A_215 = arith.constant 1 : i32
        "tpu.region"() ({
          %run_scoped3A_242 = tpu.sem_alloc : memref<!tpu.dma_semaphore, #tpu.memory_space<semaphore_mem>>
          %dma_start3A_243 = arith.constant 0 : i32
          %dma_start3A_244 = arith.constant 0 : i32
          %dma_start3A_245 = tpu.memref_slice %arg8[%run_scoped3A_215, %dma_start3A_243, %dma_start3A_244] : memref<2x2x512xi32, #tpu.memory_space<vmem>> -> memref<1x2x512xi32, #tpu.memory_space<vmem>>
          %dma_start3A_246 = tpu.memref_squeeze %dma_start3A_245 : memref<1x2x512xi32, #tpu.memory_space<vmem>> -> memref<2x512xi32, #tpu.memory_space<vmem>>
          %dma_start3A_247 = arith.constant 0 : i32
          %dma_start3A_248 = tpu.memref_slice %arg4[%add3A_214, %dma_start3A_247] : memref<3200x512xi32, #tpu.memory_space<hbm>> -> memref<2x512xi32, #tpu.memory_space<hbm>>
          %dma_start3A_249 = arith.constant 0 : i32
          %dma_start3A_250 = arith.constant 0 : i32
          %dma_start3A_251 = tpu.memref_slice %arg8[%run_scoped3A_215, %dma_start3A_249, %dma_start3A_250] : memref<2x2x512xi32, #tpu.memory_space<vmem>> -> memref<1x2x512xi32, #tpu.memory_space<vmem>>
          %dma_start3A_252 = tpu.memref_squeeze %dma_start3A_251 : memref<1x2x512xi32, #tpu.memory_space<vmem>> -> memref<2x512xi32, #tpu.memory_space<vmem>>
          %dma_start3A_253 = arith.constant 0 : i32
          %dma_start3A_254 = tpu.memref_slice %arg4[%add3A_214, %dma_start3A_253] : memref<3200x512xi32, #tpu.memory_space<hbm>> -> memref<2x512xi32, #tpu.memory_space<hbm>>
          tpu.enqueue_dma source(%dma_start3A_254 : memref<2x512xi32, #tpu.memory_space<hbm>>) target(%dma_start3A_252 : memref<2x512xi32, #tpu.memory_space<vmem>>) target_semaphore(%run_scoped3A_242 : memref<!tpu.dma_semaphore, #tpu.memory_space<semaphore_mem>>)
          %dma_wait3A_255 = arith.constant 0 : i32
          %dma_wait3A_256 = arith.constant 0 : i32
          %dma_wait3A_257 = tpu.memref_slice %arg8[%run_scoped3A_215, %dma_wait3A_255, %dma_wait3A_256] : memref<2x2x512xi32, #tpu.memory_space<vmem>> -> memref<1x2x512xi32, #tpu.memory_space<vmem>>
          %dma_wait3A_258 = tpu.memref_squeeze %dma_wait3A_257 : memref<1x2x512xi32, #tpu.memory_space<vmem>> -> memref<2x512xi32, #tpu.memory_space<vmem>>
          %dma_wait3A_259 = arith.constant 0 : i32
          %dma_wait3A_260 = tpu.memref_slice %arg4[%add3A_214, %dma_wait3A_259] : memref<3200x512xi32, #tpu.memory_space<hbm>> -> memref<2x512xi32, #tpu.memory_space<hbm>>
          %dma_wait3A_261 = arith.constant 0 : i32
          %dma_wait3A_262 = arith.constant 0 : i32
          %dma_wait3A_263 = tpu.memref_slice %arg8[%run_scoped3A_215, %dma_wait3A_261, %dma_wait3A_262] : memref<2x2x512xi32, #tpu.memory_space<vmem>> -> memref<1x2x512xi32, #tpu.memory_space<vmem>>
          %dma_wait3A_264 = tpu.memref_squeeze %dma_wait3A_263 : memref<1x2x512xi32, #tpu.memory_space<vmem>> -> memref<2x512xi32, #tpu.memory_space<vmem>>
          %dma_wait3A_265 = arith.constant 0 : i32
          %dma_wait3A_266 = tpu.memref_slice %arg4[%add3A_214, %dma_wait3A_265] : memref<3200x512xi32, #tpu.memory_space<hbm>> -> memref<2x512xi32, #tpu.memory_space<hbm>>
          tpu.wait_dma2 semaphore(%run_scoped3A_242 : memref<!tpu.dma_semaphore, #tpu.memory_space<semaphore_mem>>) src(%dma_wait3A_266 : memref<2x512xi32, #tpu.memory_space<hbm>>) dst(%dma_wait3A_264 : memref<2x512xi32, #tpu.memory_space<vmem>>)
          tpu.yield
        }) : () -> ()
        %dma_start3A_216 = arith.constant 1 : i32
        %dma_start3A_217 = arith.constant 0 : i32
        %dma_start3A_218 = arith.constant 1 : i32
        %dma_start3A_219 = arith.constant 0 : i32
        %dma_start3A_220 = arith.constant 0 : i32
        %dma_start3A_221 = tpu.memref_slice %arg9[%dma_start3A_218, %dma_start3A_219, %dma_start3A_220] : memref<2x1024x8xf32, #tpu.memory_space<vmem>> -> memref<1x512x8xf32, #tpu.memory_space<vmem>>
        %dma_start3A_222 = tpu.memref_squeeze %dma_start3A_221 : memref<1x512x8xf32, #tpu.memory_space<vmem>> -> memref<512x8xf32, #tpu.memory_space<vmem>>
        %dma_start3A_223 = arith.constant 0 : i32
        %dma_start3A_224 = tpu.memref_slice %arg7[%dma_start3A_216, %dma_start3A_217, %dma_start3A_223] : memref<2x2x512xi32, #tpu.memory_space<vmem>> -> memref<1x1x512xi32, #tpu.memory_space<vmem>>
        %dma_start3A_225 = tpu.memref_squeeze %dma_start3A_224 : memref<1x1x512xi32, #tpu.memory_space<vmem>> -> memref<512xi32, #tpu.memory_space<vmem>>
        %dma_start3A_226 = arith.constant 0 : i32
        %dma_start3A_227 = arith.constant 0 : i32
        %dma_start3A_228 = tpu.memref_slice %arg2[%dma_start3A_226, %dma_start3A_227] : memref<100352x8xf32, #tpu.memory_space<hbm>> -> memref<100352x8xf32, #tpu.memory_space<hbm>>
        tpu.enqueue_indirect_dma source(%dma_start3A_228 : memref<100352x8xf32, #tpu.memory_space<hbm>>) target(%dma_start3A_222 : memref<512x8xf32, #tpu.memory_space<vmem>>) offsets(%dma_start3A_225 : memref<512xi32, #tpu.memory_space<vmem>>) semaphore(%arg12 : memref<!tpu.dma_semaphore, #tpu.memory_space<semaphore_mem>>)
        %dma_start3A_229 = arith.constant 1 : i32
        %dma_start3A_230 = arith.constant 1 : i32
        %dma_start3A_231 = arith.constant 1 : i32
        %dma_start3A_232 = arith.constant 512 : i32
        %dma_start3A_233 = arith.constant 0 : i32
        %dma_start3A_234 = tpu.memref_slice %arg9[%dma_start3A_231, %dma_start3A_232, %dma_start3A_233] : memref<2x1024x8xf32, #tpu.memory_space<vmem>> -> memref<1x512x8xf32, #tpu.memory_space<vmem>>
        %dma_start3A_235 = tpu.memref_squeeze %dma_start3A_234 : memref<1x512x8xf32, #tpu.memory_space<vmem>> -> memref<512x8xf32, #tpu.memory_space<vmem>>
        %dma_start3A_236 = arith.constant 0 : i32
        %dma_start3A_237 = tpu.memref_slice %arg7[%dma_start3A_229, %dma_start3A_230, %dma_start3A_236] : memref<2x2x512xi32, #tpu.memory_space<vmem>> -> memref<1x1x512xi32, #tpu.memory_space<vmem>>
        %dma_start3A_238 = tpu.memref_squeeze %dma_start3A_237 : memref<1x1x512xi32, #tpu.memory_space<vmem>> -> memref<512xi32, #tpu.memory_space<vmem>>
        %dma_start3A_239 = arith.constant 0 : i32
        %dma_start3A_240 = arith.constant 0 : i32
        %dma_start3A_241 = tpu.memref_slice %arg2[%dma_start3A_239, %dma_start3A_240] : memref<100352x8xf32, #tpu.memory_space<hbm>> -> memref<100352x8xf32, #tpu.memory_space<hbm>>
        tpu.enqueue_indirect_dma source(%dma_start3A_241 : memref<100352x8xf32, #tpu.memory_space<hbm>>) target(%dma_start3A_235 : memref<512x8xf32, #tpu.memory_space<vmem>>) offsets(%dma_start3A_238 : memref<512xi32, #tpu.memory_space<vmem>>) semaphore(%arg12 : memref<!tpu.dma_semaphore, #tpu.memory_space<semaphore_mem>>)
      } else {
      }
      %dma_wait3A_86 = arith.constant 0 : i32
      %dma_wait3A_87 = arith.constant 0 : i32
      %dma_wait3A_88 = arith.constant 0 : i32
      %dma_wait3A_89 = arith.constant 0 : i32
      %dma_wait3A_90 = arith.constant 0 : i32
      %dma_wait3A_91 = tpu.memref_slice %arg9[%dma_wait3A_88, %dma_wait3A_89, %dma_wait3A_90] : memref<2x1024x8xf32, #tpu.memory_space<vmem>> -> memref<1x512x8xf32, #tpu.memory_space<vmem>>
      %dma_wait3A_92 = tpu.memref_squeeze %dma_wait3A_91 : memref<1x512x8xf32, #tpu.memory_space<vmem>> -> memref<512x8xf32, #tpu.memory_space<vmem>>
      %dma_wait3A_93 = arith.constant 0 : i32
      %dma_wait3A_94 = tpu.memref_slice %arg7[%dma_wait3A_86, %dma_wait3A_87, %dma_wait3A_93] : memref<2x2x512xi32, #tpu.memory_space<vmem>> -> memref<1x1x512xi32, #tpu.memory_space<vmem>>
      %dma_wait3A_95 = tpu.memref_squeeze %dma_wait3A_94 : memref<1x1x512xi32, #tpu.memory_space<vmem>> -> memref<512xi32, #tpu.memory_space<vmem>>
      %dma_wait3A_96 = arith.constant 0 : i32
      %dma_wait3A_97 = arith.constant 0 : i32
      %dma_wait3A_98 = tpu.memref_slice %arg2[%dma_wait3A_96, %dma_wait3A_97] : memref<100352x8xf32, #tpu.memory_space<hbm>> -> memref<100352x8xf32, #tpu.memory_space<hbm>>
      tpu.wait_indirect_dma semaphore(%arg11 : memref<!tpu.dma_semaphore, #tpu.memory_space<semaphore_mem>>) src(%dma_wait3A_98 : memref<100352x8xf32, #tpu.memory_space<hbm>>) dst(%dma_wait3A_92 : memref<512x8xf32, #tpu.memory_space<vmem>>)
      %dma_wait3A_99 = arith.constant 0 : i32
      %dma_wait3A_100 = arith.constant 1 : i32
      %dma_wait3A_101 = arith.constant 0 : i32
      %dma_wait3A_102 = arith.constant 512 : i32
      %dma_wait3A_103 = arith.constant 0 : i32
      %dma_wait3A_104 = tpu.memref_slice %arg9[%dma_wait3A_101, %dma_wait3A_102, %dma_wait3A_103] : memref<2x1024x8xf32, #tpu.memory_space<vmem>> -> memref<1x512x8xf32, #tpu.memory_space<vmem>>
      %dma_wait3A_105 = tpu.memref_squeeze %dma_wait3A_104 : memref<1x512x8xf32, #tpu.memory_space<vmem>> -> memref<512x8xf32, #tpu.memory_space<vmem>>
      %dma_wait3A_106 = arith.constant 0 : i32
      %dma_wait3A_107 = tpu.memref_slice %arg7[%dma_wait3A_99, %dma_wait3A_100, %dma_wait3A_106] : memref<2x2x512xi32, #tpu.memory_space<vmem>> -> memref<1x1x512xi32, #tpu.memory_space<vmem>>
      %dma_wait3A_108 = tpu.memref_squeeze %dma_wait3A_107 : memref<1x1x512xi32, #tpu.memory_space<vmem>> -> memref<512xi32, #tpu.memory_space<vmem>>
      %dma_wait3A_109 = arith.constant 0 : i32
      %dma_wait3A_110 = arith.constant 0 : i32
      %dma_wait3A_111 = tpu.memref_slice %arg2[%dma_wait3A_109, %dma_wait3A_110] : memref<100352x8xf32, #tpu.memory_space<hbm>> -> memref<100352x8xf32, #tpu.memory_space<hbm>>
      tpu.wait_indirect_dma semaphore(%arg11 : memref<!tpu.dma_semaphore, #tpu.memory_space<semaphore_mem>>) src(%dma_wait3A_111 : memref<100352x8xf32, #tpu.memory_space<hbm>>) dst(%dma_wait3A_105 : memref<512x8xf32, #tpu.memory_space<vmem>>)
      %dma_start3A_112 = arith.constant 0 : i32
      %dma_start3A_113 = arith.constant 0 : i32
      %dma_start3A_114 = arith.constant 0 : i32
      %dma_start3A_115 = arith.constant 0 : i32
      %dma_start3A_116 = arith.constant 0 : i32
      %dma_start3A_117 = tpu.memref_slice %arg9[%dma_start3A_112, %dma_start3A_115, %dma_start3A_116] : memref<2x1024x8xf32, #tpu.memory_space<vmem>> -> memref<1x512x8xf32, #tpu.memory_space<vmem>>
      %dma_start3A_118 = tpu.memref_squeeze %dma_start3A_117 : memref<1x512x8xf32, #tpu.memory_space<vmem>> -> memref<512x8xf32, #tpu.memory_space<vmem>>
      %dma_start3A_119 = arith.constant 0 : i32
      %dma_start3A_120 = tpu.memref_slice %arg8[%dma_start3A_113, %dma_start3A_114, %dma_start3A_119] : memref<2x2x512xi32, #tpu.memory_space<vmem>> -> memref<1x1x512xi32, #tpu.memory_space<vmem>>
      %dma_start3A_121 = tpu.memref_squeeze %dma_start3A_120 : memref<1x1x512xi32, #tpu.memory_space<vmem>> -> memref<512xi32, #tpu.memory_space<vmem>>
      %dma_start3A_122 = arith.constant 0 : i32
      %dma_start3A_123 = arith.constant 0 : i32
      %dma_start3A_124 = tpu.memref_slice %arg10[%dma_start3A_122, %dma_start3A_123] : memref<100352x8xf32, #tpu.memory_space<vmem_shared>> -> memref<100352x8xf32, #tpu.memory_space<vmem_shared>>
      tpu.enqueue_indirect_dma source(%dma_start3A_118 : memref<512x8xf32, #tpu.memory_space<vmem>>) target(%dma_start3A_124 : memref<100352x8xf32, #tpu.memory_space<vmem_shared>>) offsets(%dma_start3A_121 : memref<512xi32, #tpu.memory_space<vmem>>) semaphore(%arg13 : memref<!tpu.dma_semaphore, #tpu.memory_space<semaphore_mem>>) {add = true}
      %dma_start3A_125 = arith.constant 0 : i32
      %dma_start3A_126 = arith.constant 0 : i32
      %dma_start3A_127 = arith.constant 1 : i32
      %dma_start3A_128 = arith.constant 512 : i32
      %dma_start3A_129 = arith.constant 0 : i32
      %dma_start3A_130 = tpu.memref_slice %arg9[%dma_start3A_125, %dma_start3A_128, %dma_start3A_129] : memref<2x1024x8xf32, #tpu.memory_space<vmem>> -> memref<1x512x8xf32, #tpu.memory_space<vmem>>
      %dma_start3A_131 = tpu.memref_squeeze %dma_start3A_130 : memref<1x512x8xf32, #tpu.memory_space<vmem>> -> memref<512x8xf32, #tpu.memory_space<vmem>>
      %dma_start3A_132 = arith.constant 0 : i32
      %dma_start3A_133 = tpu.memref_slice %arg8[%dma_start3A_126, %dma_start3A_127, %dma_start3A_132] : memref<2x2x512xi32, #tpu.memory_space<vmem>> -> memref<1x1x512xi32, #tpu.memory_space<vmem>>
      %dma_start3A_134 = tpu.memref_squeeze %dma_start3A_133 : memref<1x1x512xi32, #tpu.memory_space<vmem>> -> memref<512xi32, #tpu.memory_space<vmem>>
      %dma_start3A_135 = arith.constant 0 : i32
      %dma_start3A_136 = arith.constant 0 : i32
      %dma_start3A_137 = tpu.memref_slice %arg10[%dma_start3A_135, %dma_start3A_136] : memref<100352x8xf32, #tpu.memory_space<vmem_shared>> -> memref<100352x8xf32, #tpu.memory_space<vmem_shared>>
      tpu.enqueue_indirect_dma source(%dma_start3A_131 : memref<512x8xf32, #tpu.memory_space<vmem>>) target(%dma_start3A_137 : memref<100352x8xf32, #tpu.memory_space<vmem_shared>>) offsets(%dma_start3A_134 : memref<512xi32, #tpu.memory_space<vmem>>) semaphore(%arg13 : memref<!tpu.dma_semaphore, #tpu.memory_space<semaphore_mem>>) {add = true}
      %mul3A_138 = arith.constant 2 : i32
      %mul3A_139 = arith.muli %mul3A_138, %scan3A_75 : i32
      %add3A_140 = arith.constant 1 : i32
      %add3A_141 = arith.addi %mul3A_139, %add3A_140 : i32
      %ge3A_142 = arith.constant 1 : i32
      %ge3A_143 = arith.cmpi sge, %add3A_141, %ge3A_142 : i32
      %convert_element_type3A_144 = arith.extui %ge3A_143 : i1 to i32
      %cond3A_145 = arith.constant 0 : i32
      %cond3A_146 = arith.cmpi ne, %convert_element_type3A_144, %cond3A_145 : i32
      scf.if %cond3A_146 {
        %dma_wait3A_206 = arith.constant 0 : i32
        %dma_wait3A_207 = arith.constant 0 : i32
        %dma_wait3A_208 = arith.constant 0 : i32
        %dma_wait3A_209 = arith.constant 0 : i32
        %dma_wait3A_210 = arith.constant 0 : i32
        %dma_wait3A_211 = tpu.memref_slice %arg9[%dma_wait3A_206, %dma_wait3A_209, %dma_wait3A_210] : memref<2x1024x8xf32, #tpu.memory_space<vmem>> -> memref<1x512x8xf32, #tpu.memory_space<vmem>>
        %dma_wait3A_212 = tpu.memref_squeeze %dma_wait3A_211 : memref<1x512x8xf32, #tpu.memory_space<vmem>> -> memref<512x8xf32, #tpu.memory_space<vmem>>
        %dma_wait3A_213 = arith.constant 0 : i32
        %dma_wait3A_214 = tpu.memref_slice %arg8[%dma_wait3A_207, %dma_wait3A_208, %dma_wait3A_213] : memref<2x2x512xi32, #tpu.memory_space<vmem>> -> memref<1x1x512xi32, #tpu.memory_space<vmem>>
        %dma_wait3A_215 = tpu.memref_squeeze %dma_wait3A_214 : memref<1x1x512xi32, #tpu.memory_space<vmem>> -> memref<512xi32, #tpu.memory_space<vmem>>
        %dma_wait3A_216 = arith.constant 0 : i32
        %dma_wait3A_217 = arith.constant 0 : i32
        %dma_wait3A_218 = tpu.memref_slice %arg10[%dma_wait3A_216, %dma_wait3A_217] : memref<100352x8xf32, #tpu.memory_space<vmem_shared>> -> memref<100352x8xf32, #tpu.memory_space<vmem_shared>>
        tpu.wait_indirect_dma semaphore(%arg13 : memref<!tpu.dma_semaphore, #tpu.memory_space<semaphore_mem>>) src(%dma_wait3A_212 : memref<512x8xf32, #tpu.memory_space<vmem>>) dst(%dma_wait3A_218 : memref<100352x8xf32, #tpu.memory_space<vmem_shared>>)
        %dma_wait3A_219 = arith.constant 0 : i32
        %dma_wait3A_220 = arith.constant 0 : i32
        %dma_wait3A_221 = arith.constant 1 : i32
        %dma_wait3A_222 = arith.constant 512 : i32
        %dma_wait3A_223 = arith.constant 0 : i32
        %dma_wait3A_224 = tpu.memref_slice %arg9[%dma_wait3A_219, %dma_wait3A_222, %dma_wait3A_223] : memref<2x1024x8xf32, #tpu.memory_space<vmem>> -> memref<1x512x8xf32, #tpu.memory_space<vmem>>
        %dma_wait3A_225 = tpu.memref_squeeze %dma_wait3A_224 : memref<1x512x8xf32, #tpu.memory_space<vmem>> -> memref<512x8xf32, #tpu.memory_space<vmem>>
        %dma_wait3A_226 = arith.constant 0 : i32
        %dma_wait3A_227 = tpu.memref_slice %arg8[%dma_wait3A_220, %dma_wait3A_221, %dma_wait3A_226] : memref<2x2x512xi32, #tpu.memory_space<vmem>> -> memref<1x1x512xi32, #tpu.memory_space<vmem>>
        %dma_wait3A_228 = tpu.memref_squeeze %dma_wait3A_227 : memref<1x1x512xi32, #tpu.memory_space<vmem>> -> memref<512xi32, #tpu.memory_space<vmem>>
        %dma_wait3A_229 = arith.constant 0 : i32
        %dma_wait3A_230 = arith.constant 0 : i32
        %dma_wait3A_231 = tpu.memref_slice %arg10[%dma_wait3A_229, %dma_wait3A_230] : memref<100352x8xf32, #tpu.memory_space<vmem_shared>> -> memref<100352x8xf32, #tpu.memory_space<vmem_shared>>
        tpu.wait_indirect_dma semaphore(%arg13 : memref<!tpu.dma_semaphore, #tpu.memory_space<semaphore_mem>>) src(%dma_wait3A_225 : memref<512x8xf32, #tpu.memory_space<vmem>>) dst(%dma_wait3A_231 : memref<100352x8xf32, #tpu.memory_space<vmem_shared>>)
      } else {
      }
      %add3A_147 = arith.constant 1 : i32
      %add3A_148 = arith.addi %add3A_141, %add3A_147 : i32
      %lt3A_149 = arith.constant 50 : i32
      %lt3A_150 = arith.cmpi slt, %add3A_148, %lt3A_149 : i32
      %convert_element_type3A_151 = arith.extui %lt3A_150 : i1 to i32
      %cond3A_152 = arith.constant 0 : i32
      %cond3A_153 = arith.cmpi ne, %convert_element_type3A_151, %cond3A_152 : i32
      scf.if %cond3A_153 {
        %add3A_206 = arith.constant 1 : i32
        %add3A_207 = arith.addi %add3A_141, %add3A_206 : i32
        %mul3A_208 = arith.constant 2 : i32
        %mul3A_209 = arith.muli %add3A_207, %mul3A_208 : i32
        %add3A_210 = arith.addi %mul3A_6, %mul3A_209 : i32
        %run_scoped3A_211 = arith.constant 0 : i32
        "tpu.region"() ({
          %run_scoped3A_242 = tpu.sem_alloc : memref<!tpu.dma_semaphore, #tpu.memory_space<semaphore_mem>>
          %dma_start3A_243 = arith.constant 0 : i32
          %dma_start3A_244 = arith.constant 0 : i32
          %dma_start3A_245 = tpu.memref_slice %arg7[%run_scoped3A_211, %dma_start3A_243, %dma_start3A_244] : memref<2x2x512xi32, #tpu.memory_space<vmem>> -> memref<1x2x512xi32, #tpu.memory_space<vmem>>
          %dma_start3A_246 = tpu.memref_squeeze %dma_start3A_245 : memref<1x2x512xi32, #tpu.memory_space<vmem>> -> memref<2x512xi32, #tpu.memory_space<vmem>>
          %dma_start3A_247 = arith.constant 0 : i32
          %dma_start3A_248 = tpu.memref_slice %arg3[%add3A_210, %dma_start3A_247] : memref<3200x512xi32, #tpu.memory_space<hbm>> -> memref<2x512xi32, #tpu.memory_space<hbm>>
          %dma_start3A_249 = arith.constant 0 : i32
          %dma_start3A_250 = arith.constant 0 : i32
          %dma_start3A_251 = tpu.memref_slice %arg7[%run_scoped3A_211, %dma_start3A_249, %dma_start3A_250] : memref<2x2x512xi32, #tpu.memory_space<vmem>> -> memref<1x2x512xi32, #tpu.memory_space<vmem>>
          %dma_start3A_252 = tpu.memref_squeeze %dma_start3A_251 : memref<1x2x512xi32, #tpu.memory_space<vmem>> -> memref<2x512xi32, #tpu.memory_space<vmem>>
          %dma_start3A_253 = arith.constant 0 : i32
          %dma_start3A_254 = tpu.memref_slice %arg3[%add3A_210, %dma_start3A_253] : memref<3200x512xi32, #tpu.memory_space<hbm>> -> memref<2x512xi32, #tpu.memory_space<hbm>>
          tpu.enqueue_dma source(%dma_start3A_254 : memref<2x512xi32, #tpu.memory_space<hbm>>) target(%dma_start3A_252 : memref<2x512xi32, #tpu.memory_space<vmem>>) target_semaphore(%run_scoped3A_242 : memref<!tpu.dma_semaphore, #tpu.memory_space<semaphore_mem>>)
          %dma_wait3A_255 = arith.constant 0 : i32
          %dma_wait3A_256 = arith.constant 0 : i32
          %dma_wait3A_257 = tpu.memref_slice %arg7[%run_scoped3A_211, %dma_wait3A_255, %dma_wait3A_256] : memref<2x2x512xi32, #tpu.memory_space<vmem>> -> memref<1x2x512xi32, #tpu.memory_space<vmem>>
          %dma_wait3A_258 = tpu.memref_squeeze %dma_wait3A_257 : memref<1x2x512xi32, #tpu.memory_space<vmem>> -> memref<2x512xi32, #tpu.memory_space<vmem>>
          %dma_wait3A_259 = arith.constant 0 : i32
          %dma_wait3A_260 = tpu.memref_slice %arg3[%add3A_210, %dma_wait3A_259] : memref<3200x512xi32, #tpu.memory_space<hbm>> -> memref<2x512xi32, #tpu.memory_space<hbm>>
          %dma_wait3A_261 = arith.constant 0 : i32
          %dma_wait3A_262 = arith.constant 0 : i32
          %dma_wait3A_263 = tpu.memref_slice %arg7[%run_scoped3A_211, %dma_wait3A_261, %dma_wait3A_262] : memref<2x2x512xi32, #tpu.memory_space<vmem>> -> memref<1x2x512xi32, #tpu.memory_space<vmem>>
          %dma_wait3A_264 = tpu.memref_squeeze %dma_wait3A_263 : memref<1x2x512xi32, #tpu.memory_space<vmem>> -> memref<2x512xi32, #tpu.memory_space<vmem>>
          %dma_wait3A_265 = arith.constant 0 : i32
          %dma_wait3A_266 = tpu.memref_slice %arg3[%add3A_210, %dma_wait3A_265] : memref<3200x512xi32, #tpu.memory_space<hbm>> -> memref<2x512xi32, #tpu.memory_space<hbm>>
          tpu.wait_dma2 semaphore(%run_scoped3A_242 : memref<!tpu.dma_semaphore, #tpu.memory_space<semaphore_mem>>) src(%dma_wait3A_266 : memref<2x512xi32, #tpu.memory_space<hbm>>) dst(%dma_wait3A_264 : memref<2x512xi32, #tpu.memory_space<vmem>>)
          tpu.yield
        }) : () -> ()
        %mul3A_212 = arith.constant 2 : i32
        %mul3A_213 = arith.muli %add3A_207, %mul3A_212 : i32
        %add3A_214 = arith.addi %mul3A_6, %mul3A_213 : i32
        %run_scoped3A_215 = arith.constant 0 : i32
        "tpu.region"() ({
          %run_scoped3A_242 = tpu.sem_alloc : memref<!tpu.dma_semaphore, #tpu.memory_space<semaphore_mem>>
          %dma_start3A_243 = arith.constant 0 : i32
          %dma_start3A_244 = arith.constant 0 : i32
          %dma_start3A_245 = tpu.memref_slice %arg8[%run_scoped3A_215, %dma_start3A_243, %dma_start3A_244] : memref<2x2x512xi32, #tpu.memory_space<vmem>> -> memref<1x2x512xi32, #tpu.memory_space<vmem>>
          %dma_start3A_246 = tpu.memref_squeeze %dma_start3A_245 : memref<1x2x512xi32, #tpu.memory_space<vmem>> -> memref<2x512xi32, #tpu.memory_space<vmem>>
          %dma_start3A_247 = arith.constant 0 : i32
          %dma_start3A_248 = tpu.memref_slice %arg4[%add3A_214, %dma_start3A_247] : memref<3200x512xi32, #tpu.memory_space<hbm>> -> memref<2x512xi32, #tpu.memory_space<hbm>>
          %dma_start3A_249 = arith.constant 0 : i32
          %dma_start3A_250 = arith.constant 0 : i32
          %dma_start3A_251 = tpu.memref_slice %arg8[%run_scoped3A_215, %dma_start3A_249, %dma_start3A_250] : memref<2x2x512xi32, #tpu.memory_space<vmem>> -> memref<1x2x512xi32, #tpu.memory_space<vmem>>
          %dma_start3A_252 = tpu.memref_squeeze %dma_start3A_251 : memref<1x2x512xi32, #tpu.memory_space<vmem>> -> memref<2x512xi32, #tpu.memory_space<vmem>>
          %dma_start3A_253 = arith.constant 0 : i32
          %dma_start3A_254 = tpu.memref_slice %arg4[%add3A_214, %dma_start3A_253] : memref<3200x512xi32, #tpu.memory_space<hbm>> -> memref<2x512xi32, #tpu.memory_space<hbm>>
          tpu.enqueue_dma source(%dma_start3A_254 : memref<2x512xi32, #tpu.memory_space<hbm>>) target(%dma_start3A_252 : memref<2x512xi32, #tpu.memory_space<vmem>>) target_semaphore(%run_scoped3A_242 : memref<!tpu.dma_semaphore, #tpu.memory_space<semaphore_mem>>)
          %dma_wait3A_255 = arith.constant 0 : i32
          %dma_wait3A_256 = arith.constant 0 : i32
          %dma_wait3A_257 = tpu.memref_slice %arg8[%run_scoped3A_215, %dma_wait3A_255, %dma_wait3A_256] : memref<2x2x512xi32, #tpu.memory_space<vmem>> -> memref<1x2x512xi32, #tpu.memory_space<vmem>>
          %dma_wait3A_258 = tpu.memref_squeeze %dma_wait3A_257 : memref<1x2x512xi32, #tpu.memory_space<vmem>> -> memref<2x512xi32, #tpu.memory_space<vmem>>
          %dma_wait3A_259 = arith.constant 0 : i32
          %dma_wait3A_260 = tpu.memref_slice %arg4[%add3A_214, %dma_wait3A_259] : memref<3200x512xi32, #tpu.memory_space<hbm>> -> memref<2x512xi32, #tpu.memory_space<hbm>>
          %dma_wait3A_261 = arith.constant 0 : i32
          %dma_wait3A_262 = arith.constant 0 : i32
          %dma_wait3A_263 = tpu.memref_slice %arg8[%run_scoped3A_215, %dma_wait3A_261, %dma_wait3A_262] : memref<2x2x512xi32, #tpu.memory_space<vmem>> -> memref<1x2x512xi32, #tpu.memory_space<vmem>>
          %dma_wait3A_264 = tpu.memref_squeeze %dma_wait3A_263 : memref<1x2x512xi32, #tpu.memory_space<vmem>> -> memref<2x512xi32, #tpu.memory_space<vmem>>
          %dma_wait3A_265 = arith.constant 0 : i32
          %dma_wait3A_266 = tpu.memref_slice %arg4[%add3A_214, %dma_wait3A_265] : memref<3200x512xi32, #tpu.memory_space<hbm>> -> memref<2x512xi32, #tpu.memory_space<hbm>>
          tpu.wait_dma2 semaphore(%run_scoped3A_242 : memref<!tpu.dma_semaphore, #tpu.memory_space<semaphore_mem>>) src(%dma_wait3A_266 : memref<2x512xi32, #tpu.memory_space<hbm>>) dst(%dma_wait3A_264 : memref<2x512xi32, #tpu.memory_space<vmem>>)
          tpu.yield
        }) : () -> ()
        %dma_start3A_216 = arith.constant 0 : i32
        %dma_start3A_217 = arith.constant 0 : i32
        %dma_start3A_218 = arith.constant 0 : i32
        %dma_start3A_219 = arith.constant 0 : i32
        %dma_start3A_220 = arith.constant 0 : i32
        %dma_start3A_221 = tpu.memref_slice %arg9[%dma_start3A_218, %dma_start3A_219, %dma_start3A_220] : memref<2x1024x8xf32, #tpu.memory_space<vmem>> -> memref<1x512x8xf32, #tpu.memory_space<vmem>>
        %dma_start3A_222 = tpu.memref_squeeze %dma_start3A_221 : memref<1x512x8xf32, #tpu.memory_space<vmem>> -> memref<512x8xf32, #tpu.memory_space<vmem>>
        %dma_start3A_223 = arith.constant 0 : i32
        %dma_start3A_224 = tpu.memref_slice %arg7[%dma_start3A_216, %dma_start3A_217, %dma_start3A_223] : memref<2x2x512xi32, #tpu.memory_space<vmem>> -> memref<1x1x512xi32, #tpu.memory_space<vmem>>
        %dma_start3A_225 = tpu.memref_squeeze %dma_start3A_224 : memref<1x1x512xi32, #tpu.memory_space<vmem>> -> memref<512xi32, #tpu.memory_space<vmem>>
        %dma_start3A_226 = arith.constant 0 : i32
        %dma_start3A_227 = arith.constant 0 : i32
        %dma_start3A_228 = tpu.memref_slice %arg2[%dma_start3A_226, %dma_start3A_227] : memref<100352x8xf32, #tpu.memory_space<hbm>> -> memref<100352x8xf32, #tpu.memory_space<hbm>>
        tpu.enqueue_indirect_dma source(%dma_start3A_228 : memref<100352x8xf32, #tpu.memory_space<hbm>>) target(%dma_start3A_222 : memref<512x8xf32, #tpu.memory_space<vmem>>) offsets(%dma_start3A_225 : memref<512xi32, #tpu.memory_space<vmem>>) semaphore(%arg11 : memref<!tpu.dma_semaphore, #tpu.memory_space<semaphore_mem>>)
        %dma_start3A_229 = arith.constant 0 : i32
        %dma_start3A_230 = arith.constant 1 : i32
        %dma_start3A_231 = arith.constant 0 : i32
        %dma_start3A_232 = arith.constant 512 : i32
        %dma_start3A_233 = arith.constant 0 : i32
        %dma_start3A_234 = tpu.memref_slice %arg9[%dma_start3A_231, %dma_start3A_232, %dma_start3A_233] : memref<2x1024x8xf32, #tpu.memory_space<vmem>> -> memref<1x512x8xf32, #tpu.memory_space<vmem>>
        %dma_start3A_235 = tpu.memref_squeeze %dma_start3A_234 : memref<1x512x8xf32, #tpu.memory_space<vmem>> -> memref<512x8xf32, #tpu.memory_space<vmem>>
        %dma_start3A_236 = arith.constant 0 : i32
        %dma_start3A_237 = tpu.memref_slice %arg7[%dma_start3A_229, %dma_start3A_230, %dma_start3A_236] : memref<2x2x512xi32, #tpu.memory_space<vmem>> -> memref<1x1x512xi32, #tpu.memory_space<vmem>>
        %dma_start3A_238 = tpu.memref_squeeze %dma_start3A_237 : memref<1x1x512xi32, #tpu.memory_space<vmem>> -> memref<512xi32, #tpu.memory_space<vmem>>
        %dma_start3A_239 = arith.constant 0 : i32
        %dma_start3A_240 = arith.constant 0 : i32
        %dma_start3A_241 = tpu.memref_slice %arg2[%dma_start3A_239, %dma_start3A_240] : memref<100352x8xf32, #tpu.memory_space<hbm>> -> memref<100352x8xf32, #tpu.memory_space<hbm>>
        tpu.enqueue_indirect_dma source(%dma_start3A_241 : memref<100352x8xf32, #tpu.memory_space<hbm>>) target(%dma_start3A_235 : memref<512x8xf32, #tpu.memory_space<vmem>>) offsets(%dma_start3A_238 : memref<512xi32, #tpu.memory_space<vmem>>) semaphore(%arg11 : memref<!tpu.dma_semaphore, #tpu.memory_space<semaphore_mem>>)
      } else {
      }
      %dma_wait3A_154 = arith.constant 1 : i32
      %dma_wait3A_155 = arith.constant 0 : i32
      %dma_wait3A_156 = arith.constant 1 : i32
      %dma_wait3A_157 = arith.constant 0 : i32
      %dma_wait3A_158 = arith.constant 0 : i32
      %dma_wait3A_159 = tpu.memref_slice %arg9[%dma_wait3A_156, %dma_wait3A_157, %dma_wait3A_158] : memref<2x1024x8xf32, #tpu.memory_space<vmem>> -> memref<1x512x8xf32, #tpu.memory_space<vmem>>
      %dma_wait3A_160 = tpu.memref_squeeze %dma_wait3A_159 : memref<1x512x8xf32, #tpu.memory_space<vmem>> -> memref<512x8xf32, #tpu.memory_space<vmem>>
      %dma_wait3A_161 = arith.constant 0 : i32
      %dma_wait3A_162 = tpu.memref_slice %arg7[%dma_wait3A_154, %dma_wait3A_155, %dma_wait3A_161] : memref<2x2x512xi32, #tpu.memory_space<vmem>> -> memref<1x1x512xi32, #tpu.memory_space<vmem>>
      %dma_wait3A_163 = tpu.memref_squeeze %dma_wait3A_162 : memref<1x1x512xi32, #tpu.memory_space<vmem>> -> memref<512xi32, #tpu.memory_space<vmem>>
      %dma_wait3A_164 = arith.constant 0 : i32
      %dma_wait3A_165 = arith.constant 0 : i32
      %dma_wait3A_166 = tpu.memref_slice %arg2[%dma_wait3A_164, %dma_wait3A_165] : memref<100352x8xf32, #tpu.memory_space<hbm>> -> memref<100352x8xf32, #tpu.memory_space<hbm>>
      tpu.wait_indirect_dma semaphore(%arg12 : memref<!tpu.dma_semaphore, #tpu.memory_space<semaphore_mem>>) src(%dma_wait3A_166 : memref<100352x8xf32, #tpu.memory_space<hbm>>) dst(%dma_wait3A_160 : memref<512x8xf32, #tpu.memory_space<vmem>>)
      %dma_wait3A_167 = arith.constant 1 : i32
      %dma_wait3A_168 = arith.constant 1 : i32
      %dma_wait3A_169 = arith.constant 1 : i32
      %dma_wait3A_170 = arith.constant 512 : i32
      %dma_wait3A_171 = arith.constant 0 : i32
      %dma_wait3A_172 = tpu.memref_slice %arg9[%dma_wait3A_169, %dma_wait3A_170, %dma_wait3A_171] : memref<2x1024x8xf32, #tpu.memory_space<vmem>> -> memref<1x512x8xf32, #tpu.memory_space<vmem>>
      %dma_wait3A_173 = tpu.memref_squeeze %dma_wait3A_172 : memref<1x512x8xf32, #tpu.memory_space<vmem>> -> memref<512x8xf32, #tpu.memory_space<vmem>>
      %dma_wait3A_174 = arith.constant 0 : i32
      %dma_wait3A_175 = tpu.memref_slice %arg7[%dma_wait3A_167, %dma_wait3A_168, %dma_wait3A_174] : memref<2x2x512xi32, #tpu.memory_space<vmem>> -> memref<1x1x512xi32, #tpu.memory_space<vmem>>
      %dma_wait3A_176 = tpu.memref_squeeze %dma_wait3A_175 : memref<1x1x512xi32, #tpu.memory_space<vmem>> -> memref<512xi32, #tpu.memory_space<vmem>>
      %dma_wait3A_177 = arith.constant 0 : i32
      %dma_wait3A_178 = arith.constant 0 : i32
      %dma_wait3A_179 = tpu.memref_slice %arg2[%dma_wait3A_177, %dma_wait3A_178] : memref<100352x8xf32, #tpu.memory_space<hbm>> -> memref<100352x8xf32, #tpu.memory_space<hbm>>
      tpu.wait_indirect_dma semaphore(%arg12 : memref<!tpu.dma_semaphore, #tpu.memory_space<semaphore_mem>>) src(%dma_wait3A_179 : memref<100352x8xf32, #tpu.memory_space<hbm>>) dst(%dma_wait3A_173 : memref<512x8xf32, #tpu.memory_space<vmem>>)
      %dma_start3A_180 = arith.constant 1 : i32
      %dma_start3A_181 = arith.constant 1 : i32
      %dma_start3A_182 = arith.constant 0 : i32
      %dma_start3A_183 = arith.constant 0 : i32
      %dma_start3A_184 = arith.constant 0 : i32
      %dma_start3A_185 = tpu.memref_slice %arg9[%dma_start3A_180, %dma_start3A_183, %dma_start3A_184] : memref<2x1024x8xf32, #tpu.memory_space<vmem>> -> memref<1x512x8xf32, #tpu.memory_space<vmem>>
      %dma_start3A_186 = tpu.memref_squeeze %dma_start3A_185 : memref<1x512x8xf32, #tpu.memory_space<vmem>> -> memref<512x8xf32, #tpu.memory_space<vmem>>
      %dma_start3A_187 = arith.constant 0 : i32
      %dma_start3A_188 = tpu.memref_slice %arg8[%dma_start3A_181, %dma_start3A_182, %dma_start3A_187] : memref<2x2x512xi32, #tpu.memory_space<vmem>> -> memref<1x1x512xi32, #tpu.memory_space<vmem>>
      %dma_start3A_189 = tpu.memref_squeeze %dma_start3A_188 : memref<1x1x512xi32, #tpu.memory_space<vmem>> -> memref<512xi32, #tpu.memory_space<vmem>>
      %dma_start3A_190 = arith.constant 0 : i32
      %dma_start3A_191 = arith.constant 0 : i32
      %dma_start3A_192 = tpu.memref_slice %arg10[%dma_start3A_190, %dma_start3A_191] : memref<100352x8xf32, #tpu.memory_space<vmem_shared>> -> memref<100352x8xf32, #tpu.memory_space<vmem_shared>>
      tpu.enqueue_indirect_dma source(%dma_start3A_186 : memref<512x8xf32, #tpu.memory_space<vmem>>) target(%dma_start3A_192 : memref<100352x8xf32, #tpu.memory_space<vmem_shared>>) offsets(%dma_start3A_189 : memref<512xi32, #tpu.memory_space<vmem>>) semaphore(%arg14 : memref<!tpu.dma_semaphore, #tpu.memory_space<semaphore_mem>>) {add = true}
      %dma_start3A_193 = arith.constant 1 : i32
      %dma_start3A_194 = arith.constant 1 : i32
      %dma_start3A_195 = arith.constant 1 : i32
      %dma_start3A_196 = arith.constant 512 : i32
      %dma_start3A_197 = arith.constant 0 : i32
      %dma_start3A_198 = tpu.memref_slice %arg9[%dma_start3A_193, %dma_start3A_196, %dma_start3A_197] : memref<2x1024x8xf32, #tpu.memory_space<vmem>> -> memref<1x512x8xf32, #tpu.memory_space<vmem>>
      %dma_start3A_199 = tpu.memref_squeeze %dma_start3A_198 : memref<1x512x8xf32, #tpu.memory_space<vmem>> -> memref<512x8xf32, #tpu.memory_space<vmem>>
      %dma_start3A_200 = arith.constant 0 : i32
      %dma_start3A_201 = tpu.memref_slice %arg8[%dma_start3A_194, %dma_start3A_195, %dma_start3A_200] : memref<2x2x512xi32, #tpu.memory_space<vmem>> -> memref<1x1x512xi32, #tpu.memory_space<vmem>>
      %dma_start3A_202 = tpu.memref_squeeze %dma_start3A_201 : memref<1x1x512xi32, #tpu.memory_space<vmem>> -> memref<512xi32, #tpu.memory_space<vmem>>
      %dma_start3A_203 = arith.constant 0 : i32
      %dma_start3A_204 = arith.constant 0 : i32
      %dma_start3A_205 = tpu.memref_slice %arg10[%dma_start3A_203, %dma_start3A_204] : memref<100352x8xf32, #tpu.memory_space<vmem_shared>> -> memref<100352x8xf32, #tpu.memory_space<vmem_shared>>
      tpu.enqueue_indirect_dma source(%dma_start3A_199 : memref<512x8xf32, #tpu.memory_space<vmem>>) target(%dma_start3A_205 : memref<100352x8xf32, #tpu.memory_space<vmem_shared>>) offsets(%dma_start3A_202 : memref<512xi32, #tpu.memory_space<vmem>>) semaphore(%arg14 : memref<!tpu.dma_semaphore, #tpu.memory_space<semaphore_mem>>) {add = true}
    }
    %scan3A_41 = arith.constant 25 : i32
    %dma_wait3A = arith.constant 1 : i32
    %dma_wait3A_42 = arith.constant 1 : i32
    %dma_wait3A_43 = arith.constant 0 : i32
    %dma_wait3A_44 = arith.constant 0 : i32
    %dma_wait3A_45 = arith.constant 0 : i32
    %dma_wait3A_46 = tpu.memref_slice %arg9[%dma_wait3A, %dma_wait3A_44, %dma_wait3A_45] : memref<2x1024x8xf32, #tpu.memory_space<vmem>> -> memref<1x512x8xf32, #tpu.memory_space<vmem>>
    %dma_wait3A_47 = tpu.memref_squeeze %dma_wait3A_46 : memref<1x512x8xf32, #tpu.memory_space<vmem>> -> memref<512x8xf32, #tpu.memory_space<vmem>>
    %dma_wait3A_48 = arith.constant 0 : i32
    %dma_wait3A_49 = tpu.memref_slice %arg8[%dma_wait3A_42, %dma_wait3A_43, %dma_wait3A_48] : memref<2x2x512xi32, #tpu.memory_space<vmem>> -> memref<1x1x512xi32, #tpu.memory_space<vmem>>
    %dma_wait3A_50 = tpu.memref_squeeze %dma_wait3A_49 : memref<1x1x512xi32, #tpu.memory_space<vmem>> -> memref<512xi32, #tpu.memory_space<vmem>>
    %dma_wait3A_51 = arith.constant 0 : i32
    %dma_wait3A_52 = arith.constant 0 : i32
    %dma_wait3A_53 = tpu.memref_slice %arg10[%dma_wait3A_51, %dma_wait3A_52] : memref<100352x8xf32, #tpu.memory_space<vmem_shared>> -> memref<100352x8xf32, #tpu.memory_space<vmem_shared>>
    tpu.wait_indirect_dma semaphore(%arg14 : memref<!tpu.dma_semaphore, #tpu.memory_space<semaphore_mem>>) src(%dma_wait3A_47 : memref<512x8xf32, #tpu.memory_space<vmem>>) dst(%dma_wait3A_53 : memref<100352x8xf32, #tpu.memory_space<vmem_shared>>)
    %dma_wait3A_54 = arith.constant 1 : i32
    %dma_wait3A_55 = arith.constant 1 : i32
    %dma_wait3A_56 = arith.constant 1 : i32
    %dma_wait3A_57 = arith.constant 512 : i32
    %dma_wait3A_58 = arith.constant 0 : i32
    %dma_wait3A_59 = tpu.memref_slice %arg9[%dma_wait3A_54, %dma_wait3A_57, %dma_wait3A_58] : memref<2x1024x8xf32, #tpu.memory_space<vmem>> -> memref<1x512x8xf32, #tpu.memory_space<vmem>>
    %dma_wait3A_60 = tpu.memref_squeeze %dma_wait3A_59 : memref<1x512x8xf32, #tpu.memory_space<vmem>> -> memref<512x8xf32, #tpu.memory_space<vmem>>
    %dma_wait3A_61 = arith.constant 0 : i32
    %dma_wait3A_62 = tpu.memref_slice %arg8[%dma_wait3A_55, %dma_wait3A_56, %dma_wait3A_61] : memref<2x2x512xi32, #tpu.memory_space<vmem>> -> memref<1x1x512xi32, #tpu.memory_space<vmem>>
    %dma_wait3A_63 = tpu.memref_squeeze %dma_wait3A_62 : memref<1x1x512xi32, #tpu.memory_space<vmem>> -> memref<512xi32, #tpu.memory_space<vmem>>
    %dma_wait3A_64 = arith.constant 0 : i32
    %dma_wait3A_65 = arith.constant 0 : i32
    %dma_wait3A_66 = tpu.memref_slice %arg10[%dma_wait3A_64, %dma_wait3A_65] : memref<100352x8xf32, #tpu.memory_space<vmem_shared>> -> memref<100352x8xf32, #tpu.memory_space<vmem_shared>>
    tpu.wait_indirect_dma semaphore(%arg14 : memref<!tpu.dma_semaphore, #tpu.memory_space<semaphore_mem>>) src(%dma_wait3A_60 : memref<512x8xf32, #tpu.memory_space<vmem>>) dst(%dma_wait3A_66 : memref<100352x8xf32, #tpu.memory_space<vmem_shared>>)
    %barrier3A_67 = arith.constant 0 : index
    tpu.barrier barrier_id(%barrier3A_67)
    %mul3A_68 = arith.constant 6272 : i32
    %mul3A_69 = arith.muli %arg1, %mul3A_68 : i32
    %mul3A_70 = arith.constant 100352 : i32
    %mul3A_71 = arith.muli %arg0, %mul3A_70 : i32
    %mul3A_72 = arith.constant 6272 : i32
    %mul3A_73 = arith.muli %arg1, %mul3A_72 : i32
    %add3A_74 = arith.addi %mul3A_71, %mul3A_73 : i32
    "tpu.region"() ({
      %run_scoped3A_75 = tpu.sem_alloc : memref<!tpu.dma_semaphore, #tpu.memory_space<semaphore_mem>>
      %dma_start3A_76 = arith.constant 0 : i32
      %dma_start3A_77 = tpu.memref_slice %arg6[%add3A_74, %dma_start3A_76] : memref<200704x8xf32, #tpu.memory_space<hbm>> -> memref<6272x8xf32, #tpu.memory_space<hbm>>
      %dma_start3A_78 = arith.constant 0 : i32
      %dma_start3A_79 = tpu.memref_slice %arg10[%mul3A_69, %dma_start3A_78] : memref<100352x8xf32, #tpu.memory_space<vmem_shared>> -> memref<6272x8xf32, #tpu.memory_space<vmem_shared>>
      tpu.enqueue_dma source(%dma_start3A_79 : memref<6272x8xf32, #tpu.memory_space<vmem_shared>>) target(%dma_start3A_77 : memref<6272x8xf32, #tpu.memory_space<hbm>>) target_semaphore(%run_scoped3A_75 : memref<!tpu.dma_semaphore, #tpu.memory_space<semaphore_mem>>)
      %dma_wait3A_80 = arith.constant 0 : i32
      %dma_wait3A_81 = tpu.memref_slice %arg6[%add3A_74, %dma_wait3A_80] : memref<200704x8xf32, #tpu.memory_space<hbm>> -> memref<6272x8xf32, #tpu.memory_space<hbm>>
      %dma_wait3A_82 = arith.constant 0 : i32
      %dma_wait3A_83 = tpu.memref_slice %arg10[%mul3A_69, %dma_wait3A_82] : memref<100352x8xf32, #tpu.memory_space<vmem_shared>> -> memref<6272x8xf32, #tpu.memory_space<vmem_shared>>
      tpu.wait_dma2 semaphore(%run_scoped3A_75 : memref<!tpu.dma_semaphore, #tpu.memory_space<semaphore_mem>>) src(%dma_wait3A_83 : memref<6272x8xf32, #tpu.memory_space<vmem_shared>>) dst(%dma_wait3A_81 : memref<6272x8xf32, #tpu.memory_space<hbm>>)
      tpu.yield
    }) : () -> ()
    return
  }
}

#map = affine_map<(d0, d1) -> (0, 0)>
#map1 = affine_map<(d0, d1) -> (0)>
module attributes {stable_mosaic.version = 14 : i64} {
  func.func @kern(%arg0: i32, %arg1: i32, %arg2: memref<3200x512xi32, #tpu.memory_space<hbm>>, %arg3: memref<100352xf32, #tpu.memory_space<hbm>>, %arg4: memref<200704xf32, #tpu.memory_space<hbm>>, %arg5: memref<2x2x512xi32, #tpu.memory_space<vmem>>, %arg6: memref<512xf32, #tpu.memory_space<vmem>>, %arg7: memref<100352xf32, #tpu.memory_space<vmem_shared>>, %arg8: memref<!tpu.dma_semaphore, #tpu.memory_space<semaphore_mem>>, %arg9: memref<!tpu.dma_semaphore, #tpu.memory_space<semaphore_mem>>) attributes {dimension_semantics = [#tpu.dimension_semantics<core_parallel>, #tpu.dimension_semantics<subcore_parallel>], iteration_bounds = array<i64: 2, 16>, scalar_prefetch = 0 : i64, scratch_operands = 5 : i64, tpu.core_type = #tpu.core_type<sc_vector_subcore>, window_params = [{transform_indices = #map}, {transform_indices = #map1}, {transform_indices = #map1}]} {
    %broadcast_in_dim3A = arith.constant 1.000000e+00 : f32
    %broadcast_in_dim3A_0 = vector.broadcast %broadcast_in_dim3A : f32 to vector<16xf32>
    %swap3A = arith.constant 0 : index
    %swap3A_1 = tpu.vector_load %arg6[%swap3A] {strides = array<i32>} : memref<512xf32, #tpu.memory_space<vmem>>, vector<16xf32>,
    %swap3A_2 = vector.shape_cast %swap3A_1 : vector<16xf32> to vector<16xf32>
    %swap3A_3 = vector.shape_cast %broadcast_in_dim3A_0 : vector<16xf32> to vector<16xf32>
    tpu.vector_store %arg6[%swap3A], %swap3A_3 {strides = array<i32>} : memref<512xf32, #tpu.memory_space<vmem>>, vector<16xf32>,
    %broadcast_in_dim3A_4 = arith.constant 1.000000e+00 : f32
    %broadcast_in_dim3A_5 = vector.broadcast %broadcast_in_dim3A_4 : f32 to vector<16xf32>
    %swap3A_6 = arith.constant 16 : index
    %swap3A_7 = tpu.vector_load %arg6[%swap3A_6] {strides = array<i32>} : memref<512xf32, #tpu.memory_space<vmem>>, vector<16xf32>,
    %swap3A_8 = vector.shape_cast %swap3A_7 : vector<16xf32> to vector<16xf32>
    %swap3A_9 = vector.shape_cast %broadcast_in_dim3A_5 : vector<16xf32> to vector<16xf32>
    tpu.vector_store %arg6[%swap3A_6], %swap3A_9 {strides = array<i32>} : memref<512xf32, #tpu.memory_space<vmem>>, vector<16xf32>,
    %broadcast_in_dim3A_10 = arith.constant 1.000000e+00 : f32
    %broadcast_in_dim3A_11 = vector.broadcast %broadcast_in_dim3A_10 : f32 to vector<16xf32>
    %swap3A_12 = arith.constant 32 : index
    %swap3A_13 = tpu.vector_load %arg6[%swap3A_12] {strides = array<i32>} : memref<512xf32, #tpu.memory_space<vmem>>, vector<16xf32>,
    %swap3A_14 = vector.shape_cast %swap3A_13 : vector<16xf32> to vector<16xf32>
    %swap3A_15 = vector.shape_cast %broadcast_in_dim3A_11 : vector<16xf32> to vector<16xf32>
    tpu.vector_store %arg6[%swap3A_12], %swap3A_15 {strides = array<i32>} : memref<512xf32, #tpu.memory_space<vmem>>, vector<16xf32>,
    %broadcast_in_dim3A_16 = arith.constant 1.000000e+00 : f32
    %broadcast_in_dim3A_17 = vector.broadcast %broadcast_in_dim3A_16 : f32 to vector<16xf32>
    %swap3A_18 = arith.constant 48 : index
    %swap3A_19 = tpu.vector_load %arg6[%swap3A_18] {strides = array<i32>} : memref<512xf32, #tpu.memory_space<vmem>>, vector<16xf32>,
    %swap3A_20 = vector.shape_cast %swap3A_19 : vector<16xf32> to vector<16xf32>
    %swap3A_21 = vector.shape_cast %broadcast_in_dim3A_17 : vector<16xf32> to vector<16xf32>
    tpu.vector_store %arg6[%swap3A_18], %swap3A_21 {strides = array<i32>} : memref<512xf32, #tpu.memory_space<vmem>>, vector<16xf32>,
    %broadcast_in_dim3A_22 = arith.constant 1.000000e+00 : f32
    %broadcast_in_dim3A_23 = vector.broadcast %broadcast_in_dim3A_22 : f32 to vector<16xf32>
    %swap3A_24 = arith.constant 64 : index
    %swap3A_25 = tpu.vector_load %arg6[%swap3A_24] {strides = array<i32>} : memref<512xf32, #tpu.memory_space<vmem>>, vector<16xf32>,
    %swap3A_26 = vector.shape_cast %swap3A_25 : vector<16xf32> to vector<16xf32>
    %swap3A_27 = vector.shape_cast %broadcast_in_dim3A_23 : vector<16xf32> to vector<16xf32>
    tpu.vector_store %arg6[%swap3A_24], %swap3A_27 {strides = array<i32>} : memref<512xf32, #tpu.memory_space<vmem>>, vector<16xf32>,
    %broadcast_in_dim3A_28 = arith.constant 1.000000e+00 : f32
    %broadcast_in_dim3A_29 = vector.broadcast %broadcast_in_dim3A_28 : f32 to vector<16xf32>
    %swap3A_30 = arith.constant 80 : index
    %swap3A_31 = tpu.vector_load %arg6[%swap3A_30] {strides = array<i32>} : memref<512xf32, #tpu.memory_space<vmem>>, vector<16xf32>,
    %swap3A_32 = vector.shape_cast %swap3A_31 : vector<16xf32> to vector<16xf32>
    %swap3A_33 = vector.shape_cast %broadcast_in_dim3A_29 : vector<16xf32> to vector<16xf32>
    tpu.vector_store %arg6[%swap3A_30], %swap3A_33 {strides = array<i32>} : memref<512xf32, #tpu.memory_space<vmem>>, vector<16xf32>,
    %broadcast_in_dim3A_34 = arith.constant 1.000000e+00 : f32
    %broadcast_in_dim3A_35 = vector.broadcast %broadcast_in_dim3A_34 : f32 to vector<16xf32>
    %swap3A_36 = arith.constant 96 : index
    %swap3A_37 = tpu.vector_load %arg6[%swap3A_36] {strides = array<i32>} : memref<512xf32, #tpu.memory_space<vmem>>, vector<16xf32>,
    %swap3A_38 = vector.shape_cast %swap3A_37 : vector<16xf32> to vector<16xf32>
    %swap3A_39 = vector.shape_cast %broadcast_in_dim3A_35 : vector<16xf32> to vector<16xf32>
    tpu.vector_store %arg6[%swap3A_36], %swap3A_39 {strides = array<i32>} : memref<512xf32, #tpu.memory_space<vmem>>, vector<16xf32>,
    %broadcast_in_dim3A_40 = arith.constant 1.000000e+00 : f32
    %broadcast_in_dim3A_41 = vector.broadcast %broadcast_in_dim3A_40 : f32 to vector<16xf32>
    %swap3A_42 = arith.constant 112 : index
    %swap3A_43 = tpu.vector_load %arg6[%swap3A_42] {strides = array<i32>} : memref<512xf32, #tpu.memory_space<vmem>>, vector<16xf32>,
    %swap3A_44 = vector.shape_cast %swap3A_43 : vector<16xf32> to vector<16xf32>
    %swap3A_45 = vector.shape_cast %broadcast_in_dim3A_41 : vector<16xf32> to vector<16xf32>
    tpu.vector_store %arg6[%swap3A_42], %swap3A_45 {strides = array<i32>} : memref<512xf32, #tpu.memory_space<vmem>>, vector<16xf32>,
    %broadcast_in_dim3A_46 = arith.constant 1.000000e+00 : f32
    %broadcast_in_dim3A_47 = vector.broadcast %broadcast_in_dim3A_46 : f32 to vector<16xf32>
    %swap3A_48 = arith.constant 128 : index
    %swap3A_49 = tpu.vector_load %arg6[%swap3A_48] {strides = array<i32>} : memref<512xf32, #tpu.memory_space<vmem>>, vector<16xf32>,
    %swap3A_50 = vector.shape_cast %swap3A_49 : vector<16xf32> to vector<16xf32>
    %swap3A_51 = vector.shape_cast %broadcast_in_dim3A_47 : vector<16xf32> to vector<16xf32>
    tpu.vector_store %arg6[%swap3A_48], %swap3A_51 {strides = array<i32>} : memref<512xf32, #tpu.memory_space<vmem>>, vector<16xf32>,
    %broadcast_in_dim3A_52 = arith.constant 1.000000e+00 : f32
    %broadcast_in_dim3A_53 = vector.broadcast %broadcast_in_dim3A_52 : f32 to vector<16xf32>
    %swap3A_54 = arith.constant 144 : index
    %swap3A_55 = tpu.vector_load %arg6[%swap3A_54] {strides = array<i32>} : memref<512xf32, #tpu.memory_space<vmem>>, vector<16xf32>,
    %swap3A_56 = vector.shape_cast %swap3A_55 : vector<16xf32> to vector<16xf32>
    %swap3A_57 = vector.shape_cast %broadcast_in_dim3A_53 : vector<16xf32> to vector<16xf32>
    tpu.vector_store %arg6[%swap3A_54], %swap3A_57 {strides = array<i32>} : memref<512xf32, #tpu.memory_space<vmem>>, vector<16xf32>,
    %broadcast_in_dim3A_58 = arith.constant 1.000000e+00 : f32
    %broadcast_in_dim3A_59 = vector.broadcast %broadcast_in_dim3A_58 : f32 to vector<16xf32>
    %swap3A_60 = arith.constant 160 : index
    %swap3A_61 = tpu.vector_load %arg6[%swap3A_60] {strides = array<i32>} : memref<512xf32, #tpu.memory_space<vmem>>, vector<16xf32>,
    %swap3A_62 = vector.shape_cast %swap3A_61 : vector<16xf32> to vector<16xf32>
    %swap3A_63 = vector.shape_cast %broadcast_in_dim3A_59 : vector<16xf32> to vector<16xf32>
    tpu.vector_store %arg6[%swap3A_60], %swap3A_63 {strides = array<i32>} : memref<512xf32, #tpu.memory_space<vmem>>, vector<16xf32>,
    %broadcast_in_dim3A_64 = arith.constant 1.000000e+00 : f32
    %broadcast_in_dim3A_65 = vector.broadcast %broadcast_in_dim3A_64 : f32 to vector<16xf32>
    %swap3A_66 = arith.constant 176 : index
    %swap3A_67 = tpu.vector_load %arg6[%swap3A_66] {strides = array<i32>} : memref<512xf32, #tpu.memory_space<vmem>>, vector<16xf32>,
    %swap3A_68 = vector.shape_cast %swap3A_67 : vector<16xf32> to vector<16xf32>
    %swap3A_69 = vector.shape_cast %broadcast_in_dim3A_65 : vector<16xf32> to vector<16xf32>
    tpu.vector_store %arg6[%swap3A_66], %swap3A_69 {strides = array<i32>} : memref<512xf32, #tpu.memory_space<vmem>>, vector<16xf32>,
    %broadcast_in_dim3A_70 = arith.constant 1.000000e+00 : f32
    %broadcast_in_dim3A_71 = vector.broadcast %broadcast_in_dim3A_70 : f32 to vector<16xf32>
    %swap3A_72 = arith.constant 192 : index
    %swap3A_73 = tpu.vector_load %arg6[%swap3A_72] {strides = array<i32>} : memref<512xf32, #tpu.memory_space<vmem>>, vector<16xf32>,
    %swap3A_74 = vector.shape_cast %swap3A_73 : vector<16xf32> to vector<16xf32>
    %swap3A_75 = vector.shape_cast %broadcast_in_dim3A_71 : vector<16xf32> to vector<16xf32>
    tpu.vector_store %arg6[%swap3A_72], %swap3A_75 {strides = array<i32>} : memref<512xf32, #tpu.memory_space<vmem>>, vector<16xf32>,
    %broadcast_in_dim3A_76 = arith.constant 1.000000e+00 : f32
    %broadcast_in_dim3A_77 = vector.broadcast %broadcast_in_dim3A_76 : f32 to vector<16xf32>
    %swap3A_78 = arith.constant 208 : index
    %swap3A_79 = tpu.vector_load %arg6[%swap3A_78] {strides = array<i32>} : memref<512xf32, #tpu.memory_space<vmem>>, vector<16xf32>,
    %swap3A_80 = vector.shape_cast %swap3A_79 : vector<16xf32> to vector<16xf32>
    %swap3A_81 = vector.shape_cast %broadcast_in_dim3A_77 : vector<16xf32> to vector<16xf32>
    tpu.vector_store %arg6[%swap3A_78], %swap3A_81 {strides = array<i32>} : memref<512xf32, #tpu.memory_space<vmem>>, vector<16xf32>,
    %broadcast_in_dim3A_82 = arith.constant 1.000000e+00 : f32
    %broadcast_in_dim3A_83 = vector.broadcast %broadcast_in_dim3A_82 : f32 to vector<16xf32>
    %swap3A_84 = arith.constant 224 : index
    %swap3A_85 = tpu.vector_load %arg6[%swap3A_84] {strides = array<i32>} : memref<512xf32, #tpu.memory_space<vmem>>, vector<16xf32>,
    %swap3A_86 = vector.shape_cast %swap3A_85 : vector<16xf32> to vector<16xf32>
    %swap3A_87 = vector.shape_cast %broadcast_in_dim3A_83 : vector<16xf32> to vector<16xf32>
    tpu.vector_store %arg6[%swap3A_84], %swap3A_87 {strides = array<i32>} : memref<512xf32, #tpu.memory_space<vmem>>, vector<16xf32>,
    %broadcast_in_dim3A_88 = arith.constant 1.000000e+00 : f32
    %broadcast_in_dim3A_89 = vector.broadcast %broadcast_in_dim3A_88 : f32 to vector<16xf32>
    %swap3A_90 = arith.constant 240 : index
    %swap3A_91 = tpu.vector_load %arg6[%swap3A_90] {strides = array<i32>} : memref<512xf32, #tpu.memory_space<vmem>>, vector<16xf32>,
    %swap3A_92 = vector.shape_cast %swap3A_91 : vector<16xf32> to vector<16xf32>
    %swap3A_93 = vector.shape_cast %broadcast_in_dim3A_89 : vector<16xf32> to vector<16xf32>
    tpu.vector_store %arg6[%swap3A_90], %swap3A_93 {strides = array<i32>} : memref<512xf32, #tpu.memory_space<vmem>>, vector<16xf32>,
    %broadcast_in_dim3A_94 = arith.constant 1.000000e+00 : f32
    %broadcast_in_dim3A_95 = vector.broadcast %broadcast_in_dim3A_94 : f32 to vector<16xf32>
    %swap3A_96 = arith.constant 256 : index
    %swap3A_97 = tpu.vector_load %arg6[%swap3A_96] {strides = array<i32>} : memref<512xf32, #tpu.memory_space<vmem>>, vector<16xf32>,
    %swap3A_98 = vector.shape_cast %swap3A_97 : vector<16xf32> to vector<16xf32>
    %swap3A_99 = vector.shape_cast %broadcast_in_dim3A_95 : vector<16xf32> to vector<16xf32>
    tpu.vector_store %arg6[%swap3A_96], %swap3A_99 {strides = array<i32>} : memref<512xf32, #tpu.memory_space<vmem>>, vector<16xf32>,
    %broadcast_in_dim3A_100 = arith.constant 1.000000e+00 : f32
    %broadcast_in_dim3A_101 = vector.broadcast %broadcast_in_dim3A_100 : f32 to vector<16xf32>
    %swap3A_102 = arith.constant 272 : index
    %swap3A_103 = tpu.vector_load %arg6[%swap3A_102] {strides = array<i32>} : memref<512xf32, #tpu.memory_space<vmem>>, vector<16xf32>,
    %swap3A_104 = vector.shape_cast %swap3A_103 : vector<16xf32> to vector<16xf32>
    %swap3A_105 = vector.shape_cast %broadcast_in_dim3A_101 : vector<16xf32> to vector<16xf32>
    tpu.vector_store %arg6[%swap3A_102], %swap3A_105 {strides = array<i32>} : memref<512xf32, #tpu.memory_space<vmem>>, vector<16xf32>,
    %broadcast_in_dim3A_106 = arith.constant 1.000000e+00 : f32
    %broadcast_in_dim3A_107 = vector.broadcast %broadcast_in_dim3A_106 : f32 to vector<16xf32>
    %swap3A_108 = arith.constant 288 : index
    %swap3A_109 = tpu.vector_load %arg6[%swap3A_108] {strides = array<i32>} : memref<512xf32, #tpu.memory_space<vmem>>, vector<16xf32>,
    %swap3A_110 = vector.shape_cast %swap3A_109 : vector<16xf32> to vector<16xf32>
    %swap3A_111 = vector.shape_cast %broadcast_in_dim3A_107 : vector<16xf32> to vector<16xf32>
    tpu.vector_store %arg6[%swap3A_108], %swap3A_111 {strides = array<i32>} : memref<512xf32, #tpu.memory_space<vmem>>, vector<16xf32>,
    %broadcast_in_dim3A_112 = arith.constant 1.000000e+00 : f32
    %broadcast_in_dim3A_113 = vector.broadcast %broadcast_in_dim3A_112 : f32 to vector<16xf32>
    %swap3A_114 = arith.constant 304 : index
    %swap3A_115 = tpu.vector_load %arg6[%swap3A_114] {strides = array<i32>} : memref<512xf32, #tpu.memory_space<vmem>>, vector<16xf32>,
    %swap3A_116 = vector.shape_cast %swap3A_115 : vector<16xf32> to vector<16xf32>
    %swap3A_117 = vector.shape_cast %broadcast_in_dim3A_113 : vector<16xf32> to vector<16xf32>
    tpu.vector_store %arg6[%swap3A_114], %swap3A_117 {strides = array<i32>} : memref<512xf32, #tpu.memory_space<vmem>>, vector<16xf32>,
    %broadcast_in_dim3A_118 = arith.constant 1.000000e+00 : f32
    %broadcast_in_dim3A_119 = vector.broadcast %broadcast_in_dim3A_118 : f32 to vector<16xf32>
    %swap3A_120 = arith.constant 320 : index
    %swap3A_121 = tpu.vector_load %arg6[%swap3A_120] {strides = array<i32>} : memref<512xf32, #tpu.memory_space<vmem>>, vector<16xf32>,
    %swap3A_122 = vector.shape_cast %swap3A_121 : vector<16xf32> to vector<16xf32>
    %swap3A_123 = vector.shape_cast %broadcast_in_dim3A_119 : vector<16xf32> to vector<16xf32>
    tpu.vector_store %arg6[%swap3A_120], %swap3A_123 {strides = array<i32>} : memref<512xf32, #tpu.memory_space<vmem>>, vector<16xf32>,
    %broadcast_in_dim3A_124 = arith.constant 1.000000e+00 : f32
    %broadcast_in_dim3A_125 = vector.broadcast %broadcast_in_dim3A_124 : f32 to vector<16xf32>
    %swap3A_126 = arith.constant 336 : index
    %swap3A_127 = tpu.vector_load %arg6[%swap3A_126] {strides = array<i32>} : memref<512xf32, #tpu.memory_space<vmem>>, vector<16xf32>,
    %swap3A_128 = vector.shape_cast %swap3A_127 : vector<16xf32> to vector<16xf32>
    %swap3A_129 = vector.shape_cast %broadcast_in_dim3A_125 : vector<16xf32> to vector<16xf32>
    tpu.vector_store %arg6[%swap3A_126], %swap3A_129 {strides = array<i32>} : memref<512xf32, #tpu.memory_space<vmem>>, vector<16xf32>,
    %broadcast_in_dim3A_130 = arith.constant 1.000000e+00 : f32
    %broadcast_in_dim3A_131 = vector.broadcast %broadcast_in_dim3A_130 : f32 to vector<16xf32>
    %swap3A_132 = arith.constant 352 : index
    %swap3A_133 = tpu.vector_load %arg6[%swap3A_132] {strides = array<i32>} : memref<512xf32, #tpu.memory_space<vmem>>, vector<16xf32>,
    %swap3A_134 = vector.shape_cast %swap3A_133 : vector<16xf32> to vector<16xf32>
    %swap3A_135 = vector.shape_cast %broadcast_in_dim3A_131 : vector<16xf32> to vector<16xf32>
    tpu.vector_store %arg6[%swap3A_132], %swap3A_135 {strides = array<i32>} : memref<512xf32, #tpu.memory_space<vmem>>, vector<16xf32>,
    %broadcast_in_dim3A_136 = arith.constant 1.000000e+00 : f32
    %broadcast_in_dim3A_137 = vector.broadcast %broadcast_in_dim3A_136 : f32 to vector<16xf32>
    %swap3A_138 = arith.constant 368 : index
    %swap3A_139 = tpu.vector_load %arg6[%swap3A_138] {strides = array<i32>} : memref<512xf32, #tpu.memory_space<vmem>>, vector<16xf32>,
    %swap3A_140 = vector.shape_cast %swap3A_139 : vector<16xf32> to vector<16xf32>
    %swap3A_141 = vector.shape_cast %broadcast_in_dim3A_137 : vector<16xf32> to vector<16xf32>
    tpu.vector_store %arg6[%swap3A_138], %swap3A_141 {strides = array<i32>} : memref<512xf32, #tpu.memory_space<vmem>>, vector<16xf32>,
    %broadcast_in_dim3A_142 = arith.constant 1.000000e+00 : f32
    %broadcast_in_dim3A_143 = vector.broadcast %broadcast_in_dim3A_142 : f32 to vector<16xf32>
    %swap3A_144 = arith.constant 384 : index
    %swap3A_145 = tpu.vector_load %arg6[%swap3A_144] {strides = array<i32>} : memref<512xf32, #tpu.memory_space<vmem>>, vector<16xf32>,
    %swap3A_146 = vector.shape_cast %swap3A_145 : vector<16xf32> to vector<16xf32>
    %swap3A_147 = vector.shape_cast %broadcast_in_dim3A_143 : vector<16xf32> to vector<16xf32>
    tpu.vector_store %arg6[%swap3A_144], %swap3A_147 {strides = array<i32>} : memref<512xf32, #tpu.memory_space<vmem>>, vector<16xf32>,
    %broadcast_in_dim3A_148 = arith.constant 1.000000e+00 : f32
    %broadcast_in_dim3A_149 = vector.broadcast %broadcast_in_dim3A_148 : f32 to vector<16xf32>
    %swap3A_150 = arith.constant 400 : index
    %swap3A_151 = tpu.vector_load %arg6[%swap3A_150] {strides = array<i32>} : memref<512xf32, #tpu.memory_space<vmem>>, vector<16xf32>,
    %swap3A_152 = vector.shape_cast %swap3A_151 : vector<16xf32> to vector<16xf32>
    %swap3A_153 = vector.shape_cast %broadcast_in_dim3A_149 : vector<16xf32> to vector<16xf32>
    tpu.vector_store %arg6[%swap3A_150], %swap3A_153 {strides = array<i32>} : memref<512xf32, #tpu.memory_space<vmem>>, vector<16xf32>,
    %broadcast_in_dim3A_154 = arith.constant 1.000000e+00 : f32
    %broadcast_in_dim3A_155 = vector.broadcast %broadcast_in_dim3A_154 : f32 to vector<16xf32>
    %swap3A_156 = arith.constant 416 : index
    %swap3A_157 = tpu.vector_load %arg6[%swap3A_156] {strides = array<i32>} : memref<512xf32, #tpu.memory_space<vmem>>, vector<16xf32>,
    %swap3A_158 = vector.shape_cast %swap3A_157 : vector<16xf32> to vector<16xf32>
    %swap3A_159 = vector.shape_cast %broadcast_in_dim3A_155 : vector<16xf32> to vector<16xf32>
    tpu.vector_store %arg6[%swap3A_156], %swap3A_159 {strides = array<i32>} : memref<512xf32, #tpu.memory_space<vmem>>, vector<16xf32>,
    %broadcast_in_dim3A_160 = arith.constant 1.000000e+00 : f32
    %broadcast_in_dim3A_161 = vector.broadcast %broadcast_in_dim3A_160 : f32 to vector<16xf32>
    %swap3A_162 = arith.constant 432 : index
    %swap3A_163 = tpu.vector_load %arg6[%swap3A_162] {strides = array<i32>} : memref<512xf32, #tpu.memory_space<vmem>>, vector<16xf32>,
    %swap3A_164 = vector.shape_cast %swap3A_163 : vector<16xf32> to vector<16xf32>
    %swap3A_165 = vector.shape_cast %broadcast_in_dim3A_161 : vector<16xf32> to vector<16xf32>
    tpu.vector_store %arg6[%swap3A_162], %swap3A_165 {strides = array<i32>} : memref<512xf32, #tpu.memory_space<vmem>>, vector<16xf32>,
    %broadcast_in_dim3A_166 = arith.constant 1.000000e+00 : f32
    %broadcast_in_dim3A_167 = vector.broadcast %broadcast_in_dim3A_166 : f32 to vector<16xf32>
    %swap3A_168 = arith.constant 448 : index
    %swap3A_169 = tpu.vector_load %arg6[%swap3A_168] {strides = array<i32>} : memref<512xf32, #tpu.memory_space<vmem>>, vector<16xf32>,
    %swap3A_170 = vector.shape_cast %swap3A_169 : vector<16xf32> to vector<16xf32>
    %swap3A_171 = vector.shape_cast %broadcast_in_dim3A_167 : vector<16xf32> to vector<16xf32>
    tpu.vector_store %arg6[%swap3A_168], %swap3A_171 {strides = array<i32>} : memref<512xf32, #tpu.memory_space<vmem>>, vector<16xf32>,
    %broadcast_in_dim3A_172 = arith.constant 1.000000e+00 : f32
    %broadcast_in_dim3A_173 = vector.broadcast %broadcast_in_dim3A_172 : f32 to vector<16xf32>
    %swap3A_174 = arith.constant 464 : index
    %swap3A_175 = tpu.vector_load %arg6[%swap3A_174] {strides = array<i32>} : memref<512xf32, #tpu.memory_space<vmem>>, vector<16xf32>,
    %swap3A_176 = vector.shape_cast %swap3A_175 : vector<16xf32> to vector<16xf32>
    %swap3A_177 = vector.shape_cast %broadcast_in_dim3A_173 : vector<16xf32> to vector<16xf32>
    tpu.vector_store %arg6[%swap3A_174], %swap3A_177 {strides = array<i32>} : memref<512xf32, #tpu.memory_space<vmem>>, vector<16xf32>,
    %broadcast_in_dim3A_178 = arith.constant 1.000000e+00 : f32
    %broadcast_in_dim3A_179 = vector.broadcast %broadcast_in_dim3A_178 : f32 to vector<16xf32>
    %swap3A_180 = arith.constant 480 : index
    %swap3A_181 = tpu.vector_load %arg6[%swap3A_180] {strides = array<i32>} : memref<512xf32, #tpu.memory_space<vmem>>, vector<16xf32>,
    %swap3A_182 = vector.shape_cast %swap3A_181 : vector<16xf32> to vector<16xf32>
    %swap3A_183 = vector.shape_cast %broadcast_in_dim3A_179 : vector<16xf32> to vector<16xf32>
    tpu.vector_store %arg6[%swap3A_180], %swap3A_183 {strides = array<i32>} : memref<512xf32, #tpu.memory_space<vmem>>, vector<16xf32>,
    %broadcast_in_dim3A_184 = arith.constant 1.000000e+00 : f32
    %broadcast_in_dim3A_185 = vector.broadcast %broadcast_in_dim3A_184 : f32 to vector<16xf32>
    %swap3A_186 = arith.constant 496 : index
    %swap3A_187 = tpu.vector_load %arg6[%swap3A_186] {strides = array<i32>} : memref<512xf32, #tpu.memory_space<vmem>>, vector<16xf32>,
    %swap3A_188 = vector.shape_cast %swap3A_187 : vector<16xf32> to vector<16xf32>
    %swap3A_189 = vector.shape_cast %broadcast_in_dim3A_185 : vector<16xf32> to vector<16xf32>
    tpu.vector_store %arg6[%swap3A_186], %swap3A_189 {strides = array<i32>} : memref<512xf32, #tpu.memory_space<vmem>>, vector<16xf32>,
    %mul3A = arith.constant 6272 : i32
    %mul3A_190 = arith.muli %arg1, %mul3A : i32
    %mul3A_191 = arith.constant 6272 : i32
    %mul3A_192 = arith.muli %arg1, %mul3A_191 : i32
    "tpu.region"() ({
      %run_scoped3A_223 = tpu.sem_alloc : memref<!tpu.dma_semaphore, #tpu.memory_space<semaphore_mem>>
      %dma_start3A = tpu.memref_slice %arg7[%mul3A_192] : memref<100352xf32, #tpu.memory_space<vmem_shared>> -> memref<6272xf32, #tpu.memory_space<vmem_shared>>
      %dma_start3A_224 = tpu.memref_slice %arg3[%mul3A_190] : memref<100352xf32, #tpu.memory_space<hbm>> -> memref<6272xf32, #tpu.memory_space<hbm>>
      tpu.enqueue_dma source(%dma_start3A_224 : memref<6272xf32, #tpu.memory_space<hbm>>) target(%dma_start3A : memref<6272xf32, #tpu.memory_space<vmem_shared>>) target_semaphore(%run_scoped3A_223 : memref<!tpu.dma_semaphore, #tpu.memory_space<semaphore_mem>>)
      %dma_wait3A_225 = tpu.memref_slice %arg7[%mul3A_192] : memref<100352xf32, #tpu.memory_space<vmem_shared>> -> memref<6272xf32, #tpu.memory_space<vmem_shared>>
      %dma_wait3A_226 = tpu.memref_slice %arg3[%mul3A_190] : memref<100352xf32, #tpu.memory_space<hbm>> -> memref<6272xf32, #tpu.memory_space<hbm>>
      tpu.wait_dma2 semaphore(%run_scoped3A_223 : memref<!tpu.dma_semaphore, #tpu.memory_space<semaphore_mem>>) src(%dma_wait3A_226 : memref<6272xf32, #tpu.memory_space<hbm>>) dst(%dma_wait3A_225 : memref<6272xf32, #tpu.memory_space<vmem_shared>>)
      tpu.yield
    }) : () -> ()
    %barrier3A = arith.constant 0 : index
    tpu.barrier barrier_id(%barrier3A)
    %mul3A_193 = arith.constant 2 : i32
    %mul3A_194 = arith.muli %arg1, %mul3A_193 : i32
    %add3A = arith.addi %mul3A_194, %arg0 : i32
    %mul3A_195 = arith.constant 100 : i32
    %mul3A_196 = arith.muli %add3A, %mul3A_195 : i32
    %run_scoped3A = arith.constant 0 : i32
    "tpu.region"() ({
      %run_scoped3A_223 = tpu.sem_alloc : memref<!tpu.dma_semaphore, #tpu.memory_space<semaphore_mem>>
      %dma_start3A = arith.constant 0 : i32
      %dma_start3A_224 = arith.constant 0 : i32
      %dma_start3A_225 = tpu.memref_slice %arg5[%run_scoped3A, %dma_start3A, %dma_start3A_224] : memref<2x2x512xi32, #tpu.memory_space<vmem>> -> memref<1x2x512xi32, #tpu.memory_space<vmem>>
      %dma_start3A_226 = tpu.memref_squeeze %dma_start3A_225 : memref<1x2x512xi32, #tpu.memory_space<vmem>> -> memref<2x512xi32, #tpu.memory_space<vmem>>
      %dma_start3A_227 = arith.constant 0 : i32
      %dma_start3A_228 = tpu.memref_slice %arg2[%mul3A_196, %dma_start3A_227] : memref<3200x512xi32, #tpu.memory_space<hbm>> -> memref<2x512xi32, #tpu.memory_space<hbm>>
      %dma_start3A_229 = arith.constant 0 : i32
      %dma_start3A_230 = arith.constant 0 : i32
      %dma_start3A_231 = tpu.memref_slice %arg5[%run_scoped3A, %dma_start3A_229, %dma_start3A_230] : memref<2x2x512xi32, #tpu.memory_space<vmem>> -> memref<1x2x512xi32, #tpu.memory_space<vmem>>
      %dma_start3A_232 = tpu.memref_squeeze %dma_start3A_231 : memref<1x2x512xi32, #tpu.memory_space<vmem>> -> memref<2x512xi32, #tpu.memory_space<vmem>>
      %dma_start3A_233 = arith.constant 0 : i32
      %dma_start3A_234 = tpu.memref_slice %arg2[%mul3A_196, %dma_start3A_233] : memref<3200x512xi32, #tpu.memory_space<hbm>> -> memref<2x512xi32, #tpu.memory_space<hbm>>
      tpu.enqueue_dma source(%dma_start3A_234 : memref<2x512xi32, #tpu.memory_space<hbm>>) target(%dma_start3A_232 : memref<2x512xi32, #tpu.memory_space<vmem>>) target_semaphore(%run_scoped3A_223 : memref<!tpu.dma_semaphore, #tpu.memory_space<semaphore_mem>>)
      %dma_wait3A_235 = arith.constant 0 : i32
      %dma_wait3A_236 = arith.constant 0 : i32
      %dma_wait3A_237 = tpu.memref_slice %arg5[%run_scoped3A, %dma_wait3A_235, %dma_wait3A_236] : memref<2x2x512xi32, #tpu.memory_space<vmem>> -> memref<1x2x512xi32, #tpu.memory_space<vmem>>
      %dma_wait3A_238 = tpu.memref_squeeze %dma_wait3A_237 : memref<1x2x512xi32, #tpu.memory_space<vmem>> -> memref<2x512xi32, #tpu.memory_space<vmem>>
      %dma_wait3A_239 = arith.constant 0 : i32
      %dma_wait3A_240 = tpu.memref_slice %arg2[%mul3A_196, %dma_wait3A_239] : memref<3200x512xi32, #tpu.memory_space<hbm>> -> memref<2x512xi32, #tpu.memory_space<hbm>>
      %dma_wait3A_241 = arith.constant 0 : i32
      %dma_wait3A_242 = arith.constant 0 : i32
      %dma_wait3A_243 = tpu.memref_slice %arg5[%run_scoped3A, %dma_wait3A_241, %dma_wait3A_242] : memref<2x2x512xi32, #tpu.memory_space<vmem>> -> memref<1x2x512xi32, #tpu.memory_space<vmem>>
      %dma_wait3A_244 = tpu.memref_squeeze %dma_wait3A_243 : memref<1x2x512xi32, #tpu.memory_space<vmem>> -> memref<2x512xi32, #tpu.memory_space<vmem>>
      %dma_wait3A_245 = arith.constant 0 : i32
      %dma_wait3A_246 = tpu.memref_slice %arg2[%mul3A_196, %dma_wait3A_245] : memref<3200x512xi32, #tpu.memory_space<hbm>> -> memref<2x512xi32, #tpu.memory_space<hbm>>
      tpu.wait_dma2 semaphore(%run_scoped3A_223 : memref<!tpu.dma_semaphore, #tpu.memory_space<semaphore_mem>>) src(%dma_wait3A_246 : memref<2x512xi32, #tpu.memory_space<hbm>>) dst(%dma_wait3A_244 : memref<2x512xi32, #tpu.memory_space<vmem>>)
      tpu.yield
    }) : () -> ()
    %scan3A = arith.constant 0 : i32
    %scan3A_197 = arith.constant 0 : i32
    %scan3A_198 = arith.constant 25 : i32
    %scan3A_199 = arith.addi %scan3A_197, %scan3A_198 : i32
    %scan3A_200 = arith.constant 1 : i32
    scf.for %scan3A_223 = %scan3A_197 to %scan3A_199 step %scan3A_200  : i32 {
      %mul3A_224 = arith.constant 2 : i32
      %mul3A_225 = arith.muli %mul3A_224, %scan3A_223 : i32
      %ge3A = arith.constant 1 : i32
      %ge3A_226 = arith.cmpi sge, %mul3A_225, %ge3A : i32
      %convert_element_type3A = arith.extui %ge3A_226 : i1 to i32
      %cond3A = arith.constant 0 : i32
      %cond3A_227 = arith.cmpi ne, %convert_element_type3A, %cond3A : i32
      scf.if %cond3A_227 {
        %dma_wait3A_277 = arith.constant 1 : i32
        %dma_wait3A_278 = arith.constant 0 : i32
        %dma_wait3A_279 = arith.constant 0 : i32
        %dma_wait3A_280 = tpu.memref_slice %arg5[%dma_wait3A_277, %dma_wait3A_278, %dma_wait3A_279] : memref<2x2x512xi32, #tpu.memory_space<vmem>> -> memref<1x1x512xi32, #tpu.memory_space<vmem>>
        %dma_wait3A_281 = tpu.memref_squeeze %dma_wait3A_280 : memref<1x1x512xi32, #tpu.memory_space<vmem>> -> memref<512xi32, #tpu.memory_space<vmem>>
        %dma_wait3A_282 = arith.constant 0 : i32
        %dma_wait3A_283 = tpu.memref_slice %arg7[%dma_wait3A_282] : memref<100352xf32, #tpu.memory_space<vmem_shared>> -> memref<100352xf32, #tpu.memory_space<vmem_shared>>
        tpu.wait_indirect_dma semaphore(%arg9 : memref<!tpu.dma_semaphore, #tpu.memory_space<semaphore_mem>>) src(%arg6 : memref<512xf32, #tpu.memory_space<vmem>>) dst(%dma_wait3A_283 : memref<100352xf32, #tpu.memory_space<vmem_shared>>)
        %dma_wait3A_284 = arith.constant 1 : i32
        %dma_wait3A_285 = arith.constant 1 : i32
        %dma_wait3A_286 = arith.constant 0 : i32
        %dma_wait3A_287 = tpu.memref_slice %arg5[%dma_wait3A_284, %dma_wait3A_285, %dma_wait3A_286] : memref<2x2x512xi32, #tpu.memory_space<vmem>> -> memref<1x1x512xi32, #tpu.memory_space<vmem>>
        %dma_wait3A_288 = tpu.memref_squeeze %dma_wait3A_287 : memref<1x1x512xi32, #tpu.memory_space<vmem>> -> memref<512xi32, #tpu.memory_space<vmem>>
        %dma_wait3A_289 = arith.constant 0 : i32
        %dma_wait3A_290 = tpu.memref_slice %arg7[%dma_wait3A_289] : memref<100352xf32, #tpu.memory_space<vmem_shared>> -> memref<100352xf32, #tpu.memory_space<vmem_shared>>
        tpu.wait_indirect_dma semaphore(%arg9 : memref<!tpu.dma_semaphore, #tpu.memory_space<semaphore_mem>>) src(%arg6 : memref<512xf32, #tpu.memory_space<vmem>>) dst(%dma_wait3A_290 : memref<100352xf32, #tpu.memory_space<vmem_shared>>)
      } else {
      }
      %add3A_228 = arith.constant 1 : i32
      %add3A_229 = arith.addi %mul3A_225, %add3A_228 : i32
      %lt3A = arith.constant 50 : i32
      %lt3A_230 = arith.cmpi slt, %add3A_229, %lt3A : i32
      %convert_element_type3A_231 = arith.extui %lt3A_230 : i1 to i32
      %cond3A_232 = arith.constant 0 : i32
      %cond3A_233 = arith.cmpi ne, %convert_element_type3A_231, %cond3A_232 : i32
      scf.if %cond3A_233 {
        %add3A_277 = arith.constant 1 : i32
        %add3A_278 = arith.addi %mul3A_225, %add3A_277 : i32
        %mul3A_279 = arith.constant 2 : i32
        %mul3A_280 = arith.muli %add3A_278, %mul3A_279 : i32
        %add3A_281 = arith.addi %mul3A_196, %mul3A_280 : i32
        %run_scoped3A_282 = arith.constant 1 : i32
        "tpu.region"() ({
          %run_scoped3A_283 = tpu.sem_alloc : memref<!tpu.dma_semaphore, #tpu.memory_space<semaphore_mem>>
          %dma_start3A_284 = arith.constant 0 : i32
          %dma_start3A_285 = arith.constant 0 : i32
          %dma_start3A_286 = tpu.memref_slice %arg5[%run_scoped3A_282, %dma_start3A_284, %dma_start3A_285] : memref<2x2x512xi32, #tpu.memory_space<vmem>> -> memref<1x2x512xi32, #tpu.memory_space<vmem>>
          %dma_start3A_287 = tpu.memref_squeeze %dma_start3A_286 : memref<1x2x512xi32, #tpu.memory_space<vmem>> -> memref<2x512xi32, #tpu.memory_space<vmem>>
          %dma_start3A_288 = arith.constant 0 : i32
          %dma_start3A_289 = tpu.memref_slice %arg2[%add3A_281, %dma_start3A_288] : memref<3200x512xi32, #tpu.memory_space<hbm>> -> memref<2x512xi32, #tpu.memory_space<hbm>>
          %dma_start3A_290 = arith.constant 0 : i32
          %dma_start3A_291 = arith.constant 0 : i32
          %dma_start3A_292 = tpu.memref_slice %arg5[%run_scoped3A_282, %dma_start3A_290, %dma_start3A_291] : memref<2x2x512xi32, #tpu.memory_space<vmem>> -> memref<1x2x512xi32, #tpu.memory_space<vmem>>
          %dma_start3A_293 = tpu.memref_squeeze %dma_start3A_292 : memref<1x2x512xi32, #tpu.memory_space<vmem>> -> memref<2x512xi32, #tpu.memory_space<vmem>>
          %dma_start3A_294 = arith.constant 0 : i32
          %dma_start3A_295 = tpu.memref_slice %arg2[%add3A_281, %dma_start3A_294] : memref<3200x512xi32, #tpu.memory_space<hbm>> -> memref<2x512xi32, #tpu.memory_space<hbm>>
          tpu.enqueue_dma source(%dma_start3A_295 : memref<2x512xi32, #tpu.memory_space<hbm>>) target(%dma_start3A_293 : memref<2x512xi32, #tpu.memory_space<vmem>>) target_semaphore(%run_scoped3A_283 : memref<!tpu.dma_semaphore, #tpu.memory_space<semaphore_mem>>)
          %dma_wait3A_296 = arith.constant 0 : i32
          %dma_wait3A_297 = arith.constant 0 : i32
          %dma_wait3A_298 = tpu.memref_slice %arg5[%run_scoped3A_282, %dma_wait3A_296, %dma_wait3A_297] : memref<2x2x512xi32, #tpu.memory_space<vmem>> -> memref<1x2x512xi32, #tpu.memory_space<vmem>>
          %dma_wait3A_299 = tpu.memref_squeeze %dma_wait3A_298 : memref<1x2x512xi32, #tpu.memory_space<vmem>> -> memref<2x512xi32, #tpu.memory_space<vmem>>
          %dma_wait3A_300 = arith.constant 0 : i32
          %dma_wait3A_301 = tpu.memref_slice %arg2[%add3A_281, %dma_wait3A_300] : memref<3200x512xi32, #tpu.memory_space<hbm>> -> memref<2x512xi32, #tpu.memory_space<hbm>>
          %dma_wait3A_302 = arith.constant 0 : i32
          %dma_wait3A_303 = arith.constant 0 : i32
          %dma_wait3A_304 = tpu.memref_slice %arg5[%run_scoped3A_282, %dma_wait3A_302, %dma_wait3A_303] : memref<2x2x512xi32, #tpu.memory_space<vmem>> -> memref<1x2x512xi32, #tpu.memory_space<vmem>>
          %dma_wait3A_305 = tpu.memref_squeeze %dma_wait3A_304 : memref<1x2x512xi32, #tpu.memory_space<vmem>> -> memref<2x512xi32, #tpu.memory_space<vmem>>
          %dma_wait3A_306 = arith.constant 0 : i32
          %dma_wait3A_307 = tpu.memref_slice %arg2[%add3A_281, %dma_wait3A_306] : memref<3200x512xi32, #tpu.memory_space<hbm>> -> memref<2x512xi32, #tpu.memory_space<hbm>>
          tpu.wait_dma2 semaphore(%run_scoped3A_283 : memref<!tpu.dma_semaphore, #tpu.memory_space<semaphore_mem>>) src(%dma_wait3A_307 : memref<2x512xi32, #tpu.memory_space<hbm>>) dst(%dma_wait3A_305 : memref<2x512xi32, #tpu.memory_space<vmem>>)
          tpu.yield
        }) : () -> ()
      } else {
      }
      %dma_start3A = arith.constant 0 : i32
      %dma_start3A_234 = arith.constant 0 : i32
      %dma_start3A_235 = arith.constant 0 : i32
      %dma_start3A_236 = tpu.memref_slice %arg5[%dma_start3A, %dma_start3A_234, %dma_start3A_235] : memref<2x2x512xi32, #tpu.memory_space<vmem>> -> memref<1x1x512xi32, #tpu.memory_space<vmem>>
      %dma_start3A_237 = tpu.memref_squeeze %dma_start3A_236 : memref<1x1x512xi32, #tpu.memory_space<vmem>> -> memref<512xi32, #tpu.memory_space<vmem>>
      %dma_start3A_238 = arith.constant 0 : i32
      %dma_start3A_239 = tpu.memref_slice %arg7[%dma_start3A_238] : memref<100352xf32, #tpu.memory_space<vmem_shared>> -> memref<100352xf32, #tpu.memory_space<vmem_shared>>
      tpu.enqueue_indirect_dma source(%arg6 : memref<512xf32, #tpu.memory_space<vmem>>) target(%dma_start3A_239 : memref<100352xf32, #tpu.memory_space<vmem_shared>>) offsets(%dma_start3A_237 : memref<512xi32, #tpu.memory_space<vmem>>) semaphore(%arg8 : memref<!tpu.dma_semaphore, #tpu.memory_space<semaphore_mem>>) {add = true}
      %dma_start3A_240 = arith.constant 0 : i32
      %dma_start3A_241 = arith.constant 1 : i32
      %dma_start3A_242 = arith.constant 0 : i32
      %dma_start3A_243 = tpu.memref_slice %arg5[%dma_start3A_240, %dma_start3A_241, %dma_start3A_242] : memref<2x2x512xi32, #tpu.memory_space<vmem>> -> memref<1x1x512xi32, #tpu.memory_space<vmem>>
      %dma_start3A_244 = tpu.memref_squeeze %dma_start3A_243 : memref<1x1x512xi32, #tpu.memory_space<vmem>> -> memref<512xi32, #tpu.memory_space<vmem>>
      %dma_start3A_245 = arith.constant 0 : i32
      %dma_start3A_246 = tpu.memref_slice %arg7[%dma_start3A_245] : memref<100352xf32, #tpu.memory_space<vmem_shared>> -> memref<100352xf32, #tpu.memory_space<vmem_shared>>
      tpu.enqueue_indirect_dma source(%arg6 : memref<512xf32, #tpu.memory_space<vmem>>) target(%dma_start3A_246 : memref<100352xf32, #tpu.memory_space<vmem_shared>>) offsets(%dma_start3A_244 : memref<512xi32, #tpu.memory_space<vmem>>) semaphore(%arg8 : memref<!tpu.dma_semaphore, #tpu.memory_space<semaphore_mem>>) {add = true}
      %mul3A_247 = arith.constant 2 : i32
      %mul3A_248 = arith.muli %mul3A_247, %scan3A_223 : i32
      %add3A_249 = arith.constant 1 : i32
      %add3A_250 = arith.addi %mul3A_248, %add3A_249 : i32
      %ge3A_251 = arith.constant 1 : i32
      %ge3A_252 = arith.cmpi sge, %add3A_250, %ge3A_251 : i32
      %convert_element_type3A_253 = arith.extui %ge3A_252 : i1 to i32
      %cond3A_254 = arith.constant 0 : i32
      %cond3A_255 = arith.cmpi ne, %convert_element_type3A_253, %cond3A_254 : i32
      scf.if %cond3A_255 {
        %dma_wait3A_277 = arith.constant 0 : i32
        %dma_wait3A_278 = arith.constant 0 : i32
        %dma_wait3A_279 = arith.constant 0 : i32
        %dma_wait3A_280 = tpu.memref_slice %arg5[%dma_wait3A_277, %dma_wait3A_278, %dma_wait3A_279] : memref<2x2x512xi32, #tpu.memory_space<vmem>> -> memref<1x1x512xi32, #tpu.memory_space<vmem>>
        %dma_wait3A_281 = tpu.memref_squeeze %dma_wait3A_280 : memref<1x1x512xi32, #tpu.memory_space<vmem>> -> memref<512xi32, #tpu.memory_space<vmem>>
        %dma_wait3A_282 = arith.constant 0 : i32
        %dma_wait3A_283 = tpu.memref_slice %arg7[%dma_wait3A_282] : memref<100352xf32, #tpu.memory_space<vmem_shared>> -> memref<100352xf32, #tpu.memory_space<vmem_shared>>
        tpu.wait_indirect_dma semaphore(%arg8 : memref<!tpu.dma_semaphore, #tpu.memory_space<semaphore_mem>>) src(%arg6 : memref<512xf32, #tpu.memory_space<vmem>>) dst(%dma_wait3A_283 : memref<100352xf32, #tpu.memory_space<vmem_shared>>)
        %dma_wait3A_284 = arith.constant 0 : i32
        %dma_wait3A_285 = arith.constant 1 : i32
        %dma_wait3A_286 = arith.constant 0 : i32
        %dma_wait3A_287 = tpu.memref_slice %arg5[%dma_wait3A_284, %dma_wait3A_285, %dma_wait3A_286] : memref<2x2x512xi32, #tpu.memory_space<vmem>> -> memref<1x1x512xi32, #tpu.memory_space<vmem>>
        %dma_wait3A_288 = tpu.memref_squeeze %dma_wait3A_287 : memref<1x1x512xi32, #tpu.memory_space<vmem>> -> memref<512xi32, #tpu.memory_space<vmem>>
        %dma_wait3A_289 = arith.constant 0 : i32
        %dma_wait3A_290 = tpu.memref_slice %arg7[%dma_wait3A_289] : memref<100352xf32, #tpu.memory_space<vmem_shared>> -> memref<100352xf32, #tpu.memory_space<vmem_shared>>
        tpu.wait_indirect_dma semaphore(%arg8 : memref<!tpu.dma_semaphore, #tpu.memory_space<semaphore_mem>>) src(%arg6 : memref<512xf32, #tpu.memory_space<vmem>>) dst(%dma_wait3A_290 : memref<100352xf32, #tpu.memory_space<vmem_shared>>)
      } else {
      }
      %add3A_256 = arith.constant 1 : i32
      %add3A_257 = arith.addi %add3A_250, %add3A_256 : i32
      %lt3A_258 = arith.constant 50 : i32
      %lt3A_259 = arith.cmpi slt, %add3A_257, %lt3A_258 : i32
      %convert_element_type3A_260 = arith.extui %lt3A_259 : i1 to i32
      %cond3A_261 = arith.constant 0 : i32
      %cond3A_262 = arith.cmpi ne, %convert_element_type3A_260, %cond3A_261 : i32
      scf.if %cond3A_262 {
        %add3A_277 = arith.constant 1 : i32
        %add3A_278 = arith.addi %add3A_250, %add3A_277 : i32
        %mul3A_279 = arith.constant 2 : i32
        %mul3A_280 = arith.muli %add3A_278, %mul3A_279 : i32
        %add3A_281 = arith.addi %mul3A_196, %mul3A_280 : i32
        %run_scoped3A_282 = arith.constant 0 : i32
        "tpu.region"() ({
          %run_scoped3A_283 = tpu.sem_alloc : memref<!tpu.dma_semaphore, #tpu.memory_space<semaphore_mem>>
          %dma_start3A_284 = arith.constant 0 : i32
          %dma_start3A_285 = arith.constant 0 : i32
          %dma_start3A_286 = tpu.memref_slice %arg5[%run_scoped3A_282, %dma_start3A_284, %dma_start3A_285] : memref<2x2x512xi32, #tpu.memory_space<vmem>> -> memref<1x2x512xi32, #tpu.memory_space<vmem>>
          %dma_start3A_287 = tpu.memref_squeeze %dma_start3A_286 : memref<1x2x512xi32, #tpu.memory_space<vmem>> -> memref<2x512xi32, #tpu.memory_space<vmem>>
          %dma_start3A_288 = arith.constant 0 : i32
          %dma_start3A_289 = tpu.memref_slice %arg2[%add3A_281, %dma_start3A_288] : memref<3200x512xi32, #tpu.memory_space<hbm>> -> memref<2x512xi32, #tpu.memory_space<hbm>>
          %dma_start3A_290 = arith.constant 0 : i32
          %dma_start3A_291 = arith.constant 0 : i32
          %dma_start3A_292 = tpu.memref_slice %arg5[%run_scoped3A_282, %dma_start3A_290, %dma_start3A_291] : memref<2x2x512xi32, #tpu.memory_space<vmem>> -> memref<1x2x512xi32, #tpu.memory_space<vmem>>
          %dma_start3A_293 = tpu.memref_squeeze %dma_start3A_292 : memref<1x2x512xi32, #tpu.memory_space<vmem>> -> memref<2x512xi32, #tpu.memory_space<vmem>>
          %dma_start3A_294 = arith.constant 0 : i32
          %dma_start3A_295 = tpu.memref_slice %arg2[%add3A_281, %dma_start3A_294] : memref<3200x512xi32, #tpu.memory_space<hbm>> -> memref<2x512xi32, #tpu.memory_space<hbm>>
          tpu.enqueue_dma source(%dma_start3A_295 : memref<2x512xi32, #tpu.memory_space<hbm>>) target(%dma_start3A_293 : memref<2x512xi32, #tpu.memory_space<vmem>>) target_semaphore(%run_scoped3A_283 : memref<!tpu.dma_semaphore, #tpu.memory_space<semaphore_mem>>)
          %dma_wait3A_296 = arith.constant 0 : i32
          %dma_wait3A_297 = arith.constant 0 : i32
          %dma_wait3A_298 = tpu.memref_slice %arg5[%run_scoped3A_282, %dma_wait3A_296, %dma_wait3A_297] : memref<2x2x512xi32, #tpu.memory_space<vmem>> -> memref<1x2x512xi32, #tpu.memory_space<vmem>>
          %dma_wait3A_299 = tpu.memref_squeeze %dma_wait3A_298 : memref<1x2x512xi32, #tpu.memory_space<vmem>> -> memref<2x512xi32, #tpu.memory_space<vmem>>
          %dma_wait3A_300 = arith.constant 0 : i32
          %dma_wait3A_301 = tpu.memref_slice %arg2[%add3A_281, %dma_wait3A_300] : memref<3200x512xi32, #tpu.memory_space<hbm>> -> memref<2x512xi32, #tpu.memory_space<hbm>>
          %dma_wait3A_302 = arith.constant 0 : i32
          %dma_wait3A_303 = arith.constant 0 : i32
          %dma_wait3A_304 = tpu.memref_slice %arg5[%run_scoped3A_282, %dma_wait3A_302, %dma_wait3A_303] : memref<2x2x512xi32, #tpu.memory_space<vmem>> -> memref<1x2x512xi32, #tpu.memory_space<vmem>>
          %dma_wait3A_305 = tpu.memref_squeeze %dma_wait3A_304 : memref<1x2x512xi32, #tpu.memory_space<vmem>> -> memref<2x512xi32, #tpu.memory_space<vmem>>
          %dma_wait3A_306 = arith.constant 0 : i32
          %dma_wait3A_307 = tpu.memref_slice %arg2[%add3A_281, %dma_wait3A_306] : memref<3200x512xi32, #tpu.memory_space<hbm>> -> memref<2x512xi32, #tpu.memory_space<hbm>>
          tpu.wait_dma2 semaphore(%run_scoped3A_283 : memref<!tpu.dma_semaphore, #tpu.memory_space<semaphore_mem>>) src(%dma_wait3A_307 : memref<2x512xi32, #tpu.memory_space<hbm>>) dst(%dma_wait3A_305 : memref<2x512xi32, #tpu.memory_space<vmem>>)
          tpu.yield
        }) : () -> ()
      } else {
      }
      %dma_start3A_263 = arith.constant 1 : i32
      %dma_start3A_264 = arith.constant 0 : i32
      %dma_start3A_265 = arith.constant 0 : i32
      %dma_start3A_266 = tpu.memref_slice %arg5[%dma_start3A_263, %dma_start3A_264, %dma_start3A_265] : memref<2x2x512xi32, #tpu.memory_space<vmem>> -> memref<1x1x512xi32, #tpu.memory_space<vmem>>
      %dma_start3A_267 = tpu.memref_squeeze %dma_start3A_266 : memref<1x1x512xi32, #tpu.memory_space<vmem>> -> memref<512xi32, #tpu.memory_space<vmem>>
      %dma_start3A_268 = arith.constant 0 : i32
      %dma_start3A_269 = tpu.memref_slice %arg7[%dma_start3A_268] : memref<100352xf32, #tpu.memory_space<vmem_shared>> -> memref<100352xf32, #tpu.memory_space<vmem_shared>>
      tpu.enqueue_indirect_dma source(%arg6 : memref<512xf32, #tpu.memory_space<vmem>>) target(%dma_start3A_269 : memref<100352xf32, #tpu.memory_space<vmem_shared>>) offsets(%dma_start3A_267 : memref<512xi32, #tpu.memory_space<vmem>>) semaphore(%arg9 : memref<!tpu.dma_semaphore, #tpu.memory_space<semaphore_mem>>) {add = true}
      %dma_start3A_270 = arith.constant 1 : i32
      %dma_start3A_271 = arith.constant 1 : i32
      %dma_start3A_272 = arith.constant 0 : i32
      %dma_start3A_273 = tpu.memref_slice %arg5[%dma_start3A_270, %dma_start3A_271, %dma_start3A_272] : memref<2x2x512xi32, #tpu.memory_space<vmem>> -> memref<1x1x512xi32, #tpu.memory_space<vmem>>
      %dma_start3A_274 = tpu.memref_squeeze %dma_start3A_273 : memref<1x1x512xi32, #tpu.memory_space<vmem>> -> memref<512xi32, #tpu.memory_space<vmem>>
      %dma_start3A_275 = arith.constant 0 : i32
      %dma_start3A_276 = tpu.memref_slice %arg7[%dma_start3A_275] : memref<100352xf32, #tpu.memory_space<vmem_shared>> -> memref<100352xf32, #tpu.memory_space<vmem_shared>>
      tpu.enqueue_indirect_dma source(%arg6 : memref<512xf32, #tpu.memory_space<vmem>>) target(%dma_start3A_276 : memref<100352xf32, #tpu.memory_space<vmem_shared>>) offsets(%dma_start3A_274 : memref<512xi32, #tpu.memory_space<vmem>>) semaphore(%arg9 : memref<!tpu.dma_semaphore, #tpu.memory_space<semaphore_mem>>) {add = true}
    }
    %scan3A_201 = arith.constant 25 : i32
    %dma_wait3A = arith.constant 1 : i32
    %dma_wait3A_202 = arith.constant 0 : i32
    %dma_wait3A_203 = arith.constant 0 : i32
    %dma_wait3A_204 = tpu.memref_slice %arg5[%dma_wait3A, %dma_wait3A_202, %dma_wait3A_203] : memref<2x2x512xi32, #tpu.memory_space<vmem>> -> memref<1x1x512xi32, #tpu.memory_space<vmem>>
    %dma_wait3A_205 = tpu.memref_squeeze %dma_wait3A_204 : memref<1x1x512xi32, #tpu.memory_space<vmem>> -> memref<512xi32, #tpu.memory_space<vmem>>
    %dma_wait3A_206 = arith.constant 0 : i32
    %dma_wait3A_207 = tpu.memref_slice %arg7[%dma_wait3A_206] : memref<100352xf32, #tpu.memory_space<vmem_shared>> -> memref<100352xf32, #tpu.memory_space<vmem_shared>>
    tpu.wait_indirect_dma semaphore(%arg9 : memref<!tpu.dma_semaphore, #tpu.memory_space<semaphore_mem>>) src(%arg6 : memref<512xf32, #tpu.memory_space<vmem>>) dst(%dma_wait3A_207 : memref<100352xf32, #tpu.memory_space<vmem_shared>>)
    %dma_wait3A_208 = arith.constant 1 : i32
    %dma_wait3A_209 = arith.constant 1 : i32
    %dma_wait3A_210 = arith.constant 0 : i32
    %dma_wait3A_211 = tpu.memref_slice %arg5[%dma_wait3A_208, %dma_wait3A_209, %dma_wait3A_210] : memref<2x2x512xi32, #tpu.memory_space<vmem>> -> memref<1x1x512xi32, #tpu.memory_space<vmem>>
    %dma_wait3A_212 = tpu.memref_squeeze %dma_wait3A_211 : memref<1x1x512xi32, #tpu.memory_space<vmem>> -> memref<512xi32, #tpu.memory_space<vmem>>
    %dma_wait3A_213 = arith.constant 0 : i32
    %dma_wait3A_214 = tpu.memref_slice %arg7[%dma_wait3A_213] : memref<100352xf32, #tpu.memory_space<vmem_shared>> -> memref<100352xf32, #tpu.memory_space<vmem_shared>>
    tpu.wait_indirect_dma semaphore(%arg9 : memref<!tpu.dma_semaphore, #tpu.memory_space<semaphore_mem>>) src(%arg6 : memref<512xf32, #tpu.memory_space<vmem>>) dst(%dma_wait3A_214 : memref<100352xf32, #tpu.memory_space<vmem_shared>>)
    %barrier3A_215 = arith.constant 0 : index
    tpu.barrier barrier_id(%barrier3A_215)
    %mul3A_216 = arith.constant 6272 : i32
    %mul3A_217 = arith.muli %arg1, %mul3A_216 : i32
    %mul3A_218 = arith.constant 100352 : i32
    %mul3A_219 = arith.muli %arg0, %mul3A_218 : i32
    %mul3A_220 = arith.constant 6272 : i32
    %mul3A_221 = arith.muli %arg1, %mul3A_220 : i32
    %add3A_222 = arith.addi %mul3A_219, %mul3A_221 : i32
    "tpu.region"() ({
      %run_scoped3A_223 = tpu.sem_alloc : memref<!tpu.dma_semaphore, #tpu.memory_space<semaphore_mem>>
      %dma_start3A = tpu.memref_slice %arg4[%add3A_222] : memref<200704xf32, #tpu.memory_space<hbm>> -> memref<6272xf32, #tpu.memory_space<hbm>>
      %dma_start3A_224 = tpu.memref_slice %arg7[%mul3A_217] : memref<100352xf32, #tpu.memory_space<vmem_shared>> -> memref<6272xf32, #tpu.memory_space<vmem_shared>>
      tpu.enqueue_dma source(%dma_start3A_224 : memref<6272xf32, #tpu.memory_space<vmem_shared>>) target(%dma_start3A : memref<6272xf32, #tpu.memory_space<hbm>>) target_semaphore(%run_scoped3A_223 : memref<!tpu.dma_semaphore, #tpu.memory_space<semaphore_mem>>)
      %dma_wait3A_225 = tpu.memref_slice %arg4[%add3A_222] : memref<200704xf32, #tpu.memory_space<hbm>> -> memref<6272xf32, #tpu.memory_space<hbm>>
      %dma_wait3A_226 = tpu.memref_slice %arg7[%mul3A_217] : memref<100352xf32, #tpu.memory_space<vmem_shared>> -> memref<6272xf32, #tpu.memory_space<vmem_shared>>
      tpu.wait_dma2 semaphore(%run_scoped3A_223 : memref<!tpu.dma_semaphore, #tpu.memory_space<semaphore_mem>>) src(%dma_wait3A_226 : memref<6272xf32, #tpu.memory_space<vmem_shared>>) dst(%dma_wait3A_225 : memref<6272xf32, #tpu.memory_space<hbm>>)
      tpu.yield
    }) : () -> ()
    return
  }
}

#map = affine_map<(d0, d1) -> (0)>
#map1 = affine_map<(d0, d1) -> (0, 0)>
module attributes {stable_mosaic.version = 14 : i64} {
  func.func @kern(%arg0: i32, %arg1: i32, %arg2: memref<1605632xf32, #tpu.memory_space<hbm>>, %arg3: memref<3456x512xi32, #tpu.memory_space<hbm>>, %arg4: memref<3456x512xi32, #tpu.memory_space<hbm>>, %arg5: memref<100352xf32, #tpu.memory_space<hbm>>, %arg6: memref<200704xf32, #tpu.memory_space<hbm>>, %arg7: memref<2x2x512xi32, #tpu.memory_space<vmem>>, %arg8: memref<2x2x512xi32, #tpu.memory_space<vmem>>, %arg9: memref<2x1024xf32, #tpu.memory_space<vmem>>, %arg10: memref<100352xf32, #tpu.memory_space<vmem_shared>>, %arg11: memref<!tpu.dma_semaphore, #tpu.memory_space<semaphore_mem>>, %arg12: memref<!tpu.dma_semaphore, #tpu.memory_space<semaphore_mem>>, %arg13: memref<!tpu.dma_semaphore, #tpu.memory_space<semaphore_mem>>, %arg14: memref<!tpu.dma_semaphore, #tpu.memory_space<semaphore_mem>>) attributes {dimension_semantics = [#tpu.dimension_semantics<core_parallel>, #tpu.dimension_semantics<subcore_parallel>], iteration_bounds = array<i64: 2, 16>, scalar_prefetch = 0 : i64, scratch_operands = 8 : i64, tpu.core_type = #tpu.core_type<sc_vector_subcore>, window_params = [{transform_indices = #map}, {transform_indices = #map1}, {transform_indices = #map1}, {transform_indices = #map}, {transform_indices = #map}]} {
    %mul3A = arith.constant 6272 : i32
    %mul3A_0 = arith.muli %arg1, %mul3A : i32
    %mul3A_1 = arith.constant 6272 : i32
    %mul3A_2 = arith.muli %arg1, %mul3A_1 : i32
    "tpu.region"() ({
      %run_scoped3A_67 = tpu.sem_alloc : memref<!tpu.dma_semaphore, #tpu.memory_space<semaphore_mem>>
      %dma_start3A_68 = tpu.memref_slice %arg10[%mul3A_2] : memref<100352xf32, #tpu.memory_space<vmem_shared>> -> memref<6272xf32, #tpu.memory_space<vmem_shared>>
      %dma_start3A_69 = tpu.memref_slice %arg5[%mul3A_0] : memref<100352xf32, #tpu.memory_space<hbm>> -> memref<6272xf32, #tpu.memory_space<hbm>>
      tpu.enqueue_dma source(%dma_start3A_69 : memref<6272xf32, #tpu.memory_space<hbm>>) target(%dma_start3A_68 : memref<6272xf32, #tpu.memory_space<vmem_shared>>) target_semaphore(%run_scoped3A_67 : memref<!tpu.dma_semaphore, #tpu.memory_space<semaphore_mem>>)
      %dma_wait3A_70 = tpu.memref_slice %arg10[%mul3A_2] : memref<100352xf32, #tpu.memory_space<vmem_shared>> -> memref<6272xf32, #tpu.memory_space<vmem_shared>>
      %dma_wait3A_71 = tpu.memref_slice %arg5[%mul3A_0] : memref<100352xf32, #tpu.memory_space<hbm>> -> memref<6272xf32, #tpu.memory_space<hbm>>
      tpu.wait_dma2 semaphore(%run_scoped3A_67 : memref<!tpu.dma_semaphore, #tpu.memory_space<semaphore_mem>>) src(%dma_wait3A_71 : memref<6272xf32, #tpu.memory_space<hbm>>) dst(%dma_wait3A_70 : memref<6272xf32, #tpu.memory_space<vmem_shared>>)
      tpu.yield
    }) : () -> ()
    %barrier3A = arith.constant 0 : index
    tpu.barrier barrier_id(%barrier3A)
    %mul3A_3 = arith.constant 2 : i32
    %mul3A_4 = arith.muli %arg1, %mul3A_3 : i32
    %add3A = arith.addi %mul3A_4, %arg0 : i32
    %mul3A_5 = arith.constant 108 : i32
    %mul3A_6 = arith.muli %add3A, %mul3A_5 : i32
    %add3A_7 = arith.constant 0 : i32
    %add3A_8 = arith.addi %mul3A_6, %add3A_7 : i32
    %run_scoped3A = arith.constant 0 : i32
    "tpu.region"() ({
      %run_scoped3A_67 = tpu.sem_alloc : memref<!tpu.dma_semaphore, #tpu.memory_space<semaphore_mem>>
      %dma_start3A_68 = arith.constant 0 : i32
      %dma_start3A_69 = arith.constant 0 : i32
      %dma_start3A_70 = tpu.memref_slice %arg7[%run_scoped3A, %dma_start3A_68, %dma_start3A_69] : memref<2x2x512xi32, #tpu.memory_space<vmem>> -> memref<1x2x512xi32, #tpu.memory_space<vmem>>
      %dma_start3A_71 = tpu.memref_squeeze %dma_start3A_70 : memref<1x2x512xi32, #tpu.memory_space<vmem>> -> memref<2x512xi32, #tpu.memory_space<vmem>>
      %dma_start3A_72 = arith.constant 0 : i32
      %dma_start3A_73 = tpu.memref_slice %arg3[%add3A_8, %dma_start3A_72] : memref<3456x512xi32, #tpu.memory_space<hbm>> -> memref<2x512xi32, #tpu.memory_space<hbm>>
      %dma_start3A_74 = arith.constant 0 : i32
      %dma_start3A_75 = arith.constant 0 : i32
      %dma_start3A_76 = tpu.memref_slice %arg7[%run_scoped3A, %dma_start3A_74, %dma_start3A_75] : memref<2x2x512xi32, #tpu.memory_space<vmem>> -> memref<1x2x512xi32, #tpu.memory_space<vmem>>
      %dma_start3A_77 = tpu.memref_squeeze %dma_start3A_76 : memref<1x2x512xi32, #tpu.memory_space<vmem>> -> memref<2x512xi32, #tpu.memory_space<vmem>>
      %dma_start3A_78 = arith.constant 0 : i32
      %dma_start3A_79 = tpu.memref_slice %arg3[%add3A_8, %dma_start3A_78] : memref<3456x512xi32, #tpu.memory_space<hbm>> -> memref<2x512xi32, #tpu.memory_space<hbm>>
      tpu.enqueue_dma source(%dma_start3A_79 : memref<2x512xi32, #tpu.memory_space<hbm>>) target(%dma_start3A_77 : memref<2x512xi32, #tpu.memory_space<vmem>>) target_semaphore(%run_scoped3A_67 : memref<!tpu.dma_semaphore, #tpu.memory_space<semaphore_mem>>)
      %dma_wait3A_80 = arith.constant 0 : i32
      %dma_wait3A_81 = arith.constant 0 : i32
      %dma_wait3A_82 = tpu.memref_slice %arg7[%run_scoped3A, %dma_wait3A_80, %dma_wait3A_81] : memref<2x2x512xi32, #tpu.memory_space<vmem>> -> memref<1x2x512xi32, #tpu.memory_space<vmem>>
      %dma_wait3A_83 = tpu.memref_squeeze %dma_wait3A_82 : memref<1x2x512xi32, #tpu.memory_space<vmem>> -> memref<2x512xi32, #tpu.memory_space<vmem>>
      %dma_wait3A_84 = arith.constant 0 : i32
      %dma_wait3A_85 = tpu.memref_slice %arg3[%add3A_8, %dma_wait3A_84] : memref<3456x512xi32, #tpu.memory_space<hbm>> -> memref<2x512xi32, #tpu.memory_space<hbm>>
      %dma_wait3A_86 = arith.constant 0 : i32
      %dma_wait3A_87 = arith.constant 0 : i32
      %dma_wait3A_88 = tpu.memref_slice %arg7[%run_scoped3A, %dma_wait3A_86, %dma_wait3A_87] : memref<2x2x512xi32, #tpu.memory_space<vmem>> -> memref<1x2x512xi32, #tpu.memory_space<vmem>>
      %dma_wait3A_89 = tpu.memref_squeeze %dma_wait3A_88 : memref<1x2x512xi32, #tpu.memory_space<vmem>> -> memref<2x512xi32, #tpu.memory_space<vmem>>
      %dma_wait3A_90 = arith.constant 0 : i32
      %dma_wait3A_91 = tpu.memref_slice %arg3[%add3A_8, %dma_wait3A_90] : memref<3456x512xi32, #tpu.memory_space<hbm>> -> memref<2x512xi32, #tpu.memory_space<hbm>>
      tpu.wait_dma2 semaphore(%run_scoped3A_67 : memref<!tpu.dma_semaphore, #tpu.memory_space<semaphore_mem>>) src(%dma_wait3A_91 : memref<2x512xi32, #tpu.memory_space<hbm>>) dst(%dma_wait3A_89 : memref<2x512xi32, #tpu.memory_space<vmem>>)
      tpu.yield
    }) : () -> ()
    %add3A_9 = arith.constant 0 : i32
    %add3A_10 = arith.addi %mul3A_6, %add3A_9 : i32
    %run_scoped3A_11 = arith.constant 0 : i32
    "tpu.region"() ({
      %run_scoped3A_67 = tpu.sem_alloc : memref<!tpu.dma_semaphore, #tpu.memory_space<semaphore_mem>>
      %dma_start3A_68 = arith.constant 0 : i32
      %dma_start3A_69 = arith.constant 0 : i32
      %dma_start3A_70 = tpu.memref_slice %arg8[%run_scoped3A_11, %dma_start3A_68, %dma_start3A_69] : memref<2x2x512xi32, #tpu.memory_space<vmem>> -> memref<1x2x512xi32, #tpu.memory_space<vmem>>
      %dma_start3A_71 = tpu.memref_squeeze %dma_start3A_70 : memref<1x2x512xi32, #tpu.memory_space<vmem>> -> memref<2x512xi32, #tpu.memory_space<vmem>>
      %dma_start3A_72 = arith.constant 0 : i32
      %dma_start3A_73 = tpu.memref_slice %arg4[%add3A_10, %dma_start3A_72] : memref<3456x512xi32, #tpu.memory_space<hbm>> -> memref<2x512xi32, #tpu.memory_space<hbm>>
      %dma_start3A_74 = arith.constant 0 : i32
      %dma_start3A_75 = arith.constant 0 : i32
      %dma_start3A_76 = tpu.memref_slice %arg8[%run_scoped3A_11, %dma_start3A_74, %dma_start3A_75] : memref<2x2x512xi32, #tpu.memory_space<vmem>> -> memref<1x2x512xi32, #tpu.memory_space<vmem>>
      %dma_start3A_77 = tpu.memref_squeeze %dma_start3A_76 : memref<1x2x512xi32, #tpu.memory_space<vmem>> -> memref<2x512xi32, #tpu.memory_space<vmem>>
      %dma_start3A_78 = arith.constant 0 : i32
      %dma_start3A_79 = tpu.memref_slice %arg4[%add3A_10, %dma_start3A_78] : memref<3456x512xi32, #tpu.memory_space<hbm>> -> memref<2x512xi32, #tpu.memory_space<hbm>>
      tpu.enqueue_dma source(%dma_start3A_79 : memref<2x512xi32, #tpu.memory_space<hbm>>) target(%dma_start3A_77 : memref<2x512xi32, #tpu.memory_space<vmem>>) target_semaphore(%run_scoped3A_67 : memref<!tpu.dma_semaphore, #tpu.memory_space<semaphore_mem>>)
      %dma_wait3A_80 = arith.constant 0 : i32
      %dma_wait3A_81 = arith.constant 0 : i32
      %dma_wait3A_82 = tpu.memref_slice %arg8[%run_scoped3A_11, %dma_wait3A_80, %dma_wait3A_81] : memref<2x2x512xi32, #tpu.memory_space<vmem>> -> memref<1x2x512xi32, #tpu.memory_space<vmem>>
      %dma_wait3A_83 = tpu.memref_squeeze %dma_wait3A_82 : memref<1x2x512xi32, #tpu.memory_space<vmem>> -> memref<2x512xi32, #tpu.memory_space<vmem>>
      %dma_wait3A_84 = arith.constant 0 : i32
      %dma_wait3A_85 = tpu.memref_slice %arg4[%add3A_10, %dma_wait3A_84] : memref<3456x512xi32, #tpu.memory_space<hbm>> -> memref<2x512xi32, #tpu.memory_space<hbm>>
      %dma_wait3A_86 = arith.constant 0 : i32
      %dma_wait3A_87 = arith.constant 0 : i32
      %dma_wait3A_88 = tpu.memref_slice %arg8[%run_scoped3A_11, %dma_wait3A_86, %dma_wait3A_87] : memref<2x2x512xi32, #tpu.memory_space<vmem>> -> memref<1x2x512xi32, #tpu.memory_space<vmem>>
      %dma_wait3A_89 = tpu.memref_squeeze %dma_wait3A_88 : memref<1x2x512xi32, #tpu.memory_space<vmem>> -> memref<2x512xi32, #tpu.memory_space<vmem>>
      %dma_wait3A_90 = arith.constant 0 : i32
      %dma_wait3A_91 = tpu.memref_slice %arg4[%add3A_10, %dma_wait3A_90] : memref<3456x512xi32, #tpu.memory_space<hbm>> -> memref<2x512xi32, #tpu.memory_space<hbm>>
      tpu.wait_dma2 semaphore(%run_scoped3A_67 : memref<!tpu.dma_semaphore, #tpu.memory_space<semaphore_mem>>) src(%dma_wait3A_91 : memref<2x512xi32, #tpu.memory_space<hbm>>) dst(%dma_wait3A_89 : memref<2x512xi32, #tpu.memory_space<vmem>>)
      tpu.yield
    }) : () -> ()
    %dma_start3A = arith.constant 0 : i32
    %dma_start3A_12 = arith.constant 0 : i32
    %dma_start3A_13 = arith.constant 0 : i32
    %dma_start3A_14 = arith.constant 0 : i32
    %dma_start3A_15 = tpu.memref_slice %arg9[%dma_start3A_13, %dma_start3A_14] : memref<2x1024xf32, #tpu.memory_space<vmem>> -> memref<1x512xf32, #tpu.memory_space<vmem>>
    %dma_start3A_16 = tpu.memref_squeeze %dma_start3A_15 : memref<1x512xf32, #tpu.memory_space<vmem>> -> memref<512xf32, #tpu.memory_space<vmem>>
    %dma_start3A_17 = arith.constant 0 : i32
    %dma_start3A_18 = tpu.memref_slice %arg7[%dma_start3A, %dma_start3A_12, %dma_start3A_17] : memref<2x2x512xi32, #tpu.memory_space<vmem>> -> memref<1x1x512xi32, #tpu.memory_space<vmem>>
    %dma_start3A_19 = tpu.memref_squeeze %dma_start3A_18 : memref<1x1x512xi32, #tpu.memory_space<vmem>> -> memref<512xi32, #tpu.memory_space<vmem>>
    %dma_start3A_20 = arith.constant 0 : i32
    %dma_start3A_21 = tpu.memref_slice %arg2[%dma_start3A_20] : memref<1605632xf32, #tpu.memory_space<hbm>> -> memref<1605632xf32, #tpu.memory_space<hbm>>
    tpu.enqueue_indirect_dma source(%dma_start3A_21 : memref<1605632xf32, #tpu.memory_space<hbm>>) target(%dma_start3A_16 : memref<512xf32, #tpu.memory_space<vmem>>) offsets(%dma_start3A_19 : memref<512xi32, #tpu.memory_space<vmem>>) semaphore(%arg11 : memref<!tpu.dma_semaphore, #tpu.memory_space<semaphore_mem>>)
    %dma_start3A_22 = arith.constant 0 : i32
    %dma_start3A_23 = arith.constant 1 : i32
    %dma_start3A_24 = arith.constant 0 : i32
    %dma_start3A_25 = arith.constant 512 : i32
    %dma_start3A_26 = tpu.memref_slice %arg9[%dma_start3A_24, %dma_start3A_25] : memref<2x1024xf32, #tpu.memory_space<vmem>> -> memref<1x512xf32, #tpu.memory_space<vmem>>
    %dma_start3A_27 = tpu.memref_squeeze %dma_start3A_26 : memref<1x512xf32, #tpu.memory_space<vmem>> -> memref<512xf32, #tpu.memory_space<vmem>>
    %dma_start3A_28 = arith.constant 0 : i32
    %dma_start3A_29 = tpu.memref_slice %arg7[%dma_start3A_22, %dma_start3A_23, %dma_start3A_28] : memref<2x2x512xi32, #tpu.memory_space<vmem>> -> memref<1x1x512xi32, #tpu.memory_space<vmem>>
    %dma_start3A_30 = tpu.memref_squeeze %dma_start3A_29 : memref<1x1x512xi32, #tpu.memory_space<vmem>> -> memref<512xi32, #tpu.memory_space<vmem>>
    %dma_start3A_31 = arith.constant 0 : i32
    %dma_start3A_32 = tpu.memref_slice %arg2[%dma_start3A_31] : memref<1605632xf32, #tpu.memory_space<hbm>> -> memref<1605632xf32, #tpu.memory_space<hbm>>
    tpu.enqueue_indirect_dma source(%dma_start3A_32 : memref<1605632xf32, #tpu.memory_space<hbm>>) target(%dma_start3A_27 : memref<512xf32, #tpu.memory_space<vmem>>) offsets(%dma_start3A_30 : memref<512xi32, #tpu.memory_space<vmem>>) semaphore(%arg11 : memref<!tpu.dma_semaphore, #tpu.memory_space<semaphore_mem>>)
    %scan3A = arith.constant 0 : i32
    %scan3A_33 = arith.constant 0 : i32
    %scan3A_34 = arith.constant 27 : i32
    %scan3A_35 = arith.addi %scan3A_33, %scan3A_34 : i32
    %scan3A_36 = arith.constant 1 : i32
    scf.for %scan3A_67 = %scan3A_33 to %scan3A_35 step %scan3A_36  : i32 {
      %mul3A_68 = arith.constant 2 : i32
      %mul3A_69 = arith.muli %mul3A_68, %scan3A_67 : i32
      %ge3A = arith.constant 1 : i32
      %ge3A_70 = arith.cmpi sge, %mul3A_69, %ge3A : i32
      %convert_element_type3A = arith.extui %ge3A_70 : i1 to i32
      %cond3A = arith.constant 0 : i32
      %cond3A_71 = arith.cmpi ne, %convert_element_type3A, %cond3A : i32
      scf.if %cond3A_71 {
        %dma_wait3A_182 = arith.constant 1 : i32
        %dma_wait3A_183 = arith.constant 1 : i32
        %dma_wait3A_184 = arith.constant 0 : i32
        %dma_wait3A_185 = arith.constant 0 : i32
        %dma_wait3A_186 = tpu.memref_slice %arg9[%dma_wait3A_182, %dma_wait3A_185] : memref<2x1024xf32, #tpu.memory_space<vmem>> -> memref<1x512xf32, #tpu.memory_space<vmem>>
        %dma_wait3A_187 = tpu.memref_squeeze %dma_wait3A_186 : memref<1x512xf32, #tpu.memory_space<vmem>> -> memref<512xf32, #tpu.memory_space<vmem>>
        %dma_wait3A_188 = arith.constant 0 : i32
        %dma_wait3A_189 = tpu.memref_slice %arg8[%dma_wait3A_183, %dma_wait3A_184, %dma_wait3A_188] : memref<2x2x512xi32, #tpu.memory_space<vmem>> -> memref<1x1x512xi32, #tpu.memory_space<vmem>>
        %dma_wait3A_190 = tpu.memref_squeeze %dma_wait3A_189 : memref<1x1x512xi32, #tpu.memory_space<vmem>> -> memref<512xi32, #tpu.memory_space<vmem>>
        %dma_wait3A_191 = arith.constant 0 : i32
        %dma_wait3A_192 = tpu.memref_slice %arg10[%dma_wait3A_191] : memref<100352xf32, #tpu.memory_space<vmem_shared>> -> memref<100352xf32, #tpu.memory_space<vmem_shared>>
        tpu.wait_indirect_dma semaphore(%arg14 : memref<!tpu.dma_semaphore, #tpu.memory_space<semaphore_mem>>) src(%dma_wait3A_187 : memref<512xf32, #tpu.memory_space<vmem>>) dst(%dma_wait3A_192 : memref<100352xf32, #tpu.memory_space<vmem_shared>>)
        %dma_wait3A_193 = arith.constant 1 : i32
        %dma_wait3A_194 = arith.constant 1 : i32
        %dma_wait3A_195 = arith.constant 1 : i32
        %dma_wait3A_196 = arith.constant 512 : i32
        %dma_wait3A_197 = tpu.memref_slice %arg9[%dma_wait3A_193, %dma_wait3A_196] : memref<2x1024xf32, #tpu.memory_space<vmem>> -> memref<1x512xf32, #tpu.memory_space<vmem>>
        %dma_wait3A_198 = tpu.memref_squeeze %dma_wait3A_197 : memref<1x512xf32, #tpu.memory_space<vmem>> -> memref<512xf32, #tpu.memory_space<vmem>>
        %dma_wait3A_199 = arith.constant 0 : i32
        %dma_wait3A_200 = tpu.memref_slice %arg8[%dma_wait3A_194, %dma_wait3A_195, %dma_wait3A_199] : memref<2x2x512xi32, #tpu.memory_space<vmem>> -> memref<1x1x512xi32, #tpu.memory_space<vmem>>
        %dma_wait3A_201 = tpu.memref_squeeze %dma_wait3A_200 : memref<1x1x512xi32, #tpu.memory_space<vmem>> -> memref<512xi32, #tpu.memory_space<vmem>>
        %dma_wait3A_202 = arith.constant 0 : i32
        %dma_wait3A_203 = tpu.memref_slice %arg10[%dma_wait3A_202] : memref<100352xf32, #tpu.memory_space<vmem_shared>> -> memref<100352xf32, #tpu.memory_space<vmem_shared>>
        tpu.wait_indirect_dma semaphore(%arg14 : memref<!tpu.dma_semaphore, #tpu.memory_space<semaphore_mem>>) src(%dma_wait3A_198 : memref<512xf32, #tpu.memory_space<vmem>>) dst(%dma_wait3A_203 : memref<100352xf32, #tpu.memory_space<vmem_shared>>)
      } else {
      }
      %add3A_72 = arith.constant 1 : i32
      %add3A_73 = arith.addi %mul3A_69, %add3A_72 : i32
      %lt3A = arith.constant 54 : i32
      %lt3A_74 = arith.cmpi slt, %add3A_73, %lt3A : i32
      %convert_element_type3A_75 = arith.extui %lt3A_74 : i1 to i32
      %cond3A_76 = arith.constant 0 : i32
      %cond3A_77 = arith.cmpi ne, %convert_element_type3A_75, %cond3A_76 : i32
      scf.if %cond3A_77 {
        %add3A_182 = arith.constant 1 : i32
        %add3A_183 = arith.addi %mul3A_69, %add3A_182 : i32
        %mul3A_184 = arith.constant 2 : i32
        %mul3A_185 = arith.muli %add3A_183, %mul3A_184 : i32
        %add3A_186 = arith.addi %mul3A_6, %mul3A_185 : i32
        %run_scoped3A_187 = arith.constant 1 : i32
        "tpu.region"() ({
          %run_scoped3A_214 = tpu.sem_alloc : memref<!tpu.dma_semaphore, #tpu.memory_space<semaphore_mem>>
          %dma_start3A_215 = arith.constant 0 : i32
          %dma_start3A_216 = arith.constant 0 : i32
          %dma_start3A_217 = tpu.memref_slice %arg7[%run_scoped3A_187, %dma_start3A_215, %dma_start3A_216] : memref<2x2x512xi32, #tpu.memory_space<vmem>> -> memref<1x2x512xi32, #tpu.memory_space<vmem>>
          %dma_start3A_218 = tpu.memref_squeeze %dma_start3A_217 : memref<1x2x512xi32, #tpu.memory_space<vmem>> -> memref<2x512xi32, #tpu.memory_space<vmem>>
          %dma_start3A_219 = arith.constant 0 : i32
          %dma_start3A_220 = tpu.memref_slice %arg3[%add3A_186, %dma_start3A_219] : memref<3456x512xi32, #tpu.memory_space<hbm>> -> memref<2x512xi32, #tpu.memory_space<hbm>>
          %dma_start3A_221 = arith.constant 0 : i32
          %dma_start3A_222 = arith.constant 0 : i32
          %dma_start3A_223 = tpu.memref_slice %arg7[%run_scoped3A_187, %dma_start3A_221, %dma_start3A_222] : memref<2x2x512xi32, #tpu.memory_space<vmem>> -> memref<1x2x512xi32, #tpu.memory_space<vmem>>
          %dma_start3A_224 = tpu.memref_squeeze %dma_start3A_223 : memref<1x2x512xi32, #tpu.memory_space<vmem>> -> memref<2x512xi32, #tpu.memory_space<vmem>>
          %dma_start3A_225 = arith.constant 0 : i32
          %dma_start3A_226 = tpu.memref_slice %arg3[%add3A_186, %dma_start3A_225] : memref<3456x512xi32, #tpu.memory_space<hbm>> -> memref<2x512xi32, #tpu.memory_space<hbm>>
          tpu.enqueue_dma source(%dma_start3A_226 : memref<2x512xi32, #tpu.memory_space<hbm>>) target(%dma_start3A_224 : memref<2x512xi32, #tpu.memory_space<vmem>>) target_semaphore(%run_scoped3A_214 : memref<!tpu.dma_semaphore, #tpu.memory_space<semaphore_mem>>)
          %dma_wait3A_227 = arith.constant 0 : i32
          %dma_wait3A_228 = arith.constant 0 : i32
          %dma_wait3A_229 = tpu.memref_slice %arg7[%run_scoped3A_187, %dma_wait3A_227, %dma_wait3A_228] : memref<2x2x512xi32, #tpu.memory_space<vmem>> -> memref<1x2x512xi32, #tpu.memory_space<vmem>>
          %dma_wait3A_230 = tpu.memref_squeeze %dma_wait3A_229 : memref<1x2x512xi32, #tpu.memory_space<vmem>> -> memref<2x512xi32, #tpu.memory_space<vmem>>
          %dma_wait3A_231 = arith.constant 0 : i32
          %dma_wait3A_232 = tpu.memref_slice %arg3[%add3A_186, %dma_wait3A_231] : memref<3456x512xi32, #tpu.memory_space<hbm>> -> memref<2x512xi32, #tpu.memory_space<hbm>>
          %dma_wait3A_233 = arith.constant 0 : i32
          %dma_wait3A_234 = arith.constant 0 : i32
          %dma_wait3A_235 = tpu.memref_slice %arg7[%run_scoped3A_187, %dma_wait3A_233, %dma_wait3A_234] : memref<2x2x512xi32, #tpu.memory_space<vmem>> -> memref<1x2x512xi32, #tpu.memory_space<vmem>>
          %dma_wait3A_236 = tpu.memref_squeeze %dma_wait3A_235 : memref<1x2x512xi32, #tpu.memory_space<vmem>> -> memref<2x512xi32, #tpu.memory_space<vmem>>
          %dma_wait3A_237 = arith.constant 0 : i32
          %dma_wait3A_238 = tpu.memref_slice %arg3[%add3A_186, %dma_wait3A_237] : memref<3456x512xi32, #tpu.memory_space<hbm>> -> memref<2x512xi32, #tpu.memory_space<hbm>>
          tpu.wait_dma2 semaphore(%run_scoped3A_214 : memref<!tpu.dma_semaphore, #tpu.memory_space<semaphore_mem>>) src(%dma_wait3A_238 : memref<2x512xi32, #tpu.memory_space<hbm>>) dst(%dma_wait3A_236 : memref<2x512xi32, #tpu.memory_space<vmem>>)
          tpu.yield
        }) : () -> ()
        %mul3A_188 = arith.constant 2 : i32
        %mul3A_189 = arith.muli %add3A_183, %mul3A_188 : i32
        %add3A_190 = arith.addi %mul3A_6, %mul3A_189 : i32
        %run_scoped3A_191 = arith.constant 1 : i32
        "tpu.region"() ({
          %run_scoped3A_214 = tpu.sem_alloc : memref<!tpu.dma_semaphore, #tpu.memory_space<semaphore_mem>>
          %dma_start3A_215 = arith.constant 0 : i32
          %dma_start3A_216 = arith.constant 0 : i32
          %dma_start3A_217 = tpu.memref_slice %arg8[%run_scoped3A_191, %dma_start3A_215, %dma_start3A_216] : memref<2x2x512xi32, #tpu.memory_space<vmem>> -> memref<1x2x512xi32, #tpu.memory_space<vmem>>
          %dma_start3A_218 = tpu.memref_squeeze %dma_start3A_217 : memref<1x2x512xi32, #tpu.memory_space<vmem>> -> memref<2x512xi32, #tpu.memory_space<vmem>>
          %dma_start3A_219 = arith.constant 0 : i32
          %dma_start3A_220 = tpu.memref_slice %arg4[%add3A_190, %dma_start3A_219] : memref<3456x512xi32, #tpu.memory_space<hbm>> -> memref<2x512xi32, #tpu.memory_space<hbm>>
          %dma_start3A_221 = arith.constant 0 : i32
          %dma_start3A_222 = arith.constant 0 : i32
          %dma_start3A_223 = tpu.memref_slice %arg8[%run_scoped3A_191, %dma_start3A_221, %dma_start3A_222] : memref<2x2x512xi32, #tpu.memory_space<vmem>> -> memref<1x2x512xi32, #tpu.memory_space<vmem>>
          %dma_start3A_224 = tpu.memref_squeeze %dma_start3A_223 : memref<1x2x512xi32, #tpu.memory_space<vmem>> -> memref<2x512xi32, #tpu.memory_space<vmem>>
          %dma_start3A_225 = arith.constant 0 : i32
          %dma_start3A_226 = tpu.memref_slice %arg4[%add3A_190, %dma_start3A_225] : memref<3456x512xi32, #tpu.memory_space<hbm>> -> memref<2x512xi32, #tpu.memory_space<hbm>>
          tpu.enqueue_dma source(%dma_start3A_226 : memref<2x512xi32, #tpu.memory_space<hbm>>) target(%dma_start3A_224 : memref<2x512xi32, #tpu.memory_space<vmem>>) target_semaphore(%run_scoped3A_214 : memref<!tpu.dma_semaphore, #tpu.memory_space<semaphore_mem>>)
          %dma_wait3A_227 = arith.constant 0 : i32
          %dma_wait3A_228 = arith.constant 0 : i32
          %dma_wait3A_229 = tpu.memref_slice %arg8[%run_scoped3A_191, %dma_wait3A_227, %dma_wait3A_228] : memref<2x2x512xi32, #tpu.memory_space<vmem>> -> memref<1x2x512xi32, #tpu.memory_space<vmem>>
          %dma_wait3A_230 = tpu.memref_squeeze %dma_wait3A_229 : memref<1x2x512xi32, #tpu.memory_space<vmem>> -> memref<2x512xi32, #tpu.memory_space<vmem>>
          %dma_wait3A_231 = arith.constant 0 : i32
          %dma_wait3A_232 = tpu.memref_slice %arg4[%add3A_190, %dma_wait3A_231] : memref<3456x512xi32, #tpu.memory_space<hbm>> -> memref<2x512xi32, #tpu.memory_space<hbm>>
          %dma_wait3A_233 = arith.constant 0 : i32
          %dma_wait3A_234 = arith.constant 0 : i32
          %dma_wait3A_235 = tpu.memref_slice %arg8[%run_scoped3A_191, %dma_wait3A_233, %dma_wait3A_234] : memref<2x2x512xi32, #tpu.memory_space<vmem>> -> memref<1x2x512xi32, #tpu.memory_space<vmem>>
          %dma_wait3A_236 = tpu.memref_squeeze %dma_wait3A_235 : memref<1x2x512xi32, #tpu.memory_space<vmem>> -> memref<2x512xi32, #tpu.memory_space<vmem>>
          %dma_wait3A_237 = arith.constant 0 : i32
          %dma_wait3A_238 = tpu.memref_slice %arg4[%add3A_190, %dma_wait3A_237] : memref<3456x512xi32, #tpu.memory_space<hbm>> -> memref<2x512xi32, #tpu.memory_space<hbm>>
          tpu.wait_dma2 semaphore(%run_scoped3A_214 : memref<!tpu.dma_semaphore, #tpu.memory_space<semaphore_mem>>) src(%dma_wait3A_238 : memref<2x512xi32, #tpu.memory_space<hbm>>) dst(%dma_wait3A_236 : memref<2x512xi32, #tpu.memory_space<vmem>>)
          tpu.yield
        }) : () -> ()
        %dma_start3A_192 = arith.constant 1 : i32
        %dma_start3A_193 = arith.constant 0 : i32
        %dma_start3A_194 = arith.constant 1 : i32
        %dma_start3A_195 = arith.constant 0 : i32
        %dma_start3A_196 = tpu.memref_slice %arg9[%dma_start3A_194, %dma_start3A_195] : memref<2x1024xf32, #tpu.memory_space<vmem>> -> memref<1x512xf32, #tpu.memory_space<vmem>>
        %dma_start3A_197 = tpu.memref_squeeze %dma_start3A_196 : memref<1x512xf32, #tpu.memory_space<vmem>> -> memref<512xf32, #tpu.memory_space<vmem>>
        %dma_start3A_198 = arith.constant 0 : i32
        %dma_start3A_199 = tpu.memref_slice %arg7[%dma_start3A_192, %dma_start3A_193, %dma_start3A_198] : memref<2x2x512xi32, #tpu.memory_space<vmem>> -> memref<1x1x512xi32, #tpu.memory_space<vmem>>
        %dma_start3A_200 = tpu.memref_squeeze %dma_start3A_199 : memref<1x1x512xi32, #tpu.memory_space<vmem>> -> memref<512xi32, #tpu.memory_space<vmem>>
        %dma_start3A_201 = arith.constant 0 : i32
        %dma_start3A_202 = tpu.memref_slice %arg2[%dma_start3A_201] : memref<1605632xf32, #tpu.memory_space<hbm>> -> memref<1605632xf32, #tpu.memory_space<hbm>>
        tpu.enqueue_indirect_dma source(%dma_start3A_202 : memref<1605632xf32, #tpu.memory_space<hbm>>) target(%dma_start3A_197 : memref<512xf32, #tpu.memory_space<vmem>>) offsets(%dma_start3A_200 : memref<512xi32, #tpu.memory_space<vmem>>) semaphore(%arg12 : memref<!tpu.dma_semaphore, #tpu.memory_space<semaphore_mem>>)
        %dma_start3A_203 = arith.constant 1 : i32
        %dma_start3A_204 = arith.constant 1 : i32
        %dma_start3A_205 = arith.constant 1 : i32
        %dma_start3A_206 = arith.constant 512 : i32
        %dma_start3A_207 = tpu.memref_slice %arg9[%dma_start3A_205, %dma_start3A_206] : memref<2x1024xf32, #tpu.memory_space<vmem>> -> memref<1x512xf32, #tpu.memory_space<vmem>>
        %dma_start3A_208 = tpu.memref_squeeze %dma_start3A_207 : memref<1x512xf32, #tpu.memory_space<vmem>> -> memref<512xf32, #tpu.memory_space<vmem>>
        %dma_start3A_209 = arith.constant 0 : i32
        %dma_start3A_210 = tpu.memref_slice %arg7[%dma_start3A_203, %dma_start3A_204, %dma_start3A_209] : memref<2x2x512xi32, #tpu.memory_space<vmem>> -> memref<1x1x512xi32, #tpu.memory_space<vmem>>
        %dma_start3A_211 = tpu.memref_squeeze %dma_start3A_210 : memref<1x1x512xi32, #tpu.memory_space<vmem>> -> memref<512xi32, #tpu.memory_space<vmem>>
        %dma_start3A_212 = arith.constant 0 : i32
        %dma_start3A_213 = tpu.memref_slice %arg2[%dma_start3A_212] : memref<1605632xf32, #tpu.memory_space<hbm>> -> memref<1605632xf32, #tpu.memory_space<hbm>>
        tpu.enqueue_indirect_dma source(%dma_start3A_213 : memref<1605632xf32, #tpu.memory_space<hbm>>) target(%dma_start3A_208 : memref<512xf32, #tpu.memory_space<vmem>>) offsets(%dma_start3A_211 : memref<512xi32, #tpu.memory_space<vmem>>) semaphore(%arg12 : memref<!tpu.dma_semaphore, #tpu.memory_space<semaphore_mem>>)
      } else {
      }
      %dma_wait3A_78 = arith.constant 0 : i32
      %dma_wait3A_79 = arith.constant 0 : i32
      %dma_wait3A_80 = arith.constant 0 : i32
      %dma_wait3A_81 = arith.constant 0 : i32
      %dma_wait3A_82 = tpu.memref_slice %arg9[%dma_wait3A_80, %dma_wait3A_81] : memref<2x1024xf32, #tpu.memory_space<vmem>> -> memref<1x512xf32, #tpu.memory_space<vmem>>
      %dma_wait3A_83 = tpu.memref_squeeze %dma_wait3A_82 : memref<1x512xf32, #tpu.memory_space<vmem>> -> memref<512xf32, #tpu.memory_space<vmem>>
      %dma_wait3A_84 = arith.constant 0 : i32
      %dma_wait3A_85 = tpu.memref_slice %arg7[%dma_wait3A_78, %dma_wait3A_79, %dma_wait3A_84] : memref<2x2x512xi32, #tpu.memory_space<vmem>> -> memref<1x1x512xi32, #tpu.memory_space<vmem>>
      %dma_wait3A_86 = tpu.memref_squeeze %dma_wait3A_85 : memref<1x1x512xi32, #tpu.memory_space<vmem>> -> memref<512xi32, #tpu.memory_space<vmem>>
      %dma_wait3A_87 = arith.constant 0 : i32
      %dma_wait3A_88 = tpu.memref_slice %arg2[%dma_wait3A_87] : memref<1605632xf32, #tpu.memory_space<hbm>> -> memref<1605632xf32, #tpu.memory_space<hbm>>
      tpu.wait_indirect_dma semaphore(%arg11 : memref<!tpu.dma_semaphore, #tpu.memory_space<semaphore_mem>>) src(%dma_wait3A_88 : memref<1605632xf32, #tpu.memory_space<hbm>>) dst(%dma_wait3A_83 : memref<512xf32, #tpu.memory_space<vmem>>)
      %dma_wait3A_89 = arith.constant 0 : i32
      %dma_wait3A_90 = arith.constant 1 : i32
      %dma_wait3A_91 = arith.constant 0 : i32
      %dma_wait3A_92 = arith.constant 512 : i32
      %dma_wait3A_93 = tpu.memref_slice %arg9[%dma_wait3A_91, %dma_wait3A_92] : memref<2x1024xf32, #tpu.memory_space<vmem>> -> memref<1x512xf32, #tpu.memory_space<vmem>>
      %dma_wait3A_94 = tpu.memref_squeeze %dma_wait3A_93 : memref<1x512xf32, #tpu.memory_space<vmem>> -> memref<512xf32, #tpu.memory_space<vmem>>
      %dma_wait3A_95 = arith.constant 0 : i32
      %dma_wait3A_96 = tpu.memref_slice %arg7[%dma_wait3A_89, %dma_wait3A_90, %dma_wait3A_95] : memref<2x2x512xi32, #tpu.memory_space<vmem>> -> memref<1x1x512xi32, #tpu.memory_space<vmem>>
      %dma_wait3A_97 = tpu.memref_squeeze %dma_wait3A_96 : memref<1x1x512xi32, #tpu.memory_space<vmem>> -> memref<512xi32, #tpu.memory_space<vmem>>
      %dma_wait3A_98 = arith.constant 0 : i32
      %dma_wait3A_99 = tpu.memref_slice %arg2[%dma_wait3A_98] : memref<1605632xf32, #tpu.memory_space<hbm>> -> memref<1605632xf32, #tpu.memory_space<hbm>>
      tpu.wait_indirect_dma semaphore(%arg11 : memref<!tpu.dma_semaphore, #tpu.memory_space<semaphore_mem>>) src(%dma_wait3A_99 : memref<1605632xf32, #tpu.memory_space<hbm>>) dst(%dma_wait3A_94 : memref<512xf32, #tpu.memory_space<vmem>>)
      %dma_start3A_100 = arith.constant 0 : i32
      %dma_start3A_101 = arith.constant 0 : i32
      %dma_start3A_102 = arith.constant 0 : i32
      %dma_start3A_103 = arith.constant 0 : i32
      %dma_start3A_104 = tpu.memref_slice %arg9[%dma_start3A_100, %dma_start3A_103] : memref<2x1024xf32, #tpu.memory_space<vmem>> -> memref<1x512xf32, #tpu.memory_space<vmem>>
      %dma_start3A_105 = tpu.memref_squeeze %dma_start3A_104 : memref<1x512xf32, #tpu.memory_space<vmem>> -> memref<512xf32, #tpu.memory_space<vmem>>
      %dma_start3A_106 = arith.constant 0 : i32
      %dma_start3A_107 = tpu.memref_slice %arg8[%dma_start3A_101, %dma_start3A_102, %dma_start3A_106] : memref<2x2x512xi32, #tpu.memory_space<vmem>> -> memref<1x1x512xi32, #tpu.memory_space<vmem>>
      %dma_start3A_108 = tpu.memref_squeeze %dma_start3A_107 : memref<1x1x512xi32, #tpu.memory_space<vmem>> -> memref<512xi32, #tpu.memory_space<vmem>>
      %dma_start3A_109 = arith.constant 0 : i32
      %dma_start3A_110 = tpu.memref_slice %arg10[%dma_start3A_109] : memref<100352xf32, #tpu.memory_space<vmem_shared>> -> memref<100352xf32, #tpu.memory_space<vmem_shared>>
      tpu.enqueue_indirect_dma source(%dma_start3A_105 : memref<512xf32, #tpu.memory_space<vmem>>) target(%dma_start3A_110 : memref<100352xf32, #tpu.memory_space<vmem_shared>>) offsets(%dma_start3A_108 : memref<512xi32, #tpu.memory_space<vmem>>) semaphore(%arg13 : memref<!tpu.dma_semaphore, #tpu.memory_space<semaphore_mem>>) {add = true}
      %dma_start3A_111 = arith.constant 0 : i32
      %dma_start3A_112 = arith.constant 0 : i32
      %dma_start3A_113 = arith.constant 1 : i32
      %dma_start3A_114 = arith.constant 512 : i32
      %dma_start3A_115 = tpu.memref_slice %arg9[%dma_start3A_111, %dma_start3A_114] : memref<2x1024xf32, #tpu.memory_space<vmem>> -> memref<1x512xf32, #tpu.memory_space<vmem>>
      %dma_start3A_116 = tpu.memref_squeeze %dma_start3A_115 : memref<1x512xf32, #tpu.memory_space<vmem>> -> memref<512xf32, #tpu.memory_space<vmem>>
      %dma_start3A_117 = arith.constant 0 : i32
      %dma_start3A_118 = tpu.memref_slice %arg8[%dma_start3A_112, %dma_start3A_113, %dma_start3A_117] : memref<2x2x512xi32, #tpu.memory_space<vmem>> -> memref<1x1x512xi32, #tpu.memory_space<vmem>>
      %dma_start3A_119 = tpu.memref_squeeze %dma_start3A_118 : memref<1x1x512xi32, #tpu.memory_space<vmem>> -> memref<512xi32, #tpu.memory_space<vmem>>
      %dma_start3A_120 = arith.constant 0 : i32
      %dma_start3A_121 = tpu.memref_slice %arg10[%dma_start3A_120] : memref<100352xf32, #tpu.memory_space<vmem_shared>> -> memref<100352xf32, #tpu.memory_space<vmem_shared>>
      tpu.enqueue_indirect_dma source(%dma_start3A_116 : memref<512xf32, #tpu.memory_space<vmem>>) target(%dma_start3A_121 : memref<100352xf32, #tpu.memory_space<vmem_shared>>) offsets(%dma_start3A_119 : memref<512xi32, #tpu.memory_space<vmem>>) semaphore(%arg13 : memref<!tpu.dma_semaphore, #tpu.memory_space<semaphore_mem>>) {add = true}
      %mul3A_122 = arith.constant 2 : i32
      %mul3A_123 = arith.muli %mul3A_122, %scan3A_67 : i32
      %add3A_124 = arith.constant 1 : i32
      %add3A_125 = arith.addi %mul3A_123, %add3A_124 : i32
      %ge3A_126 = arith.constant 1 : i32
      %ge3A_127 = arith.cmpi sge, %add3A_125, %ge3A_126 : i32
      %convert_element_type3A_128 = arith.extui %ge3A_127 : i1 to i32
      %cond3A_129 = arith.constant 0 : i32
      %cond3A_130 = arith.cmpi ne, %convert_element_type3A_128, %cond3A_129 : i32
      scf.if %cond3A_130 {
        %dma_wait3A_182 = arith.constant 0 : i32
        %dma_wait3A_183 = arith.constant 0 : i32
        %dma_wait3A_184 = arith.constant 0 : i32
        %dma_wait3A_185 = arith.constant 0 : i32
        %dma_wait3A_186 = tpu.memref_slice %arg9[%dma_wait3A_182, %dma_wait3A_185] : memref<2x1024xf32, #tpu.memory_space<vmem>> -> memref<1x512xf32, #tpu.memory_space<vmem>>
        %dma_wait3A_187 = tpu.memref_squeeze %dma_wait3A_186 : memref<1x512xf32, #tpu.memory_space<vmem>> -> memref<512xf32, #tpu.memory_space<vmem>>
        %dma_wait3A_188 = arith.constant 0 : i32
        %dma_wait3A_189 = tpu.memref_slice %arg8[%dma_wait3A_183, %dma_wait3A_184, %dma_wait3A_188] : memref<2x2x512xi32, #tpu.memory_space<vmem>> -> memref<1x1x512xi32, #tpu.memory_space<vmem>>
        %dma_wait3A_190 = tpu.memref_squeeze %dma_wait3A_189 : memref<1x1x512xi32, #tpu.memory_space<vmem>> -> memref<512xi32, #tpu.memory_space<vmem>>
        %dma_wait3A_191 = arith.constant 0 : i32
        %dma_wait3A_192 = tpu.memref_slice %arg10[%dma_wait3A_191] : memref<100352xf32, #tpu.memory_space<vmem_shared>> -> memref<100352xf32, #tpu.memory_space<vmem_shared>>
        tpu.wait_indirect_dma semaphore(%arg13 : memref<!tpu.dma_semaphore, #tpu.memory_space<semaphore_mem>>) src(%dma_wait3A_187 : memref<512xf32, #tpu.memory_space<vmem>>) dst(%dma_wait3A_192 : memref<100352xf32, #tpu.memory_space<vmem_shared>>)
        %dma_wait3A_193 = arith.constant 0 : i32
        %dma_wait3A_194 = arith.constant 0 : i32
        %dma_wait3A_195 = arith.constant 1 : i32
        %dma_wait3A_196 = arith.constant 512 : i32
        %dma_wait3A_197 = tpu.memref_slice %arg9[%dma_wait3A_193, %dma_wait3A_196] : memref<2x1024xf32, #tpu.memory_space<vmem>> -> memref<1x512xf32, #tpu.memory_space<vmem>>
        %dma_wait3A_198 = tpu.memref_squeeze %dma_wait3A_197 : memref<1x512xf32, #tpu.memory_space<vmem>> -> memref<512xf32, #tpu.memory_space<vmem>>
        %dma_wait3A_199 = arith.constant 0 : i32
        %dma_wait3A_200 = tpu.memref_slice %arg8[%dma_wait3A_194, %dma_wait3A_195, %dma_wait3A_199] : memref<2x2x512xi32, #tpu.memory_space<vmem>> -> memref<1x1x512xi32, #tpu.memory_space<vmem>>
        %dma_wait3A_201 = tpu.memref_squeeze %dma_wait3A_200 : memref<1x1x512xi32, #tpu.memory_space<vmem>> -> memref<512xi32, #tpu.memory_space<vmem>>
        %dma_wait3A_202 = arith.constant 0 : i32
        %dma_wait3A_203 = tpu.memref_slice %arg10[%dma_wait3A_202] : memref<100352xf32, #tpu.memory_space<vmem_shared>> -> memref<100352xf32, #tpu.memory_space<vmem_shared>>
        tpu.wait_indirect_dma semaphore(%arg13 : memref<!tpu.dma_semaphore, #tpu.memory_space<semaphore_mem>>) src(%dma_wait3A_198 : memref<512xf32, #tpu.memory_space<vmem>>) dst(%dma_wait3A_203 : memref<100352xf32, #tpu.memory_space<vmem_shared>>)
      } else {
      }
      %add3A_131 = arith.constant 1 : i32
      %add3A_132 = arith.addi %add3A_125, %add3A_131 : i32
      %lt3A_133 = arith.constant 54 : i32
      %lt3A_134 = arith.cmpi slt, %add3A_132, %lt3A_133 : i32
      %convert_element_type3A_135 = arith.extui %lt3A_134 : i1 to i32
      %cond3A_136 = arith.constant 0 : i32
      %cond3A_137 = arith.cmpi ne, %convert_element_type3A_135, %cond3A_136 : i32
      scf.if %cond3A_137 {
        %add3A_182 = arith.constant 1 : i32
        %add3A_183 = arith.addi %add3A_125, %add3A_182 : i32
        %mul3A_184 = arith.constant 2 : i32
        %mul3A_185 = arith.muli %add3A_183, %mul3A_184 : i32
        %add3A_186 = arith.addi %mul3A_6, %mul3A_185 : i32
        %run_scoped3A_187 = arith.constant 0 : i32
        "tpu.region"() ({
          %run_scoped3A_214 = tpu.sem_alloc : memref<!tpu.dma_semaphore, #tpu.memory_space<semaphore_mem>>
          %dma_start3A_215 = arith.constant 0 : i32
          %dma_start3A_216 = arith.constant 0 : i32
          %dma_start3A_217 = tpu.memref_slice %arg7[%run_scoped3A_187, %dma_start3A_215, %dma_start3A_216] : memref<2x2x512xi32, #tpu.memory_space<vmem>> -> memref<1x2x512xi32, #tpu.memory_space<vmem>>
          %dma_start3A_218 = tpu.memref_squeeze %dma_start3A_217 : memref<1x2x512xi32, #tpu.memory_space<vmem>> -> memref<2x512xi32, #tpu.memory_space<vmem>>
          %dma_start3A_219 = arith.constant 0 : i32
          %dma_start3A_220 = tpu.memref_slice %arg3[%add3A_186, %dma_start3A_219] : memref<3456x512xi32, #tpu.memory_space<hbm>> -> memref<2x512xi32, #tpu.memory_space<hbm>>
          %dma_start3A_221 = arith.constant 0 : i32
          %dma_start3A_222 = arith.constant 0 : i32
          %dma_start3A_223 = tpu.memref_slice %arg7[%run_scoped3A_187, %dma_start3A_221, %dma_start3A_222] : memref<2x2x512xi32, #tpu.memory_space<vmem>> -> memref<1x2x512xi32, #tpu.memory_space<vmem>>
          %dma_start3A_224 = tpu.memref_squeeze %dma_start3A_223 : memref<1x2x512xi32, #tpu.memory_space<vmem>> -> memref<2x512xi32, #tpu.memory_space<vmem>>
          %dma_start3A_225 = arith.constant 0 : i32
          %dma_start3A_226 = tpu.memref_slice %arg3[%add3A_186, %dma_start3A_225] : memref<3456x512xi32, #tpu.memory_space<hbm>> -> memref<2x512xi32, #tpu.memory_space<hbm>>
          tpu.enqueue_dma source(%dma_start3A_226 : memref<2x512xi32, #tpu.memory_space<hbm>>) target(%dma_start3A_224 : memref<2x512xi32, #tpu.memory_space<vmem>>) target_semaphore(%run_scoped3A_214 : memref<!tpu.dma_semaphore, #tpu.memory_space<semaphore_mem>>)
          %dma_wait3A_227 = arith.constant 0 : i32
          %dma_wait3A_228 = arith.constant 0 : i32
          %dma_wait3A_229 = tpu.memref_slice %arg7[%run_scoped3A_187, %dma_wait3A_227, %dma_wait3A_228] : memref<2x2x512xi32, #tpu.memory_space<vmem>> -> memref<1x2x512xi32, #tpu.memory_space<vmem>>
          %dma_wait3A_230 = tpu.memref_squeeze %dma_wait3A_229 : memref<1x2x512xi32, #tpu.memory_space<vmem>> -> memref<2x512xi32, #tpu.memory_space<vmem>>
          %dma_wait3A_231 = arith.constant 0 : i32
          %dma_wait3A_232 = tpu.memref_slice %arg3[%add3A_186, %dma_wait3A_231] : memref<3456x512xi32, #tpu.memory_space<hbm>> -> memref<2x512xi32, #tpu.memory_space<hbm>>
          %dma_wait3A_233 = arith.constant 0 : i32
          %dma_wait3A_234 = arith.constant 0 : i32
          %dma_wait3A_235 = tpu.memref_slice %arg7[%run_scoped3A_187, %dma_wait3A_233, %dma_wait3A_234] : memref<2x2x512xi32, #tpu.memory_space<vmem>> -> memref<1x2x512xi32, #tpu.memory_space<vmem>>
          %dma_wait3A_236 = tpu.memref_squeeze %dma_wait3A_235 : memref<1x2x512xi32, #tpu.memory_space<vmem>> -> memref<2x512xi32, #tpu.memory_space<vmem>>
          %dma_wait3A_237 = arith.constant 0 : i32
          %dma_wait3A_238 = tpu.memref_slice %arg3[%add3A_186, %dma_wait3A_237] : memref<3456x512xi32, #tpu.memory_space<hbm>> -> memref<2x512xi32, #tpu.memory_space<hbm>>
          tpu.wait_dma2 semaphore(%run_scoped3A_214 : memref<!tpu.dma_semaphore, #tpu.memory_space<semaphore_mem>>) src(%dma_wait3A_238 : memref<2x512xi32, #tpu.memory_space<hbm>>) dst(%dma_wait3A_236 : memref<2x512xi32, #tpu.memory_space<vmem>>)
          tpu.yield
        }) : () -> ()
        %mul3A_188 = arith.constant 2 : i32
        %mul3A_189 = arith.muli %add3A_183, %mul3A_188 : i32
        %add3A_190 = arith.addi %mul3A_6, %mul3A_189 : i32
        %run_scoped3A_191 = arith.constant 0 : i32
        "tpu.region"() ({
          %run_scoped3A_214 = tpu.sem_alloc : memref<!tpu.dma_semaphore, #tpu.memory_space<semaphore_mem>>
          %dma_start3A_215 = arith.constant 0 : i32
          %dma_start3A_216 = arith.constant 0 : i32
          %dma_start3A_217 = tpu.memref_slice %arg8[%run_scoped3A_191, %dma_start3A_215, %dma_start3A_216] : memref<2x2x512xi32, #tpu.memory_space<vmem>> -> memref<1x2x512xi32, #tpu.memory_space<vmem>>
          %dma_start3A_218 = tpu.memref_squeeze %dma_start3A_217 : memref<1x2x512xi32, #tpu.memory_space<vmem>> -> memref<2x512xi32, #tpu.memory_space<vmem>>
          %dma_start3A_219 = arith.constant 0 : i32
          %dma_start3A_220 = tpu.memref_slice %arg4[%add3A_190, %dma_start3A_219] : memref<3456x512xi32, #tpu.memory_space<hbm>> -> memref<2x512xi32, #tpu.memory_space<hbm>>
          %dma_start3A_221 = arith.constant 0 : i32
          %dma_start3A_222 = arith.constant 0 : i32
          %dma_start3A_223 = tpu.memref_slice %arg8[%run_scoped3A_191, %dma_start3A_221, %dma_start3A_222] : memref<2x2x512xi32, #tpu.memory_space<vmem>> -> memref<1x2x512xi32, #tpu.memory_space<vmem>>
          %dma_start3A_224 = tpu.memref_squeeze %dma_start3A_223 : memref<1x2x512xi32, #tpu.memory_space<vmem>> -> memref<2x512xi32, #tpu.memory_space<vmem>>
          %dma_start3A_225 = arith.constant 0 : i32
          %dma_start3A_226 = tpu.memref_slice %arg4[%add3A_190, %dma_start3A_225] : memref<3456x512xi32, #tpu.memory_space<hbm>> -> memref<2x512xi32, #tpu.memory_space<hbm>>
          tpu.enqueue_dma source(%dma_start3A_226 : memref<2x512xi32, #tpu.memory_space<hbm>>) target(%dma_start3A_224 : memref<2x512xi32, #tpu.memory_space<vmem>>) target_semaphore(%run_scoped3A_214 : memref<!tpu.dma_semaphore, #tpu.memory_space<semaphore_mem>>)
          %dma_wait3A_227 = arith.constant 0 : i32
          %dma_wait3A_228 = arith.constant 0 : i32
          %dma_wait3A_229 = tpu.memref_slice %arg8[%run_scoped3A_191, %dma_wait3A_227, %dma_wait3A_228] : memref<2x2x512xi32, #tpu.memory_space<vmem>> -> memref<1x2x512xi32, #tpu.memory_space<vmem>>
          %dma_wait3A_230 = tpu.memref_squeeze %dma_wait3A_229 : memref<1x2x512xi32, #tpu.memory_space<vmem>> -> memref<2x512xi32, #tpu.memory_space<vmem>>
          %dma_wait3A_231 = arith.constant 0 : i32
          %dma_wait3A_232 = tpu.memref_slice %arg4[%add3A_190, %dma_wait3A_231] : memref<3456x512xi32, #tpu.memory_space<hbm>> -> memref<2x512xi32, #tpu.memory_space<hbm>>
          %dma_wait3A_233 = arith.constant 0 : i32
          %dma_wait3A_234 = arith.constant 0 : i32
          %dma_wait3A_235 = tpu.memref_slice %arg8[%run_scoped3A_191, %dma_wait3A_233, %dma_wait3A_234] : memref<2x2x512xi32, #tpu.memory_space<vmem>> -> memref<1x2x512xi32, #tpu.memory_space<vmem>>
          %dma_wait3A_236 = tpu.memref_squeeze %dma_wait3A_235 : memref<1x2x512xi32, #tpu.memory_space<vmem>> -> memref<2x512xi32, #tpu.memory_space<vmem>>
          %dma_wait3A_237 = arith.constant 0 : i32
          %dma_wait3A_238 = tpu.memref_slice %arg4[%add3A_190, %dma_wait3A_237] : memref<3456x512xi32, #tpu.memory_space<hbm>> -> memref<2x512xi32, #tpu.memory_space<hbm>>
          tpu.wait_dma2 semaphore(%run_scoped3A_214 : memref<!tpu.dma_semaphore, #tpu.memory_space<semaphore_mem>>) src(%dma_wait3A_238 : memref<2x512xi32, #tpu.memory_space<hbm>>) dst(%dma_wait3A_236 : memref<2x512xi32, #tpu.memory_space<vmem>>)
          tpu.yield
        }) : () -> ()
        %dma_start3A_192 = arith.constant 0 : i32
        %dma_start3A_193 = arith.constant 0 : i32
        %dma_start3A_194 = arith.constant 0 : i32
        %dma_start3A_195 = arith.constant 0 : i32
        %dma_start3A_196 = tpu.memref_slice %arg9[%dma_start3A_194, %dma_start3A_195] : memref<2x1024xf32, #tpu.memory_space<vmem>> -> memref<1x512xf32, #tpu.memory_space<vmem>>
        %dma_start3A_197 = tpu.memref_squeeze %dma_start3A_196 : memref<1x512xf32, #tpu.memory_space<vmem>> -> memref<512xf32, #tpu.memory_space<vmem>>
        %dma_start3A_198 = arith.constant 0 : i32
        %dma_start3A_199 = tpu.memref_slice %arg7[%dma_start3A_192, %dma_start3A_193, %dma_start3A_198] : memref<2x2x512xi32, #tpu.memory_space<vmem>> -> memref<1x1x512xi32, #tpu.memory_space<vmem>>
        %dma_start3A_200 = tpu.memref_squeeze %dma_start3A_199 : memref<1x1x512xi32, #tpu.memory_space<vmem>> -> memref<512xi32, #tpu.memory_space<vmem>>
        %dma_start3A_201 = arith.constant 0 : i32
        %dma_start3A_202 = tpu.memref_slice %arg2[%dma_start3A_201] : memref<1605632xf32, #tpu.memory_space<hbm>> -> memref<1605632xf32, #tpu.memory_space<hbm>>
        tpu.enqueue_indirect_dma source(%dma_start3A_202 : memref<1605632xf32, #tpu.memory_space<hbm>>) target(%dma_start3A_197 : memref<512xf32, #tpu.memory_space<vmem>>) offsets(%dma_start3A_200 : memref<512xi32, #tpu.memory_space<vmem>>) semaphore(%arg11 : memref<!tpu.dma_semaphore, #tpu.memory_space<semaphore_mem>>)
        %dma_start3A_203 = arith.constant 0 : i32
        %dma_start3A_204 = arith.constant 1 : i32
        %dma_start3A_205 = arith.constant 0 : i32
        %dma_start3A_206 = arith.constant 512 : i32
        %dma_start3A_207 = tpu.memref_slice %arg9[%dma_start3A_205, %dma_start3A_206] : memref<2x1024xf32, #tpu.memory_space<vmem>> -> memref<1x512xf32, #tpu.memory_space<vmem>>
        %dma_start3A_208 = tpu.memref_squeeze %dma_start3A_207 : memref<1x512xf32, #tpu.memory_space<vmem>> -> memref<512xf32, #tpu.memory_space<vmem>>
        %dma_start3A_209 = arith.constant 0 : i32
        %dma_start3A_210 = tpu.memref_slice %arg7[%dma_start3A_203, %dma_start3A_204, %dma_start3A_209] : memref<2x2x512xi32, #tpu.memory_space<vmem>> -> memref<1x1x512xi32, #tpu.memory_space<vmem>>
        %dma_start3A_211 = tpu.memref_squeeze %dma_start3A_210 : memref<1x1x512xi32, #tpu.memory_space<vmem>> -> memref<512xi32, #tpu.memory_space<vmem>>
        %dma_start3A_212 = arith.constant 0 : i32
        %dma_start3A_213 = tpu.memref_slice %arg2[%dma_start3A_212] : memref<1605632xf32, #tpu.memory_space<hbm>> -> memref<1605632xf32, #tpu.memory_space<hbm>>
        tpu.enqueue_indirect_dma source(%dma_start3A_213 : memref<1605632xf32, #tpu.memory_space<hbm>>) target(%dma_start3A_208 : memref<512xf32, #tpu.memory_space<vmem>>) offsets(%dma_start3A_211 : memref<512xi32, #tpu.memory_space<vmem>>) semaphore(%arg11 : memref<!tpu.dma_semaphore, #tpu.memory_space<semaphore_mem>>)
      } else {
      }
      %dma_wait3A_138 = arith.constant 1 : i32
      %dma_wait3A_139 = arith.constant 0 : i32
      %dma_wait3A_140 = arith.constant 1 : i32
      %dma_wait3A_141 = arith.constant 0 : i32
      %dma_wait3A_142 = tpu.memref_slice %arg9[%dma_wait3A_140, %dma_wait3A_141] : memref<2x1024xf32, #tpu.memory_space<vmem>> -> memref<1x512xf32, #tpu.memory_space<vmem>>
      %dma_wait3A_143 = tpu.memref_squeeze %dma_wait3A_142 : memref<1x512xf32, #tpu.memory_space<vmem>> -> memref<512xf32, #tpu.memory_space<vmem>>
      %dma_wait3A_144 = arith.constant 0 : i32
      %dma_wait3A_145 = tpu.memref_slice %arg7[%dma_wait3A_138, %dma_wait3A_139, %dma_wait3A_144] : memref<2x2x512xi32, #tpu.memory_space<vmem>> -> memref<1x1x512xi32, #tpu.memory_space<vmem>>
      %dma_wait3A_146 = tpu.memref_squeeze %dma_wait3A_145 : memref<1x1x512xi32, #tpu.memory_space<vmem>> -> memref<512xi32, #tpu.memory_space<vmem>>
      %dma_wait3A_147 = arith.constant 0 : i32
      %dma_wait3A_148 = tpu.memref_slice %arg2[%dma_wait3A_147] : memref<1605632xf32, #tpu.memory_space<hbm>> -> memref<1605632xf32, #tpu.memory_space<hbm>>
      tpu.wait_indirect_dma semaphore(%arg12 : memref<!tpu.dma_semaphore, #tpu.memory_space<semaphore_mem>>) src(%dma_wait3A_148 : memref<1605632xf32, #tpu.memory_space<hbm>>) dst(%dma_wait3A_143 : memref<512xf32, #tpu.memory_space<vmem>>)
      %dma_wait3A_149 = arith.constant 1 : i32
      %dma_wait3A_150 = arith.constant 1 : i32
      %dma_wait3A_151 = arith.constant 1 : i32
      %dma_wait3A_152 = arith.constant 512 : i32
      %dma_wait3A_153 = tpu.memref_slice %arg9[%dma_wait3A_151, %dma_wait3A_152] : memref<2x1024xf32, #tpu.memory_space<vmem>> -> memref<1x512xf32, #tpu.memory_space<vmem>>
      %dma_wait3A_154 = tpu.memref_squeeze %dma_wait3A_153 : memref<1x512xf32, #tpu.memory_space<vmem>> -> memref<512xf32, #tpu.memory_space<vmem>>
      %dma_wait3A_155 = arith.constant 0 : i32
      %dma_wait3A_156 = tpu.memref_slice %arg7[%dma_wait3A_149, %dma_wait3A_150, %dma_wait3A_155] : memref<2x2x512xi32, #tpu.memory_space<vmem>> -> memref<1x1x512xi32, #tpu.memory_space<vmem>>
      %dma_wait3A_157 = tpu.memref_squeeze %dma_wait3A_156 : memref<1x1x512xi32, #tpu.memory_space<vmem>> -> memref<512xi32, #tpu.memory_space<vmem>>
      %dma_wait3A_158 = arith.constant 0 : i32
      %dma_wait3A_159 = tpu.memref_slice %arg2[%dma_wait3A_158] : memref<1605632xf32, #tpu.memory_space<hbm>> -> memref<1605632xf32, #tpu.memory_space<hbm>>
      tpu.wait_indirect_dma semaphore(%arg12 : memref<!tpu.dma_semaphore, #tpu.memory_space<semaphore_mem>>) src(%dma_wait3A_159 : memref<1605632xf32, #tpu.memory_space<hbm>>) dst(%dma_wait3A_154 : memref<512xf32, #tpu.memory_space<vmem>>)
      %dma_start3A_160 = arith.constant 1 : i32
      %dma_start3A_161 = arith.constant 1 : i32
      %dma_start3A_162 = arith.constant 0 : i32
      %dma_start3A_163 = arith.constant 0 : i32
      %dma_start3A_164 = tpu.memref_slice %arg9[%dma_start3A_160, %dma_start3A_163] : memref<2x1024xf32, #tpu.memory_space<vmem>> -> memref<1x512xf32, #tpu.memory_space<vmem>>
      %dma_start3A_165 = tpu.memref_squeeze %dma_start3A_164 : memref<1x512xf32, #tpu.memory_space<vmem>> -> memref<512xf32, #tpu.memory_space<vmem>>
      %dma_start3A_166 = arith.constant 0 : i32
      %dma_start3A_167 = tpu.memref_slice %arg8[%dma_start3A_161, %dma_start3A_162, %dma_start3A_166] : memref<2x2x512xi32, #tpu.memory_space<vmem>> -> memref<1x1x512xi32, #tpu.memory_space<vmem>>
      %dma_start3A_168 = tpu.memref_squeeze %dma_start3A_167 : memref<1x1x512xi32, #tpu.memory_space<vmem>> -> memref<512xi32, #tpu.memory_space<vmem>>
      %dma_start3A_169 = arith.constant 0 : i32
      %dma_start3A_170 = tpu.memref_slice %arg10[%dma_start3A_169] : memref<100352xf32, #tpu.memory_space<vmem_shared>> -> memref<100352xf32, #tpu.memory_space<vmem_shared>>
      tpu.enqueue_indirect_dma source(%dma_start3A_165 : memref<512xf32, #tpu.memory_space<vmem>>) target(%dma_start3A_170 : memref<100352xf32, #tpu.memory_space<vmem_shared>>) offsets(%dma_start3A_168 : memref<512xi32, #tpu.memory_space<vmem>>) semaphore(%arg14 : memref<!tpu.dma_semaphore, #tpu.memory_space<semaphore_mem>>) {add = true}
      %dma_start3A_171 = arith.constant 1 : i32
      %dma_start3A_172 = arith.constant 1 : i32
      %dma_start3A_173 = arith.constant 1 : i32
      %dma_start3A_174 = arith.constant 512 : i32
      %dma_start3A_175 = tpu.memref_slice %arg9[%dma_start3A_171, %dma_start3A_174] : memref<2x1024xf32, #tpu.memory_space<vmem>> -> memref<1x512xf32, #tpu.memory_space<vmem>>
      %dma_start3A_176 = tpu.memref_squeeze %dma_start3A_175 : memref<1x512xf32, #tpu.memory_space<vmem>> -> memref<512xf32, #tpu.memory_space<vmem>>
      %dma_start3A_177 = arith.constant 0 : i32
      %dma_start3A_178 = tpu.memref_slice %arg8[%dma_start3A_172, %dma_start3A_173, %dma_start3A_177] : memref<2x2x512xi32, #tpu.memory_space<vmem>> -> memref<1x1x512xi32, #tpu.memory_space<vmem>>
      %dma_start3A_179 = tpu.memref_squeeze %dma_start3A_178 : memref<1x1x512xi32, #tpu.memory_space<vmem>> -> memref<512xi32, #tpu.memory_space<vmem>>
      %dma_start3A_180 = arith.constant 0 : i32
      %dma_start3A_181 = tpu.memref_slice %arg10[%dma_start3A_180] : memref<100352xf32, #tpu.memory_space<vmem_shared>> -> memref<100352xf32, #tpu.memory_space<vmem_shared>>
      tpu.enqueue_indirect_dma source(%dma_start3A_176 : memref<512xf32, #tpu.memory_space<vmem>>) target(%dma_start3A_181 : memref<100352xf32, #tpu.memory_space<vmem_shared>>) offsets(%dma_start3A_179 : memref<512xi32, #tpu.memory_space<vmem>>) semaphore(%arg14 : memref<!tpu.dma_semaphore, #tpu.memory_space<semaphore_mem>>) {add = true}
    }
    %scan3A_37 = arith.constant 27 : i32
    %dma_wait3A = arith.constant 1 : i32
    %dma_wait3A_38 = arith.constant 1 : i32
    %dma_wait3A_39 = arith.constant 0 : i32
    %dma_wait3A_40 = arith.constant 0 : i32
    %dma_wait3A_41 = tpu.memref_slice %arg9[%dma_wait3A, %dma_wait3A_40] : memref<2x1024xf32, #tpu.memory_space<vmem>> -> memref<1x512xf32, #tpu.memory_space<vmem>>
    %dma_wait3A_42 = tpu.memref_squeeze %dma_wait3A_41 : memref<1x512xf32, #tpu.memory_space<vmem>> -> memref<512xf32, #tpu.memory_space<vmem>>
    %dma_wait3A_43 = arith.constant 0 : i32
    %dma_wait3A_44 = tpu.memref_slice %arg8[%dma_wait3A_38, %dma_wait3A_39, %dma_wait3A_43] : memref<2x2x512xi32, #tpu.memory_space<vmem>> -> memref<1x1x512xi32, #tpu.memory_space<vmem>>
    %dma_wait3A_45 = tpu.memref_squeeze %dma_wait3A_44 : memref<1x1x512xi32, #tpu.memory_space<vmem>> -> memref<512xi32, #tpu.memory_space<vmem>>
    %dma_wait3A_46 = arith.constant 0 : i32
    %dma_wait3A_47 = tpu.memref_slice %arg10[%dma_wait3A_46] : memref<100352xf32, #tpu.memory_space<vmem_shared>> -> memref<100352xf32, #tpu.memory_space<vmem_shared>>
    tpu.wait_indirect_dma semaphore(%arg14 : memref<!tpu.dma_semaphore, #tpu.memory_space<semaphore_mem>>) src(%dma_wait3A_42 : memref<512xf32, #tpu.memory_space<vmem>>) dst(%dma_wait3A_47 : memref<100352xf32, #tpu.memory_space<vmem_shared>>)
    %dma_wait3A_48 = arith.constant 1 : i32
    %dma_wait3A_49 = arith.constant 1 : i32
    %dma_wait3A_50 = arith.constant 1 : i32
    %dma_wait3A_51 = arith.constant 512 : i32
    %dma_wait3A_52 = tpu.memref_slice %arg9[%dma_wait3A_48, %dma_wait3A_51] : memref<2x1024xf32, #tpu.memory_space<vmem>> -> memref<1x512xf32, #tpu.memory_space<vmem>>
    %dma_wait3A_53 = tpu.memref_squeeze %dma_wait3A_52 : memref<1x512xf32, #tpu.memory_space<vmem>> -> memref<512xf32, #tpu.memory_space<vmem>>
    %dma_wait3A_54 = arith.constant 0 : i32
    %dma_wait3A_55 = tpu.memref_slice %arg8[%dma_wait3A_49, %dma_wait3A_50, %dma_wait3A_54] : memref<2x2x512xi32, #tpu.memory_space<vmem>> -> memref<1x1x512xi32, #tpu.memory_space<vmem>>
    %dma_wait3A_56 = tpu.memref_squeeze %dma_wait3A_55 : memref<1x1x512xi32, #tpu.memory_space<vmem>> -> memref<512xi32, #tpu.memory_space<vmem>>
    %dma_wait3A_57 = arith.constant 0 : i32
    %dma_wait3A_58 = tpu.memref_slice %arg10[%dma_wait3A_57] : memref<100352xf32, #tpu.memory_space<vmem_shared>> -> memref<100352xf32, #tpu.memory_space<vmem_shared>>
    tpu.wait_indirect_dma semaphore(%arg14 : memref<!tpu.dma_semaphore, #tpu.memory_space<semaphore_mem>>) src(%dma_wait3A_53 : memref<512xf32, #tpu.memory_space<vmem>>) dst(%dma_wait3A_58 : memref<100352xf32, #tpu.memory_space<vmem_shared>>)
    %barrier3A_59 = arith.constant 0 : index
    tpu.barrier barrier_id(%barrier3A_59)
    %mul3A_60 = arith.constant 6272 : i32
    %mul3A_61 = arith.muli %arg1, %mul3A_60 : i32
    %mul3A_62 = arith.constant 100352 : i32
    %mul3A_63 = arith.muli %arg0, %mul3A_62 : i32
    %mul3A_64 = arith.constant 6272 : i32
    %mul3A_65 = arith.muli %arg1, %mul3A_64 : i32
    %add3A_66 = arith.addi %mul3A_63, %mul3A_65 : i32
    "tpu.region"() ({
      %run_scoped3A_67 = tpu.sem_alloc : memref<!tpu.dma_semaphore, #tpu.memory_space<semaphore_mem>>
      %dma_start3A_68 = tpu.memref_slice %arg6[%add3A_66] : memref<200704xf32, #tpu.memory_space<hbm>> -> memref<6272xf32, #tpu.memory_space<hbm>>
      %dma_start3A_69 = tpu.memref_slice %arg10[%mul3A_61] : memref<100352xf32, #tpu.memory_space<vmem_shared>> -> memref<6272xf32, #tpu.memory_space<vmem_shared>>
      tpu.enqueue_dma source(%dma_start3A_69 : memref<6272xf32, #tpu.memory_space<vmem_shared>>) target(%dma_start3A_68 : memref<6272xf32, #tpu.memory_space<hbm>>) target_semaphore(%run_scoped3A_67 : memref<!tpu.dma_semaphore, #tpu.memory_space<semaphore_mem>>)
      %dma_wait3A_70 = tpu.memref_slice %arg6[%add3A_66] : memref<200704xf32, #tpu.memory_space<hbm>> -> memref<6272xf32, #tpu.memory_space<hbm>>
      %dma_wait3A_71 = tpu.memref_slice %arg10[%mul3A_61] : memref<100352xf32, #tpu.memory_space<vmem_shared>> -> memref<6272xf32, #tpu.memory_space<vmem_shared>>
      tpu.wait_dma2 semaphore(%run_scoped3A_67 : memref<!tpu.dma_semaphore, #tpu.memory_space<semaphore_mem>>) src(%dma_wait3A_71 : memref<6272xf32, #tpu.memory_space<vmem_shared>>) dst(%dma_wait3A_70 : memref<6272xf32, #tpu.memory_space<hbm>>)
      tpu.yield
    }) : () -> ()
    return
  }
}

module attributes {stable_mosaic.version = 14 : i64} {
  func.func @_tc1_body(%arg0: i32, %arg1: memref<16x128xf32, #tpu.memory_space<vmem>>, %arg2: memref<16x128xf32, #tpu.memory_space<vmem>>, %arg3: memref<128x128xf32, #tpu.memory_space<vmem>>, %arg4: memref<16x128xf32, #tpu.memory_space<vmem>>, %arg5: memref<16x128xf32, #tpu.memory_space<vmem>>, %arg6: memref<128x128xf32, #tpu.memory_space<vmem>>) attributes {dimension_semantics = [#tpu.dimension_semantics<arbitrary>], iteration_bounds = array<i64: 49>, scalar_prefetch = 0 : i64, scratch_operands = 0 : i64, tpu.core_type = #tpu.core_type<tc>, window_params = [{transform_indices = @transform_0, window_bounds = array<i64: 16, 128>}, {transform_indices = @transform_1, window_bounds = array<i64: 16, 128>}, {transform_indices = @transform_2, window_bounds = array<i64: 128, 128>}, {pipeline_mode = #tpu.pipeline_mode<synchronous>, transform_indices = @transform_3, window_bounds = array<i64: 16, 128>}, {transform_indices = @transform_4, window_bounds = array<i64: 16, 128>}, {transform_indices = @transform_5, window_bounds = array<i64: 128, 128>}]} {
    %get3A = arith.constant 0 : index
    %get3A_0 = arith.constant 0 : index
    %get3A_1 = vector.load %arg1[%get3A, %get3A_0] : memref<16x128xf32, #tpu.memory_space<vmem>>, vector<16x128xf32>
    %get3A_2 = arith.constant 0 : index
    %get3A_3 = arith.constant 0 : index
    %get3A_4 = vector.load %arg2[%get3A_2, %get3A_3] : memref<16x128xf32, #tpu.memory_space<vmem>>, vector<16x128xf32>
    %add3A = arith.addf %get3A_1, %get3A_4 : vector<16x128xf32>
    %add3A_5 = arith.constant 1.000000e+00 : f32
    %add3A_6 = vector.broadcast %add3A_5 : f32 to vector<16x128xf32>
    %add3A_7 = arith.addf %add3A, %add3A_6 : vector<16x128xf32>
    %rsqrt3A = math.rsqrt %add3A_7 : vector<16x128xf32>
    %swap3A = arith.constant 0 : index
    %swap3A_8 = arith.constant 0 : index
    %swap3A_9 = vector.load %arg5[%swap3A, %swap3A_8] : memref<16x128xf32, #tpu.memory_space<vmem>>, vector<16x128xf32>
    tpu.vector_store %arg5[%swap3A, %swap3A_8], %rsqrt3A {strides = array<i32>} : memref<16x128xf32, #tpu.memory_space<vmem>>, vector<16x128xf32>,
    %reshape3A = vector.shape_cast %rsqrt3A : vector<16x128xf32> to vector<128x16xf32>
    %get3A_10 = arith.constant 0 : index
    %get3A_11 = arith.constant 0 : index
    %get3A_12 = vector.load %arg4[%get3A_10, %get3A_11] : memref<16x128xf32, #tpu.memory_space<vmem>>, vector<16x128xf32>
    %dot_general3A = arith.constant dense<0.000000e+00> : vector<128x128xf32>
    %dot_general3A_13 = tpu.matmul %reshape3A, %get3A_12, %dot_general3A {dimension_numbers = #tpu.dot_dimension_numbers<[1], [0], [0], [1], [0, 0, 1, 1], [], []>, transpose_lhs_hint = false} : vector<128x16xf32>, vector<16x128xf32>, vector<128x128xf32> -> vector<128x128xf32>
    %get3A_14 = arith.constant 0 : index
    %get3A_15 = arith.constant 0 : index
    %get3A_16 = vector.load %arg3[%get3A_14, %get3A_15] : memref<128x128xf32, #tpu.memory_space<vmem>>, vector<128x128xf32>
    %mul3A = arith.mulf %get3A_16, %dot_general3A_13 : vector<128x128xf32>
    %swap3A_17 = arith.constant 0 : index
    %swap3A_18 = arith.constant 0 : index
    %swap3A_19 = vector.load %arg6[%swap3A_17, %swap3A_18] : memref<128x128xf32, #tpu.memory_space<vmem>>, vector<128x128xf32>
    tpu.vector_store %arg6[%swap3A_17, %swap3A_18], %mul3A {strides = array<i32>} : memref<128x128xf32, #tpu.memory_space<vmem>>, vector<128x128xf32>,
    return
  }
  func.func @transform_0(%arg0: i32) -> (i32, i32) {
    %add3A = arith.constant 0 : i32
    %add3A_0 = arith.addi %arg0, %add3A : i32
    %c0_i32 = arith.constant 0 : i32
    %c0_i32_1 = arith.constant 0 : i32
    return %add3A_0, %c0_i32 : i32, i32
  }
  func.func @transform_1(%arg0: i32) -> (i32, i32) {
    %add3A = arith.constant 49 : i32
    %add3A_0 = arith.addi %arg0, %add3A : i32
    %c0_i32 = arith.constant 0 : i32
    %c0_i32_1 = arith.constant 0 : i32
    return %add3A_0, %c0_i32 : i32, i32
  }
  func.func @transform_2(%arg0: i32) -> (i32, i32) {
    %add3A = arith.constant 0 : i32
    %add3A_0 = arith.addi %arg0, %add3A : i32
    %c0_i32 = arith.constant 0 : i32
    %c0_i32_1 = arith.constant 0 : i32
    return %add3A_0, %c0_i32 : i32, i32
  }
  func.func @transform_3(%arg0: i32) -> (i32, i32) {
    %c0_i32 = arith.constant 0 : i32
    %c0_i32_0 = arith.constant 0 : i32
    %c0_i32_1 = arith.constant 0 : i32
    return %c0_i32, %c0_i32_0 : i32, i32
  }
  func.func @transform_4(%arg0: i32) -> (i32, i32) {
    %add3A = arith.constant 0 : i32
    %add3A_0 = arith.addi %arg0, %add3A : i32
    %c0_i32 = arith.constant 0 : i32
    %c0_i32_1 = arith.constant 0 : i32
    return %add3A_0, %c0_i32 : i32, i32
  }
  func.func @transform_5(%arg0: i32) -> (i32, i32) {
    %add3A = arith.constant 0 : i32
    %add3A_0 = arith.addi %arg0, %add3A : i32
    %c0_i32 = arith.constant 0 : i32
    %c0_i32_1 = arith.constant 0 : i32
    return %add3A_0, %c0_i32 : i32, i32
  }
}

module attributes {stable_mosaic.version = 14 : i64} {
  func.func @_tc2_body(%arg0: i32, %arg1: memref<128x128xf32, #tpu.memory_space<vmem>>, %arg2: memref<128x128xf32, #tpu.memory_space<vmem>>, %arg3: memref<128x128xf32, #tpu.memory_space<vmem>>, %arg4: memref<16x128xf32, #tpu.memory_space<vmem>>, %arg5: memref<16x128xf32, #tpu.memory_space<vmem>>, %arg6: memref<16x256xf32, #tpu.memory_space<vmem>>, %arg7: memref<128x2048xf32, #tpu.memory_space<vmem>>, %arg8: memref<1x2048xf32, #tpu.memory_space<vmem>>, %arg9: memref<2048x256xf32, #tpu.memory_space<vmem>>, %arg10: memref<2048x256xf32, #tpu.memory_space<vmem>>, %arg11: memref<256x128xf32, #tpu.memory_space<vmem>>, %arg12: memref<256x128xf32, #tpu.memory_space<vmem>>) attributes {dimension_semantics = [#tpu.dimension_semantics<arbitrary>], iteration_bounds = array<i64: 49>, scalar_prefetch = 0 : i64, scratch_operands = 0 : i64, tpu.core_type = #tpu.core_type<tc>, window_params = [{transform_indices = @transform_0, window_bounds = array<i64: 128, 128>}, {transform_indices = @transform_1, window_bounds = array<i64: 128, 128>}, {transform_indices = @transform_2, window_bounds = array<i64: 128, 128>}, {transform_indices = @transform_3, window_bounds = array<i64: 16, 128>}, {pipeline_mode = #tpu.pipeline_mode<synchronous>, transform_indices = @transform_4, window_bounds = array<i64: 16, 128>}, {pipeline_mode = #tpu.pipeline_mode<synchronous>, transform_indices = @transform_5, window_bounds = array<i64: 16, 256>}, {pipeline_mode = #tpu.pipeline_mode<synchronous>, transform_indices = @transform_6, window_bounds = array<i64: 128, 2048>}, {pipeline_mode = #tpu.pipeline_mode<synchronous>, transform_indices = @transform_7, window_bounds = array<i64: 1, 2048>}, {pipeline_mode = #tpu.pipeline_mode<synchronous>, transform_indices = @transform_8, window_bounds = array<i64: 2048, 256>}, {pipeline_mode = #tpu.pipeline_mode<synchronous>, transform_indices = @transform_9, window_bounds = array<i64: 2048, 256>}, {transform_indices = @transform_10, window_bounds = array<i64: 256, 128>}, {transform_indices = @transform_11, window_bounds = array<i64: 256, 128>}]} {
    %get3A = arith.constant 0 : index
    %get3A_0 = arith.constant 0 : index
    %get3A_1 = vector.load %arg4[%get3A, %get3A_0] : memref<16x128xf32, #tpu.memory_space<vmem>>, vector<16x128xf32>
    %reshape3A = vector.shape_cast %get3A_1 : vector<16x128xf32> to vector<128x16xf32>
    %get3A_2 = arith.constant 0 : index
    %get3A_3 = arith.constant 0 : index
    %get3A_4 = vector.load %arg5[%get3A_2, %get3A_3] : memref<16x128xf32, #tpu.memory_space<vmem>>, vector<16x128xf32>
    %dot_general3A = arith.constant dense<0.000000e+00> : vector<128x128xf32>
    %dot_general3A_5 = tpu.matmul %reshape3A, %get3A_4, %dot_general3A {dimension_numbers = #tpu.dot_dimension_numbers<[1], [0], [0], [1], [0, 0, 1, 1], [], []>, transpose_lhs_hint = false} : vector<128x16xf32>, vector<16x128xf32>, vector<128x128xf32> -> vector<128x128xf32>
    %get3A_6 = arith.constant 0 : index
    %get3A_7 = arith.constant 0 : index
    %get3A_8 = vector.load %arg1[%get3A_6, %get3A_7] : memref<128x128xf32, #tpu.memory_space<vmem>>, vector<128x128xf32>
    %get3A_9 = arith.constant 0 : index
    %get3A_10 = arith.constant 0 : index
    %get3A_11 = vector.load %arg2[%get3A_9, %get3A_10] : memref<128x128xf32, #tpu.memory_space<vmem>>, vector<128x128xf32>
    %add3A = arith.addf %get3A_8, %get3A_11 : vector<128x128xf32>
    %get3A_12 = arith.constant 0 : index
    %get3A_13 = arith.constant 0 : index
    %get3A_14 = vector.load %arg3[%get3A_12, %get3A_13] : memref<128x128xf32, #tpu.memory_space<vmem>>, vector<128x128xf32>
    %add3A_15 = arith.addf %add3A, %get3A_14 : vector<128x128xf32>
    %mul3A = arith.mulf %dot_general3A_5, %add3A_15 : vector<128x128xf32>
    %get3A_16 = arith.constant 0 : index
    %get3A_17 = arith.constant 0 : index
    %get3A_18 = vector.load %arg7[%get3A_16, %get3A_17] : memref<128x2048xf32, #tpu.memory_space<vmem>>, vector<128x2048xf32>
    %dot_general3A_19 = arith.constant dense<0.000000e+00> : vector<128x2048xf32>
    %dot_general3A_20 = tpu.matmul %mul3A, %get3A_18, %dot_general3A_19 {dimension_numbers = #tpu.dot_dimension_numbers<[1], [0], [0], [1], [0, 0, 1, 1], [], []>, transpose_lhs_hint = false} : vector<128x128xf32>, vector<128x2048xf32>, vector<128x2048xf32> -> vector<128x2048xf32>
    %get3A_21 = arith.constant 0 : index
    %get3A_22 = arith.constant 0 : index
    %get3A_23 = vector.load %arg8[%get3A_21, %get3A_22] : memref<1x2048xf32, #tpu.memory_space<vmem>>, vector<1x2048xf32>
    %add3A_24 = vector.broadcast %get3A_23 : vector<1x2048xf32> to vector<128x2048xf32>
    %add3A_25 = arith.addf %dot_general3A_20, %add3A_24 : vector<128x2048xf32>
    %max3A = arith.constant 0.000000e+00 : f32
    %max3A_26 = vector.broadcast %max3A : f32 to vector<128x2048xf32>
    %max3A_27 = arith.maximumf %add3A_25, %max3A_26 : vector<128x2048xf32>
    %get3A_28 = arith.constant 0 : index
    %get3A_29 = arith.constant 0 : index
    %get3A_30 = vector.load %arg6[%get3A_28, %get3A_29] : memref<16x256xf32, #tpu.memory_space<vmem>>, vector<16x256xf32>
    %dot_general3A_31 = arith.constant dense<0.000000e+00> : vector<128x256xf32>
    %dot_general3A_32 = tpu.matmul %reshape3A, %get3A_30, %dot_general3A_31 {dimension_numbers = #tpu.dot_dimension_numbers<[1], [0], [0], [1], [0, 0, 1, 1], [], []>, transpose_lhs_hint = false} : vector<128x16xf32>, vector<16x256xf32>, vector<128x256xf32> -> vector<128x256xf32>
    %get3A_33 = arith.constant 0 : index
    %get3A_34 = arith.constant 0 : index
    %get3A_35 = vector.load %arg9[%get3A_33, %get3A_34] : memref<2048x256xf32, #tpu.memory_space<vmem>>, vector<2048x256xf32>
    %dot_general3A_36 = arith.constant dense<0.000000e+00> : vector<128x256xf32>
    %dot_general3A_37 = tpu.matmul %max3A_27, %get3A_35, %dot_general3A_36 {dimension_numbers = #tpu.dot_dimension_numbers<[1], [0], [0], [1], [0, 0, 1, 1], [], []>, transpose_lhs_hint = false} : vector<128x2048xf32>, vector<2048x256xf32>, vector<128x256xf32> -> vector<128x256xf32>
    %get3A_38 = arith.constant 0 : index
    %get3A_39 = arith.constant 0 : index
    %get3A_40 = vector.load %arg10[%get3A_38, %get3A_39] : memref<2048x256xf32, #tpu.memory_space<vmem>>, vector<2048x256xf32>
    %dot_general3A_41 = arith.constant dense<0.000000e+00> : vector<128x256xf32>
    %dot_general3A_42 = tpu.matmul %max3A_27, %get3A_40, %dot_general3A_41 {dimension_numbers = #tpu.dot_dimension_numbers<[1], [0], [0], [1], [0, 0, 1, 1], [], []>, transpose_lhs_hint = false} : vector<128x2048xf32>, vector<2048x256xf32>, vector<128x256xf32> -> vector<128x256xf32>
    %mul3A_43 = arith.mulf %dot_general3A_32, %dot_general3A_37 : vector<128x256xf32>
    %reshape3A_44 = vector.shape_cast %mul3A_43 : vector<128x256xf32> to vector<256x128xf32>
    %swap3A = arith.constant 0 : index
    %swap3A_45 = arith.constant 0 : index
    %swap3A_46 = vector.load %arg11[%swap3A, %swap3A_45] : memref<256x128xf32, #tpu.memory_space<vmem>>, vector<256x128xf32>
    tpu.vector_store %arg11[%swap3A, %swap3A_45], %reshape3A_44 {strides = array<i32>} : memref<256x128xf32, #tpu.memory_space<vmem>>, vector<256x128xf32>,
    %mul3A_47 = arith.mulf %dot_general3A_32, %dot_general3A_42 : vector<128x256xf32>
    %reshape3A_48 = vector.shape_cast %mul3A_47 : vector<128x256xf32> to vector<256x128xf32>
    %swap3A_49 = arith.constant 0 : index
    %swap3A_50 = arith.constant 0 : index
    %swap3A_51 = vector.load %arg12[%swap3A_49, %swap3A_50] : memref<256x128xf32, #tpu.memory_space<vmem>>, vector<256x128xf32>
    tpu.vector_store %arg12[%swap3A_49, %swap3A_50], %reshape3A_48 {strides = array<i32>} : memref<256x128xf32, #tpu.memory_space<vmem>>, vector<256x128xf32>,
    return
  }
  func.func @transform_0(%arg0: i32) -> (i32, i32) {
    %add3A = arith.constant 0 : i32
    %add3A_0 = arith.addi %arg0, %add3A : i32
    %c0_i32 = arith.constant 0 : i32
    %c0_i32_1 = arith.constant 0 : i32
    return %add3A_0, %c0_i32 : i32, i32
  }
  func.func @transform_1(%arg0: i32) -> (i32, i32) {
    %add3A = arith.constant 49 : i32
    %add3A_0 = arith.addi %arg0, %add3A : i32
    %c0_i32 = arith.constant 0 : i32
    %c0_i32_1 = arith.constant 0 : i32
    return %add3A_0, %c0_i32 : i32, i32
  }
  func.func @transform_2(%arg0: i32) -> (i32, i32) {
    %add3A = arith.constant 0 : i32
    %add3A_0 = arith.addi %arg0, %add3A : i32
    %c0_i32 = arith.constant 0 : i32
    %c0_i32_1 = arith.constant 0 : i32
    return %add3A_0, %c0_i32 : i32, i32
  }
  func.func @transform_3(%arg0: i32) -> (i32, i32) {
    %add3A = arith.constant 0 : i32
    %add3A_0 = arith.addi %arg0, %add3A : i32
    %c0_i32 = arith.constant 0 : i32
    %c0_i32_1 = arith.constant 0 : i32
    return %add3A_0, %c0_i32 : i32, i32
  }
  func.func @transform_4(%arg0: i32) -> (i32, i32) {
    %c0_i32 = arith.constant 0 : i32
    %c0_i32_0 = arith.constant 0 : i32
    %c0_i32_1 = arith.constant 0 : i32
    return %c0_i32, %c0_i32_0 : i32, i32
  }
  func.func @transform_5(%arg0: i32) -> (i32, i32) {
    %c0_i32 = arith.constant 0 : i32
    %c0_i32_0 = arith.constant 0 : i32
    %c0_i32_1 = arith.constant 0 : i32
    return %c0_i32, %c0_i32_0 : i32, i32
  }
  func.func @transform_6(%arg0: i32) -> (i32, i32) {
    %c0_i32 = arith.constant 0 : i32
    %c0_i32_0 = arith.constant 0 : i32
    %c0_i32_1 = arith.constant 0 : i32
    return %c0_i32, %c0_i32_0 : i32, i32
  }
  func.func @transform_7(%arg0: i32) -> (i32, i32) {
    %c0_i32 = arith.constant 0 : i32
    %c0_i32_0 = arith.constant 0 : i32
    %c0_i32_1 = arith.constant 0 : i32
    return %c0_i32, %c0_i32_0 : i32, i32
  }
  func.func @transform_8(%arg0: i32) -> (i32, i32) {
    %c0_i32 = arith.constant 0 : i32
    %c0_i32_0 = arith.constant 0 : i32
    %c0_i32_1 = arith.constant 0 : i32
    return %c0_i32, %c0_i32_0 : i32, i32
  }
  func.func @transform_9(%arg0: i32) -> (i32, i32) {
    %c0_i32 = arith.constant 0 : i32
    %c0_i32_0 = arith.constant 0 : i32
    %c0_i32_1 = arith.constant 0 : i32
    return %c0_i32, %c0_i32_0 : i32, i32
  }
  func.func @transform_10(%arg0: i32) -> (i32, i32) {
    %add3A = arith.constant 0 : i32
    %add3A_0 = arith.addi %arg0, %add3A : i32
    %c0_i32 = arith.constant 0 : i32
    %c0_i32_1 = arith.constant 0 : i32
    return %add3A_0, %c0_i32 : i32, i32
  }
  func.func @transform_11(%arg0: i32) -> (i32, i32) {
    %add3A = arith.constant 0 : i32
    %add3A_0 = arith.addi %arg0, %add3A : i32
    %c0_i32 = arith.constant 0 : i32
    %c0_i32_1 = arith.constant 0 : i32
    return %add3A_0, %c0_i32 : i32, i32
  }
}

module attributes {stable_mosaic.version = 14 : i64} {
  func.func @_tc3_body(%arg0: i32, %arg1: memref<256x128xf32, #tpu.memory_space<vmem>>, %arg2: memref<256x128xf32, #tpu.memory_space<vmem>>, %arg3: memref<256x128xf32, #tpu.memory_space<vmem>>, %arg4: memref<256x128xf32, #tpu.memory_space<vmem>>, %arg5: memref<16x128xf32, #tpu.memory_space<vmem>>, %arg6: memref<16x256xf32, #tpu.memory_space<vmem>>, %arg7: memref<128x128xf32, #tpu.memory_space<vmem>>, %arg8: memref<128x128xf32, #tpu.memory_space<vmem>>, %arg9: memref<1x128xf32, #tpu.memory_space<vmem>>, %arg10: memref<1x128xf32, #tpu.memory_space<vmem>>, %arg11: memref<256x128xf32, #tpu.memory_space<vmem>>) attributes {dimension_semantics = [#tpu.dimension_semantics<arbitrary>], iteration_bounds = array<i64: 49>, scalar_prefetch = 0 : i64, scratch_operands = 0 : i64, tpu.core_type = #tpu.core_type<tc>, window_params = [{transform_indices = @transform_0, window_bounds = array<i64: 256, 128>}, {transform_indices = @transform_1, window_bounds = array<i64: 256, 128>}, {transform_indices = @transform_2, window_bounds = array<i64: 256, 128>}, {transform_indices = @transform_3, window_bounds = array<i64: 256, 128>}, {transform_indices = @transform_4, window_bounds = array<i64: 16, 128>}, {pipeline_mode = #tpu.pipeline_mode<synchronous>, transform_indices = @transform_5, window_bounds = array<i64: 16, 256>}, {pipeline_mode = #tpu.pipeline_mode<synchronous>, transform_indices = @transform_6, window_bounds = array<i64: 128, 128>}, {pipeline_mode = #tpu.pipeline_mode<synchronous>, transform_indices = @transform_7, window_bounds = array<i64: 128, 128>}, {pipeline_mode = #tpu.pipeline_mode<synchronous>, transform_indices = @transform_8, window_bounds = array<i64: 1, 128>}, {pipeline_mode = #tpu.pipeline_mode<synchronous>, transform_indices = @transform_9, window_bounds = array<i64: 1, 128>}, {transform_indices = @transform_10, window_bounds = array<i64: 256, 128>}]} {
    %get3A = arith.constant 0 : index
    %get3A_0 = arith.constant 0 : index
    %get3A_1 = vector.load %arg5[%get3A, %get3A_0] : memref<16x128xf32, #tpu.memory_space<vmem>>, vector<16x128xf32>
    %reshape3A = vector.shape_cast %get3A_1 : vector<16x128xf32> to vector<128x16xf32>
    %get3A_2 = arith.constant 0 : index
    %get3A_3 = arith.constant 0 : index
    %get3A_4 = vector.load %arg6[%get3A_2, %get3A_3] : memref<16x256xf32, #tpu.memory_space<vmem>>, vector<16x256xf32>
    %dot_general3A = arith.constant dense<0.000000e+00> : vector<128x256xf32>
    %dot_general3A_5 = tpu.matmul %reshape3A, %get3A_4, %dot_general3A {dimension_numbers = #tpu.dot_dimension_numbers<[1], [0], [0], [1], [0, 0, 1, 1], [], []>, transpose_lhs_hint = false} : vector<128x16xf32>, vector<16x256xf32>, vector<128x256xf32> -> vector<128x256xf32>
    %reshape3A_6 = vector.shape_cast %dot_general3A_5 : vector<128x256xf32> to vector<256x128xf32>
    %get3A_7 = arith.constant 0 : index
    %get3A_8 = arith.constant 0 : index
    %get3A_9 = vector.load %arg1[%get3A_7, %get3A_8] : memref<256x128xf32, #tpu.memory_space<vmem>>, vector<256x128xf32>
    %get3A_10 = arith.constant 0 : index
    %get3A_11 = arith.constant 0 : index
    %get3A_12 = vector.load %arg3[%get3A_10, %get3A_11] : memref<256x128xf32, #tpu.memory_space<vmem>>, vector<256x128xf32>
    %add3A = arith.addf %get3A_9, %get3A_12 : vector<256x128xf32>
    %mul3A = arith.mulf %reshape3A_6, %add3A : vector<256x128xf32>
    %get3A_13 = arith.constant 0 : index
    %get3A_14 = arith.constant 0 : index
    %get3A_15 = vector.load %arg9[%get3A_13, %get3A_14] : memref<1x128xf32, #tpu.memory_space<vmem>>, vector<1x128xf32>
    %add3A_16 = vector.broadcast %get3A_15 : vector<1x128xf32> to vector<256x128xf32>
    %add3A_17 = arith.addf %mul3A, %add3A_16 : vector<256x128xf32>
    %max3A = arith.constant 0.000000e+00 : f32
    %max3A_18 = vector.broadcast %max3A : f32 to vector<256x128xf32>
    %max3A_19 = arith.maximumf %add3A_17, %max3A_18 : vector<256x128xf32>
    %get3A_20 = arith.constant 0 : index
    %get3A_21 = arith.constant 0 : index
    %get3A_22 = vector.load %arg2[%get3A_20, %get3A_21] : memref<256x128xf32, #tpu.memory_space<vmem>>, vector<256x128xf32>
    %get3A_23 = arith.constant 0 : index
    %get3A_24 = arith.constant 0 : index
    %get3A_25 = vector.load %arg4[%get3A_23, %get3A_24] : memref<256x128xf32, #tpu.memory_space<vmem>>, vector<256x128xf32>
    %add3A_26 = arith.addf %get3A_22, %get3A_25 : vector<256x128xf32>
    %mul3A_27 = arith.mulf %reshape3A_6, %add3A_26 : vector<256x128xf32>
    %get3A_28 = arith.constant 0 : index
    %get3A_29 = arith.constant 0 : index
    %get3A_30 = vector.load %arg10[%get3A_28, %get3A_29] : memref<1x128xf32, #tpu.memory_space<vmem>>, vector<1x128xf32>
    %add3A_31 = vector.broadcast %get3A_30 : vector<1x128xf32> to vector<256x128xf32>
    %add3A_32 = arith.addf %mul3A_27, %add3A_31 : vector<256x128xf32>
    %max3A_33 = arith.constant 0.000000e+00 : f32
    %max3A_34 = vector.broadcast %max3A_33 : f32 to vector<256x128xf32>
    %max3A_35 = arith.maximumf %add3A_32, %max3A_34 : vector<256x128xf32>
    %get3A_36 = arith.constant 0 : index
    %get3A_37 = arith.constant 0 : index
    %get3A_38 = vector.load %arg7[%get3A_36, %get3A_37] : memref<128x128xf32, #tpu.memory_space<vmem>>, vector<128x128xf32>
    %dot_general3A_39 = arith.constant dense<0.000000e+00> : vector<256x128xf32>
    %dot_general3A_40 = tpu.matmul %max3A_19, %get3A_38, %dot_general3A_39 {dimension_numbers = #tpu.dot_dimension_numbers<[1], [0], [0], [1], [0, 0, 1, 1], [], []>, transpose_lhs_hint = false} : vector<256x128xf32>, vector<128x128xf32>, vector<256x128xf32> -> vector<256x128xf32>
    %get3A_41 = arith.constant 0 : index
    %get3A_42 = arith.constant 0 : index
    %get3A_43 = vector.load %arg8[%get3A_41, %get3A_42] : memref<128x128xf32, #tpu.memory_space<vmem>>, vector<128x128xf32>
    %dot_general3A_44 = arith.constant dense<0.000000e+00> : vector<256x128xf32>
    %dot_general3A_45 = tpu.matmul %max3A_35, %get3A_43, %dot_general3A_44 {dimension_numbers = #tpu.dot_dimension_numbers<[1], [0], [0], [1], [0, 0, 1, 1], [], []>, transpose_lhs_hint = false} : vector<256x128xf32>, vector<128x128xf32>, vector<256x128xf32> -> vector<256x128xf32>
    %add3A_46 = arith.addf %dot_general3A_40, %dot_general3A_45 : vector<256x128xf32>
    %mul3A_47 = arith.mulf %reshape3A_6, %add3A_46 : vector<256x128xf32>
    %swap3A = arith.constant 0 : index
    %swap3A_48 = arith.constant 0 : index
    %swap3A_49 = vector.load %arg11[%swap3A, %swap3A_48] : memref<256x128xf32, #tpu.memory_space<vmem>>, vector<256x128xf32>
    tpu.vector_store %arg11[%swap3A, %swap3A_48], %mul3A_47 {strides = array<i32>} : memref<256x128xf32, #tpu.memory_space<vmem>>, vector<256x128xf32>,
    return
  }
  func.func @transform_0(%arg0: i32) -> (i32, i32) {
    %add3A = arith.constant 0 : i32
    %add3A_0 = arith.addi %arg0, %add3A : i32
    %c0_i32 = arith.constant 0 : i32
    %c0_i32_1 = arith.constant 0 : i32
    return %add3A_0, %c0_i32 : i32, i32
  }
  func.func @transform_1(%arg0: i32) -> (i32, i32) {
    %add3A = arith.constant 49 : i32
    %add3A_0 = arith.addi %arg0, %add3A : i32
    %c0_i32 = arith.constant 0 : i32
    %c0_i32_1 = arith.constant 0 : i32
    return %add3A_0, %c0_i32 : i32, i32
  }
  func.func @transform_2(%arg0: i32) -> (i32, i32) {
    %add3A = arith.constant 0 : i32
    %add3A_0 = arith.addi %arg0, %add3A : i32
    %c0_i32 = arith.constant 0 : i32
    %c0_i32_1 = arith.constant 0 : i32
    return %add3A_0, %c0_i32 : i32, i32
  }
  func.func @transform_3(%arg0: i32) -> (i32, i32) {
    %add3A = arith.constant 0 : i32
    %add3A_0 = arith.addi %arg0, %add3A : i32
    %c0_i32 = arith.constant 0 : i32
    %c0_i32_1 = arith.constant 0 : i32
    return %add3A_0, %c0_i32 : i32, i32
  }
  func.func @transform_4(%arg0: i32) -> (i32, i32) {
    %add3A = arith.constant 0 : i32
    %add3A_0 = arith.addi %arg0, %add3A : i32
    %c0_i32 = arith.constant 0 : i32
    %c0_i32_1 = arith.constant 0 : i32
    return %add3A_0, %c0_i32 : i32, i32
  }
  func.func @transform_5(%arg0: i32) -> (i32, i32) {
    %c0_i32 = arith.constant 0 : i32
    %c0_i32_0 = arith.constant 0 : i32
    %c0_i32_1 = arith.constant 0 : i32
    return %c0_i32, %c0_i32_0 : i32, i32
  }
  func.func @transform_6(%arg0: i32) -> (i32, i32) {
    %c0_i32 = arith.constant 0 : i32
    %c0_i32_0 = arith.constant 0 : i32
    %c0_i32_1 = arith.constant 0 : i32
    return %c0_i32, %c0_i32_0 : i32, i32
  }
  func.func @transform_7(%arg0: i32) -> (i32, i32) {
    %c0_i32 = arith.constant 0 : i32
    %c0_i32_0 = arith.constant 0 : i32
    %c0_i32_1 = arith.constant 0 : i32
    return %c0_i32, %c0_i32_0 : i32, i32
  }
  func.func @transform_8(%arg0: i32) -> (i32, i32) {
    %c0_i32 = arith.constant 0 : i32
    %c0_i32_0 = arith.constant 0 : i32
    %c0_i32_1 = arith.constant 0 : i32
    return %c0_i32, %c0_i32_0 : i32, i32
  }
  func.func @transform_9(%arg0: i32) -> (i32, i32) {
    %c0_i32 = arith.constant 0 : i32
    %c0_i32_0 = arith.constant 0 : i32
    %c0_i32_1 = arith.constant 0 : i32
    return %c0_i32, %c0_i32_0 : i32, i32
  }
  func.func @transform_10(%arg0: i32) -> (i32, i32) {
    %add3A = arith.constant 0 : i32
    %add3A_0 = arith.addi %arg0, %add3A : i32
    %c0_i32 = arith.constant 0 : i32
    %c0_i32_1 = arith.constant 0 : i32
    return %add3A_0, %c0_i32 : i32, i32
  }
}

module attributes {stable_mosaic.version = 14 : i64} {
  func.func @_tc4_body(%arg0: i32, %arg1: memref<16x128xf32, #tpu.memory_space<vmem>>, %arg2: memref<16x128xf32, #tpu.memory_space<vmem>>, %arg3: memref<16x128xf32, #tpu.memory_space<vmem>>, %arg4: memref<1x1xf32, #tpu.memory_space<vmem>>, %arg5: memref<16x128xi32, #tpu.memory_space<vmem>>, %arg6: memref<64x1xf32, #tpu.memory_space<vmem>>, %arg7: memref<64x2xf32, #tpu.memory_space<vmem>>) attributes {dimension_semantics = [#tpu.dimension_semantics<arbitrary>], iteration_bounds = array<i64: 49>, scalar_prefetch = 0 : i64, scratch_operands = 1 : i64, tpu.core_type = #tpu.core_type<tc>, window_params = [{transform_indices = @transform_0, window_bounds = array<i64: 16, 128>}, {transform_indices = @transform_1, window_bounds = array<i64: 16, 128>}, {transform_indices = @transform_2, window_bounds = array<i64: 16, 128>}, {pipeline_mode = #tpu.pipeline_mode<synchronous>, transform_indices = @transform_3, window_bounds = array<i64: 1, 1>}, {transform_indices = @transform_4, window_bounds = array<i64: 16, 128>}, {pipeline_mode = #tpu.pipeline_mode<synchronous>, transform_indices = @transform_5, window_bounds = array<i64: 64, 1>}]} {
    %get3A = arith.constant 0 : index
    %get3A_0 = arith.constant 0 : index
    %get3A_1 = vector.load %arg3[%get3A, %get3A_0] : memref<16x128xf32, #tpu.memory_space<vmem>>, vector<16x128xf32>
    %get3A_2 = arith.constant 0 : index
    %get3A_3 = arith.constant 0 : index
    %get3A_4 = vector.load %arg1[%get3A_2, %get3A_3] : memref<16x128xf32, #tpu.memory_space<vmem>>, vector<16x128xf32>
    %get3A_5 = arith.constant 0 : index
    %get3A_6 = arith.constant 0 : index
    %get3A_7 = vector.load %arg2[%get3A_5, %get3A_6] : memref<16x128xf32, #tpu.memory_space<vmem>>, vector<16x128xf32>
    %add3A = arith.addf %get3A_4, %get3A_7 : vector<16x128xf32>
    %mul3A = arith.mulf %get3A_1, %add3A : vector<16x128xf32>
    %get3A_8 = arith.constant 0 : index
    %get3A_9 = arith.constant 0 : index
    %get3A_10 = vector.load %arg4[%get3A_8, %get3A_9] : memref<1x1xf32, #tpu.memory_space<vmem>>, vector<1x1xf32>
    %add3A_11 = vector.broadcast %get3A_10 : vector<1x1xf32> to vector<16x128xf32>
    %add3A_12 = arith.addf %mul3A, %add3A_11 : vector<16x128xf32>
    %reshape3A = vector.shape_cast %add3A_12 : vector<16x128xf32> to vector<1x2048xf32>
    %get3A_13 = arith.constant 0 : index
    %get3A_14 = arith.constant 0 : index
    %get3A_15 = vector.load %arg5[%get3A_13, %get3A_14] : memref<16x128xi32, #tpu.memory_space<vmem>>, vector<16x128xi32>
    %reshape3A_16 = vector.shape_cast %get3A_15 : vector<16x128xi32> to vector<1x2048xi32>
    %iota3A = tpu.iota {dimensions = array<i32: 0>} : vector<64x2048xi32>
    %eq3A = vector.broadcast %reshape3A_16 : vector<1x2048xi32> to vector<64x2048xi32>
    %eq3A_17 = arith.cmpi eq, %eq3A, %iota3A : vector<64x2048xi32>
    %convert_element_type3A = arith.extui %eq3A_17 : vector<64x2048xi1> to vector<64x2048xi32>
    %convert_element_type3A_18 = arith.sitofp %convert_element_type3A : vector<64x2048xi32> to vector<64x2048xf32>
    %mul3A_19 = vector.broadcast %reshape3A : vector<1x2048xf32> to vector<64x2048xf32>
    %mul3A_20 = arith.mulf %convert_element_type3A_18, %mul3A_19 : vector<64x2048xf32>
    %reduce_sum3A = arith.constant dense<0.000000e+00> : vector<64xf32>
    %reduce_sum3A_21 = vector.multi_reduction <add>, %mul3A_20, %reduce_sum3A [1] : vector<64x2048xf32> to vector<64xf32>
    %broadcast_in_dim3A = vector.shape_cast %reduce_sum3A_21 : vector<64xf32> to vector<64x1xf32>
    %reduce_sum3A_22 = arith.constant dense<0.000000e+00> : vector<64xf32>
    %reduce_sum3A_23 = vector.multi_reduction <add>, %convert_element_type3A_18, %reduce_sum3A_22 [1] : vector<64x2048xf32> to vector<64xf32>
    %broadcast_in_dim3A_24 = vector.shape_cast %reduce_sum3A_23 : vector<64xf32> to vector<64x1xf32>
    %concatenate3A = tpu.concatenate %broadcast_in_dim3A, %broadcast_in_dim3A_24 in 1 : vector<64x1xf32>, vector<64x1xf32> -> vector<64x2xf32>
    %eq3A_25 = arith.constant 0 : i32
    %eq3A_26 = arith.cmpi eq, %arg0, %eq3A_25 : i32
    %convert_element_type3A_27 = arith.extui %eq3A_26 : i1 to i32
    %cond3A = arith.constant 0 : i32
    %cond3A_28 = arith.cmpi ne, %convert_element_type3A_27, %cond3A : i32
    scf.if %cond3A_28 {
      %broadcast_in_dim3A_40 = arith.constant 0.000000e+00 : f32
      %broadcast_in_dim3A_41 = vector.broadcast %broadcast_in_dim3A_40 : f32 to vector<64x2xf32>
      %swap3A_42 = arith.constant 0 : index
      %swap3A_43 = arith.constant 0 : index
      %swap3A_44 = vector.load %arg7[%swap3A_42, %swap3A_43] : memref<64x2xf32, #tpu.memory_space<vmem>>, vector<64x2xf32>
      tpu.vector_store %arg7[%swap3A_42, %swap3A_43], %broadcast_in_dim3A_41 {strides = array<i32>} : memref<64x2xf32, #tpu.memory_space<vmem>>, vector<64x2xf32>,
    } else {
    }
    %get3A_29 = arith.constant 0 : index
    %get3A_30 = arith.constant 0 : index
    %get3A_31 = vector.load %arg7[%get3A_29, %get3A_30] : memref<64x2xf32, #tpu.memory_space<vmem>>, vector<64x2xf32>
    %add3A_32 = arith.addf %get3A_31, %concatenate3A : vector<64x2xf32>
    %swap3A = arith.constant 0 : index
    %swap3A_33 = arith.constant 0 : index
    %swap3A_34 = vector.load %arg7[%swap3A, %swap3A_33] : memref<64x2xf32, #tpu.memory_space<vmem>>, vector<64x2xf32>
    tpu.vector_store %arg7[%swap3A, %swap3A_33], %add3A_32 {strides = array<i32>} : memref<64x2xf32, #tpu.memory_space<vmem>>, vector<64x2xf32>,
    %eq3A_35 = arith.constant 48 : i32
    %eq3A_36 = arith.cmpi eq, %arg0, %eq3A_35 : i32
    %convert_element_type3A_37 = arith.extui %eq3A_36 : i1 to i32
    %cond3A_38 = arith.constant 0 : i32
    %cond3A_39 = arith.cmpi ne, %convert_element_type3A_37, %cond3A_38 : i32
    scf.if %cond3A_39 {
      %get3A_40 = arith.constant 0 : index
      %get3A_41 = arith.constant 0 : index
      %get3A_42 = vector.load %arg7[%get3A_40, %get3A_41] : memref<64x2xf32, #tpu.memory_space<vmem>>, vector<64x1xf32>
      %get3A_43 = arith.constant 0 : index
      %get3A_44 = arith.constant 1 : index
      %get3A_45 = vector.load %arg7[%get3A_43, %get3A_44] : memref<64x2xf32, #tpu.memory_space<vmem>>, vector<64x1xf32>
      %max3A = arith.constant 1.000000e+00 : f32
      %max3A_46 = vector.broadcast %max3A : f32 to vector<64x1xf32>
      %max3A_47 = arith.maximumf %get3A_45, %max3A_46 : vector<64x1xf32>
      %div3A = arith.divf %get3A_42, %max3A_47 : vector<64x1xf32>
      %logistic3A = arith.negf %div3A : vector<64x1xf32>
      %logistic3A_48 = math.exp %logistic3A : vector<64x1xf32>
      %logistic3A_49 = arith.constant 1.000000e+00 : f32
      %logistic3A_50 = vector.broadcast %logistic3A_49 : f32 to vector<64x1xf32>
      %logistic3A_51 = arith.addf %logistic3A_50, %logistic3A_48 : vector<64x1xf32>
      %logistic3A_52 = arith.divf %logistic3A_50, %logistic3A_51 : vector<64x1xf32>
      %swap3A_53 = arith.constant 0 : index
      %swap3A_54 = arith.constant 0 : index
      %swap3A_55 = vector.load %arg6[%swap3A_53, %swap3A_54] : memref<64x1xf32, #tpu.memory_space<vmem>>, vector<64x1xf32>
      tpu.vector_store %arg6[%swap3A_53, %swap3A_54], %logistic3A_52 {strides = array<i32>} : memref<64x1xf32, #tpu.memory_space<vmem>>, vector<64x1xf32>,
    } else {
    }
    return
  }
  func.func @transform_0(%arg0: i32) -> (i32, i32) {
    %add3A = arith.constant 0 : i32
    %add3A_0 = arith.addi %arg0, %add3A : i32
    %c0_i32 = arith.constant 0 : i32
    %c0_i32_1 = arith.constant 0 : i32
    return %add3A_0, %c0_i32 : i32, i32
  }
  func.func @transform_1(%arg0: i32) -> (i32, i32) {
    %add3A = arith.constant 49 : i32
    %add3A_0 = arith.addi %arg0, %add3A : i32
    %c0_i32 = arith.constant 0 : i32
    %c0_i32_1 = arith.constant 0 : i32
    return %add3A_0, %c0_i32 : i32, i32
  }
  func.func @transform_2(%arg0: i32) -> (i32, i32) {
    %add3A = arith.constant 0 : i32
    %add3A_0 = arith.addi %arg0, %add3A : i32
    %c0_i32 = arith.constant 0 : i32
    %c0_i32_1 = arith.constant 0 : i32
    return %add3A_0, %c0_i32 : i32, i32
  }
  func.func @transform_3(%arg0: i32) -> (i32, i32) {
    %c0_i32 = arith.constant 0 : i32
    %c0_i32_0 = arith.constant 0 : i32
    %c0_i32_1 = arith.constant 0 : i32
    return %c0_i32, %c0_i32_0 : i32, i32
  }
  func.func @transform_4(%arg0: i32) -> (i32, i32) {
    %add3A = arith.constant 0 : i32
    %add3A_0 = arith.addi %arg0, %add3A : i32
    %c0_i32 = arith.constant 0 : i32
    %c0_i32_1 = arith.constant 0 : i32
    return %add3A_0, %c0_i32 : i32, i32
  }
  func.func @transform_5(%arg0: i32) -> (i32, i32) {
    %c0_i32 = arith.constant 0 : i32
    %c0_i32_0 = arith.constant 0 : i32
    %c0_i32_1 = arith.constant 0 : i32
    return %c0_i32, %c0_i32_0 : i32, i32
  }
}

</mosaic_0001>

<sc_bundles>
// kernel: kernel.10.cloned.1.call-start
scs
__scs_entry_jumppad:
0x0: {  	(pc) =	sbr.rel $0x88, $3  }
0x1: {  	(tag) =	ssettag $0x0;
	lr =	simm.s32 $0x1  }
0x2: {  	[smem:$0x3F98] =	sst lr;
	_ =	strace $0xD0000000  }
0x3: {  	_ = 	snop  }
0x4: {  	_ = 	snop  }
0x5: {  	_ = 	snop  }
0x6: {  	_ = 	snop  }
0x7: {  	_ = 	snop  }
__scs_overlays_trampoline_lowered:
0x8: {  	[smem:$0x3FA7] =	sst s0  }
0x9: {  	[smem:$0x3FA8] =	sst s1  }
0xa: {  	[smem:$0x3FA9] =	sst s2  }
0xb: {  	[smem:$0x3FAA] =	sst s3  }
0xc: {  	[smem:$0x3FAB] =	sst s4  }
0xd: {  	[smem:$0x3FAC] =	sst s5  }
0xe: {  	[smem:$0x3FAD] =	sst s6  }
0xf: {  	[smem:$0x3FAE] =	sst s7  }
0x10: {  	[smem:$0x3FAF] =	sst s8  }
0x11: {  	[smem:$0x3FB0] =	sst s9;
	s0 =	simm.s32 @!p0 $0x0  }
0x12: {  	s1 =	sld [smem:$0x3F96];
	s0 =	simm.s32 @p0 $0x1  }
0x13: {  	[smem:$0x3FB1] =	sst s0;
	s0 =	simm.s32 @!p1 $0x0  }
0x14: {  	s2 =	sld [smem:$0x3F95];
	s0 =	simm.s32 @p1 $0x1  }
0x15: {  	[smem:$0x3FB2] =	sst s0;
	s0 =	simm.s32 @!p2 $0x0  }
0x16: {  	s3 =	sld [smem:$0x3FDB];
	s0 =	simm.s32 @p2 $0x1  }
0x17: {  	s4 =	simm.s32 $0x1BF5;
	[smem:$0x3FB4] =	sst s0  }
0x18: {  	s0 =	sld [smem:$0x3F97];
	_ =	swait.ge [sflag:s4], $0x0  }
0x19: {  	s7 =	sld [smem:$0x3F98]  }
0x1a: {  	s8 =	sadd.s32 $0xFFFFE003, lr  }
0x1b: {  	s9 =	sadd.s32 $0xFFFFFEF7, lr;
	s5 =	simm.s32 $0xFFFFFFFF;
	p2 =	slt.u32 s8, $0xFFFFF086  }
0x1c: {  	p1 =	slt.u32 s9, $0xF7A;
	s5 =	simm.s32 @!p2 $0x0  }
0x1d: {  	s5 =	simm.s32 @p1 $0x1;
	p0 =	seq.s32 s7, s2  }
0x1e: {  	s7 =	smul.u32 @!p0 $0xF7A, s2;
	p2 =	seq.s32 @!p0 s5, $0x0  }
0x1f: {  	s9 =	smul.u32 $0xF7A, s1;
	s8 =	simm.s32 @!p0 $0x1BF5;
	p2 =	por !p2, p0  }
0x20: {  	[sflag:s8] =	ssyncset.s32 @!p0 $0xFFFFF086;
	s6 =	sadd.s32 @!p0 s3, s7;
	s7 =	simm.s32 @!p0 $0x108  }
0x21: {  	s3 =	sadd.s32 s3, s9;
	s6 =	sadd.s32 @!p0 $0x88, s6;
	s7 =	simm.s32 @p2 $0x1082  }
0x22: {  	[simem:s7], [sflag:s8] =	dma.local @!p0 [hbm:s6], $0xF7A  }
0x23: {  	s9 =	sor.u32 $0xD0000000, s2;
	s6 =	simm.s32 $0x108;
	_ =	swait.ge @!p0 [sflag:s8], $0x0  }
0x24: {  	s3 =	sadd.s32 $0x88, s3;
	s6 =	simm.s32 @!p1 $0x1082;
	[sflag:s4] =	ssyncset.s32 $0xFFFFF086  }
0x25: {  	[simem:s6], [sflag:s4] =	dma.local [hbm:s3], $0xF7A  }
0x26: {  	[smem:$0x3F98] =	sst s1;
	(tag) =	ssettag s2;
	_ =	strace s9  }
0x27: {  	s1 =	sld [smem:$0x3FA8]  }
0x28: {  	s2 =	sld [smem:$0x3FA9]  }
0x29: {  	s4 =	sld [smem:$0x3FAB]  }
0x2a: {  	p0 =	seq.s32 s5, $0x0;
	s5 =	sld [smem:$0x3FAC]  }
0x2b: {  	s6 =	sld [smem:$0x3FAD]  }
0x2c: {  	s7 =	sld [smem:$0x3FAE]  }
0x2d: {  	s3 =	simm.s32 $0x108;
	s8 =	sld [smem:$0x3FAF]  }
0x2e: {  	s3 =	simm.s32 @!p0 $0x1082;
	s9 =	sld [smem:$0x3FB0]  }
0x2f: {  	lr =	sadd.s32 s0, s3;
	s0 =	sld [smem:$0x3FA7]  }
0x30: {  	s3 =	sld [smem:$0x3FAA]  }
0x31: {  	[smem:$0x3FB3] =	sst s10  }
0x32: {  	s10 =	sld [smem:$0x3FB1];
	_ =	sdelay $0x3  }
0x33: {  	p0 =	seq.s32 s10, $0x1;
	s10 =	sld [smem:$0x3FB3];
	_ =	sdelay $0x3  }
0x34: {  	[smem:$0x3FB3] =	sst s10  }
0x35: {  	s10 =	sld [smem:$0x3FB2];
	_ =	sdelay $0x3  }
0x36: {  	p1 =	seq.s32 s10, $0x1;
	s10 =	sld [smem:$0x3FB3];
	_ =	sdelay $0x3  }
0x37: {  	[smem:$0x3FB3] =	sst s10  }
0x38: {  	s10 =	sld [smem:$0x3FB4]  }
0x39: {  	_ = 	snop;
	(pc) =	sbr.ind lr, $3  }
0x3a: {  	_ = 	snop  }
0x3b: {  	_ = 	snop  }
0x3c: {  	p2 =	seq.s32 s10, $0x1;
	s10 =	sld [smem:$0x3FB3]  }
0x3d: {  	_ =	shalt  }
0x3e: {  	_ =	shalt  }
0x3f: {  	_ =	shalt  }
0x40: {  	_ =	shalt  }
0x41: {  	_ =	shalt  }
0x42: {  	_ =	shalt  }
0x43: {  	_ =	shalt  }
0x44: {  	_ =	shalt  }
0x45: {  	_ =	shalt  }
0x46: {  	_ =	shalt  }
0x47: {  	_ =	shalt  }
0x48: {  	_ =	shalt  }
0x49: {  	_ =	shalt  }
0x4a: {  	_ =	shalt  }
0x4b: {  	_ =	shalt  }
0x4c: {  	_ =	shalt  }
0x4d: {  	_ =	shalt  }
0x4e: {  	_ =	shalt  }
0x4f: {  	_ =	shalt  }
0x50: {  	_ =	shalt  }
0x51: {  	_ =	shalt  }
0x52: {  	_ =	shalt  }
0x53: {  	_ =	shalt  }
0x54: {  	_ =	shalt  }
0x55: {  	_ =	shalt  }
0x56: {  	_ =	shalt  }
0x57: {  	_ =	shalt  }
0x58: {  	_ =	shalt  }
0x59: {  	_ =	shalt  }
0x5a: {  	_ =	shalt  }
0x5b: {  	_ =	shalt  }
0x5c: {  	_ =	shalt  }
0x5d: {  	_ =	shalt  }
0x5e: {  	_ =	shalt  }
0x5f: {  	_ =	shalt  }
0x60: {  	_ =	shalt  }
0x61: {  	_ =	shalt  }
0x62: {  	_ =	shalt  }
0x63: {  	_ =	shalt  }
0x64: {  	_ =	shalt  }
0x65: {  	_ =	shalt  }
0x66: {  	_ =	shalt  }
0x67: {  	_ =	shalt  }
0x68: {  	_ =	shalt  }
0x69: {  	_ =	shalt  }
0x6a: {  	_ =	shalt  }
0x6b: {  	_ =	shalt  }
0x6c: {  	_ =	shalt  }
0x6d: {  	_ =	shalt  }
0x6e: {  	_ =	shalt  }
0x6f: {  	_ =	shalt  }
0x70: {  	_ =	shalt  }
0x71: {  	_ =	shalt  }
0x72: {  	_ =	shalt  }
0x73: {  	_ =	shalt  }
0x74: {  	_ =	shalt  }
0x75: {  	_ =	shalt  }
0x76: {  	_ =	shalt  }
0x77: {  	_ =	shalt  }
0x78: {  	_ =	shalt  }
0x79: {  	_ =	shalt  }
0x7a: {  	_ =	shalt  }
0x7b: {  	_ =	shalt  }
0x7c: {  	_ =	shalt  }
0x7d: {  	_ =	shalt  }
0x7e: {  	_ =	shalt  }
0x7f: {  	_ =	shalt  }
0x80: {  	_ =	shalt  }
0x81: {  	_ =	shalt  }
0x82: {  	_ =	shalt  }
0x83: {  	_ =	shalt  }
0x84: {  	_ =	shalt  }
0x85: {  	_ =	shalt  }
0x86: {  	_ =	shalt  }
0x87: {  	_ =	shalt  }
.Lfunc_end0:
.L_simem_size_0:
called_computation_lowered:
.L_overlay_start_0:
0x88: {  	s2 =	sld [smem:$0x3FD9]  }
0x89: {  	s3 =	sld [smem:$0x3FFE];
	_ =	sdelay $0x1  }
0x8a: {  	s1 =	srdreg.scid  }
0x8b: {  	s0 =	sand.u32 $0x1, s1  }
0x8c: {  	s16 =	sshll.u32 s0, $0xA;
	s2 =	sadd.s32 s3, s2  }
0x8d: {  	s2 =	sadd.s32 s2, s16  }
0x8e: {  	[smem:$0x3FBF] =	sst s2  }
0x8f: {  	_ = 	snop  }
0x90: {  	(tm) =	ssettm $0x1  }
0x91: {  	s17 =	sld [smem:$0x3FFB];
	_ =	sdelay $0x3  }
0x92: {  	_ =	strace s17  }
0x93: {  	s2 =	sld [smem:$0x3FFC];
	_ =	sdelay $0x3  }
0x94: {  	_ =	strace s2  }
0x95: {  	s2 =	sld [smem:$0x3FFD];
	_ =	sdelay $0x3  }
0x96: {  	_ =	strace s2  }
0x97: {  	_ =	strace $0x8FFFFFFF  }
0x98: {  	s18 =	sld [smem:$0x3FDB];
	_ =	sdelay $0x1  }
0x99: {  	s19 =	simm.s32 $_scs_section_size  }
0x9a: {  	s4 =	simm.s32 $_size__tile_overlayer_lowered;
	s5 =	simm.s32 $_tile_overlayer_lowered  }
0x9b: {  	s22 =	simm.s32 $0x1BFF;
	s21 =	sshll.u32 s5, $0x1;
	s2 =	sadd.s32 s19, s18  }
0x9c: {  	s6 =	simm.s32 $0x0;
	s20 =	sshll.u32 s4, $0x1;
	s4 =	sadd.s32 s21, s2  }
0x9d: {  	[timem:s6], [sflag:s22] =	dma.local [hbm:s4], s20  }
0x9e: {  	_ =	swait.ge [sflag:s22], s20  }
0x9f: {  	s3 =	ssub.s32 $0x0, s20;
	[sflag:s22] =	ssyncset.done $0x0  }
0xa0: {  	[sflag:s22] =	ssyncadd.s32 s3;
	_ =	sdelay $0x1  }
0xa1: {  	s23 =	simm.s32 $0x1B8B  }
0xa2: {  	_ =	swait.ge [sflag:s23], $0x1  }
0xa3: {  	[sflag:s23] =	ssyncset.done $0x0  }
0xa4: {  	s25 =	simm.s32 $0x1B8E;
	s24 =	sld [smem:$0x3FFE];
	[sflag:s23] =	ssyncadd.s32 $0xFFFFFFFF  }
0xa5: {  	s26 =	simm.s32 $execute0_lowered;
	[smem:$0x3FD2] =	sst s25  }
0xa6: {  	s4 =	sshll.u32 s26, $0x1;
	_ =	strace $0x80000046;
	[dreg:$0x1] =	wrdreg $0xFFFFFFFF  }
0xa7: {  	s28 =	simm.s32 $_size_execute0_lowered;
	s2 =	sadd.s32 s2, s4;
	[dreg:$0x0] =	wrdreg $0x0  }
0xa8: {  	s4 =	sshll.u32 s28, $0x1;
	[dreg:$0x2] =	wrdreg s2  }
0xa9: {  	[dreg:$0x3] =	wrdreg s4  }
0xaa: {  	[dreg:$0x4] =	wrdreg $0xC0  }
0xab: {  	_ =	task [dreg:s6], $0x5FFFF  }
0xac: {  	[dreg:$0x1] =	wrdreg $0xFFFFFFFF  }
0xad: {  	[dreg:$0x0] =	wrdreg $0x60  }
0xae: {  	[dreg:$0x2] =	wrdreg s24  }
0xaf: {  	[dreg:$0x3] =	wrdreg $0xA000  }
0xb0: {  	[dreg:$0x4] =	wrdreg $0x9  }
0xb1: {  	_ =	task.clear_ibuf [dreg:s6], $0x5FFFF;
	_ =	strace $0x90000046  }
0xb2: {  	s29 =	simm.s32 $0x9;
	_ =	strace $0x80000048  }
0xb3: {  	_ =	swait.ge [sflag:s29], $0x1  }
0xb4: {  	[sflag:s29] =	ssyncadd.s32 $0xFFFFFFFF  }
0xb5: {  	_ =	strace $0x90000048  }
0xb6: {  	_ =	sfence  }
0xb7: {  	s30 =	sld [smem:$0x0];
	_ =	sdelay $0x2  }
0xb8: {  	s31 =	sshll.u32 s1, $0xD;
	s1 =	sshrl.u32 s1, $0x2  }
0xb9: {  	s3 =	sand.u32 $0x4000, s31;
	s1 =	sadd.s32 s1, s30  }
0xba: {  	s0 =	sor.u32 s3, s0;
	s1 =	sshll.u32 s1, $0x11  }
0xbb: {  	s0 =	sor.u32 s1, s0  }
0xbc: {  	s0 =	sadd.s32 $0x8F2B, s0  }
0xbd: {  	[sflag:s0] =	ssyncadd.remote.s32 $0x1  }
0xbe: {  	_ =	sfence.sel $0xFFFF  }
0xbf: {  	[dreg:$0x0] =	wrdreg $0xFFFFFFFF;
	(pc) =	sbr.abs _section_cstart, $3  }
0xc0: {  	[dreg:$0x1] =	wrdreg $0xFFFFFFFF  }
0xc1: {  	_ =	task.clear_ibuf [dreg:s6], $0x2FFFF;
	_ =	strace $0x9FFFFFFF  }
0xc2: {  	(tm) =	ssettm $0x7FFFFFFF  }
0xc3: {  	_ =	shalt  }
tec
execute0_lowered:
.L_overlay_start_1:
0x0: {  	(tag) =	ssettag $0x1  }
0x1: {  	s4 =	rddreg [dreg:$0x0]  }
0x2: {  	s2 =	rddreg [dreg:$0x1]  }
0x3: {  	s0 =	rddreg [dreg:$0x2]  }
0x4: {  	s1 =	stileid.u32;
	s5 =	srdreg.scid  }
0x5: {  	s3 =	simm.s32 $0x0;
	s18 =	simm.s32 $0x1;
	s19 =	simm.s32 $0x600  }
0x6: {  	s20 =	simm.s32 $0x2;
	s21 =	simm.s32 $0x0;
	s6 =	smul.u32 $0x1880, s1  }
0x7: {  	s7 =	sand.u32 $0x1, s5;
	[smem:$0x7FF] =	sst s3;
	s12 =	sadd.s32 $0x35000, s4  }
0x8: {  	s9 =	sshll.u32 s1, $0x1;
	s24 =	sshll.u32 s1, $0x6;
	s16 =	smul.u32 $0x19000, s1  }
0x9: {  	s5 =	smul.u32 $0x18800, s7;
	_ =	strace $0x80000047;
	s10 =	ssub.s32 $0x2, s7  }
0xa: {  	s9 =	sor.u32 s7, s9;
	s17 =	smul.u32 $0xC800, s7;
	s8 =	sshrl.u32 s6, $0x3  }
0xb: {  	s23 =	sshrl.u32 s10, $0x1;
	s13 =	smul.u32 $0x1900, s9;
	s14 =	sadd.s32 s6, s2  }
0xc: {  	s15 =	smul.u32 $0xC800, s9;
	s8 =	sadd.s32 s8, s4;
	s5 =	sadd.s32 s6, s5  }
0xd: {  	s10 =	ssub.s32 s10, s23;
	s28 =	sadd.s32 s17, s16;
	s16 =	simm.s32 $0x200  }
0xe: {  	s17 =	simm.s32 $0x800;
	s5 =	sshrl.u32 s5, $0x3;
	s25 =	sor.u32 $0x400, s15  }
0xf: {  	s6 =	sadd.s32 s12, s13;
	s29 =	sshrl.u32 s15, $0x3;
	s30 =	sadd.s32 $0x1000, s28  }
0x10: {  	s15 =	simm.s32 $0x400;
	s11 =	sadd.s32 s5, s4;
	s4 =	sadd.s32 $0x67000, s8  }
.Ltmp0:
0x11: {  	s5 =	sor.u32 $0x1C03, s24;
	s26 =	sshrl.u32 s25, $0x3;
	(pc) =	sbr.rel .LBB2_1-.Ltmp0, $4  }
0x12: {  	s8 =	smax.u32 s10, $0x1;
	s10 =	sadd.s32 $0xC00, s28;
	s13 =	sshrl.u32 s30, $0x3  }
0x13: {  	s7 =	sadd.s32 $0x6A200, s11;
	s9 =	sadd.s32 s12, s26;
	s11 =	sadd.s32 s12, s29  }
0x14: {  	s31 =	sshrl.u32 s10, $0x3;
	s10 =	sadd.s32 $0x100, s11;
	s11 =	sadd.s32 s13, s12  }
0x15: {  	v0 =	vimm.f32 $1.000000000e+00;
	s12 =	sadd.s32 s31, s12;
	s13 =	sshrl.u32 s14, $0x3;
	s14 =	simm.s32 $0x3  }
.LBB2_4:
0x16: {  	[spmem:s2] =	stream.indirect.scatter.add.f32 [tilespmem:s17], [sflag:$0x2], $0x1, s15, s16, $0xb8;
	[tilespmem:$0x2280] =	vst v63  }
0x17: {  	_ = 	snop  }
0x18: {  	[spmem:s2] =	stream.indirect.scatter.add.f32 [tilespmem:s17], [sflag:$0x2], $0x1, s19, s16, $0xb8;
	[tilespmem:$0x2280] =	vst v63  }
0x19: {  	_ =	swait.ge [sflag:s20], $0x200  }
0x1a: {  	[sflag:s20] =	ssyncset.done $0x0  }
0x1b: {  	[sflag:s20] =	ssyncadd.s32 $0xFFFFFE00  }
0x1c: {  	_ =	swait.ge [sflag:s20], $0x200  }
0x1d: {  	s21 =	sadd.s32 $0x1, s21;
	[sflag:s20] =	ssyncset.done $0x0  }
0x1e: {  	p0 =	sne.s32 s21, s8;
	[sflag:s20] =	ssyncadd.s32 $0xFFFFFE00  }
.Ltmp1:
0x1f: {  	[bflag:$0x0] =	sbarrier.arrive $0xFFFF;
	(pc) =	sbr.rel @!p0 .LBB2_5-.Ltmp1, $4  }
0x20: {  	[hbm:s7], [sflag:s5] =	dma.local [spmem:s13], $0x310  }
0x21: {  	_ =	swait.ge [sflag:s14], $0x310  }
0x22: {  	[sflag:s14] =	ssyncset.done $0x0  }
0x23: {  	[sflag:s14] =	ssyncadd.s32 $0xFFFFFCF0  }
.LBB2_1:
0x24: {  	[tilespmem:$0x800] =	vst v0  }
0x25: {  	[tilespmem:$0x810] =	vst v0  }
0x26: {  	[tilespmem:$0x820] =	vst v0  }
0x27: {  	[tilespmem:$0x830] =	vst v0  }
0x28: {  	[tilespmem:$0x840] =	vst v0  }
0x29: {  	[tilespmem:$0x850] =	vst v0  }
0x2a: {  	[tilespmem:$0x860] =	vst v0  }
0x2b: {  	[tilespmem:$0x870] =	vst v0  }
0x2c: {  	[tilespmem:$0x880] =	vst v0  }
0x2d: {  	[tilespmem:$0x890] =	vst v0  }
0x2e: {  	[tilespmem:$0x8A0] =	vst v0  }
0x2f: {  	[tilespmem:$0x8B0] =	vst v0  }
0x30: {  	[tilespmem:$0x8C0] =	vst v0  }
0x31: {  	[tilespmem:$0x8D0] =	vst v0  }
0x32: {  	[tilespmem:$0x8E0] =	vst v0  }
0x33: {  	[tilespmem:$0x8F0] =	vst v0  }
0x34: {  	[tilespmem:$0x900] =	vst v0  }
0x35: {  	[tilespmem:$0x910] =	vst v0  }
0x36: {  	[tilespmem:$0x920] =	vst v0  }
0x37: {  	[tilespmem:$0x930] =	vst v0  }
0x38: {  	[tilespmem:$0x940] =	vst v0  }
0x39: {  	[tilespmem:$0x950] =	vst v0  }
0x3a: {  	[tilespmem:$0x960] =	vst v0  }
0x3b: {  	[tilespmem:$0x970] =	vst v0  }
0x3c: {  	[tilespmem:$0x980] =	vst v0  }
0x3d: {  	[tilespmem:$0x990] =	vst v0  }
0x3e: {  	[tilespmem:$0x9A0] =	vst v0  }
0x3f: {  	[tilespmem:$0x9B0] =	vst v0  }
0x40: {  	[tilespmem:$0x9C0] =	vst v0  }
0x41: {  	[tilespmem:$0x9D0] =	vst v0  }
0x42: {  	[tilespmem:$0x9E0] =	vst v0  }
0x43: {  	[tilespmem:$0x9F0] =	vst v0  }
0x44: {  	[spmem:s13], [sflag:s5] =	dma.local [hbm:s4], $0x310  }
0x45: {  	_ =	swait.ge [sflag:s14], $0x310  }
0x46: {  	[sflag:s14] =	ssyncset.done $0x0  }
0x47: {  	[sflag:s14] =	ssyncadd.s32 $0xFFFFFCF0  }
0x48: {  	[bflag:$0x0] =	sbarrier.arrive $0xFFFF  }
0x49: {  	[tilespmem:s3], [sflag:$0x3] =	stream.linear.gather [hbm4b:s6+s3], $0x400, $0x38;
	[tilespmem:$0x2280] =	vst v63  }
0x4a: {  	_ =	swait.ge [sflag:s14], $0x400  }
0x4b: {  	[sflag:s14] =	ssyncset.done $0x0  }
0x4c: {  	[sflag:s14] =	ssyncadd.s32 $0xFFFFFC00  }
0x4d: {  	[tilespmem:s15], [sflag:$0x3] =	stream.linear.gather [hbm4b:s9+s3], $0x400, $0x38;
	[tilespmem:$0x2280] =	vst v63  }
0x4e: {  	_ =	swait.ge [sflag:s14], $0x400  }
0x4f: {  	[sflag:s14] =	ssyncset.done $0x0  }
0x50: {  	[sflag:s14] =	ssyncadd.s32 $0xFFFFFC00  }
0x51: {  	[spmem:s2] =	stream.indirect.scatter.add.f32 [tilespmem:s17], [sflag:$0x1], $0x1, s3, s16, $0xb8;
	[tilespmem:$0x2280] =	vst v63  }
0x52: {  	_ = 	snop  }
0x53: {  	[spmem:s2] =	stream.indirect.scatter.add.f32 [tilespmem:s17], [sflag:$0x1], $0x1, s16, s16, $0xb8;
	[tilespmem:$0x2280] =	vst v63  }
0x54: {  	_ =	swait.ge [sflag:s18], $0x200  }
0x55: {  	[sflag:s18] =	ssyncset.done $0x0  }
0x56: {  	[sflag:s18] =	ssyncadd.s32 $0xFFFFFE00  }
0x57: {  	_ =	swait.ge [sflag:s18], $0x200  }
0x58: {  	[sflag:s18] =	ssyncset.done $0x0  }
0x59: {  	[sflag:s18] =	ssyncadd.s32 $0xFFFFFE00  }
0x5a: {  	[tilespmem:s3], [sflag:$0x3] =	stream.linear.gather [hbm4b:s10+s3], $0x400, $0x38;
	[tilespmem:$0x2280] =	vst v63  }
0x5b: {  	_ =	swait.ge [sflag:s14], $0x400  }
0x5c: {  	[sflag:s14] =	ssyncset.done $0x0  }
0x5d: {  	[sflag:s14] =	ssyncadd.s32 $0xFFFFFC00  }
0x5e: {  	[spmem:s2] =	stream.indirect.scatter.add.f32 [tilespmem:s17], [sflag:$0x2], $0x1, s15, s16, $0xb8;
	[tilespmem:$0x2280] =	vst v63  }
0x5f: {  	s22 =	simm.s32 $0x0  }
0x60: {  	[spmem:s2] =	stream.indirect.scatter.add.f32 [tilespmem:s17], [sflag:$0x2], $0x1, s19, s16, $0xb8;
	[tilespmem:$0x2280] =	vst v63  }
.LBB2_2:
0x61: {  	_ =	swait.ge [sflag:s20], $0x200  }
0x62: {  	[sflag:s20] =	ssyncset.done $0x0  }
0x63: {  	[sflag:s20] =	ssyncadd.s32 $0xFFFFFE00  }
0x64: {  	_ =	swait.ge [sflag:s20], $0x200  }
0x65: {  	[sflag:s20] =	ssyncset.done $0x0  }
0x66: {  	s23 =	sadd.s32 s22, s12;
	[sflag:s20] =	ssyncadd.s32 $0xFFFFFE00  }
0x67: {  	[tilespmem:s15], [sflag:$0x3] =	stream.linear.gather [hbm4b:s23+s3], $0x400, $0x38;
	[tilespmem:$0x2280] =	vst v63  }
0x68: {  	_ =	swait.ge [sflag:s14], $0x400  }
0x69: {  	[sflag:s14] =	ssyncset.done $0x0  }
0x6a: {  	[sflag:s14] =	ssyncadd.s32 $0xFFFFFC00  }
0x6b: {  	[spmem:s2] =	stream.indirect.scatter.add.f32 [tilespmem:s17], [sflag:$0x1], $0x1, s3, s16, $0xb8;
	[tilespmem:$0x2280] =	vst v63  }
0x6c: {  	_ = 	snop  }
0x6d: {  	[spmem:s2] =	stream.indirect.scatter.add.f32 [tilespmem:s17], [sflag:$0x1], $0x1, s16, s16, $0xb8;
	[tilespmem:$0x2280] =	vst v63  }
0x6e: {  	p0 =	seq.s32 s22, $0x1700;
	_ =	swait.ge [sflag:s18], $0x200  }
.Ltmp2:
0x6f: {  	[sflag:s18] =	ssyncset.done $0x0;
	(pc) =	sbr.rel @p0 .LBB2_4-.Ltmp2, $4  }
0x70: {  	[sflag:s18] =	ssyncadd.s32 $0xFFFFFE00  }
0x71: {  	_ =	swait.ge [sflag:s18], $0x200  }
0x72: {  	[sflag:s18] =	ssyncset.done $0x0  }
0x73: {  	[sflag:s18] =	ssyncadd.s32 $0xFFFFFE00  }
0x74: {  	s23 =	sadd.s32 s22, s11  }
0x75: {  	[tilespmem:s3], [sflag:$0x3] =	stream.linear.gather [hbm4b:s23+s3], $0x400, $0x38;
	[tilespmem:$0x2280] =	vst v63  }
0x76: {  	_ =	swait.ge [sflag:s14], $0x400  }
.Ltmp3:
0x77: {  	[sflag:s14] =	ssyncset.done $0x0;
	(pc) =	sbr.rel .LBB2_2-.Ltmp3, $4  }
0x78: {  	[sflag:s14] =	ssyncadd.s32 $0xFFFFFC00  }
0x79: {  	[spmem:s2] =	stream.indirect.scatter.add.f32 [tilespmem:s17], [sflag:$0x2], $0x1, s15, s16, $0xb8;
	[tilespmem:$0x2280] =	vst v63  }
0x7a: {  	s22 =	sadd.s32 $0x100, s22  }
0x7b: {  	[spmem:s2] =	stream.indirect.scatter.add.f32 [tilespmem:s17], [sflag:$0x2], $0x1, s19, s16, $0xb8;
	[tilespmem:$0x2280] =	vst v63  }
.LBB2_5:
0x7c: {  	_ =	sfence.sel $0x180000  }
0x7d: {  	[bflag:$0x0] =	sbarrier.arrive $0xFFFF  }
0x7e: {  	p0 =	sne.s32 s1, $0x0;
	_ =	strace $0x90000047  }
0x7f: {  	s0 =	sadd.s32 @!p0 $0x100000, s0;
	[bflag:$0x2] =	sbarrier.arrive $0xFFFF  }
0x80: {  	[sflag:s0] =	ssyncadd.tile.s32 @!p0 $0x1;
	_ =	shalt  }
.Lfunc_end2:
_tile_overlayer_lowered:
.L_overlay_start_2:
0x81: {  	(tag) =	ssettag $0x2  }
0x82: {  	s0 =	rddreg [dreg:$0x0];
	s2 =	stileid.u32  }
0x83: {  	s1 =	rddreg [dreg:$0x1];
	p0 =	sne.s32 s2, $0x0  }
0x84: {  	s3 =	rddreg [dreg:$0x2];
	[bflag:$0x3] =	sbarrier.arrive $0xFFFF;
	s2 =	simm.s32 @!p0 $0x1C03  }
0x85: {  	[timem:s3], [sflag:s2] =	dma.local @!p0 [hbm:s0], s1  }
0x86: {  	s0 =	simm.s32 @!p0 $0x3  }
0x87: {  	_ =	swait.ge @!p0 [sflag:s0], s1  }
0x88: {  	s1 =	ssub.s32 @!p0 $0x0, s1;
	[sflag:s0] =	ssyncset.done @!p0 $0x0  }
0x89: {  	[sflag:s0] =	ssyncadd.s32 @!p0 s1  }
0x8a: {  	[bflag:$0x3] =	sbarrier.arrive $0xFFFF  }
0x8b: {  	_ =	shalt  }

// kernel: kernel.13.cloned.1.call-start
scs
__scs_entry_jumppad:
0x0: {  	(pc) =	sbr.rel $0x88, $3  }
0x1: {  	(tag) =	ssettag $0x0;
	lr =	simm.s32 $0x1  }
0x2: {  	[smem:$0x3F98] =	sst lr;
	_ =	strace $0xD0000000  }
0x3: {  	_ = 	snop  }
0x4: {  	_ = 	snop  }
0x5: {  	_ = 	snop  }
0x6: {  	_ = 	snop  }
0x7: {  	_ = 	snop  }
__scs_overlays_trampoline_lowered:
0x8: {  	[smem:$0x3FA7] =	sst s0  }
0x9: {  	[smem:$0x3FA8] =	sst s1  }
0xa: {  	[smem:$0x3FA9] =	sst s2  }
0xb: {  	[smem:$0x3FAA] =	sst s3  }
0xc: {  	[smem:$0x3FAB] =	sst s4  }
0xd: {  	[smem:$0x3FAC] =	sst s5  }
0xe: {  	[smem:$0x3FAD] =	sst s6  }
0xf: {  	[smem:$0x3FAE] =	sst s7  }
0x10: {  	[smem:$0x3FAF] =	sst s8  }
0x11: {  	[smem:$0x3FB0] =	sst s9;
	s0 =	simm.s32 @!p0 $0x0  }
0x12: {  	s1 =	sld [smem:$0x3F96];
	s0 =	simm.s32 @p0 $0x1  }
0x13: {  	[smem:$0x3FB1] =	sst s0;
	s0 =	simm.s32 @!p1 $0x0  }
0x14: {  	s2 =	sld [smem:$0x3F95];
	s0 =	simm.s32 @p1 $0x1  }
0x15: {  	[smem:$0x3FB2] =	sst s0;
	s0 =	simm.s32 @!p2 $0x0  }
0x16: {  	s3 =	sld [smem:$0x3FDB];
	s0 =	simm.s32 @p2 $0x1  }
0x17: {  	s4 =	simm.s32 $0x1BF5;
	[smem:$0x3FB4] =	sst s0  }
0x18: {  	s0 =	sld [smem:$0x3F97];
	_ =	swait.ge [sflag:s4], $0x0  }
0x19: {  	s7 =	sld [smem:$0x3F98]  }
0x1a: {  	s8 =	sadd.s32 $0xFFFFE003, lr  }
0x1b: {  	s9 =	sadd.s32 $0xFFFFFEF7, lr;
	s5 =	simm.s32 $0xFFFFFFFF;
	p2 =	slt.u32 s8, $0xFFFFF086  }
0x1c: {  	p1 =	slt.u32 s9, $0xF7A;
	s5 =	simm.s32 @!p2 $0x0  }
0x1d: {  	s5 =	simm.s32 @p1 $0x1;
	p0 =	seq.s32 s7, s2  }
0x1e: {  	s7 =	smul.u32 @!p0 $0xF7A, s2;
	p2 =	seq.s32 @!p0 s5, $0x0  }
0x1f: {  	s9 =	smul.u32 $0xF7A, s1;
	s8 =	simm.s32 @!p0 $0x1BF5;
	p2 =	por !p2, p0  }
0x20: {  	[sflag:s8] =	ssyncset.s32 @!p0 $0xFFFFF086;
	s6 =	sadd.s32 @!p0 s3, s7;
	s7 =	simm.s32 @!p0 $0x108  }
0x21: {  	s3 =	sadd.s32 s3, s9;
	s6 =	sadd.s32 @!p0 $0x88, s6;
	s7 =	simm.s32 @p2 $0x1082  }
0x22: {  	[simem:s7], [sflag:s8] =	dma.local @!p0 [hbm:s6], $0xF7A  }
0x23: {  	s9 =	sor.u32 $0xD0000000, s2;
	s6 =	simm.s32 $0x108;
	_ =	swait.ge @!p0 [sflag:s8], $0x0  }
0x24: {  	s3 =	sadd.s32 $0x88, s3;
	s6 =	simm.s32 @!p1 $0x1082;
	[sflag:s4] =	ssyncset.s32 $0xFFFFF086  }
0x25: {  	[simem:s6], [sflag:s4] =	dma.local [hbm:s3], $0xF7A  }
0x26: {  	[smem:$0x3F98] =	sst s1;
	(tag) =	ssettag s2;
	_ =	strace s9  }
0x27: {  	s1 =	sld [smem:$0x3FA8]  }
0x28: {  	s2 =	sld [smem:$0x3FA9]  }
0x29: {  	s4 =	sld [smem:$0x3FAB]  }
0x2a: {  	p0 =	seq.s32 s5, $0x0;
	s5 =	sld [smem:$0x3FAC]  }
0x2b: {  	s6 =	sld [smem:$0x3FAD]  }
0x2c: {  	s7 =	sld [smem:$0x3FAE]  }
0x2d: {  	s3 =	simm.s32 $0x108;
	s8 =	sld [smem:$0x3FAF]  }
0x2e: {  	s3 =	simm.s32 @!p0 $0x1082;
	s9 =	sld [smem:$0x3FB0]  }
0x2f: {  	lr =	sadd.s32 s0, s3;
	s0 =	sld [smem:$0x3FA7]  }
0x30: {  	s3 =	sld [smem:$0x3FAA]  }
0x31: {  	[smem:$0x3FB3] =	sst s10  }
0x32: {  	s10 =	sld [smem:$0x3FB1];
	_ =	sdelay $0x3  }
0x33: {  	p0 =	seq.s32 s10, $0x1;
	s10 =	sld [smem:$0x3FB3];
	_ =	sdelay $0x3  }
0x34: {  	[smem:$0x3FB3] =	sst s10  }
0x35: {  	s10 =	sld [smem:$0x3FB2];
	_ =	sdelay $0x3  }
0x36: {  	p1 =	seq.s32 s10, $0x1;
	s10 =	sld [smem:$0x3FB3];
	_ =	sdelay $0x3  }
0x37: {  	[smem:$0x3FB3] =	sst s10  }
0x38: {  	s10 =	sld [smem:$0x3FB4]  }
0x39: {  	_ = 	snop;
	(pc) =	sbr.ind lr, $3  }
0x3a: {  	_ = 	snop  }
0x3b: {  	_ = 	snop  }
0x3c: {  	p2 =	seq.s32 s10, $0x1;
	s10 =	sld [smem:$0x3FB3]  }
0x3d: {  	_ =	shalt  }
0x3e: {  	_ =	shalt  }
0x3f: {  	_ =	shalt  }
0x40: {  	_ =	shalt  }
0x41: {  	_ =	shalt  }
0x42: {  	_ =	shalt  }
0x43: {  	_ =	shalt  }
0x44: {  	_ =	shalt  }
0x45: {  	_ =	shalt  }
0x46: {  	_ =	shalt  }
0x47: {  	_ =	shalt  }
0x48: {  	_ =	shalt  }
0x49: {  	_ =	shalt  }
0x4a: {  	_ =	shalt  }
0x4b: {  	_ =	shalt  }
0x4c: {  	_ =	shalt  }
0x4d: {  	_ =	shalt  }
0x4e: {  	_ =	shalt  }
0x4f: {  	_ =	shalt  }
0x50: {  	_ =	shalt  }
0x51: {  	_ =	shalt  }
0x52: {  	_ =	shalt  }
0x53: {  	_ =	shalt  }
0x54: {  	_ =	shalt  }
0x55: {  	_ =	shalt  }
0x56: {  	_ =	shalt  }
0x57: {  	_ =	shalt  }
0x58: {  	_ =	shalt  }
0x59: {  	_ =	shalt  }
0x5a: {  	_ =	shalt  }
0x5b: {  	_ =	shalt  }
0x5c: {  	_ =	shalt  }
0x5d: {  	_ =	shalt  }
0x5e: {  	_ =	shalt  }
0x5f: {  	_ =	shalt  }
0x60: {  	_ =	shalt  }
0x61: {  	_ =	shalt  }
0x62: {  	_ =	shalt  }
0x63: {  	_ =	shalt  }
0x64: {  	_ =	shalt  }
0x65: {  	_ =	shalt  }
0x66: {  	_ =	shalt  }
0x67: {  	_ =	shalt  }
0x68: {  	_ =	shalt  }
0x69: {  	_ =	shalt  }
0x6a: {  	_ =	shalt  }
0x6b: {  	_ =	shalt  }
0x6c: {  	_ =	shalt  }
0x6d: {  	_ =	shalt  }
0x6e: {  	_ =	shalt  }
0x6f: {  	_ =	shalt  }
0x70: {  	_ =	shalt  }
0x71: {  	_ =	shalt  }
0x72: {  	_ =	shalt  }
0x73: {  	_ =	shalt  }
0x74: {  	_ =	shalt  }
0x75: {  	_ =	shalt  }
0x76: {  	_ =	shalt  }
0x77: {  	_ =	shalt  }
0x78: {  	_ =	shalt  }
0x79: {  	_ =	shalt  }
0x7a: {  	_ =	shalt  }
0x7b: {  	_ =	shalt  }
0x7c: {  	_ =	shalt  }
0x7d: {  	_ =	shalt  }
0x7e: {  	_ =	shalt  }
0x7f: {  	_ =	shalt  }
0x80: {  	_ =	shalt  }
0x81: {  	_ =	shalt  }
0x82: {  	_ =	shalt  }
0x83: {  	_ =	shalt  }
0x84: {  	_ =	shalt  }
0x85: {  	_ =	shalt  }
0x86: {  	_ =	shalt  }
0x87: {  	_ =	shalt  }
.Lfunc_end0:
.L_simem_size_0:
called_computation.1_lowered:
.L_overlay_start_0:
0x88: {  	s2 =	sld [smem:$0x3FD9]  }
0x89: {  	s3 =	sld [smem:$0x3FFE];
	_ =	sdelay $0x1  }
0x8a: {  	s1 =	srdreg.scid  }
0x8b: {  	s0 =	sand.u32 $0x1, s1  }
0x8c: {  	s16 =	sshll.u32 s0, $0xA;
	s2 =	sadd.s32 s3, s2  }
0x8d: {  	s2 =	sadd.s32 s2, s16  }
0x8e: {  	[smem:$0x3FBF] =	sst s2  }
0x8f: {  	_ = 	snop  }
0x90: {  	(tm) =	ssettm $0x1  }
0x91: {  	s17 =	sld [smem:$0x3FFB];
	_ =	sdelay $0x3  }
0x92: {  	_ =	strace s17  }
0x93: {  	s2 =	sld [smem:$0x3FFC];
	_ =	sdelay $0x3  }
0x94: {  	_ =	strace s2  }
0x95: {  	s2 =	sld [smem:$0x3FFD];
	_ =	sdelay $0x3  }
0x96: {  	_ =	strace s2  }
0x97: {  	_ =	strace $0x8FFFFFFF  }
0x98: {  	s18 =	sld [smem:$0x3FDB];
	_ =	sdelay $0x1  }
0x99: {  	s19 =	simm.s32 $_scs_section_size  }
0x9a: {  	s4 =	simm.s32 $_size__tile_overlayer_lowered;
	s5 =	simm.s32 $_tile_overlayer_lowered  }
0x9b: {  	s22 =	simm.s32 $0x1BFF;
	s21 =	sshll.u32 s5, $0x1;
	s2 =	sadd.s32 s19, s18  }
0x9c: {  	s6 =	simm.s32 $0x0;
	s20 =	sshll.u32 s4, $0x1;
	s4 =	sadd.s32 s21, s2  }
0x9d: {  	[timem:s6], [sflag:s22] =	dma.local [hbm:s4], s20  }
0x9e: {  	_ =	swait.ge [sflag:s22], s20  }
0x9f: {  	s3 =	ssub.s32 $0x0, s20;
	[sflag:s22] =	ssyncset.done $0x0  }
0xa0: {  	[sflag:s22] =	ssyncadd.s32 s3;
	_ =	sdelay $0x1  }
0xa1: {  	s23 =	simm.s32 $0x1B8B  }
0xa2: {  	_ =	swait.ge [sflag:s23], $0x1  }
0xa3: {  	[sflag:s23] =	ssyncset.done $0x0  }
0xa4: {  	s25 =	simm.s32 $0x1B8E;
	s24 =	sld [smem:$0x3FFE];
	[sflag:s23] =	ssyncadd.s32 $0xFFFFFFFF  }
0xa5: {  	s26 =	simm.s32 $execute0_lowered;
	[smem:$0x3FD2] =	sst s25  }
0xa6: {  	s4 =	sshll.u32 s26, $0x1;
	_ =	strace $0x80000049;
	[dreg:$0x1] =	wrdreg $0xFFFFFFFF  }
0xa7: {  	s28 =	simm.s32 $_size_execute0_lowered;
	s2 =	sadd.s32 s2, s4;
	[dreg:$0x0] =	wrdreg $0x0  }
0xa8: {  	s4 =	sshll.u32 s28, $0x1;
	[dreg:$0x2] =	wrdreg s2  }
0xa9: {  	[dreg:$0x3] =	wrdreg s4  }
0xaa: {  	[dreg:$0x4] =	wrdreg $0xC0  }
0xab: {  	_ =	task [dreg:s6], $0x5FFFF  }
0xac: {  	[dreg:$0x1] =	wrdreg $0xFFFFFFFF  }
0xad: {  	[dreg:$0x0] =	wrdreg $0x60  }
0xae: {  	[dreg:$0x2] =	wrdreg s24  }
0xaf: {  	[dreg:$0x3] =	wrdreg $0x50000  }
0xb0: {  	[dreg:$0x4] =	wrdreg $0x9  }
0xb1: {  	_ =	task.clear_ibuf [dreg:s6], $0x5FFFF;
	_ =	strace $0x90000049  }
0xb2: {  	s29 =	simm.s32 $0x9;
	_ =	strace $0x8000004B  }
0xb3: {  	_ =	swait.ge [sflag:s29], $0x1  }
0xb4: {  	[sflag:s29] =	ssyncadd.s32 $0xFFFFFFFF  }
0xb5: {  	_ =	strace $0x9000004B  }
0xb6: {  	_ =	sfence  }
0xb7: {  	s30 =	sld [smem:$0x0];
	_ =	sdelay $0x2  }
0xb8: {  	s31 =	sshll.u32 s1, $0xD;
	s1 =	sshrl.u32 s1, $0x2  }
0xb9: {  	s3 =	sand.u32 $0x4000, s31;
	s1 =	sadd.s32 s1, s30  }
0xba: {  	s0 =	sor.u32 s3, s0;
	s1 =	sshll.u32 s1, $0x11  }
0xbb: {  	s0 =	sor.u32 s1, s0  }
0xbc: {  	s0 =	sadd.s32 $0x8F2B, s0  }
0xbd: {  	[sflag:s0] =	ssyncadd.remote.s32 $0x1  }
0xbe: {  	_ =	sfence.sel $0xFFFF  }
0xbf: {  	[dreg:$0x0] =	wrdreg $0xFFFFFFFF;
	(pc) =	sbr.abs _section_cstart, $3  }
0xc0: {  	[dreg:$0x1] =	wrdreg $0xFFFFFFFF  }
0xc1: {  	_ =	task.clear_ibuf [dreg:s6], $0x2FFFF;
	_ =	strace $0x9FFFFFFF  }
0xc2: {  	(tm) =	ssettm $0x7FFFFFFF  }
0xc3: {  	_ =	shalt  }
tec
execute0_lowered:
.L_overlay_start_1:
0x0: {  	(tag) =	ssettag $0x1  }
0x1: {  	s0 =	rddreg [dreg:$0x0]  }
0x2: {  	s2 =	rddreg [dreg:$0x1];
	s3 =	simm.s32 $0x0  }
0x3: {  	s15 =	stileid.u32;
	s9 =	srdreg.scid;
	s16 =	simm.s32 $0x800  }
0x4: {  	s26 =	simm.s32 $0x600;
	s30 =	simm.s32 $0xA00;
	s31 =	simm.s32 $0xE00  }
0x5: {  	s28 =	simm.s32 $0x4;
	s29 =	simm.s32 $0x0;
	[smem:$0x7FF] =	sst s3  }
0x6: {  	s1 =	smul.u32 $0xC400, s15;
	s4 =	sadd.s32 $0xD4400, s0;
	s5 =	sadd.s32 $0xA2400, s0  }
0x7: {  	s8 =	smul.u32 $0x1880, s15;
	s6 =	sadd.s32 $0x35000, s0;
	s9 =	sand.u32 $0x1, s9  }
0x8: {  	s10 =	smul.u32 $0x19000, s15;
	s12 =	sshll.u32 s15, $0x1;
	s20 =	sshll.u32 s15, $0x6  }
0x9: {  	s15 =	simm.s32 $0x5;
	_ =	strace $0x8000004A;
	[dreg:$0x5] =	wrdreg s26  }
0xa: {  	s17 =	ssub.s32 $0x2, s9;
	s13 =	smul.u32 $0xC800, s9;
	[dreg:$0x6] =	wrdreg s30  }
0xb: {  	s18 =	sor.u32 s9, s12;
	s21 =	smul.u32 $0x18800, s9;
	[dreg:$0x7] =	wrdreg s31  }
0xc: {  	s26 =	simm.s32 $0x2;
	s7 =	sshrl.u32 s1, $0x3;
	s11 =	sshrl.u32 s17, $0x1  }
0xd: {  	s1 =	sadd.s32 s1, s2;
	s19 =	smul.u32 $0x1900, s18;
	s18 =	simm.s32 $0x1000  }
0xe: {  	s7 =	sadd.s32 s7, s0;
	s0 =	sadd.s32 s8, s0;
	s14 =	ssub.s32 s17, s11  }
0xf: {  	s13 =	sadd.s32 s13, s10;
	s8 =	sor.u32 $0x1C05, s20;
	s17 =	simm.s32 $0x200  }
0x10: {  	s20 =	simm.s32 $0x400;
	s7 =	sadd.s32 $0xECC00, s7;
	s10 =	sor.u32 $0x400, s13  }
0x11: {  	s22 =	sadd.s32 s5, s19;
	s0 =	sadd.s32 s21, s0;
	s12 =	smax.u32 s14, $0x1  }
0x12: {  	s13 =	sadd.s32 $0x800, s13;
	s14 =	sshrl.u32 s1, $0x3;
	[dreg:$0x8] =	wrdreg s7  }
0x13: {  	s21 =	simm.s32 $0xC00;
	[dreg:$0x9] =	wrdreg s22;
	s23 =	sshrl.u32 s10, $0x3  }
0x14: {  	s7 =	sadd.s32 s6, s19;
	s11 =	sadd.s32 $0x105400, s0;
	s19 =	simm.s32 $0x2000  }
0x15: {  	s22 =	simm.s32 $0x3000;
	[dreg:$0xa] =	wrdreg s7;
	s24 =	sadd.s32 s23, s6  }
0x16: {  	s25 =	sadd.s32 s23, s5;
	s23 =	simm.s32 $0x4000;
	[dreg:$0x3] =	wrdreg s24  }
0x17: {  	[dreg:$0x4] =	wrdreg s25;
	s24 =	simm.s32 $0x1;
	s25 =	simm.s32 $0x3  }
.LBB2_1:
0x18: {  	s0 =	rddreg [dreg:$0x8]  }
0x19: {  	[spmem:s14], [sflag:s8] =	dma.local [hbm:s0], $0x1880  }
0x1a: {  	_ =	swait.ge [sflag:s15], $0x1880  }
0x1b: {  	[sflag:s15] =	ssyncset.done $0x0  }
0x1c: {  	[sflag:s15] =	ssyncadd.s32 $0xFFFFE780  }
0x1d: {  	[bflag:$0x0] =	sbarrier.arrive $0xFFFF  }
0x1e: {  	s9 =	rddreg [dreg:$0x9]  }
0x1f: {  	[tilespmem:s3], [sflag:$0x5] =	stream.linear.gather [hbm4b:s9+s3], $0x400, $0x38;
	[tilespmem:$0x11400] =	vst v63  }
0x20: {  	_ =	swait.ge [sflag:s15], $0x400  }
0x21: {  	[sflag:s15] =	ssyncset.done $0x0  }
0x22: {  	s10 =	rddreg [dreg:$0xa];
	[sflag:s15] =	ssyncadd.s32 $0xFFFFFC00  }
0x23: {  	[tilespmem:s16], [sflag:$0x5] =	stream.linear.gather [hbm4b:s10+s3], $0x400, $0x38;
	[tilespmem:$0x11400] =	vst v63  }
0x24: {  	_ =	swait.ge [sflag:s15], $0x400  }
0x25: {  	[sflag:s15] =	ssyncset.done $0x0  }
0x26: {  	p0 =	por $0x1, $0x1;
	[sflag:s15] =	ssyncadd.s32 $0xFFFFFC00  }
0x27: {  	[tilespmem:s18], [sflag:$0x1] =	stream.indirect.gather [hbm4b:s4+s17], $0x8, s3, s17, $0xb8;
	[tilespmem:$0x11400] =	vst v63  }
0x28: {  	s0 =	simm.s32 @!p0 $0x4  }
0x29: {  	[tilespmem:s19], [sflag:$0x1] =	stream.indirect.gather [hbm4b:s4+s17], $0x8, s17, s17, $0xb8;
	[tilespmem:$0x11400] =	vst v63  }
0x2a: {  	_ =	swait.ge @!p0 [sflag:s0], $0x1000  }
0x2b: {  	[sflag:s0] =	ssyncset.done @!p0 $0x0  }
0x2c: {  	[sflag:s0] =	ssyncadd.s32 @!p0 $0xFFFFF000  }
0x2d: {  	_ =	swait.ge @!p0 [sflag:s0], $0x1000  }
0x2e: {  	s1 =	rddreg [dreg:$0x4];
	[sflag:s0] =	ssyncset.done @!p0 $0x0  }
0x2f: {  	[sflag:s0] =	ssyncadd.s32 @!p0 $0xFFFFF000;
	s1 =	sadd.s32 $0x0, s1  }
0x30: {  	[tilespmem:s20], [sflag:$0x5] =	stream.linear.gather [hbm4b:s1+s3], $0x400, $0x38;
	[tilespmem:$0x11400] =	vst v63  }
0x31: {  	_ =	swait.ge [sflag:s15], $0x400  }
0x32: {  	s7 =	rddreg [dreg:$0x3];
	[sflag:s15] =	ssyncset.done $0x0  }
0x33: {  	[sflag:s15] =	ssyncadd.s32 $0xFFFFFC00;
	s0 =	sadd.s32 $0x0, s7  }
0x34: {  	[tilespmem:s21], [sflag:$0x5] =	stream.linear.gather [hbm4b:s0+s3], $0x400, $0x38;
	[tilespmem:$0x11400] =	vst v63  }
0x35: {  	_ =	swait.ge [sflag:s15], $0x400  }
0x36: {  	[sflag:s15] =	ssyncset.done $0x0  }
0x37: {  	[sflag:s15] =	ssyncadd.s32 $0xFFFFFC00  }
0x38: {  	[tilespmem:s22], [sflag:$0x2] =	stream.indirect.gather [hbm4b:s4+s17], $0x8, s20, s17, $0xb8;
	[tilespmem:$0x11400] =	vst v63  }
0x39: {  	s9 =	rddreg [dreg:$0x5]  }
0x3a: {  	[tilespmem:s23], [sflag:$0x2] =	stream.indirect.gather [hbm4b:s4+s17], $0x8, s9, s17, $0xb8;
	[tilespmem:$0x11400] =	vst v63  }
0x3b: {  	_ =	swait.ge [sflag:s24], $0x1000  }
0x3c: {  	[sflag:s24] =	ssyncset.done $0x0  }
0x3d: {  	[sflag:s24] =	ssyncadd.s32 $0xFFFFF000  }
0x3e: {  	_ =	swait.ge [sflag:s24], $0x1000  }
0x3f: {  	[sflag:s24] =	ssyncset.done $0x0  }
0x40: {  	[sflag:s24] =	ssyncadd.s32 $0xFFFFF000  }
0x41: {  	[spmem:s2] =	stream.indirect.scatter.add.f32 [tilespmem:s18], [sflag:$0x3], $0x8, s16, s17, $0xb8;
	[tilespmem:$0x11400] =	vst v63  }
0x42: {  	s10 =	rddreg [dreg:$0x6]  }
0x43: {  	[spmem:s2] =	stream.indirect.scatter.add.f32 [tilespmem:s19], [sflag:$0x3], $0x8, s10, s17, $0xb8;
	[tilespmem:$0x11400] =	vst v63  }
0x44: {  	_ =	swait.ge [sflag:s25], $0x1000  }
0x45: {  	[sflag:s25] =	ssyncset.done $0x0  }
0x46: {  	[sflag:s25] =	ssyncadd.s32 $0xFFFFF000  }
0x47: {  	p0 =	por $0x0, $0x0;
	_ =	swait.ge [sflag:s25], $0x1000  }
0x48: {  	s1 =	simm.s32 @!p0 $0x5;
	s0 =	sshrl.u32 @!p0 s13, $0x3;
	[sflag:s25] =	ssyncset.done $0x0  }
0x49: {  	s30 =	simm.s32 @!p0 $0x0;
	s7 =	sadd.s32 @!p0 s5, s0;
	[sflag:s25] =	ssyncadd.s32 $0xFFFFF000  }
0x4a: {  	[tilespmem:s30], [sflag:$0x5] =	stream.linear.gather @!p0 [hbm4b:s7+s30], $0x400, $0x38;
	[tilespmem:$0x11400] =	vst v63  }
0x4b: {  	_ =	swait.ge @!p0 [sflag:s1], $0x400  }
0x4c: {  	[sflag:s1] =	ssyncset.done @!p0 $0x0  }
0x4d: {  	s0 =	sadd.s32 @!p0 s6, s0;
	s7 =	simm.s32 @!p0 $0x800;
	[sflag:s1] =	ssyncadd.s32 @!p0 $0xFFFFFC00  }
0x4e: {  	[tilespmem:s7], [sflag:$0x5] =	stream.linear.gather @!p0 [hbm4b:s0+s30], $0x400, $0x38;
	[tilespmem:$0x11400] =	vst v63  }
0x4f: {  	_ =	swait.ge @!p0 [sflag:s1], $0x400  }
0x50: {  	[sflag:s1] =	ssyncset.done @!p0 $0x0  }
0x51: {  	s0 =	simm.s32 @!p0 $0x200;
	[sflag:s1] =	ssyncadd.s32 @!p0 $0xFFFFFC00;
	s1 =	simm.s32 @!p0 $0x1000  }
0x52: {  	[tilespmem:s1], [sflag:$0x1] =	stream.indirect.gather @!p0 [hbm4b:s4+s0], $0x8, s30, s0, $0xb8;
	[tilespmem:$0x11400] =	vst v63  }
0x53: {  	s1 =	simm.s32 @!p0 $0x2000  }
0x54: {  	[tilespmem:s1], [sflag:$0x1] =	stream.indirect.gather @!p0 [hbm4b:s4+s0], $0x8, s0, s0, $0xb8;
	[tilespmem:$0x11400] =	vst v63  }
0x55: {  	_ =	swait.ge [sflag:s26], $0x1000  }
0x56: {  	[sflag:s26] =	ssyncset.done $0x0  }
0x57: {  	[sflag:s26] =	ssyncadd.s32 $0xFFFFF000  }
0x58: {  	p1 =	por $0x0, $0x0;
	_ =	swait.ge [sflag:s26], $0x1000  }
0x59: {  	s31 =	smov.u32 s13;
	s30 =	simm.s32 $0x100;
	[sflag:s26] =	ssyncset.done $0x0  }
0x5a: {  	s0 =	simm.s32 $0x200;
	s7 =	rddreg [dreg:$0x7];
	[sflag:s26] =	ssyncadd.s32 $0xFFFFF000  }
0x5b: {  	[spmem:s2] =	stream.indirect.scatter.add.f32 [tilespmem:s22], [sflag:$0x4], $0x8, s21, s17, $0xb8;
	[tilespmem:$0x11400] =	vst v63  }
.LBB2_2:
0x5c: {  	s9 =	simm.s32 @!p1 $0x4  }
0x5d: {  	[spmem:s2] =	stream.indirect.scatter.add.f32 [tilespmem:s23], [sflag:$0x4], $0x8, s7, s17, $0xb8;
	[tilespmem:$0x11400] =	vst v63  }
0x5e: {  	_ =	swait.ge @!p1 [sflag:s9], $0x1000  }
0x5f: {  	[sflag:s9] =	ssyncset.done @!p1 $0x0  }
0x60: {  	[sflag:s9] =	ssyncadd.s32 @!p1 $0xFFFFF000  }
0x61: {  	_ =	swait.ge @!p1 [sflag:s9], $0x1000  }
0x62: {  	[sflag:s9] =	ssyncset.done @!p1 $0x0;
	s10 =	rddreg [dreg:$0x4]  }
0x63: {  	[sflag:s9] =	ssyncadd.s32 @!p1 $0xFFFFF000;
	s7 =	sadd.s32 s30, s10  }
0x64: {  	[tilespmem:s20], [sflag:$0x5] =	stream.linear.gather [hbm4b:s7+s3], $0x400, $0x38;
	[tilespmem:$0x11400] =	vst v63  }
0x65: {  	_ =	swait.ge [sflag:s15], $0x400  }
0x66: {  	s10 =	rddreg [dreg:$0x3];
	[sflag:s15] =	ssyncset.done $0x0  }
0x67: {  	[sflag:s15] =	ssyncadd.s32 $0xFFFFFC00;
	s7 =	sadd.s32 s30, s10  }
0x68: {  	[tilespmem:s21], [sflag:$0x5] =	stream.linear.gather [hbm4b:s7+s3], $0x400, $0x38;
	[tilespmem:$0x11400] =	vst v63  }
0x69: {  	_ =	swait.ge [sflag:s15], $0x400  }
0x6a: {  	[sflag:s15] =	ssyncset.done $0x0  }
0x6b: {  	[sflag:s15] =	ssyncadd.s32 $0xFFFFFC00  }
0x6c: {  	[tilespmem:s22], [sflag:$0x2] =	stream.indirect.gather [hbm4b:s4+s17], $0x8, s20, s17, $0xb8;
	[tilespmem:$0x11400] =	vst v63  }
0x6d: {  	s9 =	rddreg [dreg:$0x5]  }
0x6e: {  	[tilespmem:s23], [sflag:$0x2] =	stream.indirect.gather [hbm4b:s4+s17], $0x8, s9, s17, $0xb8;
	[tilespmem:$0x11400] =	vst v63  }
0x6f: {  	_ =	swait.ge [sflag:s24], $0x1000  }
0x70: {  	[sflag:s24] =	ssyncset.done $0x0  }
0x71: {  	[sflag:s24] =	ssyncadd.s32 $0xFFFFF000  }
0x72: {  	_ =	swait.ge [sflag:s24], $0x1000  }
0x73: {  	[sflag:s24] =	ssyncset.done $0x0  }
0x74: {  	[sflag:s24] =	ssyncadd.s32 $0xFFFFF000  }
0x75: {  	[spmem:s2] =	stream.indirect.scatter.add.f32 [tilespmem:s18], [sflag:$0x3], $0x8, s16, s17, $0xb8;
	[tilespmem:$0x11400] =	vst v63  }
0x76: {  	s10 =	rddreg [dreg:$0x6]  }
0x77: {  	[spmem:s2] =	stream.indirect.scatter.add.f32 [tilespmem:s19], [sflag:$0x3], $0x8, s10, s17, $0xb8;
	[tilespmem:$0x11400] =	vst v63  }
0x78: {  	_ =	swait.ge [sflag:s25], $0x1000  }
0x79: {  	[sflag:s25] =	ssyncset.done $0x0  }
0x7a: {  	s31 =	sadd.s32 $0x800, s31;
	s1 =	smov.u32 s0;
	[sflag:s25] =	ssyncadd.s32 $0xFFFFF000  }
0x7b: {  	p1 =	seq.s32 s30, $0x1800;
	s30 =	smov.u32 s1;
	_ =	swait.ge [sflag:s25], $0x1000  }
0x7c: {  	s1 =	sshrl.u32 @!p1 s31, $0x3;
	s7 =	simm.s32 @!p1 $0x5;
	[sflag:s25] =	ssyncset.done $0x0  }
0x7d: {  	s9 =	sadd.s32 @!p1 s5, s1;
	s10 =	simm.s32 @!p1 $0x0;
	[sflag:s25] =	ssyncadd.s32 $0xFFFFF000  }
0x7e: {  	[tilespmem:s10], [sflag:$0x5] =	stream.linear.gather @!p1 [hbm4b:s9+s10], $0x400, $0x38;
	[tilespmem:$0x11400] =	vst v63  }
0x7f: {  	_ =	swait.ge @!p1 [sflag:s7], $0x400  }
0x80: {  	[sflag:s7] =	ssyncset.done @!p1 $0x0  }
0x81: {  	s1 =	sadd.s32 @!p1 s6, s1;
	s9 =	simm.s32 @!p1 $0x800;
	[sflag:s7] =	ssyncadd.s32 @!p1 $0xFFFFFC00  }
0x82: {  	[tilespmem:s9], [sflag:$0x5] =	stream.linear.gather @!p1 [hbm4b:s1+s10], $0x400, $0x38;
	[tilespmem:$0x11400] =	vst v63  }
0x83: {  	_ =	swait.ge @!p1 [sflag:s7], $0x400  }
0x84: {  	[sflag:s7] =	ssyncset.done @!p1 $0x0  }
0x85: {  	s1 =	simm.s32 @!p1 $0x200;
	[sflag:s7] =	ssyncadd.s32 @!p1 $0xFFFFFC00;
	s7 =	simm.s32 @!p1 $0x1000  }
0x86: {  	[tilespmem:s7], [sflag:$0x1] =	stream.indirect.gather @!p1 [hbm4b:s4+s1], $0x8, s10, s1, $0xb8;
	[tilespmem:$0x11400] =	vst v63  }
0x87: {  	s7 =	simm.s32 @!p1 $0x2000  }
0x88: {  	[tilespmem:s7], [sflag:$0x1] =	stream.indirect.gather @!p1 [hbm4b:s4+s1], $0x8, s1, s1, $0xb8;
	[tilespmem:$0x11400] =	vst v63  }
0x89: {  	s0 =	sadd.s32 $0x100, s0;
	_ =	swait.ge [sflag:s26], $0x1000  }
0x8a: {  	p0 =	sne.s32 s0, $0x1900;
	[sflag:s26] =	ssyncset.done $0x0  }
.Ltmp0:
0x8b: {  	[sflag:s26] =	ssyncadd.s32 $0xFFFFF000;
	(pc) =	sbr.rel @p0 .LBB2_2-.Ltmp0, $4  }
0x8c: {  	_ =	swait.ge [sflag:s26], $0x1000  }
0x8d: {  	[sflag:s26] =	ssyncset.done $0x0  }
0x8e: {  	p1 =	seq.s32 s30, $0x0;
	s7 =	rddreg [dreg:$0x7];
	[sflag:s26] =	ssyncadd.s32 $0xFFFFF000  }
0x8f: {  	[spmem:s2] =	stream.indirect.scatter.add.f32 [tilespmem:s22], [sflag:$0x4], $0x8, s21, s17, $0xb8;
	[tilespmem:$0x11400] =	vst v63  }
0x90: {  	s0 =	simm.s32 @!p1 $0x4  }
0x91: {  	[spmem:s2] =	stream.indirect.scatter.add.f32 [tilespmem:s23], [sflag:$0x4], $0x8, s7, s17, $0xb8;
	[tilespmem:$0x11400] =	vst v63  }
0x92: {  	_ =	swait.ge @!p1 [sflag:s0], $0x1000  }
0x93: {  	[sflag:s0] =	ssyncset.done @!p1 $0x0  }
0x94: {  	[sflag:s0] =	ssyncadd.s32 @!p1 $0xFFFFF000  }
0x95: {  	_ =	swait.ge @!p1 [sflag:s0], $0x1000  }
0x96: {  	s1 =	rddreg [dreg:$0x4];
	[sflag:s0] =	ssyncset.done @!p1 $0x0  }
0x97: {  	[sflag:s0] =	ssyncadd.s32 @!p1 $0xFFFFF000;
	s1 =	sadd.s32 s30, s1  }
0x98: {  	[tilespmem:s20], [sflag:$0x5] =	stream.linear.gather [hbm4b:s1+s3], $0x400, $0x38;
	[tilespmem:$0x11400] =	vst v63  }
0x99: {  	_ =	swait.ge [sflag:s15], $0x400  }
0x9a: {  	s7 =	rddreg [dreg:$0x3];
	[sflag:s15] =	ssyncset.done $0x0  }
0x9b: {  	[sflag:s15] =	ssyncadd.s32 $0xFFFFFC00;
	s0 =	sadd.s32 s30, s7  }
0x9c: {  	[tilespmem:s21], [sflag:$0x5] =	stream.linear.gather [hbm4b:s0+s3], $0x400, $0x38;
	[tilespmem:$0x11400] =	vst v63  }
0x9d: {  	_ =	swait.ge [sflag:s15], $0x400  }
0x9e: {  	[sflag:s15] =	ssyncset.done $0x0  }
0x9f: {  	[sflag:s15] =	ssyncadd.s32 $0xFFFFFC00  }
0xa0: {  	[tilespmem:s22], [sflag:$0x2] =	stream.indirect.gather [hbm4b:s4+s17], $0x8, s20, s17, $0xb8;
	[tilespmem:$0x11400] =	vst v63  }
0xa1: {  	s9 =	rddreg [dreg:$0x5]  }
0xa2: {  	[tilespmem:s23], [sflag:$0x2] =	stream.indirect.gather [hbm4b:s4+s17], $0x8, s9, s17, $0xb8;
	[tilespmem:$0x11400] =	vst v63  }
0xa3: {  	_ =	swait.ge [sflag:s24], $0x1000  }
0xa4: {  	[sflag:s24] =	ssyncset.done $0x0  }
0xa5: {  	[sflag:s24] =	ssyncadd.s32 $0xFFFFF000  }
0xa6: {  	_ =	swait.ge [sflag:s24], $0x1000  }
0xa7: {  	[sflag:s24] =	ssyncset.done $0x0  }
0xa8: {  	[sflag:s24] =	ssyncadd.s32 $0xFFFFF000  }
0xa9: {  	[spmem:s2] =	stream.indirect.scatter.add.f32 [tilespmem:s18], [sflag:$0x3], $0x8, s16, s17, $0xb8;
	[tilespmem:$0x11400] =	vst v63  }
0xaa: {  	s10 =	rddreg [dreg:$0x6]  }
0xab: {  	[spmem:s2] =	stream.indirect.scatter.add.f32 [tilespmem:s19], [sflag:$0x3], $0x8, s10, s17, $0xb8;
	[tilespmem:$0x11400] =	vst v63  }
0xac: {  	_ =	swait.ge [sflag:s25], $0x1000  }
0xad: {  	[sflag:s25] =	ssyncset.done $0x0  }
0xae: {  	[sflag:s25] =	ssyncadd.s32 $0xFFFFF000  }
0xaf: {  	p0 =	seq.s32 s30, $0x1800;
	s0 =	sadd.s32 $0x800, s31;
	_ =	swait.ge [sflag:s25], $0x1000  }
0xb0: {  	s1 =	simm.s32 @!p0 $0x5;
	s0 =	sshrl.u32 @!p0 s0, $0x3;
	[sflag:s25] =	ssyncset.done $0x0  }
0xb1: {  	s7 =	sadd.s32 @!p0 s5, s0;
	s9 =	simm.s32 @!p0 $0x0;
	[sflag:s25] =	ssyncadd.s32 $0xFFFFF000  }
0xb2: {  	[tilespmem:s9], [sflag:$0x5] =	stream.linear.gather @!p0 [hbm4b:s7+s9], $0x400, $0x38;
	[tilespmem:$0x11400] =	vst v63  }
0xb3: {  	_ =	swait.ge @!p0 [sflag:s1], $0x400  }
0xb4: {  	[sflag:s1] =	ssyncset.done @!p0 $0x0  }
0xb5: {  	s0 =	sadd.s32 @!p0 s6, s0;
	s7 =	simm.s32 @!p0 $0x800;
	[sflag:s1] =	ssyncadd.s32 @!p0 $0xFFFFFC00  }
0xb6: {  	[tilespmem:s7], [sflag:$0x5] =	stream.linear.gather @!p0 [hbm4b:s0+s9], $0x400, $0x38;
	[tilespmem:$0x11400] =	vst v63  }
0xb7: {  	_ =	swait.ge @!p0 [sflag:s1], $0x400  }
0xb8: {  	[sflag:s1] =	ssyncset.done @!p0 $0x0  }
0xb9: {  	s0 =	simm.s32 @!p0 $0x200;
	[sflag:s1] =	ssyncadd.s32 @!p0 $0xFFFFFC00;
	s1 =	simm.s32 @!p0 $0x1000  }
0xba: {  	[tilespmem:s1], [sflag:$0x1] =	stream.indirect.gather @!p0 [hbm4b:s4+s0], $0x8, s9, s0, $0xb8;
	[tilespmem:$0x11400] =	vst v63  }
0xbb: {  	s1 =	simm.s32 @!p0 $0x2000  }
0xbc: {  	[tilespmem:s1], [sflag:$0x1] =	stream.indirect.gather @!p0 [hbm4b:s4+s0], $0x8, s0, s0, $0xb8;
	[tilespmem:$0x11400] =	vst v63  }
0xbd: {  	_ =	swait.ge [sflag:s26], $0x1000  }
0xbe: {  	[sflag:s26] =	ssyncset.done $0x0  }
0xbf: {  	[sflag:s26] =	ssyncadd.s32 $0xFFFFF000  }
0xc0: {  	_ =	swait.ge [sflag:s26], $0x1000  }
0xc1: {  	[sflag:s26] =	ssyncset.done $0x0  }
0xc2: {  	[sflag:s26] =	ssyncadd.s32 $0xFFFFF000  }
0xc3: {  	[spmem:s2] =	stream.indirect.scatter.add.f32 [tilespmem:s22], [sflag:$0x4], $0x8, s21, s17, $0xb8;
	[tilespmem:$0x11400] =	vst v63  }
0xc4: {  	s31 =	rddreg [dreg:$0x7]  }
0xc5: {  	[spmem:s2] =	stream.indirect.scatter.add.f32 [tilespmem:s23], [sflag:$0x4], $0x8, s31, s17, $0xb8;
	[tilespmem:$0x11400] =	vst v63  }
0xc6: {  	_ =	swait.ge [sflag:s28], $0x1000  }
0xc7: {  	[sflag:s28] =	ssyncset.done $0x0  }
0xc8: {  	[sflag:s28] =	ssyncadd.s32 $0xFFFFF000  }
0xc9: {  	_ =	swait.ge [sflag:s28], $0x1000  }
0xca: {  	s29 =	sadd.s32 $0x1, s29;
	[sflag:s28] =	ssyncset.done $0x0  }
0xcb: {  	p0 =	sne.s32 s29, s12;
	[sflag:s28] =	ssyncadd.s32 $0xFFFFF000  }
.Ltmp1:
0xcc: {  	[bflag:$0x0] =	sbarrier.arrive $0xFFFF;
	(pc) =	sbr.rel @p0 .LBB2_1-.Ltmp1, $4  }
0xcd: {  	[hbm:s11], [sflag:s8] =	dma.local [spmem:s14], $0x1880  }
0xce: {  	_ =	swait.ge [sflag:s15], $0x1880  }
0xcf: {  	[sflag:s15] =	ssyncset.done $0x0  }
0xd0: {  	[sflag:s15] =	ssyncadd.s32 $0xFFFFE780  }
0xd1: {  	_ =	sfence.sel $0x180000  }
0xd2: {  	[bflag:$0x0] =	sbarrier.arrive $0xFFFF  }
0xd3: {  	_ =	strace $0x9000004A  }
0xd4: {  	s0 =	stileid.u32;
	[bflag:$0x2] =	sbarrier.arrive $0xFFFF  }
0xd5: {  	p0 =	sne.s32 s0, $0x0;
	s0 =	rddreg [dreg:$0x2]  }
0xd6: {  	s0 =	sadd.s32 @!p0 $0x100000, s0  }
0xd7: {  	[sflag:s0] =	ssyncadd.tile.s32 @!p0 $0x1;
	_ =	shalt  }
.Lfunc_end2:
_tile_overlayer_lowered:
.L_overlay_start_2:
0xd8: {  	(tag) =	ssettag $0x2  }
0xd9: {  	s0 =	rddreg [dreg:$0x0];
	s2 =	stileid.u32  }
0xda: {  	s1 =	rddreg [dreg:$0x1];
	p0 =	sne.s32 s2, $0x0  }
0xdb: {  	s3 =	rddreg [dreg:$0x2];
	[bflag:$0x3] =	sbarrier.arrive $0xFFFF;
	s2 =	simm.s32 @!p0 $0x1C05  }
0xdc: {  	[timem:s3], [sflag:s2] =	dma.local @!p0 [hbm:s0], s1  }
0xdd: {  	s0 =	simm.s32 @!p0 $0x5  }
0xde: {  	_ =	swait.ge @!p0 [sflag:s0], s1  }
0xdf: {  	s1 =	ssub.s32 @!p0 $0x0, s1;
	[sflag:s0] =	ssyncset.done @!p0 $0x0  }
0xe0: {  	[sflag:s0] =	ssyncadd.s32 @!p0 s1  }
0xe1: {  	[bflag:$0x3] =	sbarrier.arrive $0xFFFF  }
0xe2: {  	_ =	shalt  }

// kernel: kernel.16.cloned.1.call-start
scs
__scs_entry_jumppad:
0x0: {  	(pc) =	sbr.rel $0x88, $3  }
0x1: {  	(tag) =	ssettag $0x0;
	lr =	simm.s32 $0x1  }
0x2: {  	[smem:$0x3F98] =	sst lr;
	_ =	strace $0xD0000000  }
0x3: {  	_ = 	snop  }
0x4: {  	_ = 	snop  }
0x5: {  	_ = 	snop  }
0x6: {  	_ = 	snop  }
0x7: {  	_ = 	snop  }
__scs_overlays_trampoline_lowered:
0x8: {  	[smem:$0x3FA7] =	sst s0  }
0x9: {  	[smem:$0x3FA8] =	sst s1  }
0xa: {  	[smem:$0x3FA9] =	sst s2  }
0xb: {  	[smem:$0x3FAA] =	sst s3  }
0xc: {  	[smem:$0x3FAB] =	sst s4  }
0xd: {  	[smem:$0x3FAC] =	sst s5  }
0xe: {  	[smem:$0x3FAD] =	sst s6  }
0xf: {  	[smem:$0x3FAE] =	sst s7  }
0x10: {  	[smem:$0x3FAF] =	sst s8  }
0x11: {  	[smem:$0x3FB0] =	sst s9;
	s0 =	simm.s32 @!p0 $0x0  }
0x12: {  	s1 =	sld [smem:$0x3F96];
	s0 =	simm.s32 @p0 $0x1  }
0x13: {  	[smem:$0x3FB1] =	sst s0;
	s0 =	simm.s32 @!p1 $0x0  }
0x14: {  	s2 =	sld [smem:$0x3F95];
	s0 =	simm.s32 @p1 $0x1  }
0x15: {  	[smem:$0x3FB2] =	sst s0;
	s0 =	simm.s32 @!p2 $0x0  }
0x16: {  	s3 =	sld [smem:$0x3FDB];
	s0 =	simm.s32 @p2 $0x1  }
0x17: {  	s4 =	simm.s32 $0x1BF5;
	[smem:$0x3FB4] =	sst s0  }
0x18: {  	s0 =	sld [smem:$0x3F97];
	_ =	swait.ge [sflag:s4], $0x0  }
0x19: {  	s7 =	sld [smem:$0x3F98]  }
0x1a: {  	s8 =	sadd.s32 $0xFFFFE003, lr  }
0x1b: {  	s9 =	sadd.s32 $0xFFFFFEF7, lr;
	s5 =	simm.s32 $0xFFFFFFFF;
	p2 =	slt.u32 s8, $0xFFFFF086  }
0x1c: {  	p1 =	slt.u32 s9, $0xF7A;
	s5 =	simm.s32 @!p2 $0x0  }
0x1d: {  	s5 =	simm.s32 @p1 $0x1;
	p0 =	seq.s32 s7, s2  }
0x1e: {  	s7 =	smul.u32 @!p0 $0xF7A, s2;
	p2 =	seq.s32 @!p0 s5, $0x0  }
0x1f: {  	s9 =	smul.u32 $0xF7A, s1;
	s8 =	simm.s32 @!p0 $0x1BF5;
	p2 =	por !p2, p0  }
0x20: {  	[sflag:s8] =	ssyncset.s32 @!p0 $0xFFFFF086;
	s6 =	sadd.s32 @!p0 s3, s7;
	s7 =	simm.s32 @!p0 $0x108  }
0x21: {  	s3 =	sadd.s32 s3, s9;
	s6 =	sadd.s32 @!p0 $0x88, s6;
	s7 =	simm.s32 @p2 $0x1082  }
0x22: {  	[simem:s7], [sflag:s8] =	dma.local @!p0 [hbm:s6], $0xF7A  }
0x23: {  	s9 =	sor.u32 $0xD0000000, s2;
	s6 =	simm.s32 $0x108;
	_ =	swait.ge @!p0 [sflag:s8], $0x0  }
0x24: {  	s3 =	sadd.s32 $0x88, s3;
	s6 =	simm.s32 @!p1 $0x1082;
	[sflag:s4] =	ssyncset.s32 $0xFFFFF086  }
0x25: {  	[simem:s6], [sflag:s4] =	dma.local [hbm:s3], $0xF7A  }
0x26: {  	[smem:$0x3F98] =	sst s1;
	(tag) =	ssettag s2;
	_ =	strace s9  }
0x27: {  	s1 =	sld [smem:$0x3FA8]  }
0x28: {  	s2 =	sld [smem:$0x3FA9]  }
0x29: {  	s4 =	sld [smem:$0x3FAB]  }
0x2a: {  	p0 =	seq.s32 s5, $0x0;
	s5 =	sld [smem:$0x3FAC]  }
0x2b: {  	s6 =	sld [smem:$0x3FAD]  }
0x2c: {  	s7 =	sld [smem:$0x3FAE]  }
0x2d: {  	s3 =	simm.s32 $0x108;
	s8 =	sld [smem:$0x3FAF]  }
0x2e: {  	s3 =	simm.s32 @!p0 $0x1082;
	s9 =	sld [smem:$0x3FB0]  }
0x2f: {  	lr =	sadd.s32 s0, s3;
	s0 =	sld [smem:$0x3FA7]  }
0x30: {  	s3 =	sld [smem:$0x3FAA]  }
0x31: {  	[smem:$0x3FB3] =	sst s10  }
0x32: {  	s10 =	sld [smem:$0x3FB1];
	_ =	sdelay $0x3  }
0x33: {  	p0 =	seq.s32 s10, $0x1;
	s10 =	sld [smem:$0x3FB3];
	_ =	sdelay $0x3  }
0x34: {  	[smem:$0x3FB3] =	sst s10  }
0x35: {  	s10 =	sld [smem:$0x3FB2];
	_ =	sdelay $0x3  }
0x36: {  	p1 =	seq.s32 s10, $0x1;
	s10 =	sld [smem:$0x3FB3];
	_ =	sdelay $0x3  }
0x37: {  	[smem:$0x3FB3] =	sst s10  }
0x38: {  	s10 =	sld [smem:$0x3FB4]  }
0x39: {  	_ = 	snop;
	(pc) =	sbr.ind lr, $3  }
0x3a: {  	_ = 	snop  }
0x3b: {  	_ = 	snop  }
0x3c: {  	p2 =	seq.s32 s10, $0x1;
	s10 =	sld [smem:$0x3FB3]  }
0x3d: {  	_ =	shalt  }
0x3e: {  	_ =	shalt  }
0x3f: {  	_ =	shalt  }
0x40: {  	_ =	shalt  }
0x41: {  	_ =	shalt  }
0x42: {  	_ =	shalt  }
0x43: {  	_ =	shalt  }
0x44: {  	_ =	shalt  }
0x45: {  	_ =	shalt  }
0x46: {  	_ =	shalt  }
0x47: {  	_ =	shalt  }
0x48: {  	_ =	shalt  }
0x49: {  	_ =	shalt  }
0x4a: {  	_ =	shalt  }
0x4b: {  	_ =	shalt  }
0x4c: {  	_ =	shalt  }
0x4d: {  	_ =	shalt  }
0x4e: {  	_ =	shalt  }
0x4f: {  	_ =	shalt  }
0x50: {  	_ =	shalt  }
0x51: {  	_ =	shalt  }
0x52: {  	_ =	shalt  }
0x53: {  	_ =	shalt  }
0x54: {  	_ =	shalt  }
0x55: {  	_ =	shalt  }
0x56: {  	_ =	shalt  }
0x57: {  	_ =	shalt  }
0x58: {  	_ =	shalt  }
0x59: {  	_ =	shalt  }
0x5a: {  	_ =	shalt  }
0x5b: {  	_ =	shalt  }
0x5c: {  	_ =	shalt  }
0x5d: {  	_ =	shalt  }
0x5e: {  	_ =	shalt  }
0x5f: {  	_ =	shalt  }
0x60: {  	_ =	shalt  }
0x61: {  	_ =	shalt  }
0x62: {  	_ =	shalt  }
0x63: {  	_ =	shalt  }
0x64: {  	_ =	shalt  }
0x65: {  	_ =	shalt  }
0x66: {  	_ =	shalt  }
0x67: {  	_ =	shalt  }
0x68: {  	_ =	shalt  }
0x69: {  	_ =	shalt  }
0x6a: {  	_ =	shalt  }
0x6b: {  	_ =	shalt  }
0x6c: {  	_ =	shalt  }
0x6d: {  	_ =	shalt  }
0x6e: {  	_ =	shalt  }
0x6f: {  	_ =	shalt  }
0x70: {  	_ =	shalt  }
0x71: {  	_ =	shalt  }
0x72: {  	_ =	shalt  }
0x73: {  	_ =	shalt  }
0x74: {  	_ =	shalt  }
0x75: {  	_ =	shalt  }
0x76: {  	_ =	shalt  }
0x77: {  	_ =	shalt  }
0x78: {  	_ =	shalt  }
0x79: {  	_ =	shalt  }
0x7a: {  	_ =	shalt  }
0x7b: {  	_ =	shalt  }
0x7c: {  	_ =	shalt  }
0x7d: {  	_ =	shalt  }
0x7e: {  	_ =	shalt  }
0x7f: {  	_ =	shalt  }
0x80: {  	_ =	shalt  }
0x81: {  	_ =	shalt  }
0x82: {  	_ =	shalt  }
0x83: {  	_ =	shalt  }
0x84: {  	_ =	shalt  }
0x85: {  	_ =	shalt  }
0x86: {  	_ =	shalt  }
0x87: {  	_ =	shalt  }
.Lfunc_end0:
.L_simem_size_0:
called_computation.2_lowered:
.L_overlay_start_0:
0x88: {  	s2 =	sld [smem:$0x3FD9]  }
0x89: {  	s3 =	sld [smem:$0x3FFE];
	_ =	sdelay $0x1  }
0x8a: {  	s1 =	srdreg.scid  }
0x8b: {  	s0 =	sand.u32 $0x1, s1  }
0x8c: {  	s16 =	sshll.u32 s0, $0xA;
	s2 =	sadd.s32 s3, s2  }
0x8d: {  	s2 =	sadd.s32 s2, s16  }
0x8e: {  	[smem:$0x3FBF] =	sst s2  }
0x8f: {  	_ = 	snop  }
0x90: {  	(tm) =	ssettm $0x1  }
0x91: {  	s17 =	sld [smem:$0x3FFB];
	_ =	sdelay $0x3  }
0x92: {  	_ =	strace s17  }
0x93: {  	s2 =	sld [smem:$0x3FFC];
	_ =	sdelay $0x3  }
0x94: {  	_ =	strace s2  }
0x95: {  	s2 =	sld [smem:$0x3FFD];
	_ =	sdelay $0x3  }
0x96: {  	_ =	strace s2  }
0x97: {  	_ =	strace $0x8FFFFFFF  }
0x98: {  	s18 =	sld [smem:$0x3FDB];
	_ =	sdelay $0x1  }
0x99: {  	s19 =	simm.s32 $_scs_section_size  }
0x9a: {  	s4 =	simm.s32 $_size__tile_overlayer_lowered;
	s5 =	simm.s32 $_tile_overlayer_lowered  }
0x9b: {  	s22 =	simm.s32 $0x1BFF;
	s21 =	sshll.u32 s5, $0x1;
	s2 =	sadd.s32 s19, s18  }
0x9c: {  	s6 =	simm.s32 $0x0;
	s20 =	sshll.u32 s4, $0x1;
	s4 =	sadd.s32 s21, s2  }
0x9d: {  	[timem:s6], [sflag:s22] =	dma.local [hbm:s4], s20  }
0x9e: {  	_ =	swait.ge [sflag:s22], s20  }
0x9f: {  	s3 =	ssub.s32 $0x0, s20;
	[sflag:s22] =	ssyncset.done $0x0  }
0xa0: {  	[sflag:s22] =	ssyncadd.s32 s3;
	_ =	sdelay $0x1  }
0xa1: {  	s23 =	simm.s32 $0x1B8B  }
0xa2: {  	_ =	swait.ge [sflag:s23], $0x1  }
0xa3: {  	[sflag:s23] =	ssyncset.done $0x0  }
0xa4: {  	s25 =	simm.s32 $0x1B8E;
	s24 =	sld [smem:$0x3FFE];
	[sflag:s23] =	ssyncadd.s32 $0xFFFFFFFF  }
0xa5: {  	s26 =	simm.s32 $execute0_lowered;
	[smem:$0x3FD2] =	sst s25  }
0xa6: {  	s4 =	sshll.u32 s26, $0x1;
	_ =	strace $0x8000004C;
	[dreg:$0x1] =	wrdreg $0xFFFFFFFF  }
0xa7: {  	s28 =	simm.s32 $_size_execute0_lowered;
	s2 =	sadd.s32 s2, s4;
	[dreg:$0x0] =	wrdreg $0x0  }
0xa8: {  	s4 =	sshll.u32 s28, $0x1;
	[dreg:$0x2] =	wrdreg s2  }
0xa9: {  	[dreg:$0x3] =	wrdreg s4  }
0xaa: {  	[dreg:$0x4] =	wrdreg $0xC0  }
0xab: {  	_ =	task [dreg:s6], $0x5FFFF  }
0xac: {  	[dreg:$0x1] =	wrdreg $0xFFFFFFFF  }
0xad: {  	[dreg:$0x0] =	wrdreg $0x60  }
0xae: {  	[dreg:$0x2] =	wrdreg s24  }
0xaf: {  	[dreg:$0x3] =	wrdreg $0x48000  }
0xb0: {  	[dreg:$0x4] =	wrdreg $0x9  }
0xb1: {  	_ =	task.clear_ibuf [dreg:s6], $0x5FFFF;
	_ =	strace $0x9000004C  }
0xb2: {  	s29 =	simm.s32 $0x9;
	_ =	strace $0x8000004E  }
0xb3: {  	_ =	swait.ge [sflag:s29], $0x1  }
0xb4: {  	[sflag:s29] =	ssyncadd.s32 $0xFFFFFFFF  }
0xb5: {  	_ =	strace $0x9000004E  }
0xb6: {  	_ =	sfence  }
0xb7: {  	s30 =	sld [smem:$0x0];
	_ =	sdelay $0x2  }
0xb8: {  	s31 =	sshll.u32 s1, $0xD;
	s1 =	sshrl.u32 s1, $0x2  }
0xb9: {  	s3 =	sand.u32 $0x4000, s31;
	s1 =	sadd.s32 s1, s30  }
0xba: {  	s0 =	sor.u32 s3, s0;
	s1 =	sshll.u32 s1, $0x11  }
0xbb: {  	s0 =	sor.u32 s1, s0  }
0xbc: {  	s0 =	sadd.s32 $0x8F2B, s0  }
0xbd: {  	[sflag:s0] =	ssyncadd.remote.s32 $0x1  }
0xbe: {  	_ =	sfence.sel $0xFFFF  }
0xbf: {  	[dreg:$0x0] =	wrdreg $0xFFFFFFFF;
	(pc) =	sbr.abs _section_cstart, $3  }
0xc0: {  	[dreg:$0x1] =	wrdreg $0xFFFFFFFF  }
0xc1: {  	_ =	task.clear_ibuf [dreg:s6], $0x2FFFF;
	_ =	strace $0x9FFFFFFF  }
0xc2: {  	(tm) =	ssettm $0x7FFFFFFF  }
0xc3: {  	_ =	shalt  }
tec
execute0_lowered:
.L_overlay_start_1:
0x0: {  	(tag) =	ssettag $0x1  }
0x1: {  	s5 =	rddreg [dreg:$0x0]  }
0x2: {  	s2 =	rddreg [dreg:$0x1]  }
0x3: {  	s0 =	stileid.u32;
	s3 =	simm.s32 $0x0;
	s4 =	srdreg.scid  }
0x4: {  	s20 =	simm.s32 $0x400;
	s21 =	simm.s32 $0x200;
	s17 =	smul.u32 $0x3200, s0  }
0x5: {  	s22 =	simm.s32 $0x800;
	s28 =	simm.s32 $0x2;
	s6 =	smul.u32 $0x18800, s0  }
0x6: {  	s29 =	simm.s32 $0x4;
	s30 =	simm.s32 $0x0;
	s7 =	smul.u32 $0x3100, s0  }
0x7: {  	[smem:$0x7FF] =	sst s3;
	s10 =	sand.u32 $0x1, s4;
	s9 =	smul.u32 $0xC8, s0  }
0x8: {  	s4 =	sadd.s32 $0x6A200, s5;
	s15 =	sadd.s32 $0x136400, s5;
	s8 =	smul.u32 $0x31000, s10  }
0x9: {  	s25 =	sshll.u32 s0, $0x6;
	_ =	strace $0x8000004D;
	s13 =	smul.u32 $0xC80, s10  }
0xa: {  	s12 =	ssub.s32 $0x2, s10;
	s19 =	smul.u32 $0x32000, s10;
	s16 =	sadd.s32 s17, s5  }
0xb: {  	s11 =	sshrl.u32 s6, $0x3;
	s23 =	sshrl.u32 s12, $0x1;
	s18 =	sadd.s32 s6, s2  }
0xc: {  	s6 =	sor.u32 $0x1C05, s25;
	s25 =	simm.s32 $0x1;
	s11 =	sadd.s32 s11, s5  }
0xd: {  	s7 =	sadd.s32 s7, s8;
	s12 =	ssub.s32 s12, s23;
	s24 =	sadd.s32 s9, s13  }
0xe: {  	s8 =	sadd.s32 $0x35000, s16;
	s19 =	sadd.s32 s19, s15;
	s18 =	sshrl.u32 s18, $0x3  }
0xf: {  	s23 =	simm.s32 $0x600;
	s14 =	sadd.s32 s7, s5;
	s26 =	sshll.u32 s24, $0x6  }
0x10: {  	s31 =	sadd.s32 $0xCC200, s11;
	s10 =	smax.u32 s12, $0x1;
	s12 =	sadd.s32 $0x35040, s16  }
0x11: {  	s17 =	sadd.s32 s17, s19;
	s19 =	simm.s32 $0x5;
	s24 =	simm.s32 $0x2800  }
0x12: {  	[dreg:$0x3] =	wrdreg s31;
	s7 =	sadd.s32 s15, s26;
	s9 =	sadd.s32 $0x19A400, s14  }
0x13: {  	s14 =	sadd.s32 $0x35080, s16;
	s16 =	sadd.s32 $0x381C0, s16;
	s26 =	simm.s32 $0x3  }
0x14: {  	s11 =	sadd.s32 $0x40, s7;
	s13 =	sadd.s32 $0x80, s7;
	s15 =	sadd.s32 $0x31C0, s7  }
.LBB2_1:
0x15: {  	s0 =	rddreg [dreg:$0x3]  }
0x16: {  	[spmem:s18], [sflag:s6] =	dma.local [hbm:s0], $0x3100  }
0x17: {  	_ =	swait.ge [sflag:s19], $0x3100  }
0x18: {  	[sflag:s19] =	ssyncset.done $0x0  }
0x19: {  	[sflag:s19] =	ssyncadd.s32 $0xFFFFCF00  }
0x1a: {  	[bflag:$0x0] =	sbarrier.arrive $0xFFFF  }
0x1b: {  	[tilespmem:s3], [sflag:$0x5] =	stream.linear.gather [hbm4b:s7+s3], $0x200, $0x38;
	[tilespmem:$0x1D000] =	vst v63  }
0x1c: {  	_ =	swait.ge [sflag:s19], $0x200  }
0x1d: {  	[sflag:s19] =	ssyncset.done $0x0  }
0x1e: {  	[sflag:s19] =	ssyncadd.s32 $0xFFFFFE00  }
0x1f: {  	[tilespmem:s20], [sflag:$0x5] =	stream.linear.gather [hbm4b:s8+s3], $0x200, $0x38;
	[tilespmem:$0x1D000] =	vst v63  }
0x20: {  	_ =	swait.ge [sflag:s19], $0x200  }
0x21: {  	[sflag:s19] =	ssyncset.done $0x0  }
0x22: {  	[sflag:s19] =	ssyncadd.s32 $0xFFFFFE00  }
0x23: {  	[tilespmem:s22], [sflag:$0x1] =	stream.indirect.gather [hbm4b:s4+s21], $0x10, s3, s21, $0xb8;
	[tilespmem:$0x1D000] =	vst v63  }
0x24: {  	_ = 	snop  }
0x25: {  	[tilespmem:s21], [sflag:$0x5] =	stream.linear.gather [hbm4b:s11+s3], $0x200, $0x38;
	[tilespmem:$0x1D000] =	vst v63  }
0x26: {  	_ =	swait.ge [sflag:s19], $0x200  }
0x27: {  	[sflag:s19] =	ssyncset.done $0x0  }
0x28: {  	[sflag:s19] =	ssyncadd.s32 $0xFFFFFE00  }
0x29: {  	[tilespmem:s23], [sflag:$0x5] =	stream.linear.gather [hbm4b:s12+s3], $0x200, $0x38;
	[tilespmem:$0x1D000] =	vst v63  }
0x2a: {  	_ =	swait.ge [sflag:s19], $0x200  }
0x2b: {  	[sflag:s19] =	ssyncset.done $0x0  }
0x2c: {  	[sflag:s19] =	ssyncadd.s32 $0xFFFFFE00  }
0x2d: {  	[tilespmem:s24], [sflag:$0x2] =	stream.indirect.gather [hbm4b:s4+s21], $0x10, s21, s21, $0xb8;
	[tilespmem:$0x1D000] =	vst v63  }
0x2e: {  	_ =	swait.ge [sflag:s25], $0x2000  }
0x2f: {  	[sflag:s25] =	ssyncset.done $0x0  }
0x30: {  	[sflag:s25] =	ssyncadd.s32 $0xFFFFE000  }
0x31: {  	[spmem:s2] =	stream.indirect.scatter.add.f32 [tilespmem:s22], [sflag:$0x3], $0x10, s20, s21, $0xb8;
	[tilespmem:$0x1D000] =	vst v63  }
0x32: {  	_ =	swait.ge [sflag:s26], $0x2000  }
0x33: {  	[sflag:s26] =	ssyncset.done $0x0  }
0x34: {  	[sflag:s26] =	ssyncadd.s32 $0xFFFFE000  }
0x35: {  	[tilespmem:s3], [sflag:$0x5] =	stream.linear.gather [hbm4b:s13+s3], $0x200, $0x38;
	[tilespmem:$0x1D000] =	vst v63  }
0x36: {  	_ =	swait.ge [sflag:s19], $0x200  }
0x37: {  	[sflag:s19] =	ssyncset.done $0x0  }
0x38: {  	[sflag:s19] =	ssyncadd.s32 $0xFFFFFE00  }
0x39: {  	[tilespmem:s20], [sflag:$0x5] =	stream.linear.gather [hbm4b:s14+s3], $0x200, $0x38;
	[tilespmem:$0x1D000] =	vst v63  }
0x3a: {  	_ =	swait.ge [sflag:s19], $0x200  }
0x3b: {  	[sflag:s19] =	ssyncset.done $0x0  }
0x3c: {  	[sflag:s19] =	ssyncadd.s32 $0xFFFFFE00  }
0x3d: {  	[tilespmem:s22], [sflag:$0x1] =	stream.indirect.gather [hbm4b:s4+s21], $0x10, s3, s21, $0xb8;
	[tilespmem:$0x1D000] =	vst v63  }
0x3e: {  	_ =	swait.ge [sflag:s28], $0x2000  }
0x3f: {  	[sflag:s28] =	ssyncset.done $0x0  }
0x40: {  	[sflag:s28] =	ssyncadd.s32 $0xFFFFE000  }
0x41: {  	[spmem:s2] =	stream.indirect.scatter.add.f32 [tilespmem:s24], [sflag:$0x4], $0x10, s23, s21, $0xb8;
	[tilespmem:$0x1D000] =	vst v63  }
0x42: {  	_ =	swait.ge [sflag:s29], $0x2000  }
0x43: {  	s31 =	sadd.s32 $0x0, s17;
	[sflag:s29] =	ssyncset.done $0x0  }
0x44: {  	s1 =	sadd.s32 $0xC0, s31;
	[sflag:s29] =	ssyncadd.s32 $0xFFFFE000  }
0x45: {  	[tilespmem:s21], [sflag:$0x5] =	stream.linear.gather [hbm4b:s1+s3], $0x200, $0x38;
	[tilespmem:$0x1D000] =	vst v63  }
0x46: {  	_ =	swait.ge [sflag:s19], $0x200  }
0x47: {  	s0 =	sadd.s32 $0x0, s8;
	[sflag:s19] =	ssyncset.done $0x0  }
0x48: {  	s1 =	sadd.s32 $0xC0, s0;
	[sflag:s19] =	ssyncadd.s32 $0xFFFFFE00  }
0x49: {  	[tilespmem:s23], [sflag:$0x5] =	stream.linear.gather [hbm4b:s1+s3], $0x200, $0x38;
	[tilespmem:$0x1D000] =	vst v63  }
0x4a: {  	_ =	swait.ge [sflag:s19], $0x200  }
0x4b: {  	[sflag:s19] =	ssyncset.done $0x0  }
0x4c: {  	[sflag:s19] =	ssyncadd.s32 $0xFFFFFE00  }
0x4d: {  	[tilespmem:s24], [sflag:$0x2] =	stream.indirect.gather [hbm4b:s4+s21], $0x10, s21, s21, $0xb8;
	[tilespmem:$0x1D000] =	vst v63  }
0x4e: {  	_ =	swait.ge [sflag:s25], $0x2000  }
0x4f: {  	[sflag:s25] =	ssyncset.done $0x0  }
0x50: {  	[sflag:s25] =	ssyncadd.s32 $0xFFFFE000  }
0x51: {  	[spmem:s2] =	stream.indirect.scatter.add.f32 [tilespmem:s22], [sflag:$0x3], $0x10, s20, s21, $0xb8;
	[tilespmem:$0x1D000] =	vst v63  }
0x52: {  	_ =	swait.ge [sflag:s26], $0x2000  }
0x53: {  	[sflag:s26] =	ssyncset.done $0x0  }
0x54: {  	s5 =	sadd.s32 $0x100, s31;
	[sflag:s26] =	ssyncadd.s32 $0xFFFFE000  }
0x55: {  	[tilespmem:s3], [sflag:$0x5] =	stream.linear.gather [hbm4b:s5+s3], $0x200, $0x38;
	[tilespmem:$0x1D000] =	vst v63  }
0x56: {  	_ =	swait.ge [sflag:s19], $0x200  }
0x57: {  	[sflag:s19] =	ssyncset.done $0x0  }
0x58: {  	s0 =	sadd.s32 $0x100, s0;
	[sflag:s19] =	ssyncadd.s32 $0xFFFFFE00  }
0x59: {  	[tilespmem:s20], [sflag:$0x5] =	stream.linear.gather [hbm4b:s0+s3], $0x200, $0x38;
	[tilespmem:$0x1D000] =	vst v63  }
0x5a: {  	_ =	swait.ge [sflag:s19], $0x200  }
0x5b: {  	[sflag:s19] =	ssyncset.done $0x0  }
0x5c: {  	[sflag:s19] =	ssyncadd.s32 $0xFFFFFE00  }
0x5d: {  	[tilespmem:s22], [sflag:$0x1] =	stream.indirect.gather [hbm4b:s4+s21], $0x10, s3, s21, $0xb8;
	[tilespmem:$0x1D000] =	vst v63  }
0x5e: {  	_ =	swait.ge [sflag:s28], $0x2000  }
0x5f: {  	[sflag:s28] =	ssyncset.done $0x0  }
0x60: {  	s31 =	simm.s32 $0x80;
	[sflag:s28] =	ssyncadd.s32 $0xFFFFE000  }
.LBB2_2:
0x61: {  	[spmem:s2] =	stream.indirect.scatter.add.f32 [tilespmem:s24], [sflag:$0x4], $0x10, s23, s21, $0xb8;
	[tilespmem:$0x1D000] =	vst v63  }
0x62: {  	s0 =	smov.u32 s31  }
0x63: {  	p0 =	sne.s32 s31, $0x3080;
	s31 =	sadd.s32 $0x80, s31;
	_ =	swait.ge [sflag:s29], $0x2000  }
0x64: {  	s1 =	sadd.s32 s0, s17;
	[sflag:s29] =	ssyncset.done $0x0  }
0x65: {  	s5 =	sadd.s32 $0xC0, s1;
	[sflag:s29] =	ssyncadd.s32 $0xFFFFE000  }
0x66: {  	[tilespmem:s21], [sflag:$0x5] =	stream.linear.gather [hbm4b:s5+s3], $0x200, $0x38;
	[tilespmem:$0x1D000] =	vst v63  }
0x67: {  	_ =	swait.ge [sflag:s19], $0x200  }
0x68: {  	s0 =	sadd.s32 s0, s8;
	[sflag:s19] =	ssyncset.done $0x0  }
0x69: {  	s5 =	sadd.s32 $0xC0, s0;
	[sflag:s19] =	ssyncadd.s32 $0xFFFFFE00  }
0x6a: {  	[tilespmem:s23], [sflag:$0x5] =	stream.linear.gather [hbm4b:s5+s3], $0x200, $0x38;
	[tilespmem:$0x1D000] =	vst v63  }
0x6b: {  	_ =	swait.ge [sflag:s19], $0x200  }
0x6c: {  	[sflag:s19] =	ssyncset.done $0x0  }
0x6d: {  	[sflag:s19] =	ssyncadd.s32 $0xFFFFFE00  }
0x6e: {  	[tilespmem:s24], [sflag:$0x2] =	stream.indirect.gather [hbm4b:s4+s21], $0x10, s21, s21, $0xb8;
	[tilespmem:$0x1D000] =	vst v63  }
0x6f: {  	_ =	swait.ge [sflag:s25], $0x2000  }
0x70: {  	[sflag:s25] =	ssyncset.done $0x0  }
0x71: {  	[sflag:s25] =	ssyncadd.s32 $0xFFFFE000  }
0x72: {  	[spmem:s2] =	stream.indirect.scatter.add.f32 [tilespmem:s22], [sflag:$0x3], $0x10, s20, s21, $0xb8;
	[tilespmem:$0x1D000] =	vst v63  }
0x73: {  	_ =	swait.ge [sflag:s26], $0x2000  }
0x74: {  	[sflag:s26] =	ssyncset.done $0x0  }
0x75: {  	s1 =	sadd.s32 $0x100, s1;
	[sflag:s26] =	ssyncadd.s32 $0xFFFFE000  }
0x76: {  	[tilespmem:s3], [sflag:$0x5] =	stream.linear.gather [hbm4b:s1+s3], $0x200, $0x38;
	[tilespmem:$0x1D000] =	vst v63  }
0x77: {  	_ =	swait.ge [sflag:s19], $0x200  }
0x78: {  	[sflag:s19] =	ssyncset.done $0x0  }
0x79: {  	s0 =	sadd.s32 $0x100, s0;
	[sflag:s19] =	ssyncadd.s32 $0xFFFFFE00  }
0x7a: {  	[tilespmem:s20], [sflag:$0x5] =	stream.linear.gather [hbm4b:s0+s3], $0x200, $0x38;
	[tilespmem:$0x1D000] =	vst v63  }
0x7b: {  	_ =	swait.ge [sflag:s19], $0x200  }
0x7c: {  	[sflag:s19] =	ssyncset.done $0x0  }
.Ltmp0:
0x7d: {  	[sflag:s19] =	ssyncadd.s32 $0xFFFFFE00;
	(pc) =	sbr.rel @p0 .LBB2_2-.Ltmp0, $4  }
0x7e: {  	[tilespmem:s22], [sflag:$0x1] =	stream.indirect.gather [hbm4b:s4+s21], $0x10, s3, s21, $0xb8;
	[tilespmem:$0x1D000] =	vst v63  }
0x7f: {  	_ =	swait.ge [sflag:s28], $0x2000  }
0x80: {  	[sflag:s28] =	ssyncset.done $0x0  }
0x81: {  	[sflag:s28] =	ssyncadd.s32 $0xFFFFE000  }
0x82: {  	[spmem:s2] =	stream.indirect.scatter.add.f32 [tilespmem:s24], [sflag:$0x4], $0x10, s23, s21, $0xb8;
	[tilespmem:$0x1D000] =	vst v63  }
0x83: {  	_ =	swait.ge [sflag:s29], $0x2000  }
0x84: {  	[sflag:s29] =	ssyncset.done $0x0  }
0x85: {  	[sflag:s29] =	ssyncadd.s32 $0xFFFFE000  }
0x86: {  	[tilespmem:s21], [sflag:$0x5] =	stream.linear.gather [hbm4b:s15+s3], $0x200, $0x38;
	[tilespmem:$0x1D000] =	vst v63  }
0x87: {  	_ =	swait.ge [sflag:s19], $0x200  }
0x88: {  	[sflag:s19] =	ssyncset.done $0x0  }
0x89: {  	[sflag:s19] =	ssyncadd.s32 $0xFFFFFE00  }
0x8a: {  	[tilespmem:s23], [sflag:$0x5] =	stream.linear.gather [hbm4b:s16+s3], $0x200, $0x38;
	[tilespmem:$0x1D000] =	vst v63  }
0x8b: {  	_ =	swait.ge [sflag:s19], $0x200  }
0x8c: {  	[sflag:s19] =	ssyncset.done $0x0  }
0x8d: {  	[sflag:s19] =	ssyncadd.s32 $0xFFFFFE00  }
0x8e: {  	[tilespmem:s24], [sflag:$0x2] =	stream.indirect.gather [hbm4b:s4+s21], $0x10, s21, s21, $0xb8;
	[tilespmem:$0x1D000] =	vst v63  }
0x8f: {  	_ =	swait.ge [sflag:s25], $0x2000  }
0x90: {  	[sflag:s25] =	ssyncset.done $0x0  }
0x91: {  	[sflag:s25] =	ssyncadd.s32 $0xFFFFE000  }
0x92: {  	[spmem:s2] =	stream.indirect.scatter.add.f32 [tilespmem:s22], [sflag:$0x3], $0x10, s20, s21, $0xb8;
	[tilespmem:$0x1D000] =	vst v63  }
0x93: {  	_ =	swait.ge [sflag:s26], $0x2000  }
0x94: {  	[sflag:s26] =	ssyncset.done $0x0  }
0x95: {  	[sflag:s26] =	ssyncadd.s32 $0xFFFFE000  }
0x96: {  	_ =	swait.ge [sflag:s28], $0x2000  }
0x97: {  	[sflag:s28] =	ssyncset.done $0x0  }
0x98: {  	[sflag:s28] =	ssyncadd.s32 $0xFFFFE000  }
0x99: {  	[spmem:s2] =	stream.indirect.scatter.add.f32 [tilespmem:s24], [sflag:$0x4], $0x10, s23, s21, $0xb8;
	[tilespmem:$0x1D000] =	vst v63  }
0x9a: {  	_ =	swait.ge [sflag:s29], $0x2000  }
0x9b: {  	s30 =	sadd.s32 $0x1, s30;
	[sflag:s29] =	ssyncset.done $0x0  }
0x9c: {  	p0 =	sne.s32 s30, s10;
	[sflag:s29] =	ssyncadd.s32 $0xFFFFE000  }
.Ltmp1:
0x9d: {  	[bflag:$0x0] =	sbarrier.arrive $0xFFFF;
	(pc) =	sbr.rel @p0 .LBB2_1-.Ltmp1, $4  }
0x9e: {  	[hbm:s9], [sflag:s6] =	dma.local [spmem:s18], $0x3100  }
0x9f: {  	_ =	swait.ge [sflag:s19], $0x3100  }
0xa0: {  	[sflag:s19] =	ssyncset.done $0x0  }
0xa1: {  	[sflag:s19] =	ssyncadd.s32 $0xFFFFCF00  }
0xa2: {  	_ =	sfence.sel $0x180000  }
0xa3: {  	[bflag:$0x0] =	sbarrier.arrive $0xFFFF  }
0xa4: {  	_ =	strace $0x9000004D  }
0xa5: {  	s0 =	stileid.u32;
	[bflag:$0x2] =	sbarrier.arrive $0xFFFF  }
0xa6: {  	p0 =	sne.s32 s0, $0x0;
	s0 =	rddreg [dreg:$0x2]  }
0xa7: {  	s0 =	sadd.s32 @!p0 $0x100000, s0  }
0xa8: {  	[sflag:s0] =	ssyncadd.tile.s32 @!p0 $0x1;
	_ =	shalt  }
.Lfunc_end2:
_tile_overlayer_lowered:
.L_overlay_start_2:
0xa9: {  	(tag) =	ssettag $0x2  }
0xaa: {  	s0 =	rddreg [dreg:$0x0];
	s2 =	stileid.u32  }
0xab: {  	s1 =	rddreg [dreg:$0x1];
	p0 =	sne.s32 s2, $0x0  }
0xac: {  	s3 =	rddreg [dreg:$0x2];
	[bflag:$0x3] =	sbarrier.arrive $0xFFFF;
	s2 =	simm.s32 @!p0 $0x1C05  }
0xad: {  	[timem:s3], [sflag:s2] =	dma.local @!p0 [hbm:s0], s1  }
0xae: {  	s0 =	simm.s32 @!p0 $0x5  }
0xaf: {  	_ =	swait.ge @!p0 [sflag:s0], s1  }
0xb0: {  	s1 =	ssub.s32 @!p0 $0x0, s1;
	[sflag:s0] =	ssyncset.done @!p0 $0x0  }
0xb1: {  	[sflag:s0] =	ssyncadd.s32 @!p0 s1  }
0xb2: {  	[bflag:$0x3] =	sbarrier.arrive $0xFFFF  }
0xb3: {  	_ =	shalt  }

// kernel: kernel.19.cloned.1.call-start
scs
__scs_entry_jumppad:
0x0: {  	(pc) =	sbr.rel $0x88, $3  }
0x1: {  	(tag) =	ssettag $0x0;
	lr =	simm.s32 $0x1  }
0x2: {  	[smem:$0x3F98] =	sst lr;
	_ =	strace $0xD0000000  }
0x3: {  	_ = 	snop  }
0x4: {  	_ = 	snop  }
0x5: {  	_ = 	snop  }
0x6: {  	_ = 	snop  }
0x7: {  	_ = 	snop  }
__scs_overlays_trampoline_lowered:
0x8: {  	[smem:$0x3FA7] =	sst s0  }
0x9: {  	[smem:$0x3FA8] =	sst s1  }
0xa: {  	[smem:$0x3FA9] =	sst s2  }
0xb: {  	[smem:$0x3FAA] =	sst s3  }
0xc: {  	[smem:$0x3FAB] =	sst s4  }
0xd: {  	[smem:$0x3FAC] =	sst s5  }
0xe: {  	[smem:$0x3FAD] =	sst s6  }
0xf: {  	[smem:$0x3FAE] =	sst s7  }
0x10: {  	[smem:$0x3FAF] =	sst s8  }
0x11: {  	[smem:$0x3FB0] =	sst s9;
	s0 =	simm.s32 @!p0 $0x0  }
0x12: {  	s1 =	sld [smem:$0x3F96];
	s0 =	simm.s32 @p0 $0x1  }
0x13: {  	[smem:$0x3FB1] =	sst s0;
	s0 =	simm.s32 @!p1 $0x0  }
0x14: {  	s2 =	sld [smem:$0x3F95];
	s0 =	simm.s32 @p1 $0x1  }
0x15: {  	[smem:$0x3FB2] =	sst s0;
	s0 =	simm.s32 @!p2 $0x0  }
0x16: {  	s3 =	sld [smem:$0x3FDB];
	s0 =	simm.s32 @p2 $0x1  }
0x17: {  	s4 =	simm.s32 $0x1BF5;
	[smem:$0x3FB4] =	sst s0  }
0x18: {  	s0 =	sld [smem:$0x3F97];
	_ =	swait.ge [sflag:s4], $0x0  }
0x19: {  	s7 =	sld [smem:$0x3F98]  }
0x1a: {  	s8 =	sadd.s32 $0xFFFFE003, lr  }
0x1b: {  	s9 =	sadd.s32 $0xFFFFFEF7, lr;
	s5 =	simm.s32 $0xFFFFFFFF;
	p2 =	slt.u32 s8, $0xFFFFF086  }
0x1c: {  	p1 =	slt.u32 s9, $0xF7A;
	s5 =	simm.s32 @!p2 $0x0  }
0x1d: {  	s5 =	simm.s32 @p1 $0x1;
	p0 =	seq.s32 s7, s2  }
0x1e: {  	s7 =	smul.u32 @!p0 $0xF7A, s2;
	p2 =	seq.s32 @!p0 s5, $0x0  }
0x1f: {  	s9 =	smul.u32 $0xF7A, s1;
	s8 =	simm.s32 @!p0 $0x1BF5;
	p2 =	por !p2, p0  }
0x20: {  	[sflag:s8] =	ssyncset.s32 @!p0 $0xFFFFF086;
	s6 =	sadd.s32 @!p0 s3, s7;
	s7 =	simm.s32 @!p0 $0x108  }
0x21: {  	s3 =	sadd.s32 s3, s9;
	s6 =	sadd.s32 @!p0 $0x88, s6;
	s7 =	simm.s32 @p2 $0x1082  }
0x22: {  	[simem:s7], [sflag:s8] =	dma.local @!p0 [hbm:s6], $0xF7A  }
0x23: {  	s9 =	sor.u32 $0xD0000000, s2;
	s6 =	simm.s32 $0x108;
	_ =	swait.ge @!p0 [sflag:s8], $0x0  }
0x24: {  	s3 =	sadd.s32 $0x88, s3;
	s6 =	simm.s32 @!p1 $0x1082;
	[sflag:s4] =	ssyncset.s32 $0xFFFFF086  }
0x25: {  	[simem:s6], [sflag:s4] =	dma.local [hbm:s3], $0xF7A  }
0x26: {  	[smem:$0x3F98] =	sst s1;
	(tag) =	ssettag s2;
	_ =	strace s9  }
0x27: {  	s1 =	sld [smem:$0x3FA8]  }
0x28: {  	s2 =	sld [smem:$0x3FA9]  }
0x29: {  	s4 =	sld [smem:$0x3FAB]  }
0x2a: {  	p0 =	seq.s32 s5, $0x0;
	s5 =	sld [smem:$0x3FAC]  }
0x2b: {  	s6 =	sld [smem:$0x3FAD]  }
0x2c: {  	s7 =	sld [smem:$0x3FAE]  }
0x2d: {  	s3 =	simm.s32 $0x108;
	s8 =	sld [smem:$0x3FAF]  }
0x2e: {  	s3 =	simm.s32 @!p0 $0x1082;
	s9 =	sld [smem:$0x3FB0]  }
0x2f: {  	lr =	sadd.s32 s0, s3;
	s0 =	sld [smem:$0x3FA7]  }
0x30: {  	s3 =	sld [smem:$0x3FAA]  }
0x31: {  	[smem:$0x3FB3] =	sst s10  }
0x32: {  	s10 =	sld [smem:$0x3FB1];
	_ =	sdelay $0x3  }
0x33: {  	p0 =	seq.s32 s10, $0x1;
	s10 =	sld [smem:$0x3FB3];
	_ =	sdelay $0x3  }
0x34: {  	[smem:$0x3FB3] =	sst s10  }
0x35: {  	s10 =	sld [smem:$0x3FB2];
	_ =	sdelay $0x3  }
0x36: {  	p1 =	seq.s32 s10, $0x1;
	s10 =	sld [smem:$0x3FB3];
	_ =	sdelay $0x3  }
0x37: {  	[smem:$0x3FB3] =	sst s10  }
0x38: {  	s10 =	sld [smem:$0x3FB4]  }
0x39: {  	_ = 	snop;
	(pc) =	sbr.ind lr, $3  }
0x3a: {  	_ = 	snop  }
0x3b: {  	_ = 	snop  }
0x3c: {  	p2 =	seq.s32 s10, $0x1;
	s10 =	sld [smem:$0x3FB3]  }
0x3d: {  	_ =	shalt  }
0x3e: {  	_ =	shalt  }
0x3f: {  	_ =	shalt  }
0x40: {  	_ =	shalt  }
0x41: {  	_ =	shalt  }
0x42: {  	_ =	shalt  }
0x43: {  	_ =	shalt  }
0x44: {  	_ =	shalt  }
0x45: {  	_ =	shalt  }
0x46: {  	_ =	shalt  }
0x47: {  	_ =	shalt  }
0x48: {  	_ =	shalt  }
0x49: {  	_ =	shalt  }
0x4a: {  	_ =	shalt  }
0x4b: {  	_ =	shalt  }
0x4c: {  	_ =	shalt  }
0x4d: {  	_ =	shalt  }
0x4e: {  	_ =	shalt  }
0x4f: {  	_ =	shalt  }
0x50: {  	_ =	shalt  }
0x51: {  	_ =	shalt  }
0x52: {  	_ =	shalt  }
0x53: {  	_ =	shalt  }
0x54: {  	_ =	shalt  }
0x55: {  	_ =	shalt  }
0x56: {  	_ =	shalt  }
0x57: {  	_ =	shalt  }
0x58: {  	_ =	shalt  }
0x59: {  	_ =	shalt  }
0x5a: {  	_ =	shalt  }
0x5b: {  	_ =	shalt  }
0x5c: {  	_ =	shalt  }
0x5d: {  	_ =	shalt  }
0x5e: {  	_ =	shalt  }
0x5f: {  	_ =	shalt  }
0x60: {  	_ =	shalt  }
0x61: {  	_ =	shalt  }
0x62: {  	_ =	shalt  }
0x63: {  	_ =	shalt  }
0x64: {  	_ =	shalt  }
0x65: {  	_ =	shalt  }
0x66: {  	_ =	shalt  }
0x67: {  	_ =	shalt  }
0x68: {  	_ =	shalt  }
0x69: {  	_ =	shalt  }
0x6a: {  	_ =	shalt  }
0x6b: {  	_ =	shalt  }
0x6c: {  	_ =	shalt  }
0x6d: {  	_ =	shalt  }
0x6e: {  	_ =	shalt  }
0x6f: {  	_ =	shalt  }
0x70: {  	_ =	shalt  }
0x71: {  	_ =	shalt  }
0x72: {  	_ =	shalt  }
0x73: {  	_ =	shalt  }
0x74: {  	_ =	shalt  }
0x75: {  	_ =	shalt  }
0x76: {  	_ =	shalt  }
0x77: {  	_ =	shalt  }
0x78: {  	_ =	shalt  }
0x79: {  	_ =	shalt  }
0x7a: {  	_ =	shalt  }
0x7b: {  	_ =	shalt  }
0x7c: {  	_ =	shalt  }
0x7d: {  	_ =	shalt  }
0x7e: {  	_ =	shalt  }
0x7f: {  	_ =	shalt  }
0x80: {  	_ =	shalt  }
0x81: {  	_ =	shalt  }
0x82: {  	_ =	shalt  }
0x83: {  	_ =	shalt  }
0x84: {  	_ =	shalt  }
0x85: {  	_ =	shalt  }
0x86: {  	_ =	shalt  }
0x87: {  	_ =	shalt  }
.Lfunc_end0:
.L_simem_size_0:
called_computation.3_lowered:
.L_overlay_start_0:
0x88: {  	s2 =	sld [smem:$0x3FD9]  }
0x89: {  	s3 =	sld [smem:$0x3FFE];
	_ =	sdelay $0x1  }
0x8a: {  	s1 =	srdreg.scid  }
0x8b: {  	s0 =	sand.u32 $0x1, s1  }
0x8c: {  	s16 =	sshll.u32 s0, $0xA;
	s2 =	sadd.s32 s3, s2  }
0x8d: {  	s2 =	sadd.s32 s2, s16  }
0x8e: {  	[smem:$0x3FBF] =	sst s2  }
0x8f: {  	_ = 	snop  }
0x90: {  	(tm) =	ssettm $0x1  }
0x91: {  	s17 =	sld [smem:$0x3FFB];
	_ =	sdelay $0x3  }
0x92: {  	_ =	strace s17  }
0x93: {  	s2 =	sld [smem:$0x3FFC];
	_ =	sdelay $0x3  }
0x94: {  	_ =	strace s2  }
0x95: {  	s2 =	sld [smem:$0x3FFD];
	_ =	sdelay $0x3  }
0x96: {  	_ =	strace s2  }
0x97: {  	_ =	strace $0x8FFFFFFF  }
0x98: {  	s18 =	sld [smem:$0x3FDB];
	_ =	sdelay $0x1  }
0x99: {  	s19 =	simm.s32 $_scs_section_size  }
0x9a: {  	s4 =	simm.s32 $_size__tile_overlayer_lowered;
	s5 =	simm.s32 $_tile_overlayer_lowered  }
0x9b: {  	s22 =	simm.s32 $0x1BFF;
	s21 =	sshll.u32 s5, $0x1;
	s2 =	sadd.s32 s19, s18  }
0x9c: {  	s6 =	simm.s32 $0x0;
	s20 =	sshll.u32 s4, $0x1;
	s4 =	sadd.s32 s21, s2  }
0x9d: {  	[timem:s6], [sflag:s22] =	dma.local [hbm:s4], s20  }
0x9e: {  	_ =	swait.ge [sflag:s22], s20  }
0x9f: {  	s3 =	ssub.s32 $0x0, s20;
	[sflag:s22] =	ssyncset.done $0x0  }
0xa0: {  	[sflag:s22] =	ssyncadd.s32 s3;
	_ =	sdelay $0x1  }
0xa1: {  	s23 =	simm.s32 $0x1B8B  }
0xa2: {  	_ =	swait.ge [sflag:s23], $0x1  }
0xa3: {  	[sflag:s23] =	ssyncset.done $0x0  }
0xa4: {  	s25 =	simm.s32 $0x1B8E;
	s24 =	sld [smem:$0x3FFE];
	[sflag:s23] =	ssyncadd.s32 $0xFFFFFFFF  }
0xa5: {  	s26 =	simm.s32 $execute0_lowered;
	[smem:$0x3FD2] =	sst s25  }
0xa6: {  	s4 =	sshll.u32 s26, $0x1;
	_ =	strace $0x8000004F;
	[dreg:$0x1] =	wrdreg $0xFFFFFFFF  }
0xa7: {  	s28 =	simm.s32 $_size_execute0_lowered;
	s2 =	sadd.s32 s2, s4;
	[dreg:$0x0] =	wrdreg $0x0  }
0xa8: {  	s4 =	sshll.u32 s28, $0x1;
	[dreg:$0x2] =	wrdreg s2  }
0xa9: {  	[dreg:$0x3] =	wrdreg s4  }
0xaa: {  	[dreg:$0x4] =	wrdreg $0xC0  }
0xab: {  	_ =	task [dreg:s6], $0x5FFFF  }
0xac: {  	[dreg:$0x1] =	wrdreg $0xFFFFFFFF  }
0xad: {  	[dreg:$0x0] =	wrdreg $0x60  }
0xae: {  	[dreg:$0x2] =	wrdreg s24  }
0xaf: {  	[dreg:$0x3] =	wrdreg $0x18000  }
0xb0: {  	[dreg:$0x4] =	wrdreg $0x9  }
0xb1: {  	_ =	task.clear_ibuf [dreg:s6], $0x5FFFF;
	_ =	strace $0x9000004F  }
0xb2: {  	s29 =	simm.s32 $0x9;
	_ =	strace $0x80000051  }
0xb3: {  	_ =	swait.ge [sflag:s29], $0x1  }
0xb4: {  	[sflag:s29] =	ssyncadd.s32 $0xFFFFFFFF  }
0xb5: {  	_ =	strace $0x90000051  }
0xb6: {  	_ =	sfence  }
0xb7: {  	s30 =	sld [smem:$0x0];
	_ =	sdelay $0x2  }
0xb8: {  	s31 =	sshll.u32 s1, $0xD;
	s1 =	sshrl.u32 s1, $0x2  }
0xb9: {  	s3 =	sand.u32 $0x4000, s31;
	s1 =	sadd.s32 s1, s30  }
0xba: {  	s0 =	sor.u32 s3, s0;
	s1 =	sshll.u32 s1, $0x11  }
0xbb: {  	s0 =	sor.u32 s1, s0  }
0xbc: {  	s0 =	sadd.s32 $0x8F2B, s0  }
0xbd: {  	[sflag:s0] =	ssyncadd.remote.s32 $0x1  }
0xbe: {  	_ =	sfence.sel $0xFFFF  }
0xbf: {  	[dreg:$0x0] =	wrdreg $0xFFFFFFFF;
	(pc) =	sbr.abs _section_cstart, $3  }
0xc0: {  	[dreg:$0x1] =	wrdreg $0xFFFFFFFF  }
0xc1: {  	_ =	task.clear_ibuf [dreg:s6], $0x2FFFF;
	_ =	strace $0x9FFFFFFF  }
0xc2: {  	(tm) =	ssettm $0x7FFFFFFF  }
0xc3: {  	_ =	shalt  }
tec
execute0_lowered:
.L_overlay_start_1:
0x0: {  	(tag) =	ssettag $0x1  }
0x1: {  	s0 =	rddreg [dreg:$0x0]  }
0x2: {  	s2 =	rddreg [dreg:$0x1];
	s3 =	simm.s32 $0x0  }
0x3: {  	s14 =	stileid.u32;
	s4 =	srdreg.scid;
	s15 =	simm.s32 $0x5  }
0x4: {  	s16 =	simm.s32 $0x800;
	s17 =	simm.s32 $0x200;
	s18 =	simm.s32 $0x1000  }
0x5: {  	s26 =	simm.s32 $0x600;
	s30 =	simm.s32 $0xA00;
	s31 =	simm.s32 $0xE00  }
0x6: {  	s28 =	simm.s32 $0x4;
	s29 =	simm.s32 $0x0;
	[smem:$0x7FF] =	sst s3  }
0x7: {  	s1 =	smul.u32 $0x1880, s14;
	s7 =	sand.u32 $0x1, s4;
	s4 =	sadd.s32 $0x4200, s0  }
0x8: {  	s5 =	sadd.s32 $0x1FC400, s0;
	s6 =	sadd.s32 $0xFD200, s0;
	s11 =	smul.u32 $0x1B000, s14  }
0x9: {  	s19 =	sshll.u32 s14, $0x1;
	s20 =	sshll.u32 s14, $0x6;
	_ =	strace $0x80000050  }
0xa: {  	s9 =	smul.u32 $0x18800, s7;
	s10 =	ssub.s32 $0x2, s7;
	[dreg:$0x5] =	wrdreg s26  }
0xb: {  	s13 =	smul.u32 $0xD800, s7;
	s7 =	sor.u32 s7, s19;
	[dreg:$0x6] =	wrdreg s30  }
0xc: {  	s19 =	simm.s32 $0x1200;
	[dreg:$0x7] =	wrdreg s31;
	s26 =	simm.s32 $0x2  }
0xd: {  	s8 =	sshrl.u32 s1, $0x3;
	s12 =	sshrl.u32 s10, $0x1;
	s7 =	smul.u32 $0x1B00, s7  }
0xe: {  	s8 =	sadd.s32 s8, s0;
	s9 =	sadd.s32 s1, s9;
	s12 =	ssub.s32 s10, s12  }
0xf: {  	s1 =	sadd.s32 s1, s2;
	s13 =	sadd.s32 s13, s11;
	s9 =	sshrl.u32 s9, $0x3  }
0x10: {  	s21 =	sor.u32 $0x400, s13;
	s8 =	sadd.s32 $0x67000, s8;
	s23 =	sadd.s32 s5, s7  }
0x11: {  	s7 =	sadd.s32 s6, s7;
	s12 =	smax.u32 s12, $0x1;
	s13 =	sadd.s32 $0x800, s13  }
0x12: {  	s14 =	sshrl.u32 s1, $0x3;
	s0 =	sadd.s32 s9, s0;
	[dreg:$0x8] =	wrdreg s8  }
0x13: {  	s8 =	sor.u32 $0x1C05, s20;
	s22 =	sshrl.u32 s21, $0x3;
	[dreg:$0x9] =	wrdreg s23  }
0x14: {  	[dreg:$0xa] =	wrdreg s7;
	s20 =	simm.s32 $0x400;
	s21 =	simm.s32 $0xC00  }
0x15: {  	s23 =	simm.s32 $0x1600;
	s24 =	sadd.s32 s22, s6;
	s11 =	sadd.s32 $0x35200, s0  }
0x16: {  	s25 =	sadd.s32 s22, s5;
	s22 =	simm.s32 $0x1400;
	[dreg:$0x3] =	wrdreg s24  }
0x17: {  	[dreg:$0x4] =	wrdreg s25;
	s24 =	simm.s32 $0x1;
	s25 =	simm.s32 $0x3  }
.LBB2_1:
0x18: {  	s0 =	rddreg [dreg:$0x8]  }
0x19: {  	[spmem:s14], [sflag:s8] =	dma.local [hbm:s0], $0x310  }
0x1a: {  	_ =	swait.ge [sflag:s15], $0x310  }
0x1b: {  	[sflag:s15] =	ssyncset.done $0x0  }
0x1c: {  	[sflag:s15] =	ssyncadd.s32 $0xFFFFFCF0  }
0x1d: {  	[bflag:$0x0] =	sbarrier.arrive $0xFFFF  }
0x1e: {  	s9 =	rddreg [dreg:$0x9]  }
0x1f: {  	[tilespmem:s3], [sflag:$0x5] =	stream.linear.gather [hbm4b:s9+s3], $0x400, $0x38;
	[tilespmem:$0x3080] =	vst v63  }
0x20: {  	_ =	swait.ge [sflag:s15], $0x400  }
0x21: {  	[sflag:s15] =	ssyncset.done $0x0  }
0x22: {  	s10 =	rddreg [dreg:$0xa];
	[sflag:s15] =	ssyncadd.s32 $0xFFFFFC00  }
0x23: {  	[tilespmem:s16], [sflag:$0x5] =	stream.linear.gather [hbm4b:s10+s3], $0x400, $0x38;
	[tilespmem:$0x3080] =	vst v63  }
0x24: {  	_ =	swait.ge [sflag:s15], $0x400  }
0x25: {  	[sflag:s15] =	ssyncset.done $0x0  }
0x26: {  	p0 =	por $0x1, $0x1;
	[sflag:s15] =	ssyncadd.s32 $0xFFFFFC00  }
0x27: {  	[tilespmem:s18], [sflag:$0x1] =	stream.indirect.gather [hbm4b:s4+s17], $0x1, s3, s17, $0xb8;
	[tilespmem:$0x3080] =	vst v63  }
0x28: {  	s0 =	simm.s32 @!p0 $0x4  }
0x29: {  	[tilespmem:s19], [sflag:$0x1] =	stream.indirect.gather [hbm4b:s4+s17], $0x1, s17, s17, $0xb8;
	[tilespmem:$0x3080] =	vst v63  }
0x2a: {  	_ =	swait.ge @!p0 [sflag:s0], $0x200  }
0x2b: {  	[sflag:s0] =	ssyncset.done @!p0 $0x0  }
0x2c: {  	[sflag:s0] =	ssyncadd.s32 @!p0 $0xFFFFFE00  }
0x2d: {  	_ =	swait.ge @!p0 [sflag:s0], $0x200  }
0x2e: {  	s1 =	rddreg [dreg:$0x4];
	[sflag:s0] =	ssyncset.done @!p0 $0x0  }
0x2f: {  	[sflag:s0] =	ssyncadd.s32 @!p0 $0xFFFFFE00;
	s1 =	sadd.s32 $0x0, s1  }
0x30: {  	[tilespmem:s20], [sflag:$0x5] =	stream.linear.gather [hbm4b:s1+s3], $0x400, $0x38;
	[tilespmem:$0x3080] =	vst v63  }
0x31: {  	_ =	swait.ge [sflag:s15], $0x400  }
0x32: {  	s7 =	rddreg [dreg:$0x3];
	[sflag:s15] =	ssyncset.done $0x0  }
0x33: {  	[sflag:s15] =	ssyncadd.s32 $0xFFFFFC00;
	s0 =	sadd.s32 $0x0, s7  }
0x34: {  	[tilespmem:s21], [sflag:$0x5] =	stream.linear.gather [hbm4b:s0+s3], $0x400, $0x38;
	[tilespmem:$0x3080] =	vst v63  }
0x35: {  	_ =	swait.ge [sflag:s15], $0x400  }
0x36: {  	[sflag:s15] =	ssyncset.done $0x0  }
0x37: {  	[sflag:s15] =	ssyncadd.s32 $0xFFFFFC00  }
0x38: {  	[tilespmem:s22], [sflag:$0x2] =	stream.indirect.gather [hbm4b:s4+s17], $0x1, s20, s17, $0xb8;
	[tilespmem:$0x3080] =	vst v63  }
0x39: {  	s9 =	rddreg [dreg:$0x5]  }
0x3a: {  	[tilespmem:s23], [sflag:$0x2] =	stream.indirect.gather [hbm4b:s4+s17], $0x1, s9, s17, $0xb8;
	[tilespmem:$0x3080] =	vst v63  }
0x3b: {  	_ =	swait.ge [sflag:s24], $0x200  }
0x3c: {  	[sflag:s24] =	ssyncset.done $0x0  }
0x3d: {  	[sflag:s24] =	ssyncadd.s32 $0xFFFFFE00  }
0x3e: {  	_ =	swait.ge [sflag:s24], $0x200  }
0x3f: {  	[sflag:s24] =	ssyncset.done $0x0  }
0x40: {  	[sflag:s24] =	ssyncadd.s32 $0xFFFFFE00  }
0x41: {  	[spmem:s2] =	stream.indirect.scatter.add.f32 [tilespmem:s18], [sflag:$0x3], $0x1, s16, s17, $0xb8;
	[tilespmem:$0x3080] =	vst v63  }
0x42: {  	s10 =	rddreg [dreg:$0x6]  }
0x43: {  	[spmem:s2] =	stream.indirect.scatter.add.f32 [tilespmem:s19], [sflag:$0x3], $0x1, s10, s17, $0xb8;
	[tilespmem:$0x3080] =	vst v63  }
0x44: {  	_ =	swait.ge [sflag:s25], $0x200  }
0x45: {  	[sflag:s25] =	ssyncset.done $0x0  }
0x46: {  	[sflag:s25] =	ssyncadd.s32 $0xFFFFFE00  }
0x47: {  	p0 =	por $0x0, $0x0;
	_ =	swait.ge [sflag:s25], $0x200  }
0x48: {  	s1 =	simm.s32 @!p0 $0x5;
	s0 =	sshrl.u32 @!p0 s13, $0x3;
	[sflag:s25] =	ssyncset.done $0x0  }
0x49: {  	s30 =	simm.s32 @!p0 $0x0;
	s7 =	sadd.s32 @!p0 s5, s0;
	[sflag:s25] =	ssyncadd.s32 $0xFFFFFE00  }
0x4a: {  	[tilespmem:s30], [sflag:$0x5] =	stream.linear.gather @!p0 [hbm4b:s7+s30], $0x400, $0x38;
	[tilespmem:$0x3080] =	vst v63  }
0x4b: {  	_ =	swait.ge @!p0 [sflag:s1], $0x400  }
0x4c: {  	[sflag:s1] =	ssyncset.done @!p0 $0x0  }
0x4d: {  	s0 =	sadd.s32 @!p0 s6, s0;
	s7 =	simm.s32 @!p0 $0x800;
	[sflag:s1] =	ssyncadd.s32 @!p0 $0xFFFFFC00  }
0x4e: {  	[tilespmem:s7], [sflag:$0x5] =	stream.linear.gather @!p0 [hbm4b:s0+s30], $0x400, $0x38;
	[tilespmem:$0x3080] =	vst v63  }
0x4f: {  	_ =	swait.ge @!p0 [sflag:s1], $0x400  }
0x50: {  	[sflag:s1] =	ssyncset.done @!p0 $0x0  }
0x51: {  	s0 =	simm.s32 @!p0 $0x200;
	[sflag:s1] =	ssyncadd.s32 @!p0 $0xFFFFFC00;
	s1 =	simm.s32 @!p0 $0x1000  }
0x52: {  	[tilespmem:s1], [sflag:$0x1] =	stream.indirect.gather @!p0 [hbm4b:s4+s0], $0x1, s30, s0, $0xb8;
	[tilespmem:$0x3080] =	vst v63  }
0x53: {  	s1 =	simm.s32 @!p0 $0x1200  }
0x54: {  	[tilespmem:s1], [sflag:$0x1] =	stream.indirect.gather @!p0 [hbm4b:s4+s0], $0x1, s0, s0, $0xb8;
	[tilespmem:$0x3080] =	vst v63  }
0x55: {  	_ =	swait.ge [sflag:s26], $0x200  }
0x56: {  	[sflag:s26] =	ssyncset.done $0x0  }
0x57: {  	[sflag:s26] =	ssyncadd.s32 $0xFFFFFE00  }
0x58: {  	p1 =	por $0x0, $0x0;
	_ =	swait.ge [sflag:s26], $0x200  }
0x59: {  	s31 =	smov.u32 s13;
	s30 =	simm.s32 $0x100;
	[sflag:s26] =	ssyncset.done $0x0  }
0x5a: {  	s0 =	simm.s32 $0x200;
	s7 =	rddreg [dreg:$0x7];
	[sflag:s26] =	ssyncadd.s32 $0xFFFFFE00  }
0x5b: {  	[spmem:s2] =	stream.indirect.scatter.add.f32 [tilespmem:s22], [sflag:$0x4], $0x1, s21, s17, $0xb8;
	[tilespmem:$0x3080] =	vst v63  }
.LBB2_2:
0x5c: {  	s9 =	simm.s32 @!p1 $0x4  }
0x5d: {  	[spmem:s2] =	stream.indirect.scatter.add.f32 [tilespmem:s23], [sflag:$0x4], $0x1, s7, s17, $0xb8;
	[tilespmem:$0x3080] =	vst v63  }
0x5e: {  	_ =	swait.ge @!p1 [sflag:s9], $0x200  }
0x5f: {  	[sflag:s9] =	ssyncset.done @!p1 $0x0  }
0x60: {  	[sflag:s9] =	ssyncadd.s32 @!p1 $0xFFFFFE00  }
0x61: {  	_ =	swait.ge @!p1 [sflag:s9], $0x200  }
0x62: {  	[sflag:s9] =	ssyncset.done @!p1 $0x0;
	s10 =	rddreg [dreg:$0x4]  }
0x63: {  	[sflag:s9] =	ssyncadd.s32 @!p1 $0xFFFFFE00;
	s7 =	sadd.s32 s30, s10  }
0x64: {  	[tilespmem:s20], [sflag:$0x5] =	stream.linear.gather [hbm4b:s7+s3], $0x400, $0x38;
	[tilespmem:$0x3080] =	vst v63  }
0x65: {  	_ =	swait.ge [sflag:s15], $0x400  }
0x66: {  	s10 =	rddreg [dreg:$0x3];
	[sflag:s15] =	ssyncset.done $0x0  }
0x67: {  	[sflag:s15] =	ssyncadd.s32 $0xFFFFFC00;
	s7 =	sadd.s32 s30, s10  }
0x68: {  	[tilespmem:s21], [sflag:$0x5] =	stream.linear.gather [hbm4b:s7+s3], $0x400, $0x38;
	[tilespmem:$0x3080] =	vst v63  }
0x69: {  	_ =	swait.ge [sflag:s15], $0x400  }
0x6a: {  	[sflag:s15] =	ssyncset.done $0x0  }
0x6b: {  	[sflag:s15] =	ssyncadd.s32 $0xFFFFFC00  }
0x6c: {  	[tilespmem:s22], [sflag:$0x2] =	stream.indirect.gather [hbm4b:s4+s17], $0x1, s20, s17, $0xb8;
	[tilespmem:$0x3080] =	vst v63  }
0x6d: {  	s9 =	rddreg [dreg:$0x5]  }
0x6e: {  	[tilespmem:s23], [sflag:$0x2] =	stream.indirect.gather [hbm4b:s4+s17], $0x1, s9, s17, $0xb8;
	[tilespmem:$0x3080] =	vst v63  }
0x6f: {  	_ =	swait.ge [sflag:s24], $0x200  }
0x70: {  	[sflag:s24] =	ssyncset.done $0x0  }
0x71: {  	[sflag:s24] =	ssyncadd.s32 $0xFFFFFE00  }
0x72: {  	_ =	swait.ge [sflag:s24], $0x200  }
0x73: {  	[sflag:s24] =	ssyncset.done $0x0  }
0x74: {  	[sflag:s24] =	ssyncadd.s32 $0xFFFFFE00  }
0x75: {  	[spmem:s2] =	stream.indirect.scatter.add.f32 [tilespmem:s18], [sflag:$0x3], $0x1, s16, s17, $0xb8;
	[tilespmem:$0x3080] =	vst v63  }
0x76: {  	s10 =	rddreg [dreg:$0x6]  }
0x77: {  	[spmem:s2] =	stream.indirect.scatter.add.f32 [tilespmem:s19], [sflag:$0x3], $0x1, s10, s17, $0xb8;
	[tilespmem:$0x3080] =	vst v63  }
0x78: {  	_ =	swait.ge [sflag:s25], $0x200  }
0x79: {  	[sflag:s25] =	ssyncset.done $0x0  }
0x7a: {  	s31 =	sadd.s32 $0x800, s31;
	s1 =	smov.u32 s0;
	[sflag:s25] =	ssyncadd.s32 $0xFFFFFE00  }
0x7b: {  	p1 =	seq.s32 s30, $0x1A00;
	s30 =	smov.u32 s1;
	_ =	swait.ge [sflag:s25], $0x200  }
0x7c: {  	s1 =	sshrl.u32 @!p1 s31, $0x3;
	s7 =	simm.s32 @!p1 $0x5;
	[sflag:s25] =	ssyncset.done $0x0  }
0x7d: {  	s9 =	sadd.s32 @!p1 s5, s1;
	s10 =	simm.s32 @!p1 $0x0;
	[sflag:s25] =	ssyncadd.s32 $0xFFFFFE00  }
0x7e: {  	[tilespmem:s10], [sflag:$0x5] =	stream.linear.gather @!p1 [hbm4b:s9+s10], $0x400, $0x38;
	[tilespmem:$0x3080] =	vst v63  }
0x7f: {  	_ =	swait.ge @!p1 [sflag:s7], $0x400  }
0x80: {  	[sflag:s7] =	ssyncset.done @!p1 $0x0  }
0x81: {  	s1 =	sadd.s32 @!p1 s6, s1;
	s9 =	simm.s32 @!p1 $0x800;
	[sflag:s7] =	ssyncadd.s32 @!p1 $0xFFFFFC00  }
0x82: {  	[tilespmem:s9], [sflag:$0x5] =	stream.linear.gather @!p1 [hbm4b:s1+s10], $0x400, $0x38;
	[tilespmem:$0x3080] =	vst v63  }
0x83: {  	_ =	swait.ge @!p1 [sflag:s7], $0x400  }
0x84: {  	[sflag:s7] =	ssyncset.done @!p1 $0x0  }
0x85: {  	s1 =	simm.s32 @!p1 $0x200;
	[sflag:s7] =	ssyncadd.s32 @!p1 $0xFFFFFC00;
	s7 =	simm.s32 @!p1 $0x1000  }
0x86: {  	[tilespmem:s7], [sflag:$0x1] =	stream.indirect.gather @!p1 [hbm4b:s4+s1], $0x1, s10, s1, $0xb8;
	[tilespmem:$0x3080] =	vst v63  }
0x87: {  	s7 =	simm.s32 @!p1 $0x1200  }
0x88: {  	[tilespmem:s7], [sflag:$0x1] =	stream.indirect.gather @!p1 [hbm4b:s4+s1], $0x1, s1, s1, $0xb8;
	[tilespmem:$0x3080] =	vst v63  }
0x89: {  	s0 =	sadd.s32 $0x100, s0;
	_ =	swait.ge [sflag:s26], $0x200  }
0x8a: {  	p0 =	sne.s32 s0, $0x1B00;
	[sflag:s26] =	ssyncset.done $0x0  }
.Ltmp0:
0x8b: {  	[sflag:s26] =	ssyncadd.s32 $0xFFFFFE00;
	(pc) =	sbr.rel @p0 .LBB2_2-.Ltmp0, $4  }
0x8c: {  	_ =	swait.ge [sflag:s26], $0x200  }
0x8d: {  	[sflag:s26] =	ssyncset.done $0x0  }
0x8e: {  	p1 =	seq.s32 s30, $0x0;
	s7 =	rddreg [dreg:$0x7];
	[sflag:s26] =	ssyncadd.s32 $0xFFFFFE00  }
0x8f: {  	[spmem:s2] =	stream.indirect.scatter.add.f32 [tilespmem:s22], [sflag:$0x4], $0x1, s21, s17, $0xb8;
	[tilespmem:$0x3080] =	vst v63  }
0x90: {  	s0 =	simm.s32 @!p1 $0x4  }
0x91: {  	[spmem:s2] =	stream.indirect.scatter.add.f32 [tilespmem:s23], [sflag:$0x4], $0x1, s7, s17, $0xb8;
	[tilespmem:$0x3080] =	vst v63  }
0x92: {  	_ =	swait.ge @!p1 [sflag:s0], $0x200  }
0x93: {  	[sflag:s0] =	ssyncset.done @!p1 $0x0  }
0x94: {  	[sflag:s0] =	ssyncadd.s32 @!p1 $0xFFFFFE00  }
0x95: {  	_ =	swait.ge @!p1 [sflag:s0], $0x200  }
0x96: {  	s1 =	rddreg [dreg:$0x4];
	[sflag:s0] =	ssyncset.done @!p1 $0x0  }
0x97: {  	[sflag:s0] =	ssyncadd.s32 @!p1 $0xFFFFFE00;
	s1 =	sadd.s32 s30, s1  }
0x98: {  	[tilespmem:s20], [sflag:$0x5] =	stream.linear.gather [hbm4b:s1+s3], $0x400, $0x38;
	[tilespmem:$0x3080] =	vst v63  }
0x99: {  	_ =	swait.ge [sflag:s15], $0x400  }
0x9a: {  	s7 =	rddreg [dreg:$0x3];
	[sflag:s15] =	ssyncset.done $0x0  }
0x9b: {  	[sflag:s15] =	ssyncadd.s32 $0xFFFFFC00;
	s0 =	sadd.s32 s30, s7  }
0x9c: {  	[tilespmem:s21], [sflag:$0x5] =	stream.linear.gather [hbm4b:s0+s3], $0x400, $0x38;
	[tilespmem:$0x3080] =	vst v63  }
0x9d: {  	_ =	swait.ge [sflag:s15], $0x400  }
0x9e: {  	[sflag:s15] =	ssyncset.done $0x0  }
0x9f: {  	[sflag:s15] =	ssyncadd.s32 $0xFFFFFC00  }
0xa0: {  	[tilespmem:s22], [sflag:$0x2] =	stream.indirect.gather [hbm4b:s4+s17], $0x1, s20, s17, $0xb8;
	[tilespmem:$0x3080] =	vst v63  }
0xa1: {  	s9 =	rddreg [dreg:$0x5]  }
0xa2: {  	[tilespmem:s23], [sflag:$0x2] =	stream.indirect.gather [hbm4b:s4+s17], $0x1, s9, s17, $0xb8;
	[tilespmem:$0x3080] =	vst v63  }
0xa3: {  	_ =	swait.ge [sflag:s24], $0x200  }
0xa4: {  	[sflag:s24] =	ssyncset.done $0x0  }
0xa5: {  	[sflag:s24] =	ssyncadd.s32 $0xFFFFFE00  }
0xa6: {  	_ =	swait.ge [sflag:s24], $0x200  }
0xa7: {  	[sflag:s24] =	ssyncset.done $0x0  }
0xa8: {  	[sflag:s24] =	ssyncadd.s32 $0xFFFFFE00  }
0xa9: {  	[spmem:s2] =	stream.indirect.scatter.add.f32 [tilespmem:s18], [sflag:$0x3], $0x1, s16, s17, $0xb8;
	[tilespmem:$0x3080] =	vst v63  }
0xaa: {  	s10 =	rddreg [dreg:$0x6]  }
0xab: {  	[spmem:s2] =	stream.indirect.scatter.add.f32 [tilespmem:s19], [sflag:$0x3], $0x1, s10, s17, $0xb8;
	[tilespmem:$0x3080] =	vst v63  }
0xac: {  	_ =	swait.ge [sflag:s25], $0x200  }
0xad: {  	[sflag:s25] =	ssyncset.done $0x0  }
0xae: {  	[sflag:s25] =	ssyncadd.s32 $0xFFFFFE00  }
0xaf: {  	p0 =	seq.s32 s30, $0x1A00;
	s0 =	sadd.s32 $0x800, s31;
	_ =	swait.ge [sflag:s25], $0x200  }
0xb0: {  	s1 =	simm.s32 @!p0 $0x5;
	s0 =	sshrl.u32 @!p0 s0, $0x3;
	[sflag:s25] =	ssyncset.done $0x0  }
0xb1: {  	s7 =	sadd.s32 @!p0 s5, s0;
	s9 =	simm.s32 @!p0 $0x0;
	[sflag:s25] =	ssyncadd.s32 $0xFFFFFE00  }
0xb2: {  	[tilespmem:s9], [sflag:$0x5] =	stream.linear.gather @!p0 [hbm4b:s7+s9], $0x400, $0x38;
	[tilespmem:$0x3080] =	vst v63  }
0xb3: {  	_ =	swait.ge @!p0 [sflag:s1], $0x400  }
0xb4: {  	[sflag:s1] =	ssyncset.done @!p0 $0x0  }
0xb5: {  	s0 =	sadd.s32 @!p0 s6, s0;
	s7 =	simm.s32 @!p0 $0x800;
	[sflag:s1] =	ssyncadd.s32 @!p0 $0xFFFFFC00  }
0xb6: {  	[tilespmem:s7], [sflag:$0x5] =	stream.linear.gather @!p0 [hbm4b:s0+s9], $0x400, $0x38;
	[tilespmem:$0x3080] =	vst v63  }
0xb7: {  	_ =	swait.ge @!p0 [sflag:s1], $0x400  }
0xb8: {  	[sflag:s1] =	ssyncset.done @!p0 $0x0  }
0xb9: {  	s0 =	simm.s32 @!p0 $0x200;
	[sflag:s1] =	ssyncadd.s32 @!p0 $0xFFFFFC00;
	s1 =	simm.s32 @!p0 $0x1000  }
0xba: {  	[tilespmem:s1], [sflag:$0x1] =	stream.indirect.gather @!p0 [hbm4b:s4+s0], $0x1, s9, s0, $0xb8;
	[tilespmem:$0x3080] =	vst v63  }
0xbb: {  	s1 =	simm.s32 @!p0 $0x1200  }
0xbc: {  	[tilespmem:s1], [sflag:$0x1] =	stream.indirect.gather @!p0 [hbm4b:s4+s0], $0x1, s0, s0, $0xb8;
	[tilespmem:$0x3080] =	vst v63  }
0xbd: {  	_ =	swait.ge [sflag:s26], $0x200  }
0xbe: {  	[sflag:s26] =	ssyncset.done $0x0  }
0xbf: {  	[sflag:s26] =	ssyncadd.s32 $0xFFFFFE00  }
0xc0: {  	_ =	swait.ge [sflag:s26], $0x200  }
0xc1: {  	[sflag:s26] =	ssyncset.done $0x0  }
0xc2: {  	[sflag:s26] =	ssyncadd.s32 $0xFFFFFE00  }
0xc3: {  	[spmem:s2] =	stream.indirect.scatter.add.f32 [tilespmem:s22], [sflag:$0x4], $0x1, s21, s17, $0xb8;
	[tilespmem:$0x3080] =	vst v63  }
0xc4: {  	s31 =	rddreg [dreg:$0x7]  }
0xc5: {  	[spmem:s2] =	stream.indirect.scatter.add.f32 [tilespmem:s23], [sflag:$0x4], $0x1, s31, s17, $0xb8;
	[tilespmem:$0x3080] =	vst v63  }
0xc6: {  	_ =	swait.ge [sflag:s28], $0x200  }
0xc7: {  	[sflag:s28] =	ssyncset.done $0x0  }
0xc8: {  	[sflag:s28] =	ssyncadd.s32 $0xFFFFFE00  }
0xc9: {  	_ =	swait.ge [sflag:s28], $0x200  }
0xca: {  	s29 =	sadd.s32 $0x1, s29;
	[sflag:s28] =	ssyncset.done $0x0  }
0xcb: {  	p0 =	sne.s32 s29, s12;
	[sflag:s28] =	ssyncadd.s32 $0xFFFFFE00  }
.Ltmp1:
0xcc: {  	[bflag:$0x0] =	sbarrier.arrive $0xFFFF;
	(pc) =	sbr.rel @p0 .LBB2_1-.Ltmp1, $4  }
0xcd: {  	[hbm:s11], [sflag:s8] =	dma.local [spmem:s14], $0x310  }
0xce: {  	_ =	swait.ge [sflag:s15], $0x310  }
0xcf: {  	[sflag:s15] =	ssyncset.done $0x0  }
0xd0: {  	[sflag:s15] =	ssyncadd.s32 $0xFFFFFCF0  }
0xd1: {  	_ =	sfence.sel $0x180000  }
0xd2: {  	[bflag:$0x0] =	sbarrier.arrive $0xFFFF  }
0xd3: {  	_ =	strace $0x90000050  }
0xd4: {  	s0 =	stileid.u32;
	[bflag:$0x2] =	sbarrier.arrive $0xFFFF  }
0xd5: {  	p0 =	sne.s32 s0, $0x0;
	s0 =	rddreg [dreg:$0x2]  }
0xd6: {  	s0 =	sadd.s32 @!p0 $0x100000, s0  }
0xd7: {  	[sflag:s0] =	ssyncadd.tile.s32 @!p0 $0x1;
	_ =	shalt  }
.Lfunc_end2:
_tile_overlayer_lowered:
.L_overlay_start_2:
0xd8: {  	(tag) =	ssettag $0x2  }
0xd9: {  	s0 =	rddreg [dreg:$0x0];
	s2 =	stileid.u32  }
0xda: {  	s1 =	rddreg [dreg:$0x1];
	p0 =	sne.s32 s2, $0x0  }
0xdb: {  	s3 =	rddreg [dreg:$0x2];
	[bflag:$0x3] =	sbarrier.arrive $0xFFFF;
	s2 =	simm.s32 @!p0 $0x1C05  }
0xdc: {  	[timem:s3], [sflag:s2] =	dma.local @!p0 [hbm:s0], s1  }
0xdd: {  	s0 =	simm.s32 @!p0 $0x5  }
0xde: {  	_ =	swait.ge @!p0 [sflag:s0], s1  }
0xdf: {  	s1 =	ssub.s32 @!p0 $0x0, s1;
	[sflag:s0] =	ssyncset.done @!p0 $0x0  }
0xe0: {  	[sflag:s0] =	ssyncadd.s32 @!p0 s1  }
0xe1: {  	[bflag:$0x3] =	sbarrier.arrive $0xFFFF  }
0xe2: {  	_ =	shalt  }

</sc_bundles>
